<compile_context>
chip_gen: v7x
topology: tpu7x:2x2x1
jax: 0.10.2.dev20260603
libtpu: 0.0.44.dev20260713+nightly
codegen_flags: <defaults>
</compile_context>

<pallas_src>
import functools

import jax
import jax.numpy as jnp
from jax import lax
from jax.experimental import pallas as pl
from jax.experimental.pallas import tpu as pltpu
from jax.experimental.pallas import tpu_sc as plsc


def _full16(v):
    return jnp.full((16,), v, dtype=jnp.int32)


def _make_sc_kernel(B, N, M, V, D, NW, BPW):
    NC = 2
    NP = N + 8
    NH = N // 2
    NG = NP // 16

    mesh = plsc.VectorSubcoreMesh(core_axis_name="c", subcore_axis_name="s")

    @functools.partial(
        pl.kernel,
        out_type=jax.ShapeDtypeStruct((B, M, D), jnp.float32),
        mesh=mesh,
        compiler_params=pltpu.CompilerParams(
            needs_layout_passes=False, use_tc_tiling_on_sc=False),
        scratch_types=[
            pltpu.VMEM((BPW, 2, NH), jnp.int32),
            pltpu.VMEM((2, NP * 16), jnp.float32),
            pltpu.VMEM((BPW * 32,), jnp.int32),
            pltpu.VMEM((2, NP, D), jnp.float32),
            pltpu.VMEM(((NP + 1) * D,), jnp.float32),
            pltpu.VMEM((2, M, D), jnp.float32),
            pltpu.SemaphoreType.DMA,
            pltpu.SemaphoreType.DMA,
        ],
    )
    def sc_kernel(inp_hbm, pswx_hbm, bnd_hbm, w_hbm, out_hbm,
                  idx_v, pswx_v, bnd_v, rows_v, p_v, ost_v, gsem, osem):
        wid = lax.axis_index("s") * NC + lax.axis_index("c")
        base = wid * BPW
        zero16 = jnp.zeros((16,), jnp.float32)
        col0 = lax.iota(jnp.int32, 16)

        pltpu.sync_copy(inp_hbm.at[pl.ds(base, BPW)], idx_v)
        pltpu.sync_copy(bnd_hbm.at[pl.ds(base * 32, BPW * 32)], bnd_v)

        for bufc in range(2):
            for j in range(NP - N):
                for c in range(D // 16):
                    rows_v[bufc, N + j, pl.ds(c * 16, 16)] = zero16

        def issue_gather(i, buf):
            b = base + i
            pltpu.async_copy(pswx_hbm.at[pl.ds(b * NP * 16, NP * 16)],
                             pswx_v.at[buf], gsem)
            pltpu.async_copy(w_hbm.at[idx_v.at[i, 0]],
                             rows_v.at[buf, pl.ds(0, NH)], gsem)
            pltpu.async_copy(w_hbm.at[idx_v.at[i, 1]],
                             rows_v.at[buf, pl.ds(NH, NH)], gsem)

        def wait_gather(i, buf):
            b = base + i
            pltpu.make_async_copy(pswx_hbm.at[pl.ds(b * NP * 16, NP * 16)],
                                  pswx_v.at[buf], gsem).wait()
            pltpu.make_async_copy(w_hbm.at[idx_v.at[i, 0]],
                                  rows_v.at[buf, pl.ds(0, NH)], gsem).wait()
            pltpu.make_async_copy(w_hbm.at[idx_v.at[i, 1]],
                                  rows_v.at[buf, pl.ds(NH, NH)], gsem).wait()

        issue_gather(0, 0)

        def batch_body(i, carry):
            buf = lax.rem(i, 2)
            b = base + i
            wait_gather(i, buf)

            @pl.when(i + 1 < BPW)
            def _():
                issue_gather(i + 1, 1 - buf)

            @pl.when(i >= 2)
            def _():
                pltpu.make_async_copy(ost_v.at[buf], out_hbm.at[b], osem).wait()

            for c in range(D // 16):
                p_v[pl.ds(c * 16, 16)] = zero16

            def gbody(g, acc):
                acc = list(acc)
                nb = g * 16
                for j in range(0, 16, 2):
                    n0 = nb + j
                    n1 = nb + j + 1
                    pw0 = pswx_v[buf, pl.ds(n0 * 16, 16)]
                    pw1 = pswx_v[buf, pl.ds(n1 * 16, 16)]
                    r0 = [rows_v[buf, n0, pl.ds(c * 16, 16)]
                          for c in range(D // 16)]
                    r1 = [rows_v[buf, n1, pl.ds(c * 16, 16)]
                          for c in range(D // 16)]
                    for c in range(D // 16):
                        acc[c] = acc[c] + r0[c] * pw0
                        p_v[pl.ds((n0 + 1) * D + c * 16, 16)] = acc[c]
                    for c in range(D // 16):
                        acc[c] = acc[c] + r1[c] * pw1
                        p_v[pl.ds((n1 + 1) * D + c * 16, 16)] = acc[c]
                return tuple(acc)

            lax.fori_loop(0, NG, gbody, (zero16,) * (D // 16))

            bbase = i * 32
            brow = [plsc.load_gather(bnd_v, [_full16(bbase + m + 1)]) * D
                    for m in range(M)]
            pv = [[plsc.load_gather(p_v, [brow[m] + col0 + c * 16])
                   for c in range(D // 16)] for m in range(M)]
            for m in range(M):
                for c in range(D // 16):
                    if m == 0:
                        ost_v[buf, m, pl.ds(c * 16, 16)] = pv[0][c]
                    else:
                        ost_v[buf, m, pl.ds(c * 16, 16)] = pv[m][c] - pv[m - 1][c]

            pltpu.async_copy(ost_v.at[buf], out_hbm.at[b], osem)
            return carry

        lax.fori_loop(0, BPW, batch_body, 0)

        pltpu.make_async_copy(ost_v.at[0], out_hbm.at[base], osem).wait()
        pltpu.make_async_copy(ost_v.at[1], out_hbm.at[base + 1], osem).wait()

    return sc_kernel


def kernel(input, per_sample_weights, offsets, weight):
    B, N = input.shape
    M = offsets.shape[1]
    V, D = weight.shape
    NW = 32
    BPW = B // NW
    NP = N + 8

    idx3 = input.astype(jnp.int32).reshape(B, 2, N // 2)
    psw_p = jnp.pad(per_sample_weights.astype(jnp.float32), ((0, 0), (0, 8)))
    pswx = jnp.broadcast_to(psw_p[:, :, None], (B, NP, 16)).reshape(-1)
    off = offsets.astype(jnp.int32)
    bounds = jnp.concatenate(
        [jnp.zeros((B, 1), jnp.int32), off + 1,
         jnp.zeros((B, 32 - M - 1), jnp.int32)], axis=1).reshape(-1)

    sc = _make_sc_kernel(B, N, M, V, D, NW, BPW)
    return sc(idx3, pswx, bounds, weight)

# --- scband reference (transcript-rebuilt; emitter-appended) ---
"""Pipeline reference for scband-weighted-embedding-bag-16028817949384 (READ-ONLY COPY).

The authoritative reference and input builder live on the scoring server;
editing this copy changes nothing except your own understanding.
"""

import jax, jax.numpy as jnp
import numpy as np

B, N, M = 4096, 200, 26
V, D = 1000000, 64


def setup_inputs(seed: int = 0) -> dict:
    key = jax.random.key(seed)
    k1, k2, k3, k4 = jax.random.split(key, 4)
    inp = jax.random.randint(k1, (B, N), 0, V)
    per_sample_weights = jax.random.normal(k2, (B, N), dtype=jnp.float32)
    offsets = jnp.sort(jax.random.randint(k3, (B, M), 0, N), axis=-1)
    weight = jax.random.normal(k4, (V, D), dtype=jnp.float32) * 0.02
    return {"input": inp, "per_sample_weights": per_sample_weights, "offsets": offsets, "weight": weight}


def reference(input, per_sample_weights, offsets, weight):
    # embedding lookup: [B, N, D]
    embeddings = jnp.take(weight, input, axis=0)
    # weighted embeddings
    weighted = embeddings * per_sample_weights[:, :, None]
    # pad one zero row at the start of the sequence dim, then cumsum
    padded_summed = jnp.cumsum(jnp.pad(weighted, ((0, 0), (1, 0), (0, 0))), axis=1)
    # pad offsets with -1 at front, then +1 -> values in [0, N]
    padded_offsets = jnp.pad(offsets, ((0, 0), (1, 0)), constant_values=-1) + 1

    def batch_gather(inp3, off):
        # inp3: [B, N+1, D], off: [B, M] -> [B, M, D]
        return jnp.take_along_axis(inp3, off[:, :, None], axis=1)

    score = batch_gather(padded_summed, padded_offsets[:, 1:]) - batch_gather(padded_summed, padded_offsets[:, :-1])
    return score

if __name__ == "__main__":
    import jax
    _d = setup_inputs()
    print(jax.jit(kernel)(*tuple(_d.values())))

</pallas_src>

<mosaic_0001>
#map = affine_map<(d0, d1) -> (0, 0, 0)>
#map1 = affine_map<(d0, d1) -> (0)>
#map2 = affine_map<(d0, d1) -> (0, 0)>
module attributes {stable_mosaic.version = 14 : i64} {
  func.func @sc_kernel(%arg0: i32, %arg1: i32, %arg2: memref<4096x2x100xi32, #tpu.memory_space<hbm>>, %arg3: memref<13631488xf32, #tpu.memory_space<hbm>>, %arg4: memref<131072xi32, #tpu.memory_space<hbm>>, %arg5: memref<1000000x64xf32, #tpu.memory_space<hbm>>, %arg6: memref<4096x26x64xf32, #tpu.memory_space<hbm>>, %arg7: memref<128x2x100xi32, #tpu.memory_space<vmem>>, %arg8: memref<2x3328xf32, #tpu.memory_space<vmem>>, %arg9: memref<4096xi32, #tpu.memory_space<vmem>>, %arg10: memref<2x208x64xf32, #tpu.memory_space<vmem>>, %arg11: memref<13376xf32, #tpu.memory_space<vmem>>, %arg12: memref<2x26x64xf32, #tpu.memory_space<vmem>>, %arg13: memref<!tpu.dma_semaphore, #tpu.memory_space<semaphore_mem>>, %arg14: memref<!tpu.dma_semaphore, #tpu.memory_space<semaphore_mem>>) attributes {dimension_semantics = [#tpu.dimension_semantics<core_parallel>, #tpu.dimension_semantics<subcore_parallel>], iteration_bounds = array<i64: 2, 16>, scalar_prefetch = 0 : i64, scratch_operands = 8 : i64, tpu.core_type = #tpu.core_type<sc_vector_subcore>, window_params = [{transform_indices = #map}, {transform_indices = #map1}, {transform_indices = #map1}, {transform_indices = #map2}, {transform_indices = #map}]} {
    %mul3A = arith.constant 2 : i32
    %mul3A_0 = arith.muli %arg1, %mul3A : i32
    %add3A = arith.addi %mul3A_0, %arg0 : i32
    %mul3A_1 = arith.constant 128 : i32
    %mul3A_2 = arith.muli %add3A, %mul3A_1 : i32
    %broadcast_in_dim3A = arith.constant 0.000000e+00 : f32
    %broadcast_in_dim3A_3 = vector.broadcast %broadcast_in_dim3A : f32 to vector<16xf32>
    %iota3A = tpu.iota {dimensions = array<i32: 0>} : vector<16xi32>
    "tpu.region"() ({
      %run_scoped3A = tpu.sem_alloc : memref<!tpu.dma_semaphore, #tpu.memory_space<semaphore_mem>>
      %dma_start3A_469 = arith.constant 0 : i32
      %dma_start3A_470 = arith.constant 0 : i32
      %dma_start3A_471 = tpu.memref_slice %arg2[%mul3A_2, %dma_start3A_469, %dma_start3A_470] : memref<4096x2x100xi32, #tpu.memory_space<hbm>> -> memref<128x2x100xi32, #tpu.memory_space<hbm>>
      %dma_start3A_472 = arith.constant 0 : i32
      %dma_start3A_473 = arith.constant 0 : i32
      %dma_start3A_474 = tpu.memref_slice %arg2[%mul3A_2, %dma_start3A_472, %dma_start3A_473] : memref<4096x2x100xi32, #tpu.memory_space<hbm>> -> memref<128x2x100xi32, #tpu.memory_space<hbm>>
      tpu.enqueue_dma source(%dma_start3A_474 : memref<128x2x100xi32, #tpu.memory_space<hbm>>) target(%arg7 : memref<128x2x100xi32, #tpu.memory_space<vmem>>) target_semaphore(%run_scoped3A : memref<!tpu.dma_semaphore, #tpu.memory_space<semaphore_mem>>)
      %dma_wait3A_475 = arith.constant 0 : i32
      %dma_wait3A_476 = arith.constant 0 : i32
      %dma_wait3A_477 = tpu.memref_slice %arg2[%mul3A_2, %dma_wait3A_475, %dma_wait3A_476] : memref<4096x2x100xi32, #tpu.memory_space<hbm>> -> memref<128x2x100xi32, #tpu.memory_space<hbm>>
      %dma_wait3A_478 = arith.constant 0 : i32
      %dma_wait3A_479 = arith.constant 0 : i32
      %dma_wait3A_480 = tpu.memref_slice %arg2[%mul3A_2, %dma_wait3A_478, %dma_wait3A_479] : memref<4096x2x100xi32, #tpu.memory_space<hbm>> -> memref<128x2x100xi32, #tpu.memory_space<hbm>>
      tpu.wait_dma2 semaphore(%run_scoped3A : memref<!tpu.dma_semaphore, #tpu.memory_space<semaphore_mem>>) src(%dma_wait3A_480 : memref<128x2x100xi32, #tpu.memory_space<hbm>>) dst(%arg7 : memref<128x2x100xi32, #tpu.memory_space<vmem>>)
      tpu.yield
    }) : () -> ()
    %mul3A_4 = arith.constant 32 : i32
    %mul3A_5 = arith.muli %mul3A_2, %mul3A_4 : i32
    "tpu.region"() ({
      %run_scoped3A = tpu.sem_alloc : memref<!tpu.dma_semaphore, #tpu.memory_space<semaphore_mem>>
      %dma_start3A_469 = tpu.memref_slice %arg4[%mul3A_5] : memref<131072xi32, #tpu.memory_space<hbm>> -> memref<4096xi32, #tpu.memory_space<hbm>>
      %dma_start3A_470 = tpu.memref_slice %arg4[%mul3A_5] : memref<131072xi32, #tpu.memory_space<hbm>> -> memref<4096xi32, #tpu.memory_space<hbm>>
      tpu.enqueue_dma source(%dma_start3A_470 : memref<4096xi32, #tpu.memory_space<hbm>>) target(%arg9 : memref<4096xi32, #tpu.memory_space<vmem>>) target_semaphore(%run_scoped3A : memref<!tpu.dma_semaphore, #tpu.memory_space<semaphore_mem>>)
      %dma_wait3A_471 = tpu.memref_slice %arg4[%mul3A_5] : memref<131072xi32, #tpu.memory_space<hbm>> -> memref<4096xi32, #tpu.memory_space<hbm>>
      %dma_wait3A_472 = tpu.memref_slice %arg4[%mul3A_5] : memref<131072xi32, #tpu.memory_space<hbm>> -> memref<4096xi32, #tpu.memory_space<hbm>>
      tpu.wait_dma2 semaphore(%run_scoped3A : memref<!tpu.dma_semaphore, #tpu.memory_space<semaphore_mem>>) src(%dma_wait3A_472 : memref<4096xi32, #tpu.memory_space<hbm>>) dst(%arg9 : memref<4096xi32, #tpu.memory_space<vmem>>)
      tpu.yield
    }) : () -> ()
    %swap3A = arith.constant 0 : i32
    %swap3A_6 = arith.constant 200 : i32
    %swap3A_7 = arith.index_cast %swap3A : i32 to index
    %swap3A_8 = arith.index_cast %swap3A_6 : i32 to index
    %swap3A_9 = arith.constant 0 : index
    %swap3A_10 = tpu.vector_load %arg10[%swap3A_7, %swap3A_8, %swap3A_9] {strides = array<i32>} : memref<2x208x64xf32, #tpu.memory_space<vmem>>, vector<16xf32>,
    tpu.vector_store %arg10[%swap3A_7, %swap3A_8, %swap3A_9], %broadcast_in_dim3A_3 {strides = array<i32>} : memref<2x208x64xf32, #tpu.memory_space<vmem>>, vector<16xf32>,
    %swap3A_11 = arith.constant 0 : i32
    %swap3A_12 = arith.constant 200 : i32
    %swap3A_13 = arith.index_cast %swap3A_11 : i32 to index
    %swap3A_14 = arith.index_cast %swap3A_12 : i32 to index
    %swap3A_15 = arith.constant 16 : index
    %swap3A_16 = tpu.vector_load %arg10[%swap3A_13, %swap3A_14, %swap3A_15] {strides = array<i32>} : memref<2x208x64xf32, #tpu.memory_space<vmem>>, vector<16xf32>,
    tpu.vector_store %arg10[%swap3A_13, %swap3A_14, %swap3A_15], %broadcast_in_dim3A_3 {strides = array<i32>} : memref<2x208x64xf32, #tpu.memory_space<vmem>>, vector<16xf32>,
    %swap3A_17 = arith.constant 0 : i32
    %swap3A_18 = arith.constant 200 : i32
    %swap3A_19 = arith.index_cast %swap3A_17 : i32 to index
    %swap3A_20 = arith.index_cast %swap3A_18 : i32 to index
    %swap3A_21 = arith.constant 32 : index
    %swap3A_22 = tpu.vector_load %arg10[%swap3A_19, %swap3A_20, %swap3A_21] {strides = array<i32>} : memref<2x208x64xf32, #tpu.memory_space<vmem>>, vector<16xf32>,
    tpu.vector_store %arg10[%swap3A_19, %swap3A_20, %swap3A_21], %broadcast_in_dim3A_3 {strides = array<i32>} : memref<2x208x64xf32, #tpu.memory_space<vmem>>, vector<16xf32>,
    %swap3A_23 = arith.constant 0 : i32
    %swap3A_24 = arith.constant 200 : i32
    %swap3A_25 = arith.index_cast %swap3A_23 : i32 to index
    %swap3A_26 = arith.index_cast %swap3A_24 : i32 to index
    %swap3A_27 = arith.constant 48 : index
    %swap3A_28 = tpu.vector_load %arg10[%swap3A_25, %swap3A_26, %swap3A_27] {strides = array<i32>} : memref<2x208x64xf32, #tpu.memory_space<vmem>>, vector<16xf32>,
    tpu.vector_store %arg10[%swap3A_25, %swap3A_26, %swap3A_27], %broadcast_in_dim3A_3 {strides = array<i32>} : memref<2x208x64xf32, #tpu.memory_space<vmem>>, vector<16xf32>,
    %swap3A_29 = arith.constant 0 : i32
    %swap3A_30 = arith.constant 201 : i32
    %swap3A_31 = arith.index_cast %swap3A_29 : i32 to index
    %swap3A_32 = arith.index_cast %swap3A_30 : i32 to index
    %swap3A_33 = arith.constant 0 : index
    %swap3A_34 = tpu.vector_load %arg10[%swap3A_31, %swap3A_32, %swap3A_33] {strides = array<i32>} : memref<2x208x64xf32, #tpu.memory_space<vmem>>, vector<16xf32>,
    tpu.vector_store %arg10[%swap3A_31, %swap3A_32, %swap3A_33], %broadcast_in_dim3A_3 {strides = array<i32>} : memref<2x208x64xf32, #tpu.memory_space<vmem>>, vector<16xf32>,
    %swap3A_35 = arith.constant 0 : i32
    %swap3A_36 = arith.constant 201 : i32
    %swap3A_37 = arith.index_cast %swap3A_35 : i32 to index
    %swap3A_38 = arith.index_cast %swap3A_36 : i32 to index
    %swap3A_39 = arith.constant 16 : index
    %swap3A_40 = tpu.vector_load %arg10[%swap3A_37, %swap3A_38, %swap3A_39] {strides = array<i32>} : memref<2x208x64xf32, #tpu.memory_space<vmem>>, vector<16xf32>,
    tpu.vector_store %arg10[%swap3A_37, %swap3A_38, %swap3A_39], %broadcast_in_dim3A_3 {strides = array<i32>} : memref<2x208x64xf32, #tpu.memory_space<vmem>>, vector<16xf32>,
    %swap3A_41 = arith.constant 0 : i32
    %swap3A_42 = arith.constant 201 : i32
    %swap3A_43 = arith.index_cast %swap3A_41 : i32 to index
    %swap3A_44 = arith.index_cast %swap3A_42 : i32 to index
    %swap3A_45 = arith.constant 32 : index
    %swap3A_46 = tpu.vector_load %arg10[%swap3A_43, %swap3A_44, %swap3A_45] {strides = array<i32>} : memref<2x208x64xf32, #tpu.memory_space<vmem>>, vector<16xf32>,
    tpu.vector_store %arg10[%swap3A_43, %swap3A_44, %swap3A_45], %broadcast_in_dim3A_3 {strides = array<i32>} : memref<2x208x64xf32, #tpu.memory_space<vmem>>, vector<16xf32>,
    %swap3A_47 = arith.constant 0 : i32
    %swap3A_48 = arith.constant 201 : i32
    %swap3A_49 = arith.index_cast %swap3A_47 : i32 to index
    %swap3A_50 = arith.index_cast %swap3A_48 : i32 to index
    %swap3A_51 = arith.constant 48 : index
    %swap3A_52 = tpu.vector_load %arg10[%swap3A_49, %swap3A_50, %swap3A_51] {strides = array<i32>} : memref<2x208x64xf32, #tpu.memory_space<vmem>>, vector<16xf32>,
    tpu.vector_store %arg10[%swap3A_49, %swap3A_50, %swap3A_51], %broadcast_in_dim3A_3 {strides = array<i32>} : memref<2x208x64xf32, #tpu.memory_space<vmem>>, vector<16xf32>,
    %swap3A_53 = arith.constant 0 : i32
    %swap3A_54 = arith.constant 202 : i32
    %swap3A_55 = arith.index_cast %swap3A_53 : i32 to index
    %swap3A_56 = arith.index_cast %swap3A_54 : i32 to index
    %swap3A_57 = arith.constant 0 : index
    %swap3A_58 = tpu.vector_load %arg10[%swap3A_55, %swap3A_56, %swap3A_57] {strides = array<i32>} : memref<2x208x64xf32, #tpu.memory_space<vmem>>, vector<16xf32>,
    tpu.vector_store %arg10[%swap3A_55, %swap3A_56, %swap3A_57], %broadcast_in_dim3A_3 {strides = array<i32>} : memref<2x208x64xf32, #tpu.memory_space<vmem>>, vector<16xf32>,
    %swap3A_59 = arith.constant 0 : i32
    %swap3A_60 = arith.constant 202 : i32
    %swap3A_61 = arith.index_cast %swap3A_59 : i32 to index
    %swap3A_62 = arith.index_cast %swap3A_60 : i32 to index
    %swap3A_63 = arith.constant 16 : index
    %swap3A_64 = tpu.vector_load %arg10[%swap3A_61, %swap3A_62, %swap3A_63] {strides = array<i32>} : memref<2x208x64xf32, #tpu.memory_space<vmem>>, vector<16xf32>,
    tpu.vector_store %arg10[%swap3A_61, %swap3A_62, %swap3A_63], %broadcast_in_dim3A_3 {strides = array<i32>} : memref<2x208x64xf32, #tpu.memory_space<vmem>>, vector<16xf32>,
    %swap3A_65 = arith.constant 0 : i32
    %swap3A_66 = arith.constant 202 : i32
    %swap3A_67 = arith.index_cast %swap3A_65 : i32 to index
    %swap3A_68 = arith.index_cast %swap3A_66 : i32 to index
    %swap3A_69 = arith.constant 32 : index
    %swap3A_70 = tpu.vector_load %arg10[%swap3A_67, %swap3A_68, %swap3A_69] {strides = array<i32>} : memref<2x208x64xf32, #tpu.memory_space<vmem>>, vector<16xf32>,
    tpu.vector_store %arg10[%swap3A_67, %swap3A_68, %swap3A_69], %broadcast_in_dim3A_3 {strides = array<i32>} : memref<2x208x64xf32, #tpu.memory_space<vmem>>, vector<16xf32>,
    %swap3A_71 = arith.constant 0 : i32
    %swap3A_72 = arith.constant 202 : i32
    %swap3A_73 = arith.index_cast %swap3A_71 : i32 to index
    %swap3A_74 = arith.index_cast %swap3A_72 : i32 to index
    %swap3A_75 = arith.constant 48 : index
    %swap3A_76 = tpu.vector_load %arg10[%swap3A_73, %swap3A_74, %swap3A_75] {strides = array<i32>} : memref<2x208x64xf32, #tpu.memory_space<vmem>>, vector<16xf32>,
    tpu.vector_store %arg10[%swap3A_73, %swap3A_74, %swap3A_75], %broadcast_in_dim3A_3 {strides = array<i32>} : memref<2x208x64xf32, #tpu.memory_space<vmem>>, vector<16xf32>,
    %swap3A_77 = arith.constant 0 : i32
    %swap3A_78 = arith.constant 203 : i32
    %swap3A_79 = arith.index_cast %swap3A_77 : i32 to index
    %swap3A_80 = arith.index_cast %swap3A_78 : i32 to index
    %swap3A_81 = arith.constant 0 : index
    %swap3A_82 = tpu.vector_load %arg10[%swap3A_79, %swap3A_80, %swap3A_81] {strides = array<i32>} : memref<2x208x64xf32, #tpu.memory_space<vmem>>, vector<16xf32>,
    tpu.vector_store %arg10[%swap3A_79, %swap3A_80, %swap3A_81], %broadcast_in_dim3A_3 {strides = array<i32>} : memref<2x208x64xf32, #tpu.memory_space<vmem>>, vector<16xf32>,
    %swap3A_83 = arith.constant 0 : i32
    %swap3A_84 = arith.constant 203 : i32
    %swap3A_85 = arith.index_cast %swap3A_83 : i32 to index
    %swap3A_86 = arith.index_cast %swap3A_84 : i32 to index
    %swap3A_87 = arith.constant 16 : index
    %swap3A_88 = tpu.vector_load %arg10[%swap3A_85, %swap3A_86, %swap3A_87] {strides = array<i32>} : memref<2x208x64xf32, #tpu.memory_space<vmem>>, vector<16xf32>,
    tpu.vector_store %arg10[%swap3A_85, %swap3A_86, %swap3A_87], %broadcast_in_dim3A_3 {strides = array<i32>} : memref<2x208x64xf32, #tpu.memory_space<vmem>>, vector<16xf32>,
    %swap3A_89 = arith.constant 0 : i32
    %swap3A_90 = arith.constant 203 : i32
    %swap3A_91 = arith.index_cast %swap3A_89 : i32 to index
    %swap3A_92 = arith.index_cast %swap3A_90 : i32 to index
    %swap3A_93 = arith.constant 32 : index
    %swap3A_94 = tpu.vector_load %arg10[%swap3A_91, %swap3A_92, %swap3A_93] {strides = array<i32>} : memref<2x208x64xf32, #tpu.memory_space<vmem>>, vector<16xf32>,
    tpu.vector_store %arg10[%swap3A_91, %swap3A_92, %swap3A_93], %broadcast_in_dim3A_3 {strides = array<i32>} : memref<2x208x64xf32, #tpu.memory_space<vmem>>, vector<16xf32>,
    %swap3A_95 = arith.constant 0 : i32
    %swap3A_96 = arith.constant 203 : i32
    %swap3A_97 = arith.index_cast %swap3A_95 : i32 to index
    %swap3A_98 = arith.index_cast %swap3A_96 : i32 to index
    %swap3A_99 = arith.constant 48 : index
    %swap3A_100 = tpu.vector_load %arg10[%swap3A_97, %swap3A_98, %swap3A_99] {strides = array<i32>} : memref<2x208x64xf32, #tpu.memory_space<vmem>>, vector<16xf32>,
    tpu.vector_store %arg10[%swap3A_97, %swap3A_98, %swap3A_99], %broadcast_in_dim3A_3 {strides = array<i32>} : memref<2x208x64xf32, #tpu.memory_space<vmem>>, vector<16xf32>,
    %swap3A_101 = arith.constant 0 : i32
    %swap3A_102 = arith.constant 204 : i32
    %swap3A_103 = arith.index_cast %swap3A_101 : i32 to index
    %swap3A_104 = arith.index_cast %swap3A_102 : i32 to index
    %swap3A_105 = arith.constant 0 : index
    %swap3A_106 = tpu.vector_load %arg10[%swap3A_103, %swap3A_104, %swap3A_105] {strides = array<i32>} : memref<2x208x64xf32, #tpu.memory_space<vmem>>, vector<16xf32>,
    tpu.vector_store %arg10[%swap3A_103, %swap3A_104, %swap3A_105], %broadcast_in_dim3A_3 {strides = array<i32>} : memref<2x208x64xf32, #tpu.memory_space<vmem>>, vector<16xf32>,
    %swap3A_107 = arith.constant 0 : i32
    %swap3A_108 = arith.constant 204 : i32
    %swap3A_109 = arith.index_cast %swap3A_107 : i32 to index
    %swap3A_110 = arith.index_cast %swap3A_108 : i32 to index
    %swap3A_111 = arith.constant 16 : index
    %swap3A_112 = tpu.vector_load %arg10[%swap3A_109, %swap3A_110, %swap3A_111] {strides = array<i32>} : memref<2x208x64xf32, #tpu.memory_space<vmem>>, vector<16xf32>,
    tpu.vector_store %arg10[%swap3A_109, %swap3A_110, %swap3A_111], %broadcast_in_dim3A_3 {strides = array<i32>} : memref<2x208x64xf32, #tpu.memory_space<vmem>>, vector<16xf32>,
    %swap3A_113 = arith.constant 0 : i32
    %swap3A_114 = arith.constant 204 : i32
    %swap3A_115 = arith.index_cast %swap3A_113 : i32 to index
    %swap3A_116 = arith.index_cast %swap3A_114 : i32 to index
    %swap3A_117 = arith.constant 32 : index
    %swap3A_118 = tpu.vector_load %arg10[%swap3A_115, %swap3A_116, %swap3A_117] {strides = array<i32>} : memref<2x208x64xf32, #tpu.memory_space<vmem>>, vector<16xf32>,
    tpu.vector_store %arg10[%swap3A_115, %swap3A_116, %swap3A_117], %broadcast_in_dim3A_3 {strides = array<i32>} : memref<2x208x64xf32, #tpu.memory_space<vmem>>, vector<16xf32>,
    %swap3A_119 = arith.constant 0 : i32
    %swap3A_120 = arith.constant 204 : i32
    %swap3A_121 = arith.index_cast %swap3A_119 : i32 to index
    %swap3A_122 = arith.index_cast %swap3A_120 : i32 to index
    %swap3A_123 = arith.constant 48 : index
    %swap3A_124 = tpu.vector_load %arg10[%swap3A_121, %swap3A_122, %swap3A_123] {strides = array<i32>} : memref<2x208x64xf32, #tpu.memory_space<vmem>>, vector<16xf32>,
    tpu.vector_store %arg10[%swap3A_121, %swap3A_122, %swap3A_123], %broadcast_in_dim3A_3 {strides = array<i32>} : memref<2x208x64xf32, #tpu.memory_space<vmem>>, vector<16xf32>,
    %swap3A_125 = arith.constant 0 : i32
    %swap3A_126 = arith.constant 205 : i32
    %swap3A_127 = arith.index_cast %swap3A_125 : i32 to index
    %swap3A_128 = arith.index_cast %swap3A_126 : i32 to index
    %swap3A_129 = arith.constant 0 : index
    %swap3A_130 = tpu.vector_load %arg10[%swap3A_127, %swap3A_128, %swap3A_129] {strides = array<i32>} : memref<2x208x64xf32, #tpu.memory_space<vmem>>, vector<16xf32>,
    tpu.vector_store %arg10[%swap3A_127, %swap3A_128, %swap3A_129], %broadcast_in_dim3A_3 {strides = array<i32>} : memref<2x208x64xf32, #tpu.memory_space<vmem>>, vector<16xf32>,
    %swap3A_131 = arith.constant 0 : i32
    %swap3A_132 = arith.constant 205 : i32
    %swap3A_133 = arith.index_cast %swap3A_131 : i32 to index
    %swap3A_134 = arith.index_cast %swap3A_132 : i32 to index
    %swap3A_135 = arith.constant 16 : index
    %swap3A_136 = tpu.vector_load %arg10[%swap3A_133, %swap3A_134, %swap3A_135] {strides = array<i32>} : memref<2x208x64xf32, #tpu.memory_space<vmem>>, vector<16xf32>,
    tpu.vector_store %arg10[%swap3A_133, %swap3A_134, %swap3A_135], %broadcast_in_dim3A_3 {strides = array<i32>} : memref<2x208x64xf32, #tpu.memory_space<vmem>>, vector<16xf32>,
    %swap3A_137 = arith.constant 0 : i32
    %swap3A_138 = arith.constant 205 : i32
    %swap3A_139 = arith.index_cast %swap3A_137 : i32 to index
    %swap3A_140 = arith.index_cast %swap3A_138 : i32 to index
    %swap3A_141 = arith.constant 32 : index
    %swap3A_142 = tpu.vector_load %arg10[%swap3A_139, %swap3A_140, %swap3A_141] {strides = array<i32>} : memref<2x208x64xf32, #tpu.memory_space<vmem>>, vector<16xf32>,
    tpu.vector_store %arg10[%swap3A_139, %swap3A_140, %swap3A_141], %broadcast_in_dim3A_3 {strides = array<i32>} : memref<2x208x64xf32, #tpu.memory_space<vmem>>, vector<16xf32>,
    %swap3A_143 = arith.constant 0 : i32
    %swap3A_144 = arith.constant 205 : i32
    %swap3A_145 = arith.index_cast %swap3A_143 : i32 to index
    %swap3A_146 = arith.index_cast %swap3A_144 : i32 to index
    %swap3A_147 = arith.constant 48 : index
    %swap3A_148 = tpu.vector_load %arg10[%swap3A_145, %swap3A_146, %swap3A_147] {strides = array<i32>} : memref<2x208x64xf32, #tpu.memory_space<vmem>>, vector<16xf32>,
    tpu.vector_store %arg10[%swap3A_145, %swap3A_146, %swap3A_147], %broadcast_in_dim3A_3 {strides = array<i32>} : memref<2x208x64xf32, #tpu.memory_space<vmem>>, vector<16xf32>,
    %swap3A_149 = arith.constant 0 : i32
    %swap3A_150 = arith.constant 206 : i32
    %swap3A_151 = arith.index_cast %swap3A_149 : i32 to index
    %swap3A_152 = arith.index_cast %swap3A_150 : i32 to index
    %swap3A_153 = arith.constant 0 : index
    %swap3A_154 = tpu.vector_load %arg10[%swap3A_151, %swap3A_152, %swap3A_153] {strides = array<i32>} : memref<2x208x64xf32, #tpu.memory_space<vmem>>, vector<16xf32>,
    tpu.vector_store %arg10[%swap3A_151, %swap3A_152, %swap3A_153], %broadcast_in_dim3A_3 {strides = array<i32>} : memref<2x208x64xf32, #tpu.memory_space<vmem>>, vector<16xf32>,
    %swap3A_155 = arith.constant 0 : i32
    %swap3A_156 = arith.constant 206 : i32
    %swap3A_157 = arith.index_cast %swap3A_155 : i32 to index
    %swap3A_158 = arith.index_cast %swap3A_156 : i32 to index
    %swap3A_159 = arith.constant 16 : index
    %swap3A_160 = tpu.vector_load %arg10[%swap3A_157, %swap3A_158, %swap3A_159] {strides = array<i32>} : memref<2x208x64xf32, #tpu.memory_space<vmem>>, vector<16xf32>,
    tpu.vector_store %arg10[%swap3A_157, %swap3A_158, %swap3A_159], %broadcast_in_dim3A_3 {strides = array<i32>} : memref<2x208x64xf32, #tpu.memory_space<vmem>>, vector<16xf32>,
    %swap3A_161 = arith.constant 0 : i32
    %swap3A_162 = arith.constant 206 : i32
    %swap3A_163 = arith.index_cast %swap3A_161 : i32 to index
    %swap3A_164 = arith.index_cast %swap3A_162 : i32 to index
    %swap3A_165 = arith.constant 32 : index
    %swap3A_166 = tpu.vector_load %arg10[%swap3A_163, %swap3A_164, %swap3A_165] {strides = array<i32>} : memref<2x208x64xf32, #tpu.memory_space<vmem>>, vector<16xf32>,
    tpu.vector_store %arg10[%swap3A_163, %swap3A_164, %swap3A_165], %broadcast_in_dim3A_3 {strides = array<i32>} : memref<2x208x64xf32, #tpu.memory_space<vmem>>, vector<16xf32>,
    %swap3A_167 = arith.constant 0 : i32
    %swap3A_168 = arith.constant 206 : i32
    %swap3A_169 = arith.index_cast %swap3A_167 : i32 to index
    %swap3A_170 = arith.index_cast %swap3A_168 : i32 to index
    %swap3A_171 = arith.constant 48 : index
    %swap3A_172 = tpu.vector_load %arg10[%swap3A_169, %swap3A_170, %swap3A_171] {strides = array<i32>} : memref<2x208x64xf32, #tpu.memory_space<vmem>>, vector<16xf32>,
    tpu.vector_store %arg10[%swap3A_169, %swap3A_170, %swap3A_171], %broadcast_in_dim3A_3 {strides = array<i32>} : memref<2x208x64xf32, #tpu.memory_space<vmem>>, vector<16xf32>,
    %swap3A_173 = arith.constant 0 : i32
    %swap3A_174 = arith.constant 207 : i32
    %swap3A_175 = arith.index_cast %swap3A_173 : i32 to index
    %swap3A_176 = arith.index_cast %swap3A_174 : i32 to index
    %swap3A_177 = arith.constant 0 : index
    %swap3A_178 = tpu.vector_load %arg10[%swap3A_175, %swap3A_176, %swap3A_177] {strides = array<i32>} : memref<2x208x64xf32, #tpu.memory_space<vmem>>, vector<16xf32>,
    tpu.vector_store %arg10[%swap3A_175, %swap3A_176, %swap3A_177], %broadcast_in_dim3A_3 {strides = array<i32>} : memref<2x208x64xf32, #tpu.memory_space<vmem>>, vector<16xf32>,
    %swap3A_179 = arith.constant 0 : i32
    %swap3A_180 = arith.constant 207 : i32
    %swap3A_181 = arith.index_cast %swap3A_179 : i32 to index
    %swap3A_182 = arith.index_cast %swap3A_180 : i32 to index
    %swap3A_183 = arith.constant 16 : index
    %swap3A_184 = tpu.vector_load %arg10[%swap3A_181, %swap3A_182, %swap3A_183] {strides = array<i32>} : memref<2x208x64xf32, #tpu.memory_space<vmem>>, vector<16xf32>,
    tpu.vector_store %arg10[%swap3A_181, %swap3A_182, %swap3A_183], %broadcast_in_dim3A_3 {strides = array<i32>} : memref<2x208x64xf32, #tpu.memory_space<vmem>>, vector<16xf32>,
    %swap3A_185 = arith.constant 0 : i32
    %swap3A_186 = arith.constant 207 : i32
    %swap3A_187 = arith.index_cast %swap3A_185 : i32 to index
    %swap3A_188 = arith.index_cast %swap3A_186 : i32 to index
    %swap3A_189 = arith.constant 32 : index
    %swap3A_190 = tpu.vector_load %arg10[%swap3A_187, %swap3A_188, %swap3A_189] {strides = array<i32>} : memref<2x208x64xf32, #tpu.memory_space<vmem>>, vector<16xf32>,
    tpu.vector_store %arg10[%swap3A_187, %swap3A_188, %swap3A_189], %broadcast_in_dim3A_3 {strides = array<i32>} : memref<2x208x64xf32, #tpu.memory_space<vmem>>, vector<16xf32>,
    %swap3A_191 = arith.constant 0 : i32
    %swap3A_192 = arith.constant 207 : i32
    %swap3A_193 = arith.index_cast %swap3A_191 : i32 to index
    %swap3A_194 = arith.index_cast %swap3A_192 : i32 to index
    %swap3A_195 = arith.constant 48 : index
    %swap3A_196 = tpu.vector_load %arg10[%swap3A_193, %swap3A_194, %swap3A_195] {strides = array<i32>} : memref<2x208x64xf32, #tpu.memory_space<vmem>>, vector<16xf32>,
    tpu.vector_store %arg10[%swap3A_193, %swap3A_194, %swap3A_195], %broadcast_in_dim3A_3 {strides = array<i32>} : memref<2x208x64xf32, #tpu.memory_space<vmem>>, vector<16xf32>,
    %swap3A_197 = arith.constant 1 : i32
    %swap3A_198 = arith.constant 200 : i32
    %swap3A_199 = arith.index_cast %swap3A_197 : i32 to index
    %swap3A_200 = arith.index_cast %swap3A_198 : i32 to index
    %swap3A_201 = arith.constant 0 : index
    %swap3A_202 = tpu.vector_load %arg10[%swap3A_199, %swap3A_200, %swap3A_201] {strides = array<i32>} : memref<2x208x64xf32, #tpu.memory_space<vmem>>, vector<16xf32>,
    tpu.vector_store %arg10[%swap3A_199, %swap3A_200, %swap3A_201], %broadcast_in_dim3A_3 {strides = array<i32>} : memref<2x208x64xf32, #tpu.memory_space<vmem>>, vector<16xf32>,
    %swap3A_203 = arith.constant 1 : i32
    %swap3A_204 = arith.constant 200 : i32
    %swap3A_205 = arith.index_cast %swap3A_203 : i32 to index
    %swap3A_206 = arith.index_cast %swap3A_204 : i32 to index
    %swap3A_207 = arith.constant 16 : index
    %swap3A_208 = tpu.vector_load %arg10[%swap3A_205, %swap3A_206, %swap3A_207] {strides = array<i32>} : memref<2x208x64xf32, #tpu.memory_space<vmem>>, vector<16xf32>,
    tpu.vector_store %arg10[%swap3A_205, %swap3A_206, %swap3A_207], %broadcast_in_dim3A_3 {strides = array<i32>} : memref<2x208x64xf32, #tpu.memory_space<vmem>>, vector<16xf32>,
    %swap3A_209 = arith.constant 1 : i32
    %swap3A_210 = arith.constant 200 : i32
    %swap3A_211 = arith.index_cast %swap3A_209 : i32 to index
    %swap3A_212 = arith.index_cast %swap3A_210 : i32 to index
    %swap3A_213 = arith.constant 32 : index
    %swap3A_214 = tpu.vector_load %arg10[%swap3A_211, %swap3A_212, %swap3A_213] {strides = array<i32>} : memref<2x208x64xf32, #tpu.memory_space<vmem>>, vector<16xf32>,
    tpu.vector_store %arg10[%swap3A_211, %swap3A_212, %swap3A_213], %broadcast_in_dim3A_3 {strides = array<i32>} : memref<2x208x64xf32, #tpu.memory_space<vmem>>, vector<16xf32>,
    %swap3A_215 = arith.constant 1 : i32
    %swap3A_216 = arith.constant 200 : i32
    %swap3A_217 = arith.index_cast %swap3A_215 : i32 to index
    %swap3A_218 = arith.index_cast %swap3A_216 : i32 to index
    %swap3A_219 = arith.constant 48 : index
    %swap3A_220 = tpu.vector_load %arg10[%swap3A_217, %swap3A_218, %swap3A_219] {strides = array<i32>} : memref<2x208x64xf32, #tpu.memory_space<vmem>>, vector<16xf32>,
    tpu.vector_store %arg10[%swap3A_217, %swap3A_218, %swap3A_219], %broadcast_in_dim3A_3 {strides = array<i32>} : memref<2x208x64xf32, #tpu.memory_space<vmem>>, vector<16xf32>,
    %swap3A_221 = arith.constant 1 : i32
    %swap3A_222 = arith.constant 201 : i32
    %swap3A_223 = arith.index_cast %swap3A_221 : i32 to index
    %swap3A_224 = arith.index_cast %swap3A_222 : i32 to index
    %swap3A_225 = arith.constant 0 : index
    %swap3A_226 = tpu.vector_load %arg10[%swap3A_223, %swap3A_224, %swap3A_225] {strides = array<i32>} : memref<2x208x64xf32, #tpu.memory_space<vmem>>, vector<16xf32>,
    tpu.vector_store %arg10[%swap3A_223, %swap3A_224, %swap3A_225], %broadcast_in_dim3A_3 {strides = array<i32>} : memref<2x208x64xf32, #tpu.memory_space<vmem>>, vector<16xf32>,
    %swap3A_227 = arith.constant 1 : i32
    %swap3A_228 = arith.constant 201 : i32
    %swap3A_229 = arith.index_cast %swap3A_227 : i32 to index
    %swap3A_230 = arith.index_cast %swap3A_228 : i32 to index
    %swap3A_231 = arith.constant 16 : index
    %swap3A_232 = tpu.vector_load %arg10[%swap3A_229, %swap3A_230, %swap3A_231] {strides = array<i32>} : memref<2x208x64xf32, #tpu.memory_space<vmem>>, vector<16xf32>,
    tpu.vector_store %arg10[%swap3A_229, %swap3A_230, %swap3A_231], %broadcast_in_dim3A_3 {strides = array<i32>} : memref<2x208x64xf32, #tpu.memory_space<vmem>>, vector<16xf32>,
    %swap3A_233 = arith.constant 1 : i32
    %swap3A_234 = arith.constant 201 : i32
    %swap3A_235 = arith.index_cast %swap3A_233 : i32 to index
    %swap3A_236 = arith.index_cast %swap3A_234 : i32 to index
    %swap3A_237 = arith.constant 32 : index
    %swap3A_238 = tpu.vector_load %arg10[%swap3A_235, %swap3A_236, %swap3A_237] {strides = array<i32>} : memref<2x208x64xf32, #tpu.memory_space<vmem>>, vector<16xf32>,
    tpu.vector_store %arg10[%swap3A_235, %swap3A_236, %swap3A_237], %broadcast_in_dim3A_3 {strides = array<i32>} : memref<2x208x64xf32, #tpu.memory_space<vmem>>, vector<16xf32>,
    %swap3A_239 = arith.constant 1 : i32
    %swap3A_240 = arith.constant 201 : i32
    %swap3A_241 = arith.index_cast %swap3A_239 : i32 to index
    %swap3A_242 = arith.index_cast %swap3A_240 : i32 to index
    %swap3A_243 = arith.constant 48 : index
    %swap3A_244 = tpu.vector_load %arg10[%swap3A_241, %swap3A_242, %swap3A_243] {strides = array<i32>} : memref<2x208x64xf32, #tpu.memory_space<vmem>>, vector<16xf32>,
    tpu.vector_store %arg10[%swap3A_241, %swap3A_242, %swap3A_243], %broadcast_in_dim3A_3 {strides = array<i32>} : memref<2x208x64xf32, #tpu.memory_space<vmem>>, vector<16xf32>,
    %swap3A_245 = arith.constant 1 : i32
    %swap3A_246 = arith.constant 202 : i32
    %swap3A_247 = arith.index_cast %swap3A_245 : i32 to index
    %swap3A_248 = arith.index_cast %swap3A_246 : i32 to index
    %swap3A_249 = arith.constant 0 : index
    %swap3A_250 = tpu.vector_load %arg10[%swap3A_247, %swap3A_248, %swap3A_249] {strides = array<i32>} : memref<2x208x64xf32, #tpu.memory_space<vmem>>, vector<16xf32>,
    tpu.vector_store %arg10[%swap3A_247, %swap3A_248, %swap3A_249], %broadcast_in_dim3A_3 {strides = array<i32>} : memref<2x208x64xf32, #tpu.memory_space<vmem>>, vector<16xf32>,
    %swap3A_251 = arith.constant 1 : i32
    %swap3A_252 = arith.constant 202 : i32
    %swap3A_253 = arith.index_cast %swap3A_251 : i32 to index
    %swap3A_254 = arith.index_cast %swap3A_252 : i32 to index
    %swap3A_255 = arith.constant 16 : index
    %swap3A_256 = tpu.vector_load %arg10[%swap3A_253, %swap3A_254, %swap3A_255] {strides = array<i32>} : memref<2x208x64xf32, #tpu.memory_space<vmem>>, vector<16xf32>,
    tpu.vector_store %arg10[%swap3A_253, %swap3A_254, %swap3A_255], %broadcast_in_dim3A_3 {strides = array<i32>} : memref<2x208x64xf32, #tpu.memory_space<vmem>>, vector<16xf32>,
    %swap3A_257 = arith.constant 1 : i32
    %swap3A_258 = arith.constant 202 : i32
    %swap3A_259 = arith.index_cast %swap3A_257 : i32 to index
    %swap3A_260 = arith.index_cast %swap3A_258 : i32 to index
    %swap3A_261 = arith.constant 32 : index
    %swap3A_262 = tpu.vector_load %arg10[%swap3A_259, %swap3A_260, %swap3A_261] {strides = array<i32>} : memref<2x208x64xf32, #tpu.memory_space<vmem>>, vector<16xf32>,
    tpu.vector_store %arg10[%swap3A_259, %swap3A_260, %swap3A_261], %broadcast_in_dim3A_3 {strides = array<i32>} : memref<2x208x64xf32, #tpu.memory_space<vmem>>, vector<16xf32>,
    %swap3A_263 = arith.constant 1 : i32
    %swap3A_264 = arith.constant 202 : i32
    %swap3A_265 = arith.index_cast %swap3A_263 : i32 to index
    %swap3A_266 = arith.index_cast %swap3A_264 : i32 to index
    %swap3A_267 = arith.constant 48 : index
    %swap3A_268 = tpu.vector_load %arg10[%swap3A_265, %swap3A_266, %swap3A_267] {strides = array<i32>} : memref<2x208x64xf32, #tpu.memory_space<vmem>>, vector<16xf32>,
    tpu.vector_store %arg10[%swap3A_265, %swap3A_266, %swap3A_267], %broadcast_in_dim3A_3 {strides = array<i32>} : memref<2x208x64xf32, #tpu.memory_space<vmem>>, vector<16xf32>,
    %swap3A_269 = arith.constant 1 : i32
    %swap3A_270 = arith.constant 203 : i32
    %swap3A_271 = arith.index_cast %swap3A_269 : i32 to index
    %swap3A_272 = arith.index_cast %swap3A_270 : i32 to index
    %swap3A_273 = arith.constant 0 : index
    %swap3A_274 = tpu.vector_load %arg10[%swap3A_271, %swap3A_272, %swap3A_273] {strides = array<i32>} : memref<2x208x64xf32, #tpu.memory_space<vmem>>, vector<16xf32>,
    tpu.vector_store %arg10[%swap3A_271, %swap3A_272, %swap3A_273], %broadcast_in_dim3A_3 {strides = array<i32>} : memref<2x208x64xf32, #tpu.memory_space<vmem>>, vector<16xf32>,
    %swap3A_275 = arith.constant 1 : i32
    %swap3A_276 = arith.constant 203 : i32
    %swap3A_277 = arith.index_cast %swap3A_275 : i32 to index
    %swap3A_278 = arith.index_cast %swap3A_276 : i32 to index
    %swap3A_279 = arith.constant 16 : index
    %swap3A_280 = tpu.vector_load %arg10[%swap3A_277, %swap3A_278, %swap3A_279] {strides = array<i32>} : memref<2x208x64xf32, #tpu.memory_space<vmem>>, vector<16xf32>,
    tpu.vector_store %arg10[%swap3A_277, %swap3A_278, %swap3A_279], %broadcast_in_dim3A_3 {strides = array<i32>} : memref<2x208x64xf32, #tpu.memory_space<vmem>>, vector<16xf32>,
    %swap3A_281 = arith.constant 1 : i32
    %swap3A_282 = arith.constant 203 : i32
    %swap3A_283 = arith.index_cast %swap3A_281 : i32 to index
    %swap3A_284 = arith.index_cast %swap3A_282 : i32 to index
    %swap3A_285 = arith.constant 32 : index
    %swap3A_286 = tpu.vector_load %arg10[%swap3A_283, %swap3A_284, %swap3A_285] {strides = array<i32>} : memref<2x208x64xf32, #tpu.memory_space<vmem>>, vector<16xf32>,
    tpu.vector_store %arg10[%swap3A_283, %swap3A_284, %swap3A_285], %broadcast_in_dim3A_3 {strides = array<i32>} : memref<2x208x64xf32, #tpu.memory_space<vmem>>, vector<16xf32>,
    %swap3A_287 = arith.constant 1 : i32
    %swap3A_288 = arith.constant 203 : i32
    %swap3A_289 = arith.index_cast %swap3A_287 : i32 to index
    %swap3A_290 = arith.index_cast %swap3A_288 : i32 to index
    %swap3A_291 = arith.constant 48 : index
    %swap3A_292 = tpu.vector_load %arg10[%swap3A_289, %swap3A_290, %swap3A_291] {strides = array<i32>} : memref<2x208x64xf32, #tpu.memory_space<vmem>>, vector<16xf32>,
    tpu.vector_store %arg10[%swap3A_289, %swap3A_290, %swap3A_291], %broadcast_in_dim3A_3 {strides = array<i32>} : memref<2x208x64xf32, #tpu.memory_space<vmem>>, vector<16xf32>,
    %swap3A_293 = arith.constant 1 : i32
    %swap3A_294 = arith.constant 204 : i32
    %swap3A_295 = arith.index_cast %swap3A_293 : i32 to index
    %swap3A_296 = arith.index_cast %swap3A_294 : i32 to index
    %swap3A_297 = arith.constant 0 : index
    %swap3A_298 = tpu.vector_load %arg10[%swap3A_295, %swap3A_296, %swap3A_297] {strides = array<i32>} : memref<2x208x64xf32, #tpu.memory_space<vmem>>, vector<16xf32>,
    tpu.vector_store %arg10[%swap3A_295, %swap3A_296, %swap3A_297], %broadcast_in_dim3A_3 {strides = array<i32>} : memref<2x208x64xf32, #tpu.memory_space<vmem>>, vector<16xf32>,
    %swap3A_299 = arith.constant 1 : i32
    %swap3A_300 = arith.constant 204 : i32
    %swap3A_301 = arith.index_cast %swap3A_299 : i32 to index
    %swap3A_302 = arith.index_cast %swap3A_300 : i32 to index
    %swap3A_303 = arith.constant 16 : index
    %swap3A_304 = tpu.vector_load %arg10[%swap3A_301, %swap3A_302, %swap3A_303] {strides = array<i32>} : memref<2x208x64xf32, #tpu.memory_space<vmem>>, vector<16xf32>,
    tpu.vector_store %arg10[%swap3A_301, %swap3A_302, %swap3A_303], %broadcast_in_dim3A_3 {strides = array<i32>} : memref<2x208x64xf32, #tpu.memory_space<vmem>>, vector<16xf32>,
    %swap3A_305 = arith.constant 1 : i32
    %swap3A_306 = arith.constant 204 : i32
    %swap3A_307 = arith.index_cast %swap3A_305 : i32 to index
    %swap3A_308 = arith.index_cast %swap3A_306 : i32 to index
    %swap3A_309 = arith.constant 32 : index
    %swap3A_310 = tpu.vector_load %arg10[%swap3A_307, %swap3A_308, %swap3A_309] {strides = array<i32>} : memref<2x208x64xf32, #tpu.memory_space<vmem>>, vector<16xf32>,
    tpu.vector_store %arg10[%swap3A_307, %swap3A_308, %swap3A_309], %broadcast_in_dim3A_3 {strides = array<i32>} : memref<2x208x64xf32, #tpu.memory_space<vmem>>, vector<16xf32>,
    %swap3A_311 = arith.constant 1 : i32
    %swap3A_312 = arith.constant 204 : i32
    %swap3A_313 = arith.index_cast %swap3A_311 : i32 to index
    %swap3A_314 = arith.index_cast %swap3A_312 : i32 to index
    %swap3A_315 = arith.constant 48 : index
    %swap3A_316 = tpu.vector_load %arg10[%swap3A_313, %swap3A_314, %swap3A_315] {strides = array<i32>} : memref<2x208x64xf32, #tpu.memory_space<vmem>>, vector<16xf32>,
    tpu.vector_store %arg10[%swap3A_313, %swap3A_314, %swap3A_315], %broadcast_in_dim3A_3 {strides = array<i32>} : memref<2x208x64xf32, #tpu.memory_space<vmem>>, vector<16xf32>,
    %swap3A_317 = arith.constant 1 : i32
    %swap3A_318 = arith.constant 205 : i32
    %swap3A_319 = arith.index_cast %swap3A_317 : i32 to index
    %swap3A_320 = arith.index_cast %swap3A_318 : i32 to index
    %swap3A_321 = arith.constant 0 : index
    %swap3A_322 = tpu.vector_load %arg10[%swap3A_319, %swap3A_320, %swap3A_321] {strides = array<i32>} : memref<2x208x64xf32, #tpu.memory_space<vmem>>, vector<16xf32>,
    tpu.vector_store %arg10[%swap3A_319, %swap3A_320, %swap3A_321], %broadcast_in_dim3A_3 {strides = array<i32>} : memref<2x208x64xf32, #tpu.memory_space<vmem>>, vector<16xf32>,
    %swap3A_323 = arith.constant 1 : i32
    %swap3A_324 = arith.constant 205 : i32
    %swap3A_325 = arith.index_cast %swap3A_323 : i32 to index
    %swap3A_326 = arith.index_cast %swap3A_324 : i32 to index
    %swap3A_327 = arith.constant 16 : index
    %swap3A_328 = tpu.vector_load %arg10[%swap3A_325, %swap3A_326, %swap3A_327] {strides = array<i32>} : memref<2x208x64xf32, #tpu.memory_space<vmem>>, vector<16xf32>,
    tpu.vector_store %arg10[%swap3A_325, %swap3A_326, %swap3A_327], %broadcast_in_dim3A_3 {strides = array<i32>} : memref<2x208x64xf32, #tpu.memory_space<vmem>>, vector<16xf32>,
    %swap3A_329 = arith.constant 1 : i32
    %swap3A_330 = arith.constant 205 : i32
    %swap3A_331 = arith.index_cast %swap3A_329 : i32 to index
    %swap3A_332 = arith.index_cast %swap3A_330 : i32 to index
    %swap3A_333 = arith.constant 32 : index
    %swap3A_334 = tpu.vector_load %arg10[%swap3A_331, %swap3A_332, %swap3A_333] {strides = array<i32>} : memref<2x208x64xf32, #tpu.memory_space<vmem>>, vector<16xf32>,
    tpu.vector_store %arg10[%swap3A_331, %swap3A_332, %swap3A_333], %broadcast_in_dim3A_3 {strides = array<i32>} : memref<2x208x64xf32, #tpu.memory_space<vmem>>, vector<16xf32>,
    %swap3A_335 = arith.constant 1 : i32
    %swap3A_336 = arith.constant 205 : i32
    %swap3A_337 = arith.index_cast %swap3A_335 : i32 to index
    %swap3A_338 = arith.index_cast %swap3A_336 : i32 to index
    %swap3A_339 = arith.constant 48 : index
    %swap3A_340 = tpu.vector_load %arg10[%swap3A_337, %swap3A_338, %swap3A_339] {strides = array<i32>} : memref<2x208x64xf32, #tpu.memory_space<vmem>>, vector<16xf32>,
    tpu.vector_store %arg10[%swap3A_337, %swap3A_338, %swap3A_339], %broadcast_in_dim3A_3 {strides = array<i32>} : memref<2x208x64xf32, #tpu.memory_space<vmem>>, vector<16xf32>,
    %swap3A_341 = arith.constant 1 : i32
    %swap3A_342 = arith.constant 206 : i32
    %swap3A_343 = arith.index_cast %swap3A_341 : i32 to index
    %swap3A_344 = arith.index_cast %swap3A_342 : i32 to index
    %swap3A_345 = arith.constant 0 : index
    %swap3A_346 = tpu.vector_load %arg10[%swap3A_343, %swap3A_344, %swap3A_345] {strides = array<i32>} : memref<2x208x64xf32, #tpu.memory_space<vmem>>, vector<16xf32>,
    tpu.vector_store %arg10[%swap3A_343, %swap3A_344, %swap3A_345], %broadcast_in_dim3A_3 {strides = array<i32>} : memref<2x208x64xf32, #tpu.memory_space<vmem>>, vector<16xf32>,
    %swap3A_347 = arith.constant 1 : i32
    %swap3A_348 = arith.constant 206 : i32
    %swap3A_349 = arith.index_cast %swap3A_347 : i32 to index
    %swap3A_350 = arith.index_cast %swap3A_348 : i32 to index
    %swap3A_351 = arith.constant 16 : index
    %swap3A_352 = tpu.vector_load %arg10[%swap3A_349, %swap3A_350, %swap3A_351] {strides = array<i32>} : memref<2x208x64xf32, #tpu.memory_space<vmem>>, vector<16xf32>,
    tpu.vector_store %arg10[%swap3A_349, %swap3A_350, %swap3A_351], %broadcast_in_dim3A_3 {strides = array<i32>} : memref<2x208x64xf32, #tpu.memory_space<vmem>>, vector<16xf32>,
    %swap3A_353 = arith.constant 1 : i32
    %swap3A_354 = arith.constant 206 : i32
    %swap3A_355 = arith.index_cast %swap3A_353 : i32 to index
    %swap3A_356 = arith.index_cast %swap3A_354 : i32 to index
    %swap3A_357 = arith.constant 32 : index
    %swap3A_358 = tpu.vector_load %arg10[%swap3A_355, %swap3A_356, %swap3A_357] {strides = array<i32>} : memref<2x208x64xf32, #tpu.memory_space<vmem>>, vector<16xf32>,
    tpu.vector_store %arg10[%swap3A_355, %swap3A_356, %swap3A_357], %broadcast_in_dim3A_3 {strides = array<i32>} : memref<2x208x64xf32, #tpu.memory_space<vmem>>, vector<16xf32>,
    %swap3A_359 = arith.constant 1 : i32
    %swap3A_360 = arith.constant 206 : i32
    %swap3A_361 = arith.index_cast %swap3A_359 : i32 to index
    %swap3A_362 = arith.index_cast %swap3A_360 : i32 to index
    %swap3A_363 = arith.constant 48 : index
    %swap3A_364 = tpu.vector_load %arg10[%swap3A_361, %swap3A_362, %swap3A_363] {strides = array<i32>} : memref<2x208x64xf32, #tpu.memory_space<vmem>>, vector<16xf32>,
    tpu.vector_store %arg10[%swap3A_361, %swap3A_362, %swap3A_363], %broadcast_in_dim3A_3 {strides = array<i32>} : memref<2x208x64xf32, #tpu.memory_space<vmem>>, vector<16xf32>,
    %swap3A_365 = arith.constant 1 : i32
    %swap3A_366 = arith.constant 207 : i32
    %swap3A_367 = arith.index_cast %swap3A_365 : i32 to index
    %swap3A_368 = arith.index_cast %swap3A_366 : i32 to index
    %swap3A_369 = arith.constant 0 : index
    %swap3A_370 = tpu.vector_load %arg10[%swap3A_367, %swap3A_368, %swap3A_369] {strides = array<i32>} : memref<2x208x64xf32, #tpu.memory_space<vmem>>, vector<16xf32>,
    tpu.vector_store %arg10[%swap3A_367, %swap3A_368, %swap3A_369], %broadcast_in_dim3A_3 {strides = array<i32>} : memref<2x208x64xf32, #tpu.memory_space<vmem>>, vector<16xf32>,
    %swap3A_371 = arith.constant 1 : i32
    %swap3A_372 = arith.constant 207 : i32
    %swap3A_373 = arith.index_cast %swap3A_371 : i32 to index
    %swap3A_374 = arith.index_cast %swap3A_372 : i32 to index
    %swap3A_375 = arith.constant 16 : index
    %swap3A_376 = tpu.vector_load %arg10[%swap3A_373, %swap3A_374, %swap3A_375] {strides = array<i32>} : memref<2x208x64xf32, #tpu.memory_space<vmem>>, vector<16xf32>,
    tpu.vector_store %arg10[%swap3A_373, %swap3A_374, %swap3A_375], %broadcast_in_dim3A_3 {strides = array<i32>} : memref<2x208x64xf32, #tpu.memory_space<vmem>>, vector<16xf32>,
    %swap3A_377 = arith.constant 1 : i32
    %swap3A_378 = arith.constant 207 : i32
    %swap3A_379 = arith.index_cast %swap3A_377 : i32 to index
    %swap3A_380 = arith.index_cast %swap3A_378 : i32 to index
    %swap3A_381 = arith.constant 32 : index
    %swap3A_382 = tpu.vector_load %arg10[%swap3A_379, %swap3A_380, %swap3A_381] {strides = array<i32>} : memref<2x208x64xf32, #tpu.memory_space<vmem>>, vector<16xf32>,
    tpu.vector_store %arg10[%swap3A_379, %swap3A_380, %swap3A_381], %broadcast_in_dim3A_3 {strides = array<i32>} : memref<2x208x64xf32, #tpu.memory_space<vmem>>, vector<16xf32>,
    %swap3A_383 = arith.constant 1 : i32
    %swap3A_384 = arith.constant 207 : i32
    %swap3A_385 = arith.index_cast %swap3A_383 : i32 to index
    %swap3A_386 = arith.index_cast %swap3A_384 : i32 to index
    %swap3A_387 = arith.constant 48 : index
    %swap3A_388 = tpu.vector_load %arg10[%swap3A_385, %swap3A_386, %swap3A_387] {strides = array<i32>} : memref<2x208x64xf32, #tpu.memory_space<vmem>>, vector<16xf32>,
    tpu.vector_store %arg10[%swap3A_385, %swap3A_386, %swap3A_387], %broadcast_in_dim3A_3 {strides = array<i32>} : memref<2x208x64xf32, #tpu.memory_space<vmem>>, vector<16xf32>,
    %add3A_389 = arith.constant 0 : i32
    %add3A_390 = arith.addi %mul3A_2, %add3A_389 : i32
    %mul3A_391 = arith.constant 208 : i32
    %mul3A_392 = arith.muli %add3A_390, %mul3A_391 : i32
    %mul3A_393 = arith.constant 16 : i32
    %mul3A_394 = arith.muli %mul3A_392, %mul3A_393 : i32
    %dma_start3A = arith.constant 0 : i32
    %dma_start3A_395 = arith.constant 0 : i32
    %dma_start3A_396 = tpu.memref_slice %arg8[%dma_start3A, %dma_start3A_395] : memref<2x3328xf32, #tpu.memory_space<vmem>> -> memref<1x3328xf32, #tpu.memory_space<vmem>>
    %dma_start3A_397 = tpu.memref_squeeze %dma_start3A_396 : memref<1x3328xf32, #tpu.memory_space<vmem>> -> memref<3328xf32, #tpu.memory_space<vmem>>
    %dma_start3A_398 = tpu.memref_slice %arg3[%mul3A_394] : memref<13631488xf32, #tpu.memory_space<hbm>> -> memref<3328xf32, #tpu.memory_space<hbm>>
    %dma_start3A_399 = arith.constant 0 : i32
    %dma_start3A_400 = tpu.memref_slice %arg8[%dma_start3A, %dma_start3A_399] : memref<2x3328xf32, #tpu.memory_space<vmem>> -> memref<1x3328xf32, #tpu.memory_space<vmem>>
    %dma_start3A_401 = tpu.memref_squeeze %dma_start3A_400 : memref<1x3328xf32, #tpu.memory_space<vmem>> -> memref<3328xf32, #tpu.memory_space<vmem>>
    %dma_start3A_402 = tpu.memref_slice %arg3[%mul3A_394] : memref<13631488xf32, #tpu.memory_space<hbm>> -> memref<3328xf32, #tpu.memory_space<hbm>>
    tpu.enqueue_dma source(%dma_start3A_402 : memref<3328xf32, #tpu.memory_space<hbm>>) target(%dma_start3A_401 : memref<3328xf32, #tpu.memory_space<vmem>>) target_semaphore(%arg13 : memref<!tpu.dma_semaphore, #tpu.memory_space<semaphore_mem>>)
    %dma_start3A_403 = arith.constant 0 : i32
    %dma_start3A_404 = arith.constant 0 : i32
    %dma_start3A_405 = arith.constant 0 : i32
    %dma_start3A_406 = arith.constant 0 : i32
    %dma_start3A_407 = arith.constant 0 : i32
    %dma_start3A_408 = tpu.memref_slice %arg10[%dma_start3A_405, %dma_start3A_406, %dma_start3A_407] : memref<2x208x64xf32, #tpu.memory_space<vmem>> -> memref<1x100x64xf32, #tpu.memory_space<vmem>>
    %dma_start3A_409 = tpu.memref_squeeze %dma_start3A_408 : memref<1x100x64xf32, #tpu.memory_space<vmem>> -> memref<100x64xf32, #tpu.memory_space<vmem>>
    %dma_start3A_410 = arith.constant 0 : i32
    %dma_start3A_411 = tpu.memref_slice %arg7[%dma_start3A_403, %dma_start3A_404, %dma_start3A_410] : memref<128x2x100xi32, #tpu.memory_space<vmem>> -> memref<1x1x100xi32, #tpu.memory_space<vmem>>
    %dma_start3A_412 = tpu.memref_squeeze %dma_start3A_411 : memref<1x1x100xi32, #tpu.memory_space<vmem>> -> memref<100xi32, #tpu.memory_space<vmem>>
    %dma_start3A_413 = arith.constant 0 : i32
    %dma_start3A_414 = arith.constant 0 : i32
    %dma_start3A_415 = tpu.memref_slice %arg5[%dma_start3A_413, %dma_start3A_414] : memref<1000000x64xf32, #tpu.memory_space<hbm>> -> memref<1000000x64xf32, #tpu.memory_space<hbm>>
    tpu.enqueue_indirect_dma source(%dma_start3A_415 : memref<1000000x64xf32, #tpu.memory_space<hbm>>) target(%dma_start3A_409 : memref<100x64xf32, #tpu.memory_space<vmem>>) offsets(%dma_start3A_412 : memref<100xi32, #tpu.memory_space<vmem>>) semaphore(%arg13 : memref<!tpu.dma_semaphore, #tpu.memory_space<semaphore_mem>>)
    %dma_start3A_416 = arith.constant 0 : i32
    %dma_start3A_417 = arith.constant 1 : i32
    %dma_start3A_418 = arith.constant 0 : i32
    %dma_start3A_419 = arith.constant 100 : i32
    %dma_start3A_420 = arith.constant 0 : i32
    %dma_start3A_421 = tpu.memref_slice %arg10[%dma_start3A_418, %dma_start3A_419, %dma_start3A_420] : memref<2x208x64xf32, #tpu.memory_space<vmem>> -> memref<1x100x64xf32, #tpu.memory_space<vmem>>
    %dma_start3A_422 = tpu.memref_squeeze %dma_start3A_421 : memref<1x100x64xf32, #tpu.memory_space<vmem>> -> memref<100x64xf32, #tpu.memory_space<vmem>>
    %dma_start3A_423 = arith.constant 0 : i32
    %dma_start3A_424 = tpu.memref_slice %arg7[%dma_start3A_416, %dma_start3A_417, %dma_start3A_423] : memref<128x2x100xi32, #tpu.memory_space<vmem>> -> memref<1x1x100xi32, #tpu.memory_space<vmem>>
    %dma_start3A_425 = tpu.memref_squeeze %dma_start3A_424 : memref<1x1x100xi32, #tpu.memory_space<vmem>> -> memref<100xi32, #tpu.memory_space<vmem>>
    %dma_start3A_426 = arith.constant 0 : i32
    %dma_start3A_427 = arith.constant 0 : i32
    %dma_start3A_428 = tpu.memref_slice %arg5[%dma_start3A_426, %dma_start3A_427] : memref<1000000x64xf32, #tpu.memory_space<hbm>> -> memref<1000000x64xf32, #tpu.memory_space<hbm>>
    tpu.enqueue_indirect_dma source(%dma_start3A_428 : memref<1000000x64xf32, #tpu.memory_space<hbm>>) target(%dma_start3A_422 : memref<100x64xf32, #tpu.memory_space<vmem>>) offsets(%dma_start3A_425 : memref<100xi32, #tpu.memory_space<vmem>>) semaphore(%arg13 : memref<!tpu.dma_semaphore, #tpu.memory_space<semaphore_mem>>)
    %scan3A = arith.constant 0 : i32
    %scan3A_429 = arith.constant 0 : i32
    %scan3A_430 = arith.constant 128 : i32
    %scan3A_431 = arith.addi %scan3A_429, %scan3A_430 : i32
    %scan3A_432 = arith.constant 1 : i32
    scf.for %scan3A_469 = %scan3A_429 to %scan3A_431 step %scan3A_432  : i32 {
      %rem3A = arith.constant 2 : i32
      %rem3A_470 = arith.remsi %scan3A_469, %rem3A : i32
      %add3A_471 = arith.addi %mul3A_2, %scan3A_469 : i32
      %add3A_472 = arith.addi %mul3A_2, %scan3A_469 : i32
      %mul3A_473 = arith.constant 208 : i32
      %mul3A_474 = arith.muli %add3A_472, %mul3A_473 : i32
      %mul3A_475 = arith.constant 16 : i32
      %mul3A_476 = arith.muli %mul3A_474, %mul3A_475 : i32
      %dma_wait3A_477 = arith.constant 0 : i32
      %dma_wait3A_478 = tpu.memref_slice %arg8[%rem3A_470, %dma_wait3A_477] : memref<2x3328xf32, #tpu.memory_space<vmem>> -> memref<1x3328xf32, #tpu.memory_space<vmem>>
      %dma_wait3A_479 = tpu.memref_squeeze %dma_wait3A_478 : memref<1x3328xf32, #tpu.memory_space<vmem>> -> memref<3328xf32, #tpu.memory_space<vmem>>
      %dma_wait3A_480 = tpu.memref_slice %arg3[%mul3A_476] : memref<13631488xf32, #tpu.memory_space<hbm>> -> memref<3328xf32, #tpu.memory_space<hbm>>
      %dma_wait3A_481 = arith.constant 0 : i32
      %dma_wait3A_482 = tpu.memref_slice %arg8[%rem3A_470, %dma_wait3A_481] : memref<2x3328xf32, #tpu.memory_space<vmem>> -> memref<1x3328xf32, #tpu.memory_space<vmem>>
      %dma_wait3A_483 = tpu.memref_squeeze %dma_wait3A_482 : memref<1x3328xf32, #tpu.memory_space<vmem>> -> memref<3328xf32, #tpu.memory_space<vmem>>
      %dma_wait3A_484 = tpu.memref_slice %arg3[%mul3A_476] : memref<13631488xf32, #tpu.memory_space<hbm>> -> memref<3328xf32, #tpu.memory_space<hbm>>
      tpu.wait_dma2 semaphore(%arg13 : memref<!tpu.dma_semaphore, #tpu.memory_space<semaphore_mem>>) src(%dma_wait3A_484 : memref<3328xf32, #tpu.memory_space<hbm>>) dst(%dma_wait3A_483 : memref<3328xf32, #tpu.memory_space<vmem>>)
      %dma_wait3A_485 = arith.constant 0 : i32
      %dma_wait3A_486 = arith.constant 0 : i32
      %dma_wait3A_487 = arith.constant 0 : i32
      %dma_wait3A_488 = tpu.memref_slice %arg10[%rem3A_470, %dma_wait3A_486, %dma_wait3A_487] : memref<2x208x64xf32, #tpu.memory_space<vmem>> -> memref<1x100x64xf32, #tpu.memory_space<vmem>>
      %dma_wait3A_489 = tpu.memref_squeeze %dma_wait3A_488 : memref<1x100x64xf32, #tpu.memory_space<vmem>> -> memref<100x64xf32, #tpu.memory_space<vmem>>
      %dma_wait3A_490 = arith.constant 0 : i32
      %dma_wait3A_491 = tpu.memref_slice %arg7[%scan3A_469, %dma_wait3A_485, %dma_wait3A_490] : memref<128x2x100xi32, #tpu.memory_space<vmem>> -> memref<1x1x100xi32, #tpu.memory_space<vmem>>
      %dma_wait3A_492 = tpu.memref_squeeze %dma_wait3A_491 : memref<1x1x100xi32, #tpu.memory_space<vmem>> -> memref<100xi32, #tpu.memory_space<vmem>>
      %dma_wait3A_493 = arith.constant 0 : i32
      %dma_wait3A_494 = arith.constant 0 : i32
      %dma_wait3A_495 = tpu.memref_slice %arg5[%dma_wait3A_493, %dma_wait3A_494] : memref<1000000x64xf32, #tpu.memory_space<hbm>> -> memref<1000000x64xf32, #tpu.memory_space<hbm>>
      tpu.wait_indirect_dma semaphore(%arg13 : memref<!tpu.dma_semaphore, #tpu.memory_space<semaphore_mem>>) src(%dma_wait3A_495 : memref<1000000x64xf32, #tpu.memory_space<hbm>>) dst(%dma_wait3A_489 : memref<100x64xf32, #tpu.memory_space<vmem>>)
      %dma_wait3A_496 = arith.constant 1 : i32
      %dma_wait3A_497 = arith.constant 100 : i32
      %dma_wait3A_498 = arith.constant 0 : i32
      %dma_wait3A_499 = tpu.memref_slice %arg10[%rem3A_470, %dma_wait3A_497, %dma_wait3A_498] : memref<2x208x64xf32, #tpu.memory_space<vmem>> -> memref<1x100x64xf32, #tpu.memory_space<vmem>>
      %dma_wait3A_500 = tpu.memref_squeeze %dma_wait3A_499 : memref<1x100x64xf32, #tpu.memory_space<vmem>> -> memref<100x64xf32, #tpu.memory_space<vmem>>
      %dma_wait3A_501 = arith.constant 0 : i32
      %dma_wait3A_502 = tpu.memref_slice %arg7[%scan3A_469, %dma_wait3A_496, %dma_wait3A_501] : memref<128x2x100xi32, #tpu.memory_space<vmem>> -> memref<1x1x100xi32, #tpu.memory_space<vmem>>
      %dma_wait3A_503 = tpu.memref_squeeze %dma_wait3A_502 : memref<1x1x100xi32, #tpu.memory_space<vmem>> -> memref<100xi32, #tpu.memory_space<vmem>>
      %dma_wait3A_504 = arith.constant 0 : i32
      %dma_wait3A_505 = arith.constant 0 : i32
      %dma_wait3A_506 = tpu.memref_slice %arg5[%dma_wait3A_504, %dma_wait3A_505] : memref<1000000x64xf32, #tpu.memory_space<hbm>> -> memref<1000000x64xf32, #tpu.memory_space<hbm>>
      tpu.wait_indirect_dma semaphore(%arg13 : memref<!tpu.dma_semaphore, #tpu.memory_space<semaphore_mem>>) src(%dma_wait3A_506 : memref<1000000x64xf32, #tpu.memory_space<hbm>>) dst(%dma_wait3A_500 : memref<100x64xf32, #tpu.memory_space<vmem>>)
      %add3A_507 = arith.constant 1 : i32
      %add3A_508 = arith.addi %scan3A_469, %add3A_507 : i32
      %lt3A = arith.constant 128 : i32
      %lt3A_509 = arith.cmpi slt, %add3A_508, %lt3A : i32
      %convert_element_type3A = arith.extui %lt3A_509 : i1 to i32
      %cond3A = arith.constant 0 : i32
      %cond3A_510 = arith.cmpi ne, %convert_element_type3A, %cond3A : i32
      scf.if %cond3A_510 {
        %add3A_1919 = arith.constant 1 : i32
        %add3A_1920 = arith.addi %scan3A_469, %add3A_1919 : i32
        %sub3A_1921 = arith.constant 1 : i32
        %sub3A_1922 = arith.subi %sub3A_1921, %rem3A_470 : i32
        %add3A_1923 = arith.addi %mul3A_2, %add3A_1920 : i32
        %mul3A_1924 = arith.constant 208 : i32
        %mul3A_1925 = arith.muli %add3A_1923, %mul3A_1924 : i32
        %mul3A_1926 = arith.constant 16 : i32
        %mul3A_1927 = arith.muli %mul3A_1925, %mul3A_1926 : i32
        %dma_start3A_1928 = arith.constant 0 : i32
        %dma_start3A_1929 = tpu.memref_slice %arg8[%sub3A_1922, %dma_start3A_1928] : memref<2x3328xf32, #tpu.memory_space<vmem>> -> memref<1x3328xf32, #tpu.memory_space<vmem>>
        %dma_start3A_1930 = tpu.memref_squeeze %dma_start3A_1929 : memref<1x3328xf32, #tpu.memory_space<vmem>> -> memref<3328xf32, #tpu.memory_space<vmem>>
        %dma_start3A_1931 = tpu.memref_slice %arg3[%mul3A_1927] : memref<13631488xf32, #tpu.memory_space<hbm>> -> memref<3328xf32, #tpu.memory_space<hbm>>
        %dma_start3A_1932 = arith.constant 0 : i32
        %dma_start3A_1933 = tpu.memref_slice %arg8[%sub3A_1922, %dma_start3A_1932] : memref<2x3328xf32, #tpu.memory_space<vmem>> -> memref<1x3328xf32, #tpu.memory_space<vmem>>
        %dma_start3A_1934 = tpu.memref_squeeze %dma_start3A_1933 : memref<1x3328xf32, #tpu.memory_space<vmem>> -> memref<3328xf32, #tpu.memory_space<vmem>>
        %dma_start3A_1935 = tpu.memref_slice %arg3[%mul3A_1927] : memref<13631488xf32, #tpu.memory_space<hbm>> -> memref<3328xf32, #tpu.memory_space<hbm>>
        tpu.enqueue_dma source(%dma_start3A_1935 : memref<3328xf32, #tpu.memory_space<hbm>>) target(%dma_start3A_1934 : memref<3328xf32, #tpu.memory_space<vmem>>) target_semaphore(%arg13 : memref<!tpu.dma_semaphore, #tpu.memory_space<semaphore_mem>>)
        %dma_start3A_1936 = arith.constant 0 : i32
        %dma_start3A_1937 = arith.constant 0 : i32
        %dma_start3A_1938 = arith.constant 0 : i32
        %dma_start3A_1939 = tpu.memref_slice %arg10[%sub3A_1922, %dma_start3A_1937, %dma_start3A_1938] : memref<2x208x64xf32, #tpu.memory_space<vmem>> -> memref<1x100x64xf32, #tpu.memory_space<vmem>>
        %dma_start3A_1940 = tpu.memref_squeeze %dma_start3A_1939 : memref<1x100x64xf32, #tpu.memory_space<vmem>> -> memref<100x64xf32, #tpu.memory_space<vmem>>
        %dma_start3A_1941 = arith.constant 0 : i32
        %dma_start3A_1942 = tpu.memref_slice %arg7[%add3A_1920, %dma_start3A_1936, %dma_start3A_1941] : memref<128x2x100xi32, #tpu.memory_space<vmem>> -> memref<1x1x100xi32, #tpu.memory_space<vmem>>
        %dma_start3A_1943 = tpu.memref_squeeze %dma_start3A_1942 : memref<1x1x100xi32, #tpu.memory_space<vmem>> -> memref<100xi32, #tpu.memory_space<vmem>>
        %dma_start3A_1944 = arith.constant 0 : i32
        %dma_start3A_1945 = arith.constant 0 : i32
        %dma_start3A_1946 = tpu.memref_slice %arg5[%dma_start3A_1944, %dma_start3A_1945] : memref<1000000x64xf32, #tpu.memory_space<hbm>> -> memref<1000000x64xf32, #tpu.memory_space<hbm>>
        tpu.enqueue_indirect_dma source(%dma_start3A_1946 : memref<1000000x64xf32, #tpu.memory_space<hbm>>) target(%dma_start3A_1940 : memref<100x64xf32, #tpu.memory_space<vmem>>) offsets(%dma_start3A_1943 : memref<100xi32, #tpu.memory_space<vmem>>) semaphore(%arg13 : memref<!tpu.dma_semaphore, #tpu.memory_space<semaphore_mem>>)
        %dma_start3A_1947 = arith.constant 1 : i32
        %dma_start3A_1948 = arith.constant 100 : i32
        %dma_start3A_1949 = arith.constant 0 : i32
        %dma_start3A_1950 = tpu.memref_slice %arg10[%sub3A_1922, %dma_start3A_1948, %dma_start3A_1949] : memref<2x208x64xf32, #tpu.memory_space<vmem>> -> memref<1x100x64xf32, #tpu.memory_space<vmem>>
        %dma_start3A_1951 = tpu.memref_squeeze %dma_start3A_1950 : memref<1x100x64xf32, #tpu.memory_space<vmem>> -> memref<100x64xf32, #tpu.memory_space<vmem>>
        %dma_start3A_1952 = arith.constant 0 : i32
        %dma_start3A_1953 = tpu.memref_slice %arg7[%add3A_1920, %dma_start3A_1947, %dma_start3A_1952] : memref<128x2x100xi32, #tpu.memory_space<vmem>> -> memref<1x1x100xi32, #tpu.memory_space<vmem>>
        %dma_start3A_1954 = tpu.memref_squeeze %dma_start3A_1953 : memref<1x1x100xi32, #tpu.memory_space<vmem>> -> memref<100xi32, #tpu.memory_space<vmem>>
        %dma_start3A_1955 = arith.constant 0 : i32
        %dma_start3A_1956 = arith.constant 0 : i32
        %dma_start3A_1957 = tpu.memref_slice %arg5[%dma_start3A_1955, %dma_start3A_1956] : memref<1000000x64xf32, #tpu.memory_space<hbm>> -> memref<1000000x64xf32, #tpu.memory_space<hbm>>
        tpu.enqueue_indirect_dma source(%dma_start3A_1957 : memref<1000000x64xf32, #tpu.memory_space<hbm>>) target(%dma_start3A_1951 : memref<100x64xf32, #tpu.memory_space<vmem>>) offsets(%dma_start3A_1954 : memref<100xi32, #tpu.memory_space<vmem>>) semaphore(%arg13 : memref<!tpu.dma_semaphore, #tpu.memory_space<semaphore_mem>>)
      } else {
      }
      %ge3A = arith.constant 2 : i32
      %ge3A_511 = arith.cmpi sge, %scan3A_469, %ge3A : i32
      %convert_element_type3A_512 = arith.extui %ge3A_511 : i1 to i32
      %cond3A_513 = arith.constant 0 : i32
      %cond3A_514 = arith.cmpi ne, %convert_element_type3A_512, %cond3A_513 : i32
      scf.if %cond3A_514 {
        %dma_wait3A_1919 = arith.constant 0 : i32
        %dma_wait3A_1920 = arith.constant 0 : i32
        %dma_wait3A_1921 = tpu.memref_slice %arg12[%rem3A_470, %dma_wait3A_1919, %dma_wait3A_1920] : memref<2x26x64xf32, #tpu.memory_space<vmem>> -> memref<1x26x64xf32, #tpu.memory_space<vmem>>
        %dma_wait3A_1922 = tpu.memref_squeeze %dma_wait3A_1921 : memref<1x26x64xf32, #tpu.memory_space<vmem>> -> memref<26x64xf32, #tpu.memory_space<vmem>>
        %dma_wait3A_1923 = arith.constant 0 : i32
        %dma_wait3A_1924 = arith.constant 0 : i32
        %dma_wait3A_1925 = tpu.memref_slice %arg6[%add3A_471, %dma_wait3A_1923, %dma_wait3A_1924] : memref<4096x26x64xf32, #tpu.memory_space<hbm>> -> memref<1x26x64xf32, #tpu.memory_space<hbm>>
        %dma_wait3A_1926 = tpu.memref_squeeze %dma_wait3A_1925 : memref<1x26x64xf32, #tpu.memory_space<hbm>> -> memref<26x64xf32, #tpu.memory_space<hbm>>
        %dma_wait3A_1927 = arith.constant 0 : i32
        %dma_wait3A_1928 = arith.constant 0 : i32
        %dma_wait3A_1929 = tpu.memref_slice %arg6[%add3A_471, %dma_wait3A_1927, %dma_wait3A_1928] : memref<4096x26x64xf32, #tpu.memory_space<hbm>> -> memref<1x26x64xf32, #tpu.memory_space<hbm>>
        %dma_wait3A_1930 = tpu.memref_squeeze %dma_wait3A_1929 : memref<1x26x64xf32, #tpu.memory_space<hbm>> -> memref<26x64xf32, #tpu.memory_space<hbm>>
        %dma_wait3A_1931 = arith.constant 0 : i32
        %dma_wait3A_1932 = arith.constant 0 : i32
        %dma_wait3A_1933 = tpu.memref_slice %arg12[%rem3A_470, %dma_wait3A_1931, %dma_wait3A_1932] : memref<2x26x64xf32, #tpu.memory_space<vmem>> -> memref<1x26x64xf32, #tpu.memory_space<vmem>>
        %dma_wait3A_1934 = tpu.memref_squeeze %dma_wait3A_1933 : memref<1x26x64xf32, #tpu.memory_space<vmem>> -> memref<26x64xf32, #tpu.memory_space<vmem>>
        tpu.wait_dma2 semaphore(%arg14 : memref<!tpu.dma_semaphore, #tpu.memory_space<semaphore_mem>>) src(%dma_wait3A_1934 : memref<26x64xf32, #tpu.memory_space<vmem>>) dst(%dma_wait3A_1930 : memref<26x64xf32, #tpu.memory_space<hbm>>)
      } else {
      }
      %swap3A_515 = arith.constant 0 : index
      %swap3A_516 = tpu.vector_load %arg11[%swap3A_515] {strides = array<i32>} : memref<13376xf32, #tpu.memory_space<vmem>>, vector<16xf32>,
      tpu.vector_store %arg11[%swap3A_515], %broadcast_in_dim3A_3 {strides = array<i32>} : memref<13376xf32, #tpu.memory_space<vmem>>, vector<16xf32>,
      %swap3A_517 = arith.constant 16 : index
      %swap3A_518 = tpu.vector_load %arg11[%swap3A_517] {strides = array<i32>} : memref<13376xf32, #tpu.memory_space<vmem>>, vector<16xf32>,
      tpu.vector_store %arg11[%swap3A_517], %broadcast_in_dim3A_3 {strides = array<i32>} : memref<13376xf32, #tpu.memory_space<vmem>>, vector<16xf32>,
      %swap3A_519 = arith.constant 32 : index
      %swap3A_520 = tpu.vector_load %arg11[%swap3A_519] {strides = array<i32>} : memref<13376xf32, #tpu.memory_space<vmem>>, vector<16xf32>,
      tpu.vector_store %arg11[%swap3A_519], %broadcast_in_dim3A_3 {strides = array<i32>} : memref<13376xf32, #tpu.memory_space<vmem>>, vector<16xf32>,
      %swap3A_521 = arith.constant 48 : index
      %swap3A_522 = tpu.vector_load %arg11[%swap3A_521] {strides = array<i32>} : memref<13376xf32, #tpu.memory_space<vmem>>, vector<16xf32>,
      tpu.vector_store %arg11[%swap3A_521], %broadcast_in_dim3A_3 {strides = array<i32>} : memref<13376xf32, #tpu.memory_space<vmem>>, vector<16xf32>,
      %scan3A_523 = arith.constant 0 : i32
      %scan3A_524 = arith.constant 13 : i32
      %scan3A_525 = arith.addi %scan3A_523, %scan3A_524 : i32
      %scan3A_526 = arith.constant 1 : i32
      %scan3A_527:4 = scf.for %scan3A_1919 = %scan3A_523 to %scan3A_525 step %scan3A_526 iter_args(%scan3A_1920 = %broadcast_in_dim3A_3, %scan3A_1921 = %broadcast_in_dim3A_3, %scan3A_1922 = %broadcast_in_dim3A_3, %scan3A_1923 = %broadcast_in_dim3A_3) -> (vector<16xf32>, vector<16xf32>, vector<16xf32>, vector<16xf32>)  : i32 {
        %mul3A_1924 = arith.constant 16 : i32
        %mul3A_1925 = arith.muli %scan3A_1919, %mul3A_1924 : i32
        %add3A_1926 = arith.constant 0 : i32
        %add3A_1927 = arith.addi %mul3A_1925, %add3A_1926 : i32
        %add3A_1928 = arith.constant 0 : i32
        %add3A_1929 = arith.addi %mul3A_1925, %add3A_1928 : i32
        %add3A_1930 = arith.constant 1 : i32
        %add3A_1931 = arith.addi %add3A_1929, %add3A_1930 : i32
        %mul3A_1932 = arith.constant 16 : i32
        %mul3A_1933 = arith.muli %add3A_1927, %mul3A_1932 : i32
        %get3A = arith.index_cast %rem3A_470 : i32 to index
        %get3A_1934 = arith.index_cast %mul3A_1933 : i32 to index
        %get3A_1935 = tpu.vector_load %arg8[%get3A, %get3A_1934] {strides = array<i32>} : memref<2x3328xf32, #tpu.memory_space<vmem>>, vector<16xf32>,
        %mul3A_1936 = arith.constant 16 : i32
        %mul3A_1937 = arith.muli %add3A_1931, %mul3A_1936 : i32
        %get3A_1938 = arith.index_cast %rem3A_470 : i32 to index
        %get3A_1939 = arith.index_cast %mul3A_1937 : i32 to index
        %get3A_1940 = tpu.vector_load %arg8[%get3A_1938, %get3A_1939] {strides = array<i32>} : memref<2x3328xf32, #tpu.memory_space<vmem>>, vector<16xf32>,
        %get3A_1941 = arith.index_cast %rem3A_470 : i32 to index
        %get3A_1942 = arith.index_cast %add3A_1927 : i32 to index
        %get3A_1943 = arith.constant 0 : index
        %get3A_1944 = tpu.vector_load %arg10[%get3A_1941, %get3A_1942, %get3A_1943] {strides = array<i32>} : memref<2x208x64xf32, #tpu.memory_space<vmem>>, vector<16xf32>,
        %get3A_1945 = arith.index_cast %rem3A_470 : i32 to index
        %get3A_1946 = arith.index_cast %add3A_1927 : i32 to index
        %get3A_1947 = arith.constant 16 : index
        %get3A_1948 = tpu.vector_load %arg10[%get3A_1945, %get3A_1946, %get3A_1947] {strides = array<i32>} : memref<2x208x64xf32, #tpu.memory_space<vmem>>, vector<16xf32>,
        %get3A_1949 = arith.index_cast %rem3A_470 : i32 to index
        %get3A_1950 = arith.index_cast %add3A_1927 : i32 to index
        %get3A_1951 = arith.constant 32 : index
        %get3A_1952 = tpu.vector_load %arg10[%get3A_1949, %get3A_1950, %get3A_1951] {strides = array<i32>} : memref<2x208x64xf32, #tpu.memory_space<vmem>>, vector<16xf32>,
        %get3A_1953 = arith.index_cast %rem3A_470 : i32 to index
        %get3A_1954 = arith.index_cast %add3A_1927 : i32 to index
        %get3A_1955 = arith.constant 48 : index
        %get3A_1956 = tpu.vector_load %arg10[%get3A_1953, %get3A_1954, %get3A_1955] {strides = array<i32>} : memref<2x208x64xf32, #tpu.memory_space<vmem>>, vector<16xf32>,
        %get3A_1957 = arith.index_cast %rem3A_470 : i32 to index
        %get3A_1958 = arith.index_cast %add3A_1931 : i32 to index
        %get3A_1959 = arith.constant 0 : index
        %get3A_1960 = tpu.vector_load %arg10[%get3A_1957, %get3A_1958, %get3A_1959] {strides = array<i32>} : memref<2x208x64xf32, #tpu.memory_space<vmem>>, vector<16xf32>,
        %get3A_1961 = arith.index_cast %rem3A_470 : i32 to index
        %get3A_1962 = arith.index_cast %add3A_1931 : i32 to index
        %get3A_1963 = arith.constant 16 : index
        %get3A_1964 = tpu.vector_load %arg10[%get3A_1961, %get3A_1962, %get3A_1963] {strides = array<i32>} : memref<2x208x64xf32, #tpu.memory_space<vmem>>, vector<16xf32>,
        %get3A_1965 = arith.index_cast %rem3A_470 : i32 to index
        %get3A_1966 = arith.index_cast %add3A_1931 : i32 to index
        %get3A_1967 = arith.constant 32 : index
        %get3A_1968 = tpu.vector_load %arg10[%get3A_1965, %get3A_1966, %get3A_1967] {strides = array<i32>} : memref<2x208x64xf32, #tpu.memory_space<vmem>>, vector<16xf32>,
        %get3A_1969 = arith.index_cast %rem3A_470 : i32 to index
        %get3A_1970 = arith.index_cast %add3A_1931 : i32 to index
        %get3A_1971 = arith.constant 48 : index
        %get3A_1972 = tpu.vector_load %arg10[%get3A_1969, %get3A_1970, %get3A_1971] {strides = array<i32>} : memref<2x208x64xf32, #tpu.memory_space<vmem>>, vector<16xf32>,
        %mul3A_1973 = arith.mulf %get3A_1944, %get3A_1935 : vector<16xf32>
        %add3A_1974 = arith.addf %scan3A_1920, %mul3A_1973 : vector<16xf32>
        %add3A_1975 = arith.constant 1 : i32
        %add3A_1976 = arith.addi %add3A_1927, %add3A_1975 : i32
        %mul3A_1977 = arith.constant 64 : i32
        %mul3A_1978 = arith.muli %add3A_1976, %mul3A_1977 : i32
        %add3A_1979 = arith.constant 0 : i32
        %add3A_1980 = arith.addi %mul3A_1978, %add3A_1979 : i32
        %swap3A_1981 = arith.index_cast %add3A_1980 : i32 to index
        %swap3A_1982 = tpu.vector_load %arg11[%swap3A_1981] {strides = array<i32>} : memref<13376xf32, #tpu.memory_space<vmem>>, vector<16xf32>,
        tpu.vector_store %arg11[%swap3A_1981], %add3A_1974 {strides = array<i32>} : memref<13376xf32, #tpu.memory_space<vmem>>, vector<16xf32>,
        %mul3A_1983 = arith.mulf %get3A_1948, %get3A_1935 : vector<16xf32>
        %add3A_1984 = arith.addf %scan3A_1921, %mul3A_1983 : vector<16xf32>
        %add3A_1985 = arith.constant 1 : i32
        %add3A_1986 = arith.addi %add3A_1927, %add3A_1985 : i32
        %mul3A_1987 = arith.constant 64 : i32
        %mul3A_1988 = arith.muli %add3A_1986, %mul3A_1987 : i32
        %add3A_1989 = arith.constant 16 : i32
        %add3A_1990 = arith.addi %mul3A_1988, %add3A_1989 : i32
        %swap3A_1991 = arith.index_cast %add3A_1990 : i32 to index
        %swap3A_1992 = tpu.vector_load %arg11[%swap3A_1991] {strides = array<i32>} : memref<13376xf32, #tpu.memory_space<vmem>>, vector<16xf32>,
        tpu.vector_store %arg11[%swap3A_1991], %add3A_1984 {strides = array<i32>} : memref<13376xf32, #tpu.memory_space<vmem>>, vector<16xf32>,
        %mul3A_1993 = arith.mulf %get3A_1952, %get3A_1935 : vector<16xf32>
        %add3A_1994 = arith.addf %scan3A_1922, %mul3A_1993 : vector<16xf32>
        %add3A_1995 = arith.constant 1 : i32
        %add3A_1996 = arith.addi %add3A_1927, %add3A_1995 : i32
        %mul3A_1997 = arith.constant 64 : i32
        %mul3A_1998 = arith.muli %add3A_1996, %mul3A_1997 : i32
        %add3A_1999 = arith.constant 32 : i32
        %add3A_2000 = arith.addi %mul3A_1998, %add3A_1999 : i32
        %swap3A_2001 = arith.index_cast %add3A_2000 : i32 to index
        %swap3A_2002 = tpu.vector_load %arg11[%swap3A_2001] {strides = array<i32>} : memref<13376xf32, #tpu.memory_space<vmem>>, vector<16xf32>,
        tpu.vector_store %arg11[%swap3A_2001], %add3A_1994 {strides = array<i32>} : memref<13376xf32, #tpu.memory_space<vmem>>, vector<16xf32>,
        %mul3A_2003 = arith.mulf %get3A_1956, %get3A_1935 : vector<16xf32>
        %add3A_2004 = arith.addf %scan3A_1923, %mul3A_2003 : vector<16xf32>
        %add3A_2005 = arith.constant 1 : i32
        %add3A_2006 = arith.addi %add3A_1927, %add3A_2005 : i32
        %mul3A_2007 = arith.constant 64 : i32
        %mul3A_2008 = arith.muli %add3A_2006, %mul3A_2007 : i32
        %add3A_2009 = arith.constant 48 : i32
        %add3A_2010 = arith.addi %mul3A_2008, %add3A_2009 : i32
        %swap3A_2011 = arith.index_cast %add3A_2010 : i32 to index
        %swap3A_2012 = tpu.vector_load %arg11[%swap3A_2011] {strides = array<i32>} : memref<13376xf32, #tpu.memory_space<vmem>>, vector<16xf32>,
        tpu.vector_store %arg11[%swap3A_2011], %add3A_2004 {strides = array<i32>} : memref<13376xf32, #tpu.memory_space<vmem>>, vector<16xf32>,
        %mul3A_2013 = arith.mulf %get3A_1960, %get3A_1940 : vector<16xf32>
        %add3A_2014 = arith.addf %add3A_1974, %mul3A_2013 : vector<16xf32>
        %add3A_2015 = arith.constant 1 : i32
        %add3A_2016 = arith.addi %add3A_1931, %add3A_2015 : i32
        %mul3A_2017 = arith.constant 64 : i32
        %mul3A_2018 = arith.muli %add3A_2016, %mul3A_2017 : i32
        %add3A_2019 = arith.constant 0 : i32
        %add3A_2020 = arith.addi %mul3A_2018, %add3A_2019 : i32
        %swap3A_2021 = arith.index_cast %add3A_2020 : i32 to index
        %swap3A_2022 = tpu.vector_load %arg11[%swap3A_2021] {strides = array<i32>} : memref<13376xf32, #tpu.memory_space<vmem>>, vector<16xf32>,
        tpu.vector_store %arg11[%swap3A_2021], %add3A_2014 {strides = array<i32>} : memref<13376xf32, #tpu.memory_space<vmem>>, vector<16xf32>,
        %mul3A_2023 = arith.mulf %get3A_1964, %get3A_1940 : vector<16xf32>
        %add3A_2024 = arith.addf %add3A_1984, %mul3A_2023 : vector<16xf32>
        %add3A_2025 = arith.constant 1 : i32
        %add3A_2026 = arith.addi %add3A_1931, %add3A_2025 : i32
        %mul3A_2027 = arith.constant 64 : i32
        %mul3A_2028 = arith.muli %add3A_2026, %mul3A_2027 : i32
        %add3A_2029 = arith.constant 16 : i32
        %add3A_2030 = arith.addi %mul3A_2028, %add3A_2029 : i32
        %swap3A_2031 = arith.index_cast %add3A_2030 : i32 to index
        %swap3A_2032 = tpu.vector_load %arg11[%swap3A_2031] {strides = array<i32>} : memref<13376xf32, #tpu.memory_space<vmem>>, vector<16xf32>,
        tpu.vector_store %arg11[%swap3A_2031], %add3A_2024 {strides = array<i32>} : memref<13376xf32, #tpu.memory_space<vmem>>, vector<16xf32>,
        %mul3A_2033 = arith.mulf %get3A_1968, %get3A_1940 : vector<16xf32>
        %add3A_2034 = arith.addf %add3A_1994, %mul3A_2033 : vector<16xf32>
        %add3A_2035 = arith.constant 1 : i32
        %add3A_2036 = arith.addi %add3A_1931, %add3A_2035 : i32
        %mul3A_2037 = arith.constant 64 : i32
        %mul3A_2038 = arith.muli %add3A_2036, %mul3A_2037 : i32
        %add3A_2039 = arith.constant 32 : i32
        %add3A_2040 = arith.addi %mul3A_2038, %add3A_2039 : i32
        %swap3A_2041 = arith.index_cast %add3A_2040 : i32 to index
        %swap3A_2042 = tpu.vector_load %arg11[%swap3A_2041] {strides = array<i32>} : memref<13376xf32, #tpu.memory_space<vmem>>, vector<16xf32>,
        tpu.vector_store %arg11[%swap3A_2041], %add3A_2034 {strides = array<i32>} : memref<13376xf32, #tpu.memory_space<vmem>>, vector<16xf32>,
        %mul3A_2043 = arith.mulf %get3A_1972, %get3A_1940 : vector<16xf32>
        %add3A_2044 = arith.addf %add3A_2004, %mul3A_2043 : vector<16xf32>
        %add3A_2045 = arith.constant 1 : i32
        %add3A_2046 = arith.addi %add3A_1931, %add3A_2045 : i32
        %mul3A_2047 = arith.constant 64 : i32
        %mul3A_2048 = arith.muli %add3A_2046, %mul3A_2047 : i32
        %add3A_2049 = arith.constant 48 : i32
        %add3A_2050 = arith.addi %mul3A_2048, %add3A_2049 : i32
        %swap3A_2051 = arith.index_cast %add3A_2050 : i32 to index
        %swap3A_2052 = tpu.vector_load %arg11[%swap3A_2051] {strides = array<i32>} : memref<13376xf32, #tpu.memory_space<vmem>>, vector<16xf32>,
        tpu.vector_store %arg11[%swap3A_2051], %add3A_2044 {strides = array<i32>} : memref<13376xf32, #tpu.memory_space<vmem>>, vector<16xf32>,
        %add3A_2053 = arith.constant 2 : i32
        %add3A_2054 = arith.addi %mul3A_1925, %add3A_2053 : i32
        %add3A_2055 = arith.constant 2 : i32
        %add3A_2056 = arith.addi %mul3A_1925, %add3A_2055 : i32
        %add3A_2057 = arith.constant 1 : i32
        %add3A_2058 = arith.addi %add3A_2056, %add3A_2057 : i32
        %mul3A_2059 = arith.constant 16 : i32
        %mul3A_2060 = arith.muli %add3A_2054, %mul3A_2059 : i32
        %get3A_2061 = arith.index_cast %rem3A_470 : i32 to index
        %get3A_2062 = arith.index_cast %mul3A_2060 : i32 to index
        %get3A_2063 = tpu.vector_load %arg8[%get3A_2061, %get3A_2062] {strides = array<i32>} : memref<2x3328xf32, #tpu.memory_space<vmem>>, vector<16xf32>,
        %mul3A_2064 = arith.constant 16 : i32
        %mul3A_2065 = arith.muli %add3A_2058, %mul3A_2064 : i32
        %get3A_2066 = arith.index_cast %rem3A_470 : i32 to index
        %get3A_2067 = arith.index_cast %mul3A_2065 : i32 to index
        %get3A_2068 = tpu.vector_load %arg8[%get3A_2066, %get3A_2067] {strides = array<i32>} : memref<2x3328xf32, #tpu.memory_space<vmem>>, vector<16xf32>,
        %get3A_2069 = arith.index_cast %rem3A_470 : i32 to index
        %get3A_2070 = arith.index_cast %add3A_2054 : i32 to index
        %get3A_2071 = arith.constant 0 : index
        %get3A_2072 = tpu.vector_load %arg10[%get3A_2069, %get3A_2070, %get3A_2071] {strides = array<i32>} : memref<2x208x64xf32, #tpu.memory_space<vmem>>, vector<16xf32>,
        %get3A_2073 = arith.index_cast %rem3A_470 : i32 to index
        %get3A_2074 = arith.index_cast %add3A_2054 : i32 to index
        %get3A_2075 = arith.constant 16 : index
        %get3A_2076 = tpu.vector_load %arg10[%get3A_2073, %get3A_2074, %get3A_2075] {strides = array<i32>} : memref<2x208x64xf32, #tpu.memory_space<vmem>>, vector<16xf32>,
        %get3A_2077 = arith.index_cast %rem3A_470 : i32 to index
        %get3A_2078 = arith.index_cast %add3A_2054 : i32 to index
        %get3A_2079 = arith.constant 32 : index
        %get3A_2080 = tpu.vector_load %arg10[%get3A_2077, %get3A_2078, %get3A_2079] {strides = array<i32>} : memref<2x208x64xf32, #tpu.memory_space<vmem>>, vector<16xf32>,
        %get3A_2081 = arith.index_cast %rem3A_470 : i32 to index
        %get3A_2082 = arith.index_cast %add3A_2054 : i32 to index
        %get3A_2083 = arith.constant 48 : index
        %get3A_2084 = tpu.vector_load %arg10[%get3A_2081, %get3A_2082, %get3A_2083] {strides = array<i32>} : memref<2x208x64xf32, #tpu.memory_space<vmem>>, vector<16xf32>,
        %get3A_2085 = arith.index_cast %rem3A_470 : i32 to index
        %get3A_2086 = arith.index_cast %add3A_2058 : i32 to index
        %get3A_2087 = arith.constant 0 : index
        %get3A_2088 = tpu.vector_load %arg10[%get3A_2085, %get3A_2086, %get3A_2087] {strides = array<i32>} : memref<2x208x64xf32, #tpu.memory_space<vmem>>, vector<16xf32>,
        %get3A_2089 = arith.index_cast %rem3A_470 : i32 to index
        %get3A_2090 = arith.index_cast %add3A_2058 : i32 to index
        %get3A_2091 = arith.constant 16 : index
        %get3A_2092 = tpu.vector_load %arg10[%get3A_2089, %get3A_2090, %get3A_2091] {strides = array<i32>} : memref<2x208x64xf32, #tpu.memory_space<vmem>>, vector<16xf32>,
        %get3A_2093 = arith.index_cast %rem3A_470 : i32 to index
        %get3A_2094 = arith.index_cast %add3A_2058 : i32 to index
        %get3A_2095 = arith.constant 32 : index
        %get3A_2096 = tpu.vector_load %arg10[%get3A_2093, %get3A_2094, %get3A_2095] {strides = array<i32>} : memref<2x208x64xf32, #tpu.memory_space<vmem>>, vector<16xf32>,
        %get3A_2097 = arith.index_cast %rem3A_470 : i32 to index
        %get3A_2098 = arith.index_cast %add3A_2058 : i32 to index
        %get3A_2099 = arith.constant 48 : index
        %get3A_2100 = tpu.vector_load %arg10[%get3A_2097, %get3A_2098, %get3A_2099] {strides = array<i32>} : memref<2x208x64xf32, #tpu.memory_space<vmem>>, vector<16xf32>,
        %mul3A_2101 = arith.mulf %get3A_2072, %get3A_2063 : vector<16xf32>
        %add3A_2102 = arith.addf %add3A_2014, %mul3A_2101 : vector<16xf32>
        %add3A_2103 = arith.constant 1 : i32
        %add3A_2104 = arith.addi %add3A_2054, %add3A_2103 : i32
        %mul3A_2105 = arith.constant 64 : i32
        %mul3A_2106 = arith.muli %add3A_2104, %mul3A_2105 : i32
        %add3A_2107 = arith.constant 0 : i32
        %add3A_2108 = arith.addi %mul3A_2106, %add3A_2107 : i32
        %swap3A_2109 = arith.index_cast %add3A_2108 : i32 to index
        %swap3A_2110 = tpu.vector_load %arg11[%swap3A_2109] {strides = array<i32>} : memref<13376xf32, #tpu.memory_space<vmem>>, vector<16xf32>,
        tpu.vector_store %arg11[%swap3A_2109], %add3A_2102 {strides = array<i32>} : memref<13376xf32, #tpu.memory_space<vmem>>, vector<16xf32>,
        %mul3A_2111 = arith.mulf %get3A_2076, %get3A_2063 : vector<16xf32>
        %add3A_2112 = arith.addf %add3A_2024, %mul3A_2111 : vector<16xf32>
        %add3A_2113 = arith.constant 1 : i32
        %add3A_2114 = arith.addi %add3A_2054, %add3A_2113 : i32
        %mul3A_2115 = arith.constant 64 : i32
        %mul3A_2116 = arith.muli %add3A_2114, %mul3A_2115 : i32
        %add3A_2117 = arith.constant 16 : i32
        %add3A_2118 = arith.addi %mul3A_2116, %add3A_2117 : i32
        %swap3A_2119 = arith.index_cast %add3A_2118 : i32 to index
        %swap3A_2120 = tpu.vector_load %arg11[%swap3A_2119] {strides = array<i32>} : memref<13376xf32, #tpu.memory_space<vmem>>, vector<16xf32>,
        tpu.vector_store %arg11[%swap3A_2119], %add3A_2112 {strides = array<i32>} : memref<13376xf32, #tpu.memory_space<vmem>>, vector<16xf32>,
        %mul3A_2121 = arith.mulf %get3A_2080, %get3A_2063 : vector<16xf32>
        %add3A_2122 = arith.addf %add3A_2034, %mul3A_2121 : vector<16xf32>
        %add3A_2123 = arith.constant 1 : i32
        %add3A_2124 = arith.addi %add3A_2054, %add3A_2123 : i32
        %mul3A_2125 = arith.constant 64 : i32
        %mul3A_2126 = arith.muli %add3A_2124, %mul3A_2125 : i32
        %add3A_2127 = arith.constant 32 : i32
        %add3A_2128 = arith.addi %mul3A_2126, %add3A_2127 : i32
        %swap3A_2129 = arith.index_cast %add3A_2128 : i32 to index
        %swap3A_2130 = tpu.vector_load %arg11[%swap3A_2129] {strides = array<i32>} : memref<13376xf32, #tpu.memory_space<vmem>>, vector<16xf32>,
        tpu.vector_store %arg11[%swap3A_2129], %add3A_2122 {strides = array<i32>} : memref<13376xf32, #tpu.memory_space<vmem>>, vector<16xf32>,
        %mul3A_2131 = arith.mulf %get3A_2084, %get3A_2063 : vector<16xf32>
        %add3A_2132 = arith.addf %add3A_2044, %mul3A_2131 : vector<16xf32>
        %add3A_2133 = arith.constant 1 : i32
        %add3A_2134 = arith.addi %add3A_2054, %add3A_2133 : i32
        %mul3A_2135 = arith.constant 64 : i32
        %mul3A_2136 = arith.muli %add3A_2134, %mul3A_2135 : i32
        %add3A_2137 = arith.constant 48 : i32
        %add3A_2138 = arith.addi %mul3A_2136, %add3A_2137 : i32
        %swap3A_2139 = arith.index_cast %add3A_2138 : i32 to index
        %swap3A_2140 = tpu.vector_load %arg11[%swap3A_2139] {strides = array<i32>} : memref<13376xf32, #tpu.memory_space<vmem>>, vector<16xf32>,
        tpu.vector_store %arg11[%swap3A_2139], %add3A_2132 {strides = array<i32>} : memref<13376xf32, #tpu.memory_space<vmem>>, vector<16xf32>,
        %mul3A_2141 = arith.mulf %get3A_2088, %get3A_2068 : vector<16xf32>
        %add3A_2142 = arith.addf %add3A_2102, %mul3A_2141 : vector<16xf32>
        %add3A_2143 = arith.constant 1 : i32
        %add3A_2144 = arith.addi %add3A_2058, %add3A_2143 : i32
        %mul3A_2145 = arith.constant 64 : i32
        %mul3A_2146 = arith.muli %add3A_2144, %mul3A_2145 : i32
        %add3A_2147 = arith.constant 0 : i32
        %add3A_2148 = arith.addi %mul3A_2146, %add3A_2147 : i32
        %swap3A_2149 = arith.index_cast %add3A_2148 : i32 to index
        %swap3A_2150 = tpu.vector_load %arg11[%swap3A_2149] {strides = array<i32>} : memref<13376xf32, #tpu.memory_space<vmem>>, vector<16xf32>,
        tpu.vector_store %arg11[%swap3A_2149], %add3A_2142 {strides = array<i32>} : memref<13376xf32, #tpu.memory_space<vmem>>, vector<16xf32>,
        %mul3A_2151 = arith.mulf %get3A_2092, %get3A_2068 : vector<16xf32>
        %add3A_2152 = arith.addf %add3A_2112, %mul3A_2151 : vector<16xf32>
        %add3A_2153 = arith.constant 1 : i32
        %add3A_2154 = arith.addi %add3A_2058, %add3A_2153 : i32
        %mul3A_2155 = arith.constant 64 : i32
        %mul3A_2156 = arith.muli %add3A_2154, %mul3A_2155 : i32
        %add3A_2157 = arith.constant 16 : i32
        %add3A_2158 = arith.addi %mul3A_2156, %add3A_2157 : i32
        %swap3A_2159 = arith.index_cast %add3A_2158 : i32 to index
        %swap3A_2160 = tpu.vector_load %arg11[%swap3A_2159] {strides = array<i32>} : memref<13376xf32, #tpu.memory_space<vmem>>, vector<16xf32>,
        tpu.vector_store %arg11[%swap3A_2159], %add3A_2152 {strides = array<i32>} : memref<13376xf32, #tpu.memory_space<vmem>>, vector<16xf32>,
        %mul3A_2161 = arith.mulf %get3A_2096, %get3A_2068 : vector<16xf32>
        %add3A_2162 = arith.addf %add3A_2122, %mul3A_2161 : vector<16xf32>
        %add3A_2163 = arith.constant 1 : i32
        %add3A_2164 = arith.addi %add3A_2058, %add3A_2163 : i32
        %mul3A_2165 = arith.constant 64 : i32
        %mul3A_2166 = arith.muli %add3A_2164, %mul3A_2165 : i32
        %add3A_2167 = arith.constant 32 : i32
        %add3A_2168 = arith.addi %mul3A_2166, %add3A_2167 : i32
        %swap3A_2169 = arith.index_cast %add3A_2168 : i32 to index
        %swap3A_2170 = tpu.vector_load %arg11[%swap3A_2169] {strides = array<i32>} : memref<13376xf32, #tpu.memory_space<vmem>>, vector<16xf32>,
        tpu.vector_store %arg11[%swap3A_2169], %add3A_2162 {strides = array<i32>} : memref<13376xf32, #tpu.memory_space<vmem>>, vector<16xf32>,
        %mul3A_2171 = arith.mulf %get3A_2100, %get3A_2068 : vector<16xf32>
        %add3A_2172 = arith.addf %add3A_2132, %mul3A_2171 : vector<16xf32>
        %add3A_2173 = arith.constant 1 : i32
        %add3A_2174 = arith.addi %add3A_2058, %add3A_2173 : i32
        %mul3A_2175 = arith.constant 64 : i32
        %mul3A_2176 = arith.muli %add3A_2174, %mul3A_2175 : i32
        %add3A_2177 = arith.constant 48 : i32
        %add3A_2178 = arith.addi %mul3A_2176, %add3A_2177 : i32
        %swap3A_2179 = arith.index_cast %add3A_2178 : i32 to index
        %swap3A_2180 = tpu.vector_load %arg11[%swap3A_2179] {strides = array<i32>} : memref<13376xf32, #tpu.memory_space<vmem>>, vector<16xf32>,
        tpu.vector_store %arg11[%swap3A_2179], %add3A_2172 {strides = array<i32>} : memref<13376xf32, #tpu.memory_space<vmem>>, vector<16xf32>,
        %add3A_2181 = arith.constant 4 : i32
        %add3A_2182 = arith.addi %mul3A_1925, %add3A_2181 : i32
        %add3A_2183 = arith.constant 4 : i32
        %add3A_2184 = arith.addi %mul3A_1925, %add3A_2183 : i32
        %add3A_2185 = arith.constant 1 : i32
        %add3A_2186 = arith.addi %add3A_2184, %add3A_2185 : i32
        %mul3A_2187 = arith.constant 16 : i32
        %mul3A_2188 = arith.muli %add3A_2182, %mul3A_2187 : i32
        %get3A_2189 = arith.index_cast %rem3A_470 : i32 to index
        %get3A_2190 = arith.index_cast %mul3A_2188 : i32 to index
        %get3A_2191 = tpu.vector_load %arg8[%get3A_2189, %get3A_2190] {strides = array<i32>} : memref<2x3328xf32, #tpu.memory_space<vmem>>, vector<16xf32>,
        %mul3A_2192 = arith.constant 16 : i32
        %mul3A_2193 = arith.muli %add3A_2186, %mul3A_2192 : i32
        %get3A_2194 = arith.index_cast %rem3A_470 : i32 to index
        %get3A_2195 = arith.index_cast %mul3A_2193 : i32 to index
        %get3A_2196 = tpu.vector_load %arg8[%get3A_2194, %get3A_2195] {strides = array<i32>} : memref<2x3328xf32, #tpu.memory_space<vmem>>, vector<16xf32>,
        %get3A_2197 = arith.index_cast %rem3A_470 : i32 to index
        %get3A_2198 = arith.index_cast %add3A_2182 : i32 to index
        %get3A_2199 = arith.constant 0 : index
        %get3A_2200 = tpu.vector_load %arg10[%get3A_2197, %get3A_2198, %get3A_2199] {strides = array<i32>} : memref<2x208x64xf32, #tpu.memory_space<vmem>>, vector<16xf32>,
        %get3A_2201 = arith.index_cast %rem3A_470 : i32 to index
        %get3A_2202 = arith.index_cast %add3A_2182 : i32 to index
        %get3A_2203 = arith.constant 16 : index
        %get3A_2204 = tpu.vector_load %arg10[%get3A_2201, %get3A_2202, %get3A_2203] {strides = array<i32>} : memref<2x208x64xf32, #tpu.memory_space<vmem>>, vector<16xf32>,
        %get3A_2205 = arith.index_cast %rem3A_470 : i32 to index
        %get3A_2206 = arith.index_cast %add3A_2182 : i32 to index
        %get3A_2207 = arith.constant 32 : index
        %get3A_2208 = tpu.vector_load %arg10[%get3A_2205, %get3A_2206, %get3A_2207] {strides = array<i32>} : memref<2x208x64xf32, #tpu.memory_space<vmem>>, vector<16xf32>,
        %get3A_2209 = arith.index_cast %rem3A_470 : i32 to index
        %get3A_2210 = arith.index_cast %add3A_2182 : i32 to index
        %get3A_2211 = arith.constant 48 : index
        %get3A_2212 = tpu.vector_load %arg10[%get3A_2209, %get3A_2210, %get3A_2211] {strides = array<i32>} : memref<2x208x64xf32, #tpu.memory_space<vmem>>, vector<16xf32>,
        %get3A_2213 = arith.index_cast %rem3A_470 : i32 to index
        %get3A_2214 = arith.index_cast %add3A_2186 : i32 to index
        %get3A_2215 = arith.constant 0 : index
        %get3A_2216 = tpu.vector_load %arg10[%get3A_2213, %get3A_2214, %get3A_2215] {strides = array<i32>} : memref<2x208x64xf32, #tpu.memory_space<vmem>>, vector<16xf32>,
        %get3A_2217 = arith.index_cast %rem3A_470 : i32 to index
        %get3A_2218 = arith.index_cast %add3A_2186 : i32 to index
        %get3A_2219 = arith.constant 16 : index
        %get3A_2220 = tpu.vector_load %arg10[%get3A_2217, %get3A_2218, %get3A_2219] {strides = array<i32>} : memref<2x208x64xf32, #tpu.memory_space<vmem>>, vector<16xf32>,
        %get3A_2221 = arith.index_cast %rem3A_470 : i32 to index
        %get3A_2222 = arith.index_cast %add3A_2186 : i32 to index
        %get3A_2223 = arith.constant 32 : index
        %get3A_2224 = tpu.vector_load %arg10[%get3A_2221, %get3A_2222, %get3A_2223] {strides = array<i32>} : memref<2x208x64xf32, #tpu.memory_space<vmem>>, vector<16xf32>,
        %get3A_2225 = arith.index_cast %rem3A_470 : i32 to index
        %get3A_2226 = arith.index_cast %add3A_2186 : i32 to index
        %get3A_2227 = arith.constant 48 : index
        %get3A_2228 = tpu.vector_load %arg10[%get3A_2225, %get3A_2226, %get3A_2227] {strides = array<i32>} : memref<2x208x64xf32, #tpu.memory_space<vmem>>, vector<16xf32>,
        %mul3A_2229 = arith.mulf %get3A_2200, %get3A_2191 : vector<16xf32>
        %add3A_2230 = arith.addf %add3A_2142, %mul3A_2229 : vector<16xf32>
        %add3A_2231 = arith.constant 1 : i32
        %add3A_2232 = arith.addi %add3A_2182, %add3A_2231 : i32
        %mul3A_2233 = arith.constant 64 : i32
        %mul3A_2234 = arith.muli %add3A_2232, %mul3A_2233 : i32
        %add3A_2235 = arith.constant 0 : i32
        %add3A_2236 = arith.addi %mul3A_2234, %add3A_2235 : i32
        %swap3A_2237 = arith.index_cast %add3A_2236 : i32 to index
        %swap3A_2238 = tpu.vector_load %arg11[%swap3A_2237] {strides = array<i32>} : memref<13376xf32, #tpu.memory_space<vmem>>, vector<16xf32>,
        tpu.vector_store %arg11[%swap3A_2237], %add3A_2230 {strides = array<i32>} : memref<13376xf32, #tpu.memory_space<vmem>>, vector<16xf32>,
        %mul3A_2239 = arith.mulf %get3A_2204, %get3A_2191 : vector<16xf32>
        %add3A_2240 = arith.addf %add3A_2152, %mul3A_2239 : vector<16xf32>
        %add3A_2241 = arith.constant 1 : i32
        %add3A_2242 = arith.addi %add3A_2182, %add3A_2241 : i32
        %mul3A_2243 = arith.constant 64 : i32
        %mul3A_2244 = arith.muli %add3A_2242, %mul3A_2243 : i32
        %add3A_2245 = arith.constant 16 : i32
        %add3A_2246 = arith.addi %mul3A_2244, %add3A_2245 : i32
        %swap3A_2247 = arith.index_cast %add3A_2246 : i32 to index
        %swap3A_2248 = tpu.vector_load %arg11[%swap3A_2247] {strides = array<i32>} : memref<13376xf32, #tpu.memory_space<vmem>>, vector<16xf32>,
        tpu.vector_store %arg11[%swap3A_2247], %add3A_2240 {strides = array<i32>} : memref<13376xf32, #tpu.memory_space<vmem>>, vector<16xf32>,
        %mul3A_2249 = arith.mulf %get3A_2208, %get3A_2191 : vector<16xf32>
        %add3A_2250 = arith.addf %add3A_2162, %mul3A_2249 : vector<16xf32>
        %add3A_2251 = arith.constant 1 : i32
        %add3A_2252 = arith.addi %add3A_2182, %add3A_2251 : i32
        %mul3A_2253 = arith.constant 64 : i32
        %mul3A_2254 = arith.muli %add3A_2252, %mul3A_2253 : i32
        %add3A_2255 = arith.constant 32 : i32
        %add3A_2256 = arith.addi %mul3A_2254, %add3A_2255 : i32
        %swap3A_2257 = arith.index_cast %add3A_2256 : i32 to index
        %swap3A_2258 = tpu.vector_load %arg11[%swap3A_2257] {strides = array<i32>} : memref<13376xf32, #tpu.memory_space<vmem>>, vector<16xf32>,
        tpu.vector_store %arg11[%swap3A_2257], %add3A_2250 {strides = array<i32>} : memref<13376xf32, #tpu.memory_space<vmem>>, vector<16xf32>,
        %mul3A_2259 = arith.mulf %get3A_2212, %get3A_2191 : vector<16xf32>
        %add3A_2260 = arith.addf %add3A_2172, %mul3A_2259 : vector<16xf32>
        %add3A_2261 = arith.constant 1 : i32
        %add3A_2262 = arith.addi %add3A_2182, %add3A_2261 : i32
        %mul3A_2263 = arith.constant 64 : i32
        %mul3A_2264 = arith.muli %add3A_2262, %mul3A_2263 : i32
        %add3A_2265 = arith.constant 48 : i32
        %add3A_2266 = arith.addi %mul3A_2264, %add3A_2265 : i32
        %swap3A_2267 = arith.index_cast %add3A_2266 : i32 to index
        %swap3A_2268 = tpu.vector_load %arg11[%swap3A_2267] {strides = array<i32>} : memref<13376xf32, #tpu.memory_space<vmem>>, vector<16xf32>,
        tpu.vector_store %arg11[%swap3A_2267], %add3A_2260 {strides = array<i32>} : memref<13376xf32, #tpu.memory_space<vmem>>, vector<16xf32>,
        %mul3A_2269 = arith.mulf %get3A_2216, %get3A_2196 : vector<16xf32>
        %add3A_2270 = arith.addf %add3A_2230, %mul3A_2269 : vector<16xf32>
        %add3A_2271 = arith.constant 1 : i32
        %add3A_2272 = arith.addi %add3A_2186, %add3A_2271 : i32
        %mul3A_2273 = arith.constant 64 : i32
        %mul3A_2274 = arith.muli %add3A_2272, %mul3A_2273 : i32
        %add3A_2275 = arith.constant 0 : i32
        %add3A_2276 = arith.addi %mul3A_2274, %add3A_2275 : i32
        %swap3A_2277 = arith.index_cast %add3A_2276 : i32 to index
        %swap3A_2278 = tpu.vector_load %arg11[%swap3A_2277] {strides = array<i32>} : memref<13376xf32, #tpu.memory_space<vmem>>, vector<16xf32>,
        tpu.vector_store %arg11[%swap3A_2277], %add3A_2270 {strides = array<i32>} : memref<13376xf32, #tpu.memory_space<vmem>>, vector<16xf32>,
        %mul3A_2279 = arith.mulf %get3A_2220, %get3A_2196 : vector<16xf32>
        %add3A_2280 = arith.addf %add3A_2240, %mul3A_2279 : vector<16xf32>
        %add3A_2281 = arith.constant 1 : i32
        %add3A_2282 = arith.addi %add3A_2186, %add3A_2281 : i32
        %mul3A_2283 = arith.constant 64 : i32
        %mul3A_2284 = arith.muli %add3A_2282, %mul3A_2283 : i32
        %add3A_2285 = arith.constant 16 : i32
        %add3A_2286 = arith.addi %mul3A_2284, %add3A_2285 : i32
        %swap3A_2287 = arith.index_cast %add3A_2286 : i32 to index
        %swap3A_2288 = tpu.vector_load %arg11[%swap3A_2287] {strides = array<i32>} : memref<13376xf32, #tpu.memory_space<vmem>>, vector<16xf32>,
        tpu.vector_store %arg11[%swap3A_2287], %add3A_2280 {strides = array<i32>} : memref<13376xf32, #tpu.memory_space<vmem>>, vector<16xf32>,
        %mul3A_2289 = arith.mulf %get3A_2224, %get3A_2196 : vector<16xf32>
        %add3A_2290 = arith.addf %add3A_2250, %mul3A_2289 : vector<16xf32>
        %add3A_2291 = arith.constant 1 : i32
        %add3A_2292 = arith.addi %add3A_2186, %add3A_2291 : i32
        %mul3A_2293 = arith.constant 64 : i32
        %mul3A_2294 = arith.muli %add3A_2292, %mul3A_2293 : i32
        %add3A_2295 = arith.constant 32 : i32
        %add3A_2296 = arith.addi %mul3A_2294, %add3A_2295 : i32
        %swap3A_2297 = arith.index_cast %add3A_2296 : i32 to index
        %swap3A_2298 = tpu.vector_load %arg11[%swap3A_2297] {strides = array<i32>} : memref<13376xf32, #tpu.memory_space<vmem>>, vector<16xf32>,
        tpu.vector_store %arg11[%swap3A_2297], %add3A_2290 {strides = array<i32>} : memref<13376xf32, #tpu.memory_space<vmem>>, vector<16xf32>,
        %mul3A_2299 = arith.mulf %get3A_2228, %get3A_2196 : vector<16xf32>
        %add3A_2300 = arith.addf %add3A_2260, %mul3A_2299 : vector<16xf32>
        %add3A_2301 = arith.constant 1 : i32
        %add3A_2302 = arith.addi %add3A_2186, %add3A_2301 : i32
        %mul3A_2303 = arith.constant 64 : i32
        %mul3A_2304 = arith.muli %add3A_2302, %mul3A_2303 : i32
        %add3A_2305 = arith.constant 48 : i32
        %add3A_2306 = arith.addi %mul3A_2304, %add3A_2305 : i32
        %swap3A_2307 = arith.index_cast %add3A_2306 : i32 to index
        %swap3A_2308 = tpu.vector_load %arg11[%swap3A_2307] {strides = array<i32>} : memref<13376xf32, #tpu.memory_space<vmem>>, vector<16xf32>,
        tpu.vector_store %arg11[%swap3A_2307], %add3A_2300 {strides = array<i32>} : memref<13376xf32, #tpu.memory_space<vmem>>, vector<16xf32>,
        %add3A_2309 = arith.constant 6 : i32
        %add3A_2310 = arith.addi %mul3A_1925, %add3A_2309 : i32
        %add3A_2311 = arith.constant 6 : i32
        %add3A_2312 = arith.addi %mul3A_1925, %add3A_2311 : i32
        %add3A_2313 = arith.constant 1 : i32
        %add3A_2314 = arith.addi %add3A_2312, %add3A_2313 : i32
        %mul3A_2315 = arith.constant 16 : i32
        %mul3A_2316 = arith.muli %add3A_2310, %mul3A_2315 : i32
        %get3A_2317 = arith.index_cast %rem3A_470 : i32 to index
        %get3A_2318 = arith.index_cast %mul3A_2316 : i32 to index
        %get3A_2319 = tpu.vector_load %arg8[%get3A_2317, %get3A_2318] {strides = array<i32>} : memref<2x3328xf32, #tpu.memory_space<vmem>>, vector<16xf32>,
        %mul3A_2320 = arith.constant 16 : i32
        %mul3A_2321 = arith.muli %add3A_2314, %mul3A_2320 : i32
        %get3A_2322 = arith.index_cast %rem3A_470 : i32 to index
        %get3A_2323 = arith.index_cast %mul3A_2321 : i32 to index
        %get3A_2324 = tpu.vector_load %arg8[%get3A_2322, %get3A_2323] {strides = array<i32>} : memref<2x3328xf32, #tpu.memory_space<vmem>>, vector<16xf32>,
        %get3A_2325 = arith.index_cast %rem3A_470 : i32 to index
        %get3A_2326 = arith.index_cast %add3A_2310 : i32 to index
        %get3A_2327 = arith.constant 0 : index
        %get3A_2328 = tpu.vector_load %arg10[%get3A_2325, %get3A_2326, %get3A_2327] {strides = array<i32>} : memref<2x208x64xf32, #tpu.memory_space<vmem>>, vector<16xf32>,
        %get3A_2329 = arith.index_cast %rem3A_470 : i32 to index
        %get3A_2330 = arith.index_cast %add3A_2310 : i32 to index
        %get3A_2331 = arith.constant 16 : index
        %get3A_2332 = tpu.vector_load %arg10[%get3A_2329, %get3A_2330, %get3A_2331] {strides = array<i32>} : memref<2x208x64xf32, #tpu.memory_space<vmem>>, vector<16xf32>,
        %get3A_2333 = arith.index_cast %rem3A_470 : i32 to index
        %get3A_2334 = arith.index_cast %add3A_2310 : i32 to index
        %get3A_2335 = arith.constant 32 : index
        %get3A_2336 = tpu.vector_load %arg10[%get3A_2333, %get3A_2334, %get3A_2335] {strides = array<i32>} : memref<2x208x64xf32, #tpu.memory_space<vmem>>, vector<16xf32>,
        %get3A_2337 = arith.index_cast %rem3A_470 : i32 to index
        %get3A_2338 = arith.index_cast %add3A_2310 : i32 to index
        %get3A_2339 = arith.constant 48 : index
        %get3A_2340 = tpu.vector_load %arg10[%get3A_2337, %get3A_2338, %get3A_2339] {strides = array<i32>} : memref<2x208x64xf32, #tpu.memory_space<vmem>>, vector<16xf32>,
        %get3A_2341 = arith.index_cast %rem3A_470 : i32 to index
        %get3A_2342 = arith.index_cast %add3A_2314 : i32 to index
        %get3A_2343 = arith.constant 0 : index
        %get3A_2344 = tpu.vector_load %arg10[%get3A_2341, %get3A_2342, %get3A_2343] {strides = array<i32>} : memref<2x208x64xf32, #tpu.memory_space<vmem>>, vector<16xf32>,
        %get3A_2345 = arith.index_cast %rem3A_470 : i32 to index
        %get3A_2346 = arith.index_cast %add3A_2314 : i32 to index
        %get3A_2347 = arith.constant 16 : index
        %get3A_2348 = tpu.vector_load %arg10[%get3A_2345, %get3A_2346, %get3A_2347] {strides = array<i32>} : memref<2x208x64xf32, #tpu.memory_space<vmem>>, vector<16xf32>,
        %get3A_2349 = arith.index_cast %rem3A_470 : i32 to index
        %get3A_2350 = arith.index_cast %add3A_2314 : i32 to index
        %get3A_2351 = arith.constant 32 : index
        %get3A_2352 = tpu.vector_load %arg10[%get3A_2349, %get3A_2350, %get3A_2351] {strides = array<i32>} : memref<2x208x64xf32, #tpu.memory_space<vmem>>, vector<16xf32>,
        %get3A_2353 = arith.index_cast %rem3A_470 : i32 to index
        %get3A_2354 = arith.index_cast %add3A_2314 : i32 to index
        %get3A_2355 = arith.constant 48 : index
        %get3A_2356 = tpu.vector_load %arg10[%get3A_2353, %get3A_2354, %get3A_2355] {strides = array<i32>} : memref<2x208x64xf32, #tpu.memory_space<vmem>>, vector<16xf32>,
        %mul3A_2357 = arith.mulf %get3A_2328, %get3A_2319 : vector<16xf32>
        %add3A_2358 = arith.addf %add3A_2270, %mul3A_2357 : vector<16xf32>
        %add3A_2359 = arith.constant 1 : i32
        %add3A_2360 = arith.addi %add3A_2310, %add3A_2359 : i32
        %mul3A_2361 = arith.constant 64 : i32
        %mul3A_2362 = arith.muli %add3A_2360, %mul3A_2361 : i32
        %add3A_2363 = arith.constant 0 : i32
        %add3A_2364 = arith.addi %mul3A_2362, %add3A_2363 : i32
        %swap3A_2365 = arith.index_cast %add3A_2364 : i32 to index
        %swap3A_2366 = tpu.vector_load %arg11[%swap3A_2365] {strides = array<i32>} : memref<13376xf32, #tpu.memory_space<vmem>>, vector<16xf32>,
        tpu.vector_store %arg11[%swap3A_2365], %add3A_2358 {strides = array<i32>} : memref<13376xf32, #tpu.memory_space<vmem>>, vector<16xf32>,
        %mul3A_2367 = arith.mulf %get3A_2332, %get3A_2319 : vector<16xf32>
        %add3A_2368 = arith.addf %add3A_2280, %mul3A_2367 : vector<16xf32>
        %add3A_2369 = arith.constant 1 : i32
        %add3A_2370 = arith.addi %add3A_2310, %add3A_2369 : i32
        %mul3A_2371 = arith.constant 64 : i32
        %mul3A_2372 = arith.muli %add3A_2370, %mul3A_2371 : i32
        %add3A_2373 = arith.constant 16 : i32
        %add3A_2374 = arith.addi %mul3A_2372, %add3A_2373 : i32
        %swap3A_2375 = arith.index_cast %add3A_2374 : i32 to index
        %swap3A_2376 = tpu.vector_load %arg11[%swap3A_2375] {strides = array<i32>} : memref<13376xf32, #tpu.memory_space<vmem>>, vector<16xf32>,
        tpu.vector_store %arg11[%swap3A_2375], %add3A_2368 {strides = array<i32>} : memref<13376xf32, #tpu.memory_space<vmem>>, vector<16xf32>,
        %mul3A_2377 = arith.mulf %get3A_2336, %get3A_2319 : vector<16xf32>
        %add3A_2378 = arith.addf %add3A_2290, %mul3A_2377 : vector<16xf32>
        %add3A_2379 = arith.constant 1 : i32
        %add3A_2380 = arith.addi %add3A_2310, %add3A_2379 : i32
        %mul3A_2381 = arith.constant 64 : i32
        %mul3A_2382 = arith.muli %add3A_2380, %mul3A_2381 : i32
        %add3A_2383 = arith.constant 32 : i32
        %add3A_2384 = arith.addi %mul3A_2382, %add3A_2383 : i32
        %swap3A_2385 = arith.index_cast %add3A_2384 : i32 to index
        %swap3A_2386 = tpu.vector_load %arg11[%swap3A_2385] {strides = array<i32>} : memref<13376xf32, #tpu.memory_space<vmem>>, vector<16xf32>,
        tpu.vector_store %arg11[%swap3A_2385], %add3A_2378 {strides = array<i32>} : memref<13376xf32, #tpu.memory_space<vmem>>, vector<16xf32>,
        %mul3A_2387 = arith.mulf %get3A_2340, %get3A_2319 : vector<16xf32>
        %add3A_2388 = arith.addf %add3A_2300, %mul3A_2387 : vector<16xf32>
        %add3A_2389 = arith.constant 1 : i32
        %add3A_2390 = arith.addi %add3A_2310, %add3A_2389 : i32
        %mul3A_2391 = arith.constant 64 : i32
        %mul3A_2392 = arith.muli %add3A_2390, %mul3A_2391 : i32
        %add3A_2393 = arith.constant 48 : i32
        %add3A_2394 = arith.addi %mul3A_2392, %add3A_2393 : i32
        %swap3A_2395 = arith.index_cast %add3A_2394 : i32 to index
        %swap3A_2396 = tpu.vector_load %arg11[%swap3A_2395] {strides = array<i32>} : memref<13376xf32, #tpu.memory_space<vmem>>, vector<16xf32>,
        tpu.vector_store %arg11[%swap3A_2395], %add3A_2388 {strides = array<i32>} : memref<13376xf32, #tpu.memory_space<vmem>>, vector<16xf32>,
        %mul3A_2397 = arith.mulf %get3A_2344, %get3A_2324 : vector<16xf32>
        %add3A_2398 = arith.addf %add3A_2358, %mul3A_2397 : vector<16xf32>
        %add3A_2399 = arith.constant 1 : i32
        %add3A_2400 = arith.addi %add3A_2314, %add3A_2399 : i32
        %mul3A_2401 = arith.constant 64 : i32
        %mul3A_2402 = arith.muli %add3A_2400, %mul3A_2401 : i32
        %add3A_2403 = arith.constant 0 : i32
        %add3A_2404 = arith.addi %mul3A_2402, %add3A_2403 : i32
        %swap3A_2405 = arith.index_cast %add3A_2404 : i32 to index
        %swap3A_2406 = tpu.vector_load %arg11[%swap3A_2405] {strides = array<i32>} : memref<13376xf32, #tpu.memory_space<vmem>>, vector<16xf32>,
        tpu.vector_store %arg11[%swap3A_2405], %add3A_2398 {strides = array<i32>} : memref<13376xf32, #tpu.memory_space<vmem>>, vector<16xf32>,
        %mul3A_2407 = arith.mulf %get3A_2348, %get3A_2324 : vector<16xf32>
        %add3A_2408 = arith.addf %add3A_2368, %mul3A_2407 : vector<16xf32>
        %add3A_2409 = arith.constant 1 : i32
        %add3A_2410 = arith.addi %add3A_2314, %add3A_2409 : i32
        %mul3A_2411 = arith.constant 64 : i32
        %mul3A_2412 = arith.muli %add3A_2410, %mul3A_2411 : i32
        %add3A_2413 = arith.constant 16 : i32
        %add3A_2414 = arith.addi %mul3A_2412, %add3A_2413 : i32
        %swap3A_2415 = arith.index_cast %add3A_2414 : i32 to index
        %swap3A_2416 = tpu.vector_load %arg11[%swap3A_2415] {strides = array<i32>} : memref<13376xf32, #tpu.memory_space<vmem>>, vector<16xf32>,
        tpu.vector_store %arg11[%swap3A_2415], %add3A_2408 {strides = array<i32>} : memref<13376xf32, #tpu.memory_space<vmem>>, vector<16xf32>,
        %mul3A_2417 = arith.mulf %get3A_2352, %get3A_2324 : vector<16xf32>
        %add3A_2418 = arith.addf %add3A_2378, %mul3A_2417 : vector<16xf32>
        %add3A_2419 = arith.constant 1 : i32
        %add3A_2420 = arith.addi %add3A_2314, %add3A_2419 : i32
        %mul3A_2421 = arith.constant 64 : i32
        %mul3A_2422 = arith.muli %add3A_2420, %mul3A_2421 : i32
        %add3A_2423 = arith.constant 32 : i32
        %add3A_2424 = arith.addi %mul3A_2422, %add3A_2423 : i32
        %swap3A_2425 = arith.index_cast %add3A_2424 : i32 to index
        %swap3A_2426 = tpu.vector_load %arg11[%swap3A_2425] {strides = array<i32>} : memref<13376xf32, #tpu.memory_space<vmem>>, vector<16xf32>,
        tpu.vector_store %arg11[%swap3A_2425], %add3A_2418 {strides = array<i32>} : memref<13376xf32, #tpu.memory_space<vmem>>, vector<16xf32>,
        %mul3A_2427 = arith.mulf %get3A_2356, %get3A_2324 : vector<16xf32>
        %add3A_2428 = arith.addf %add3A_2388, %mul3A_2427 : vector<16xf32>
        %add3A_2429 = arith.constant 1 : i32
        %add3A_2430 = arith.addi %add3A_2314, %add3A_2429 : i32
        %mul3A_2431 = arith.constant 64 : i32
        %mul3A_2432 = arith.muli %add3A_2430, %mul3A_2431 : i32
        %add3A_2433 = arith.constant 48 : i32
        %add3A_2434 = arith.addi %mul3A_2432, %add3A_2433 : i32
        %swap3A_2435 = arith.index_cast %add3A_2434 : i32 to index
        %swap3A_2436 = tpu.vector_load %arg11[%swap3A_2435] {strides = array<i32>} : memref<13376xf32, #tpu.memory_space<vmem>>, vector<16xf32>,
        tpu.vector_store %arg11[%swap3A_2435], %add3A_2428 {strides = array<i32>} : memref<13376xf32, #tpu.memory_space<vmem>>, vector<16xf32>,
        %add3A_2437 = arith.constant 8 : i32
        %add3A_2438 = arith.addi %mul3A_1925, %add3A_2437 : i32
        %add3A_2439 = arith.constant 8 : i32
        %add3A_2440 = arith.addi %mul3A_1925, %add3A_2439 : i32
        %add3A_2441 = arith.constant 1 : i32
        %add3A_2442 = arith.addi %add3A_2440, %add3A_2441 : i32
        %mul3A_2443 = arith.constant 16 : i32
        %mul3A_2444 = arith.muli %add3A_2438, %mul3A_2443 : i32
        %get3A_2445 = arith.index_cast %rem3A_470 : i32 to index
        %get3A_2446 = arith.index_cast %mul3A_2444 : i32 to index
        %get3A_2447 = tpu.vector_load %arg8[%get3A_2445, %get3A_2446] {strides = array<i32>} : memref<2x3328xf32, #tpu.memory_space<vmem>>, vector<16xf32>,
        %mul3A_2448 = arith.constant 16 : i32
        %mul3A_2449 = arith.muli %add3A_2442, %mul3A_2448 : i32
        %get3A_2450 = arith.index_cast %rem3A_470 : i32 to index
        %get3A_2451 = arith.index_cast %mul3A_2449 : i32 to index
        %get3A_2452 = tpu.vector_load %arg8[%get3A_2450, %get3A_2451] {strides = array<i32>} : memref<2x3328xf32, #tpu.memory_space<vmem>>, vector<16xf32>,
        %get3A_2453 = arith.index_cast %rem3A_470 : i32 to index
        %get3A_2454 = arith.index_cast %add3A_2438 : i32 to index
        %get3A_2455 = arith.constant 0 : index
        %get3A_2456 = tpu.vector_load %arg10[%get3A_2453, %get3A_2454, %get3A_2455] {strides = array<i32>} : memref<2x208x64xf32, #tpu.memory_space<vmem>>, vector<16xf32>,
        %get3A_2457 = arith.index_cast %rem3A_470 : i32 to index
        %get3A_2458 = arith.index_cast %add3A_2438 : i32 to index
        %get3A_2459 = arith.constant 16 : index
        %get3A_2460 = tpu.vector_load %arg10[%get3A_2457, %get3A_2458, %get3A_2459] {strides = array<i32>} : memref<2x208x64xf32, #tpu.memory_space<vmem>>, vector<16xf32>,
        %get3A_2461 = arith.index_cast %rem3A_470 : i32 to index
        %get3A_2462 = arith.index_cast %add3A_2438 : i32 to index
        %get3A_2463 = arith.constant 32 : index
        %get3A_2464 = tpu.vector_load %arg10[%get3A_2461, %get3A_2462, %get3A_2463] {strides = array<i32>} : memref<2x208x64xf32, #tpu.memory_space<vmem>>, vector<16xf32>,
        %get3A_2465 = arith.index_cast %rem3A_470 : i32 to index
        %get3A_2466 = arith.index_cast %add3A_2438 : i32 to index
        %get3A_2467 = arith.constant 48 : index
        %get3A_2468 = tpu.vector_load %arg10[%get3A_2465, %get3A_2466, %get3A_2467] {strides = array<i32>} : memref<2x208x64xf32, #tpu.memory_space<vmem>>, vector<16xf32>,
        %get3A_2469 = arith.index_cast %rem3A_470 : i32 to index
        %get3A_2470 = arith.index_cast %add3A_2442 : i32 to index
        %get3A_2471 = arith.constant 0 : index
        %get3A_2472 = tpu.vector_load %arg10[%get3A_2469, %get3A_2470, %get3A_2471] {strides = array<i32>} : memref<2x208x64xf32, #tpu.memory_space<vmem>>, vector<16xf32>,
        %get3A_2473 = arith.index_cast %rem3A_470 : i32 to index
        %get3A_2474 = arith.index_cast %add3A_2442 : i32 to index
        %get3A_2475 = arith.constant 16 : index
        %get3A_2476 = tpu.vector_load %arg10[%get3A_2473, %get3A_2474, %get3A_2475] {strides = array<i32>} : memref<2x208x64xf32, #tpu.memory_space<vmem>>, vector<16xf32>,
        %get3A_2477 = arith.index_cast %rem3A_470 : i32 to index
        %get3A_2478 = arith.index_cast %add3A_2442 : i32 to index
        %get3A_2479 = arith.constant 32 : index
        %get3A_2480 = tpu.vector_load %arg10[%get3A_2477, %get3A_2478, %get3A_2479] {strides = array<i32>} : memref<2x208x64xf32, #tpu.memory_space<vmem>>, vector<16xf32>,
        %get3A_2481 = arith.index_cast %rem3A_470 : i32 to index
        %get3A_2482 = arith.index_cast %add3A_2442 : i32 to index
        %get3A_2483 = arith.constant 48 : index
        %get3A_2484 = tpu.vector_load %arg10[%get3A_2481, %get3A_2482, %get3A_2483] {strides = array<i32>} : memref<2x208x64xf32, #tpu.memory_space<vmem>>, vector<16xf32>,
        %mul3A_2485 = arith.mulf %get3A_2456, %get3A_2447 : vector<16xf32>
        %add3A_2486 = arith.addf %add3A_2398, %mul3A_2485 : vector<16xf32>
        %add3A_2487 = arith.constant 1 : i32
        %add3A_2488 = arith.addi %add3A_2438, %add3A_2487 : i32
        %mul3A_2489 = arith.constant 64 : i32
        %mul3A_2490 = arith.muli %add3A_2488, %mul3A_2489 : i32
        %add3A_2491 = arith.constant 0 : i32
        %add3A_2492 = arith.addi %mul3A_2490, %add3A_2491 : i32
        %swap3A_2493 = arith.index_cast %add3A_2492 : i32 to index
        %swap3A_2494 = tpu.vector_load %arg11[%swap3A_2493] {strides = array<i32>} : memref<13376xf32, #tpu.memory_space<vmem>>, vector<16xf32>,
        tpu.vector_store %arg11[%swap3A_2493], %add3A_2486 {strides = array<i32>} : memref<13376xf32, #tpu.memory_space<vmem>>, vector<16xf32>,
        %mul3A_2495 = arith.mulf %get3A_2460, %get3A_2447 : vector<16xf32>
        %add3A_2496 = arith.addf %add3A_2408, %mul3A_2495 : vector<16xf32>
        %add3A_2497 = arith.constant 1 : i32
        %add3A_2498 = arith.addi %add3A_2438, %add3A_2497 : i32
        %mul3A_2499 = arith.constant 64 : i32
        %mul3A_2500 = arith.muli %add3A_2498, %mul3A_2499 : i32
        %add3A_2501 = arith.constant 16 : i32
        %add3A_2502 = arith.addi %mul3A_2500, %add3A_2501 : i32
        %swap3A_2503 = arith.index_cast %add3A_2502 : i32 to index
        %swap3A_2504 = tpu.vector_load %arg11[%swap3A_2503] {strides = array<i32>} : memref<13376xf32, #tpu.memory_space<vmem>>, vector<16xf32>,
        tpu.vector_store %arg11[%swap3A_2503], %add3A_2496 {strides = array<i32>} : memref<13376xf32, #tpu.memory_space<vmem>>, vector<16xf32>,
        %mul3A_2505 = arith.mulf %get3A_2464, %get3A_2447 : vector<16xf32>
        %add3A_2506 = arith.addf %add3A_2418, %mul3A_2505 : vector<16xf32>
        %add3A_2507 = arith.constant 1 : i32
        %add3A_2508 = arith.addi %add3A_2438, %add3A_2507 : i32
        %mul3A_2509 = arith.constant 64 : i32
        %mul3A_2510 = arith.muli %add3A_2508, %mul3A_2509 : i32
        %add3A_2511 = arith.constant 32 : i32
        %add3A_2512 = arith.addi %mul3A_2510, %add3A_2511 : i32
        %swap3A_2513 = arith.index_cast %add3A_2512 : i32 to index
        %swap3A_2514 = tpu.vector_load %arg11[%swap3A_2513] {strides = array<i32>} : memref<13376xf32, #tpu.memory_space<vmem>>, vector<16xf32>,
        tpu.vector_store %arg11[%swap3A_2513], %add3A_2506 {strides = array<i32>} : memref<13376xf32, #tpu.memory_space<vmem>>, vector<16xf32>,
        %mul3A_2515 = arith.mulf %get3A_2468, %get3A_2447 : vector<16xf32>
        %add3A_2516 = arith.addf %add3A_2428, %mul3A_2515 : vector<16xf32>
        %add3A_2517 = arith.constant 1 : i32
        %add3A_2518 = arith.addi %add3A_2438, %add3A_2517 : i32
        %mul3A_2519 = arith.constant 64 : i32
        %mul3A_2520 = arith.muli %add3A_2518, %mul3A_2519 : i32
        %add3A_2521 = arith.constant 48 : i32
        %add3A_2522 = arith.addi %mul3A_2520, %add3A_2521 : i32
        %swap3A_2523 = arith.index_cast %add3A_2522 : i32 to index
        %swap3A_2524 = tpu.vector_load %arg11[%swap3A_2523] {strides = array<i32>} : memref<13376xf32, #tpu.memory_space<vmem>>, vector<16xf32>,
        tpu.vector_store %arg11[%swap3A_2523], %add3A_2516 {strides = array<i32>} : memref<13376xf32, #tpu.memory_space<vmem>>, vector<16xf32>,
        %mul3A_2525 = arith.mulf %get3A_2472, %get3A_2452 : vector<16xf32>
        %add3A_2526 = arith.addf %add3A_2486, %mul3A_2525 : vector<16xf32>
        %add3A_2527 = arith.constant 1 : i32
        %add3A_2528 = arith.addi %add3A_2442, %add3A_2527 : i32
        %mul3A_2529 = arith.constant 64 : i32
        %mul3A_2530 = arith.muli %add3A_2528, %mul3A_2529 : i32
        %add3A_2531 = arith.constant 0 : i32
        %add3A_2532 = arith.addi %mul3A_2530, %add3A_2531 : i32
        %swap3A_2533 = arith.index_cast %add3A_2532 : i32 to index
        %swap3A_2534 = tpu.vector_load %arg11[%swap3A_2533] {strides = array<i32>} : memref<13376xf32, #tpu.memory_space<vmem>>, vector<16xf32>,
        tpu.vector_store %arg11[%swap3A_2533], %add3A_2526 {strides = array<i32>} : memref<13376xf32, #tpu.memory_space<vmem>>, vector<16xf32>,
        %mul3A_2535 = arith.mulf %get3A_2476, %get3A_2452 : vector<16xf32>
        %add3A_2536 = arith.addf %add3A_2496, %mul3A_2535 : vector<16xf32>
        %add3A_2537 = arith.constant 1 : i32
        %add3A_2538 = arith.addi %add3A_2442, %add3A_2537 : i32
        %mul3A_2539 = arith.constant 64 : i32
        %mul3A_2540 = arith.muli %add3A_2538, %mul3A_2539 : i32
        %add3A_2541 = arith.constant 16 : i32
        %add3A_2542 = arith.addi %mul3A_2540, %add3A_2541 : i32
        %swap3A_2543 = arith.index_cast %add3A_2542 : i32 to index
        %swap3A_2544 = tpu.vector_load %arg11[%swap3A_2543] {strides = array<i32>} : memref<13376xf32, #tpu.memory_space<vmem>>, vector<16xf32>,
        tpu.vector_store %arg11[%swap3A_2543], %add3A_2536 {strides = array<i32>} : memref<13376xf32, #tpu.memory_space<vmem>>, vector<16xf32>,
        %mul3A_2545 = arith.mulf %get3A_2480, %get3A_2452 : vector<16xf32>
        %add3A_2546 = arith.addf %add3A_2506, %mul3A_2545 : vector<16xf32>
        %add3A_2547 = arith.constant 1 : i32
        %add3A_2548 = arith.addi %add3A_2442, %add3A_2547 : i32
        %mul3A_2549 = arith.constant 64 : i32
        %mul3A_2550 = arith.muli %add3A_2548, %mul3A_2549 : i32
        %add3A_2551 = arith.constant 32 : i32
        %add3A_2552 = arith.addi %mul3A_2550, %add3A_2551 : i32
        %swap3A_2553 = arith.index_cast %add3A_2552 : i32 to index
        %swap3A_2554 = tpu.vector_load %arg11[%swap3A_2553] {strides = array<i32>} : memref<13376xf32, #tpu.memory_space<vmem>>, vector<16xf32>,
        tpu.vector_store %arg11[%swap3A_2553], %add3A_2546 {strides = array<i32>} : memref<13376xf32, #tpu.memory_space<vmem>>, vector<16xf32>,
        %mul3A_2555 = arith.mulf %get3A_2484, %get3A_2452 : vector<16xf32>
        %add3A_2556 = arith.addf %add3A_2516, %mul3A_2555 : vector<16xf32>
        %add3A_2557 = arith.constant 1 : i32
        %add3A_2558 = arith.addi %add3A_2442, %add3A_2557 : i32
        %mul3A_2559 = arith.constant 64 : i32
        %mul3A_2560 = arith.muli %add3A_2558, %mul3A_2559 : i32
        %add3A_2561 = arith.constant 48 : i32
        %add3A_2562 = arith.addi %mul3A_2560, %add3A_2561 : i32
        %swap3A_2563 = arith.index_cast %add3A_2562 : i32 to index
        %swap3A_2564 = tpu.vector_load %arg11[%swap3A_2563] {strides = array<i32>} : memref<13376xf32, #tpu.memory_space<vmem>>, vector<16xf32>,
        tpu.vector_store %arg11[%swap3A_2563], %add3A_2556 {strides = array<i32>} : memref<13376xf32, #tpu.memory_space<vmem>>, vector<16xf32>,
        %add3A_2565 = arith.constant 10 : i32
        %add3A_2566 = arith.addi %mul3A_1925, %add3A_2565 : i32
        %add3A_2567 = arith.constant 10 : i32
        %add3A_2568 = arith.addi %mul3A_1925, %add3A_2567 : i32
        %add3A_2569 = arith.constant 1 : i32
        %add3A_2570 = arith.addi %add3A_2568, %add3A_2569 : i32
        %mul3A_2571 = arith.constant 16 : i32
        %mul3A_2572 = arith.muli %add3A_2566, %mul3A_2571 : i32
        %get3A_2573 = arith.index_cast %rem3A_470 : i32 to index
        %get3A_2574 = arith.index_cast %mul3A_2572 : i32 to index
        %get3A_2575 = tpu.vector_load %arg8[%get3A_2573, %get3A_2574] {strides = array<i32>} : memref<2x3328xf32, #tpu.memory_space<vmem>>, vector<16xf32>,
        %mul3A_2576 = arith.constant 16 : i32
        %mul3A_2577 = arith.muli %add3A_2570, %mul3A_2576 : i32
        %get3A_2578 = arith.index_cast %rem3A_470 : i32 to index
        %get3A_2579 = arith.index_cast %mul3A_2577 : i32 to index
        %get3A_2580 = tpu.vector_load %arg8[%get3A_2578, %get3A_2579] {strides = array<i32>} : memref<2x3328xf32, #tpu.memory_space<vmem>>, vector<16xf32>,
        %get3A_2581 = arith.index_cast %rem3A_470 : i32 to index
        %get3A_2582 = arith.index_cast %add3A_2566 : i32 to index
        %get3A_2583 = arith.constant 0 : index
        %get3A_2584 = tpu.vector_load %arg10[%get3A_2581, %get3A_2582, %get3A_2583] {strides = array<i32>} : memref<2x208x64xf32, #tpu.memory_space<vmem>>, vector<16xf32>,
        %get3A_2585 = arith.index_cast %rem3A_470 : i32 to index
        %get3A_2586 = arith.index_cast %add3A_2566 : i32 to index
        %get3A_2587 = arith.constant 16 : index
        %get3A_2588 = tpu.vector_load %arg10[%get3A_2585, %get3A_2586, %get3A_2587] {strides = array<i32>} : memref<2x208x64xf32, #tpu.memory_space<vmem>>, vector<16xf32>,
        %get3A_2589 = arith.index_cast %rem3A_470 : i32 to index
        %get3A_2590 = arith.index_cast %add3A_2566 : i32 to index
        %get3A_2591 = arith.constant 32 : index
        %get3A_2592 = tpu.vector_load %arg10[%get3A_2589, %get3A_2590, %get3A_2591] {strides = array<i32>} : memref<2x208x64xf32, #tpu.memory_space<vmem>>, vector<16xf32>,
        %get3A_2593 = arith.index_cast %rem3A_470 : i32 to index
        %get3A_2594 = arith.index_cast %add3A_2566 : i32 to index
        %get3A_2595 = arith.constant 48 : index
        %get3A_2596 = tpu.vector_load %arg10[%get3A_2593, %get3A_2594, %get3A_2595] {strides = array<i32>} : memref<2x208x64xf32, #tpu.memory_space<vmem>>, vector<16xf32>,
        %get3A_2597 = arith.index_cast %rem3A_470 : i32 to index
        %get3A_2598 = arith.index_cast %add3A_2570 : i32 to index
        %get3A_2599 = arith.constant 0 : index
        %get3A_2600 = tpu.vector_load %arg10[%get3A_2597, %get3A_2598, %get3A_2599] {strides = array<i32>} : memref<2x208x64xf32, #tpu.memory_space<vmem>>, vector<16xf32>,
        %get3A_2601 = arith.index_cast %rem3A_470 : i32 to index
        %get3A_2602 = arith.index_cast %add3A_2570 : i32 to index
        %get3A_2603 = arith.constant 16 : index
        %get3A_2604 = tpu.vector_load %arg10[%get3A_2601, %get3A_2602, %get3A_2603] {strides = array<i32>} : memref<2x208x64xf32, #tpu.memory_space<vmem>>, vector<16xf32>,
        %get3A_2605 = arith.index_cast %rem3A_470 : i32 to index
        %get3A_2606 = arith.index_cast %add3A_2570 : i32 to index
        %get3A_2607 = arith.constant 32 : index
        %get3A_2608 = tpu.vector_load %arg10[%get3A_2605, %get3A_2606, %get3A_2607] {strides = array<i32>} : memref<2x208x64xf32, #tpu.memory_space<vmem>>, vector<16xf32>,
        %get3A_2609 = arith.index_cast %rem3A_470 : i32 to index
        %get3A_2610 = arith.index_cast %add3A_2570 : i32 to index
        %get3A_2611 = arith.constant 48 : index
        %get3A_2612 = tpu.vector_load %arg10[%get3A_2609, %get3A_2610, %get3A_2611] {strides = array<i32>} : memref<2x208x64xf32, #tpu.memory_space<vmem>>, vector<16xf32>,
        %mul3A_2613 = arith.mulf %get3A_2584, %get3A_2575 : vector<16xf32>
        %add3A_2614 = arith.addf %add3A_2526, %mul3A_2613 : vector<16xf32>
        %add3A_2615 = arith.constant 1 : i32
        %add3A_2616 = arith.addi %add3A_2566, %add3A_2615 : i32
        %mul3A_2617 = arith.constant 64 : i32
        %mul3A_2618 = arith.muli %add3A_2616, %mul3A_2617 : i32
        %add3A_2619 = arith.constant 0 : i32
        %add3A_2620 = arith.addi %mul3A_2618, %add3A_2619 : i32
        %swap3A_2621 = arith.index_cast %add3A_2620 : i32 to index
        %swap3A_2622 = tpu.vector_load %arg11[%swap3A_2621] {strides = array<i32>} : memref<13376xf32, #tpu.memory_space<vmem>>, vector<16xf32>,
        tpu.vector_store %arg11[%swap3A_2621], %add3A_2614 {strides = array<i32>} : memref<13376xf32, #tpu.memory_space<vmem>>, vector<16xf32>,
        %mul3A_2623 = arith.mulf %get3A_2588, %get3A_2575 : vector<16xf32>
        %add3A_2624 = arith.addf %add3A_2536, %mul3A_2623 : vector<16xf32>
        %add3A_2625 = arith.constant 1 : i32
        %add3A_2626 = arith.addi %add3A_2566, %add3A_2625 : i32
        %mul3A_2627 = arith.constant 64 : i32
        %mul3A_2628 = arith.muli %add3A_2626, %mul3A_2627 : i32
        %add3A_2629 = arith.constant 16 : i32
        %add3A_2630 = arith.addi %mul3A_2628, %add3A_2629 : i32
        %swap3A_2631 = arith.index_cast %add3A_2630 : i32 to index
        %swap3A_2632 = tpu.vector_load %arg11[%swap3A_2631] {strides = array<i32>} : memref<13376xf32, #tpu.memory_space<vmem>>, vector<16xf32>,
        tpu.vector_store %arg11[%swap3A_2631], %add3A_2624 {strides = array<i32>} : memref<13376xf32, #tpu.memory_space<vmem>>, vector<16xf32>,
        %mul3A_2633 = arith.mulf %get3A_2592, %get3A_2575 : vector<16xf32>
        %add3A_2634 = arith.addf %add3A_2546, %mul3A_2633 : vector<16xf32>
        %add3A_2635 = arith.constant 1 : i32
        %add3A_2636 = arith.addi %add3A_2566, %add3A_2635 : i32
        %mul3A_2637 = arith.constant 64 : i32
        %mul3A_2638 = arith.muli %add3A_2636, %mul3A_2637 : i32
        %add3A_2639 = arith.constant 32 : i32
        %add3A_2640 = arith.addi %mul3A_2638, %add3A_2639 : i32
        %swap3A_2641 = arith.index_cast %add3A_2640 : i32 to index
        %swap3A_2642 = tpu.vector_load %arg11[%swap3A_2641] {strides = array<i32>} : memref<13376xf32, #tpu.memory_space<vmem>>, vector<16xf32>,
        tpu.vector_store %arg11[%swap3A_2641], %add3A_2634 {strides = array<i32>} : memref<13376xf32, #tpu.memory_space<vmem>>, vector<16xf32>,
        %mul3A_2643 = arith.mulf %get3A_2596, %get3A_2575 : vector<16xf32>
        %add3A_2644 = arith.addf %add3A_2556, %mul3A_2643 : vector<16xf32>
        %add3A_2645 = arith.constant 1 : i32
        %add3A_2646 = arith.addi %add3A_2566, %add3A_2645 : i32
        %mul3A_2647 = arith.constant 64 : i32
        %mul3A_2648 = arith.muli %add3A_2646, %mul3A_2647 : i32
        %add3A_2649 = arith.constant 48 : i32
        %add3A_2650 = arith.addi %mul3A_2648, %add3A_2649 : i32
        %swap3A_2651 = arith.index_cast %add3A_2650 : i32 to index
        %swap3A_2652 = tpu.vector_load %arg11[%swap3A_2651] {strides = array<i32>} : memref<13376xf32, #tpu.memory_space<vmem>>, vector<16xf32>,
        tpu.vector_store %arg11[%swap3A_2651], %add3A_2644 {strides = array<i32>} : memref<13376xf32, #tpu.memory_space<vmem>>, vector<16xf32>,
        %mul3A_2653 = arith.mulf %get3A_2600, %get3A_2580 : vector<16xf32>
        %add3A_2654 = arith.addf %add3A_2614, %mul3A_2653 : vector<16xf32>
        %add3A_2655 = arith.constant 1 : i32
        %add3A_2656 = arith.addi %add3A_2570, %add3A_2655 : i32
        %mul3A_2657 = arith.constant 64 : i32
        %mul3A_2658 = arith.muli %add3A_2656, %mul3A_2657 : i32
        %add3A_2659 = arith.constant 0 : i32
        %add3A_2660 = arith.addi %mul3A_2658, %add3A_2659 : i32
        %swap3A_2661 = arith.index_cast %add3A_2660 : i32 to index
        %swap3A_2662 = tpu.vector_load %arg11[%swap3A_2661] {strides = array<i32>} : memref<13376xf32, #tpu.memory_space<vmem>>, vector<16xf32>,
        tpu.vector_store %arg11[%swap3A_2661], %add3A_2654 {strides = array<i32>} : memref<13376xf32, #tpu.memory_space<vmem>>, vector<16xf32>,
        %mul3A_2663 = arith.mulf %get3A_2604, %get3A_2580 : vector<16xf32>
        %add3A_2664 = arith.addf %add3A_2624, %mul3A_2663 : vector<16xf32>
        %add3A_2665 = arith.constant 1 : i32
        %add3A_2666 = arith.addi %add3A_2570, %add3A_2665 : i32
        %mul3A_2667 = arith.constant 64 : i32
        %mul3A_2668 = arith.muli %add3A_2666, %mul3A_2667 : i32
        %add3A_2669 = arith.constant 16 : i32
        %add3A_2670 = arith.addi %mul3A_2668, %add3A_2669 : i32
        %swap3A_2671 = arith.index_cast %add3A_2670 : i32 to index
        %swap3A_2672 = tpu.vector_load %arg11[%swap3A_2671] {strides = array<i32>} : memref<13376xf32, #tpu.memory_space<vmem>>, vector<16xf32>,
        tpu.vector_store %arg11[%swap3A_2671], %add3A_2664 {strides = array<i32>} : memref<13376xf32, #tpu.memory_space<vmem>>, vector<16xf32>,
        %mul3A_2673 = arith.mulf %get3A_2608, %get3A_2580 : vector<16xf32>
        %add3A_2674 = arith.addf %add3A_2634, %mul3A_2673 : vector<16xf32>
        %add3A_2675 = arith.constant 1 : i32
        %add3A_2676 = arith.addi %add3A_2570, %add3A_2675 : i32
        %mul3A_2677 = arith.constant 64 : i32
        %mul3A_2678 = arith.muli %add3A_2676, %mul3A_2677 : i32
        %add3A_2679 = arith.constant 32 : i32
        %add3A_2680 = arith.addi %mul3A_2678, %add3A_2679 : i32
        %swap3A_2681 = arith.index_cast %add3A_2680 : i32 to index
        %swap3A_2682 = tpu.vector_load %arg11[%swap3A_2681] {strides = array<i32>} : memref<13376xf32, #tpu.memory_space<vmem>>, vector<16xf32>,
        tpu.vector_store %arg11[%swap3A_2681], %add3A_2674 {strides = array<i32>} : memref<13376xf32, #tpu.memory_space<vmem>>, vector<16xf32>,
        %mul3A_2683 = arith.mulf %get3A_2612, %get3A_2580 : vector<16xf32>
        %add3A_2684 = arith.addf %add3A_2644, %mul3A_2683 : vector<16xf32>
        %add3A_2685 = arith.constant 1 : i32
        %add3A_2686 = arith.addi %add3A_2570, %add3A_2685 : i32
        %mul3A_2687 = arith.constant 64 : i32
        %mul3A_2688 = arith.muli %add3A_2686, %mul3A_2687 : i32
        %add3A_2689 = arith.constant 48 : i32
        %add3A_2690 = arith.addi %mul3A_2688, %add3A_2689 : i32
        %swap3A_2691 = arith.index_cast %add3A_2690 : i32 to index
        %swap3A_2692 = tpu.vector_load %arg11[%swap3A_2691] {strides = array<i32>} : memref<13376xf32, #tpu.memory_space<vmem>>, vector<16xf32>,
        tpu.vector_store %arg11[%swap3A_2691], %add3A_2684 {strides = array<i32>} : memref<13376xf32, #tpu.memory_space<vmem>>, vector<16xf32>,
        %add3A_2693 = arith.constant 12 : i32
        %add3A_2694 = arith.addi %mul3A_1925, %add3A_2693 : i32
        %add3A_2695 = arith.constant 12 : i32
        %add3A_2696 = arith.addi %mul3A_1925, %add3A_2695 : i32
        %add3A_2697 = arith.constant 1 : i32
        %add3A_2698 = arith.addi %add3A_2696, %add3A_2697 : i32
        %mul3A_2699 = arith.constant 16 : i32
        %mul3A_2700 = arith.muli %add3A_2694, %mul3A_2699 : i32
        %get3A_2701 = arith.index_cast %rem3A_470 : i32 to index
        %get3A_2702 = arith.index_cast %mul3A_2700 : i32 to index
        %get3A_2703 = tpu.vector_load %arg8[%get3A_2701, %get3A_2702] {strides = array<i32>} : memref<2x3328xf32, #tpu.memory_space<vmem>>, vector<16xf32>,
        %mul3A_2704 = arith.constant 16 : i32
        %mul3A_2705 = arith.muli %add3A_2698, %mul3A_2704 : i32
        %get3A_2706 = arith.index_cast %rem3A_470 : i32 to index
        %get3A_2707 = arith.index_cast %mul3A_2705 : i32 to index
        %get3A_2708 = tpu.vector_load %arg8[%get3A_2706, %get3A_2707] {strides = array<i32>} : memref<2x3328xf32, #tpu.memory_space<vmem>>, vector<16xf32>,
        %get3A_2709 = arith.index_cast %rem3A_470 : i32 to index
        %get3A_2710 = arith.index_cast %add3A_2694 : i32 to index
        %get3A_2711 = arith.constant 0 : index
        %get3A_2712 = tpu.vector_load %arg10[%get3A_2709, %get3A_2710, %get3A_2711] {strides = array<i32>} : memref<2x208x64xf32, #tpu.memory_space<vmem>>, vector<16xf32>,
        %get3A_2713 = arith.index_cast %rem3A_470 : i32 to index
        %get3A_2714 = arith.index_cast %add3A_2694 : i32 to index
        %get3A_2715 = arith.constant 16 : index
        %get3A_2716 = tpu.vector_load %arg10[%get3A_2713, %get3A_2714, %get3A_2715] {strides = array<i32>} : memref<2x208x64xf32, #tpu.memory_space<vmem>>, vector<16xf32>,
        %get3A_2717 = arith.index_cast %rem3A_470 : i32 to index
        %get3A_2718 = arith.index_cast %add3A_2694 : i32 to index
        %get3A_2719 = arith.constant 32 : index
        %get3A_2720 = tpu.vector_load %arg10[%get3A_2717, %get3A_2718, %get3A_2719] {strides = array<i32>} : memref<2x208x64xf32, #tpu.memory_space<vmem>>, vector<16xf32>,
        %get3A_2721 = arith.index_cast %rem3A_470 : i32 to index
        %get3A_2722 = arith.index_cast %add3A_2694 : i32 to index
        %get3A_2723 = arith.constant 48 : index
        %get3A_2724 = tpu.vector_load %arg10[%get3A_2721, %get3A_2722, %get3A_2723] {strides = array<i32>} : memref<2x208x64xf32, #tpu.memory_space<vmem>>, vector<16xf32>,
        %get3A_2725 = arith.index_cast %rem3A_470 : i32 to index
        %get3A_2726 = arith.index_cast %add3A_2698 : i32 to index
        %get3A_2727 = arith.constant 0 : index
        %get3A_2728 = tpu.vector_load %arg10[%get3A_2725, %get3A_2726, %get3A_2727] {strides = array<i32>} : memref<2x208x64xf32, #tpu.memory_space<vmem>>, vector<16xf32>,
        %get3A_2729 = arith.index_cast %rem3A_470 : i32 to index
        %get3A_2730 = arith.index_cast %add3A_2698 : i32 to index
        %get3A_2731 = arith.constant 16 : index
        %get3A_2732 = tpu.vector_load %arg10[%get3A_2729, %get3A_2730, %get3A_2731] {strides = array<i32>} : memref<2x208x64xf32, #tpu.memory_space<vmem>>, vector<16xf32>,
        %get3A_2733 = arith.index_cast %rem3A_470 : i32 to index
        %get3A_2734 = arith.index_cast %add3A_2698 : i32 to index
        %get3A_2735 = arith.constant 32 : index
        %get3A_2736 = tpu.vector_load %arg10[%get3A_2733, %get3A_2734, %get3A_2735] {strides = array<i32>} : memref<2x208x64xf32, #tpu.memory_space<vmem>>, vector<16xf32>,
        %get3A_2737 = arith.index_cast %rem3A_470 : i32 to index
        %get3A_2738 = arith.index_cast %add3A_2698 : i32 to index
        %get3A_2739 = arith.constant 48 : index
        %get3A_2740 = tpu.vector_load %arg10[%get3A_2737, %get3A_2738, %get3A_2739] {strides = array<i32>} : memref<2x208x64xf32, #tpu.memory_space<vmem>>, vector<16xf32>,
        %mul3A_2741 = arith.mulf %get3A_2712, %get3A_2703 : vector<16xf32>
        %add3A_2742 = arith.addf %add3A_2654, %mul3A_2741 : vector<16xf32>
        %add3A_2743 = arith.constant 1 : i32
        %add3A_2744 = arith.addi %add3A_2694, %add3A_2743 : i32
        %mul3A_2745 = arith.constant 64 : i32
        %mul3A_2746 = arith.muli %add3A_2744, %mul3A_2745 : i32
        %add3A_2747 = arith.constant 0 : i32
        %add3A_2748 = arith.addi %mul3A_2746, %add3A_2747 : i32
        %swap3A_2749 = arith.index_cast %add3A_2748 : i32 to index
        %swap3A_2750 = tpu.vector_load %arg11[%swap3A_2749] {strides = array<i32>} : memref<13376xf32, #tpu.memory_space<vmem>>, vector<16xf32>,
        tpu.vector_store %arg11[%swap3A_2749], %add3A_2742 {strides = array<i32>} : memref<13376xf32, #tpu.memory_space<vmem>>, vector<16xf32>,
        %mul3A_2751 = arith.mulf %get3A_2716, %get3A_2703 : vector<16xf32>
        %add3A_2752 = arith.addf %add3A_2664, %mul3A_2751 : vector<16xf32>
        %add3A_2753 = arith.constant 1 : i32
        %add3A_2754 = arith.addi %add3A_2694, %add3A_2753 : i32
        %mul3A_2755 = arith.constant 64 : i32
        %mul3A_2756 = arith.muli %add3A_2754, %mul3A_2755 : i32
        %add3A_2757 = arith.constant 16 : i32
        %add3A_2758 = arith.addi %mul3A_2756, %add3A_2757 : i32
        %swap3A_2759 = arith.index_cast %add3A_2758 : i32 to index
        %swap3A_2760 = tpu.vector_load %arg11[%swap3A_2759] {strides = array<i32>} : memref<13376xf32, #tpu.memory_space<vmem>>, vector<16xf32>,
        tpu.vector_store %arg11[%swap3A_2759], %add3A_2752 {strides = array<i32>} : memref<13376xf32, #tpu.memory_space<vmem>>, vector<16xf32>,
        %mul3A_2761 = arith.mulf %get3A_2720, %get3A_2703 : vector<16xf32>
        %add3A_2762 = arith.addf %add3A_2674, %mul3A_2761 : vector<16xf32>
        %add3A_2763 = arith.constant 1 : i32
        %add3A_2764 = arith.addi %add3A_2694, %add3A_2763 : i32
        %mul3A_2765 = arith.constant 64 : i32
        %mul3A_2766 = arith.muli %add3A_2764, %mul3A_2765 : i32
        %add3A_2767 = arith.constant 32 : i32
        %add3A_2768 = arith.addi %mul3A_2766, %add3A_2767 : i32
        %swap3A_2769 = arith.index_cast %add3A_2768 : i32 to index
        %swap3A_2770 = tpu.vector_load %arg11[%swap3A_2769] {strides = array<i32>} : memref<13376xf32, #tpu.memory_space<vmem>>, vector<16xf32>,
        tpu.vector_store %arg11[%swap3A_2769], %add3A_2762 {strides = array<i32>} : memref<13376xf32, #tpu.memory_space<vmem>>, vector<16xf32>,
        %mul3A_2771 = arith.mulf %get3A_2724, %get3A_2703 : vector<16xf32>
        %add3A_2772 = arith.addf %add3A_2684, %mul3A_2771 : vector<16xf32>
        %add3A_2773 = arith.constant 1 : i32
        %add3A_2774 = arith.addi %add3A_2694, %add3A_2773 : i32
        %mul3A_2775 = arith.constant 64 : i32
        %mul3A_2776 = arith.muli %add3A_2774, %mul3A_2775 : i32
        %add3A_2777 = arith.constant 48 : i32
        %add3A_2778 = arith.addi %mul3A_2776, %add3A_2777 : i32
        %swap3A_2779 = arith.index_cast %add3A_2778 : i32 to index
        %swap3A_2780 = tpu.vector_load %arg11[%swap3A_2779] {strides = array<i32>} : memref<13376xf32, #tpu.memory_space<vmem>>, vector<16xf32>,
        tpu.vector_store %arg11[%swap3A_2779], %add3A_2772 {strides = array<i32>} : memref<13376xf32, #tpu.memory_space<vmem>>, vector<16xf32>,
        %mul3A_2781 = arith.mulf %get3A_2728, %get3A_2708 : vector<16xf32>
        %add3A_2782 = arith.addf %add3A_2742, %mul3A_2781 : vector<16xf32>
        %add3A_2783 = arith.constant 1 : i32
        %add3A_2784 = arith.addi %add3A_2698, %add3A_2783 : i32
        %mul3A_2785 = arith.constant 64 : i32
        %mul3A_2786 = arith.muli %add3A_2784, %mul3A_2785 : i32
        %add3A_2787 = arith.constant 0 : i32
        %add3A_2788 = arith.addi %mul3A_2786, %add3A_2787 : i32
        %swap3A_2789 = arith.index_cast %add3A_2788 : i32 to index
        %swap3A_2790 = tpu.vector_load %arg11[%swap3A_2789] {strides = array<i32>} : memref<13376xf32, #tpu.memory_space<vmem>>, vector<16xf32>,
        tpu.vector_store %arg11[%swap3A_2789], %add3A_2782 {strides = array<i32>} : memref<13376xf32, #tpu.memory_space<vmem>>, vector<16xf32>,
        %mul3A_2791 = arith.mulf %get3A_2732, %get3A_2708 : vector<16xf32>
        %add3A_2792 = arith.addf %add3A_2752, %mul3A_2791 : vector<16xf32>
        %add3A_2793 = arith.constant 1 : i32
        %add3A_2794 = arith.addi %add3A_2698, %add3A_2793 : i32
        %mul3A_2795 = arith.constant 64 : i32
        %mul3A_2796 = arith.muli %add3A_2794, %mul3A_2795 : i32
        %add3A_2797 = arith.constant 16 : i32
        %add3A_2798 = arith.addi %mul3A_2796, %add3A_2797 : i32
        %swap3A_2799 = arith.index_cast %add3A_2798 : i32 to index
        %swap3A_2800 = tpu.vector_load %arg11[%swap3A_2799] {strides = array<i32>} : memref<13376xf32, #tpu.memory_space<vmem>>, vector<16xf32>,
        tpu.vector_store %arg11[%swap3A_2799], %add3A_2792 {strides = array<i32>} : memref<13376xf32, #tpu.memory_space<vmem>>, vector<16xf32>,
        %mul3A_2801 = arith.mulf %get3A_2736, %get3A_2708 : vector<16xf32>
        %add3A_2802 = arith.addf %add3A_2762, %mul3A_2801 : vector<16xf32>
        %add3A_2803 = arith.constant 1 : i32
        %add3A_2804 = arith.addi %add3A_2698, %add3A_2803 : i32
        %mul3A_2805 = arith.constant 64 : i32
        %mul3A_2806 = arith.muli %add3A_2804, %mul3A_2805 : i32
        %add3A_2807 = arith.constant 32 : i32
        %add3A_2808 = arith.addi %mul3A_2806, %add3A_2807 : i32
        %swap3A_2809 = arith.index_cast %add3A_2808 : i32 to index
        %swap3A_2810 = tpu.vector_load %arg11[%swap3A_2809] {strides = array<i32>} : memref<13376xf32, #tpu.memory_space<vmem>>, vector<16xf32>,
        tpu.vector_store %arg11[%swap3A_2809], %add3A_2802 {strides = array<i32>} : memref<13376xf32, #tpu.memory_space<vmem>>, vector<16xf32>,
        %mul3A_2811 = arith.mulf %get3A_2740, %get3A_2708 : vector<16xf32>
        %add3A_2812 = arith.addf %add3A_2772, %mul3A_2811 : vector<16xf32>
        %add3A_2813 = arith.constant 1 : i32
        %add3A_2814 = arith.addi %add3A_2698, %add3A_2813 : i32
        %mul3A_2815 = arith.constant 64 : i32
        %mul3A_2816 = arith.muli %add3A_2814, %mul3A_2815 : i32
        %add3A_2817 = arith.constant 48 : i32
        %add3A_2818 = arith.addi %mul3A_2816, %add3A_2817 : i32
        %swap3A_2819 = arith.index_cast %add3A_2818 : i32 to index
        %swap3A_2820 = tpu.vector_load %arg11[%swap3A_2819] {strides = array<i32>} : memref<13376xf32, #tpu.memory_space<vmem>>, vector<16xf32>,
        tpu.vector_store %arg11[%swap3A_2819], %add3A_2812 {strides = array<i32>} : memref<13376xf32, #tpu.memory_space<vmem>>, vector<16xf32>,
        %add3A_2821 = arith.constant 14 : i32
        %add3A_2822 = arith.addi %mul3A_1925, %add3A_2821 : i32
        %add3A_2823 = arith.constant 14 : i32
        %add3A_2824 = arith.addi %mul3A_1925, %add3A_2823 : i32
        %add3A_2825 = arith.constant 1 : i32
        %add3A_2826 = arith.addi %add3A_2824, %add3A_2825 : i32
        %mul3A_2827 = arith.constant 16 : i32
        %mul3A_2828 = arith.muli %add3A_2822, %mul3A_2827 : i32
        %get3A_2829 = arith.index_cast %rem3A_470 : i32 to index
        %get3A_2830 = arith.index_cast %mul3A_2828 : i32 to index
        %get3A_2831 = tpu.vector_load %arg8[%get3A_2829, %get3A_2830] {strides = array<i32>} : memref<2x3328xf32, #tpu.memory_space<vmem>>, vector<16xf32>,
        %mul3A_2832 = arith.constant 16 : i32
        %mul3A_2833 = arith.muli %add3A_2826, %mul3A_2832 : i32
        %get3A_2834 = arith.index_cast %rem3A_470 : i32 to index
        %get3A_2835 = arith.index_cast %mul3A_2833 : i32 to index
        %get3A_2836 = tpu.vector_load %arg8[%get3A_2834, %get3A_2835] {strides = array<i32>} : memref<2x3328xf32, #tpu.memory_space<vmem>>, vector<16xf32>,
        %get3A_2837 = arith.index_cast %rem3A_470 : i32 to index
        %get3A_2838 = arith.index_cast %add3A_2822 : i32 to index
        %get3A_2839 = arith.constant 0 : index
        %get3A_2840 = tpu.vector_load %arg10[%get3A_2837, %get3A_2838, %get3A_2839] {strides = array<i32>} : memref<2x208x64xf32, #tpu.memory_space<vmem>>, vector<16xf32>,
        %get3A_2841 = arith.index_cast %rem3A_470 : i32 to index
        %get3A_2842 = arith.index_cast %add3A_2822 : i32 to index
        %get3A_2843 = arith.constant 16 : index
        %get3A_2844 = tpu.vector_load %arg10[%get3A_2841, %get3A_2842, %get3A_2843] {strides = array<i32>} : memref<2x208x64xf32, #tpu.memory_space<vmem>>, vector<16xf32>,
        %get3A_2845 = arith.index_cast %rem3A_470 : i32 to index
        %get3A_2846 = arith.index_cast %add3A_2822 : i32 to index
        %get3A_2847 = arith.constant 32 : index
        %get3A_2848 = tpu.vector_load %arg10[%get3A_2845, %get3A_2846, %get3A_2847] {strides = array<i32>} : memref<2x208x64xf32, #tpu.memory_space<vmem>>, vector<16xf32>,
        %get3A_2849 = arith.index_cast %rem3A_470 : i32 to index
        %get3A_2850 = arith.index_cast %add3A_2822 : i32 to index
        %get3A_2851 = arith.constant 48 : index
        %get3A_2852 = tpu.vector_load %arg10[%get3A_2849, %get3A_2850, %get3A_2851] {strides = array<i32>} : memref<2x208x64xf32, #tpu.memory_space<vmem>>, vector<16xf32>,
        %get3A_2853 = arith.index_cast %rem3A_470 : i32 to index
        %get3A_2854 = arith.index_cast %add3A_2826 : i32 to index
        %get3A_2855 = arith.constant 0 : index
        %get3A_2856 = tpu.vector_load %arg10[%get3A_2853, %get3A_2854, %get3A_2855] {strides = array<i32>} : memref<2x208x64xf32, #tpu.memory_space<vmem>>, vector<16xf32>,
        %get3A_2857 = arith.index_cast %rem3A_470 : i32 to index
        %get3A_2858 = arith.index_cast %add3A_2826 : i32 to index
        %get3A_2859 = arith.constant 16 : index
        %get3A_2860 = tpu.vector_load %arg10[%get3A_2857, %get3A_2858, %get3A_2859] {strides = array<i32>} : memref<2x208x64xf32, #tpu.memory_space<vmem>>, vector<16xf32>,
        %get3A_2861 = arith.index_cast %rem3A_470 : i32 to index
        %get3A_2862 = arith.index_cast %add3A_2826 : i32 to index
        %get3A_2863 = arith.constant 32 : index
        %get3A_2864 = tpu.vector_load %arg10[%get3A_2861, %get3A_2862, %get3A_2863] {strides = array<i32>} : memref<2x208x64xf32, #tpu.memory_space<vmem>>, vector<16xf32>,
        %get3A_2865 = arith.index_cast %rem3A_470 : i32 to index
        %get3A_2866 = arith.index_cast %add3A_2826 : i32 to index
        %get3A_2867 = arith.constant 48 : index
        %get3A_2868 = tpu.vector_load %arg10[%get3A_2865, %get3A_2866, %get3A_2867] {strides = array<i32>} : memref<2x208x64xf32, #tpu.memory_space<vmem>>, vector<16xf32>,
        %mul3A_2869 = arith.mulf %get3A_2840, %get3A_2831 : vector<16xf32>
        %add3A_2870 = arith.addf %add3A_2782, %mul3A_2869 : vector<16xf32>
        %add3A_2871 = arith.constant 1 : i32
        %add3A_2872 = arith.addi %add3A_2822, %add3A_2871 : i32
        %mul3A_2873 = arith.constant 64 : i32
        %mul3A_2874 = arith.muli %add3A_2872, %mul3A_2873 : i32
        %add3A_2875 = arith.constant 0 : i32
        %add3A_2876 = arith.addi %mul3A_2874, %add3A_2875 : i32
        %swap3A_2877 = arith.index_cast %add3A_2876 : i32 to index
        %swap3A_2878 = tpu.vector_load %arg11[%swap3A_2877] {strides = array<i32>} : memref<13376xf32, #tpu.memory_space<vmem>>, vector<16xf32>,
        tpu.vector_store %arg11[%swap3A_2877], %add3A_2870 {strides = array<i32>} : memref<13376xf32, #tpu.memory_space<vmem>>, vector<16xf32>,
        %mul3A_2879 = arith.mulf %get3A_2844, %get3A_2831 : vector<16xf32>
        %add3A_2880 = arith.addf %add3A_2792, %mul3A_2879 : vector<16xf32>
        %add3A_2881 = arith.constant 1 : i32
        %add3A_2882 = arith.addi %add3A_2822, %add3A_2881 : i32
        %mul3A_2883 = arith.constant 64 : i32
        %mul3A_2884 = arith.muli %add3A_2882, %mul3A_2883 : i32
        %add3A_2885 = arith.constant 16 : i32
        %add3A_2886 = arith.addi %mul3A_2884, %add3A_2885 : i32
        %swap3A_2887 = arith.index_cast %add3A_2886 : i32 to index
        %swap3A_2888 = tpu.vector_load %arg11[%swap3A_2887] {strides = array<i32>} : memref<13376xf32, #tpu.memory_space<vmem>>, vector<16xf32>,
        tpu.vector_store %arg11[%swap3A_2887], %add3A_2880 {strides = array<i32>} : memref<13376xf32, #tpu.memory_space<vmem>>, vector<16xf32>,
        %mul3A_2889 = arith.mulf %get3A_2848, %get3A_2831 : vector<16xf32>
        %add3A_2890 = arith.addf %add3A_2802, %mul3A_2889 : vector<16xf32>
        %add3A_2891 = arith.constant 1 : i32
        %add3A_2892 = arith.addi %add3A_2822, %add3A_2891 : i32
        %mul3A_2893 = arith.constant 64 : i32
        %mul3A_2894 = arith.muli %add3A_2892, %mul3A_2893 : i32
        %add3A_2895 = arith.constant 32 : i32
        %add3A_2896 = arith.addi %mul3A_2894, %add3A_2895 : i32
        %swap3A_2897 = arith.index_cast %add3A_2896 : i32 to index
        %swap3A_2898 = tpu.vector_load %arg11[%swap3A_2897] {strides = array<i32>} : memref<13376xf32, #tpu.memory_space<vmem>>, vector<16xf32>,
        tpu.vector_store %arg11[%swap3A_2897], %add3A_2890 {strides = array<i32>} : memref<13376xf32, #tpu.memory_space<vmem>>, vector<16xf32>,
        %mul3A_2899 = arith.mulf %get3A_2852, %get3A_2831 : vector<16xf32>
        %add3A_2900 = arith.addf %add3A_2812, %mul3A_2899 : vector<16xf32>
        %add3A_2901 = arith.constant 1 : i32
        %add3A_2902 = arith.addi %add3A_2822, %add3A_2901 : i32
        %mul3A_2903 = arith.constant 64 : i32
        %mul3A_2904 = arith.muli %add3A_2902, %mul3A_2903 : i32
        %add3A_2905 = arith.constant 48 : i32
        %add3A_2906 = arith.addi %mul3A_2904, %add3A_2905 : i32
        %swap3A_2907 = arith.index_cast %add3A_2906 : i32 to index
        %swap3A_2908 = tpu.vector_load %arg11[%swap3A_2907] {strides = array<i32>} : memref<13376xf32, #tpu.memory_space<vmem>>, vector<16xf32>,
        tpu.vector_store %arg11[%swap3A_2907], %add3A_2900 {strides = array<i32>} : memref<13376xf32, #tpu.memory_space<vmem>>, vector<16xf32>,
        %mul3A_2909 = arith.mulf %get3A_2856, %get3A_2836 : vector<16xf32>
        %add3A_2910 = arith.addf %add3A_2870, %mul3A_2909 : vector<16xf32>
        %add3A_2911 = arith.constant 1 : i32
        %add3A_2912 = arith.addi %add3A_2826, %add3A_2911 : i32
        %mul3A_2913 = arith.constant 64 : i32
        %mul3A_2914 = arith.muli %add3A_2912, %mul3A_2913 : i32
        %add3A_2915 = arith.constant 0 : i32
        %add3A_2916 = arith.addi %mul3A_2914, %add3A_2915 : i32
        %swap3A_2917 = arith.index_cast %add3A_2916 : i32 to index
        %swap3A_2918 = tpu.vector_load %arg11[%swap3A_2917] {strides = array<i32>} : memref<13376xf32, #tpu.memory_space<vmem>>, vector<16xf32>,
        tpu.vector_store %arg11[%swap3A_2917], %add3A_2910 {strides = array<i32>} : memref<13376xf32, #tpu.memory_space<vmem>>, vector<16xf32>,
        %mul3A_2919 = arith.mulf %get3A_2860, %get3A_2836 : vector<16xf32>
        %add3A_2920 = arith.addf %add3A_2880, %mul3A_2919 : vector<16xf32>
        %add3A_2921 = arith.constant 1 : i32
        %add3A_2922 = arith.addi %add3A_2826, %add3A_2921 : i32
        %mul3A_2923 = arith.constant 64 : i32
        %mul3A_2924 = arith.muli %add3A_2922, %mul3A_2923 : i32
        %add3A_2925 = arith.constant 16 : i32
        %add3A_2926 = arith.addi %mul3A_2924, %add3A_2925 : i32
        %swap3A_2927 = arith.index_cast %add3A_2926 : i32 to index
        %swap3A_2928 = tpu.vector_load %arg11[%swap3A_2927] {strides = array<i32>} : memref<13376xf32, #tpu.memory_space<vmem>>, vector<16xf32>,
        tpu.vector_store %arg11[%swap3A_2927], %add3A_2920 {strides = array<i32>} : memref<13376xf32, #tpu.memory_space<vmem>>, vector<16xf32>,
        %mul3A_2929 = arith.mulf %get3A_2864, %get3A_2836 : vector<16xf32>
        %add3A_2930 = arith.addf %add3A_2890, %mul3A_2929 : vector<16xf32>
        %add3A_2931 = arith.constant 1 : i32
        %add3A_2932 = arith.addi %add3A_2826, %add3A_2931 : i32
        %mul3A_2933 = arith.constant 64 : i32
        %mul3A_2934 = arith.muli %add3A_2932, %mul3A_2933 : i32
        %add3A_2935 = arith.constant 32 : i32
        %add3A_2936 = arith.addi %mul3A_2934, %add3A_2935 : i32
        %swap3A_2937 = arith.index_cast %add3A_2936 : i32 to index
        %swap3A_2938 = tpu.vector_load %arg11[%swap3A_2937] {strides = array<i32>} : memref<13376xf32, #tpu.memory_space<vmem>>, vector<16xf32>,
        tpu.vector_store %arg11[%swap3A_2937], %add3A_2930 {strides = array<i32>} : memref<13376xf32, #tpu.memory_space<vmem>>, vector<16xf32>,
        %mul3A_2939 = arith.mulf %get3A_2868, %get3A_2836 : vector<16xf32>
        %add3A_2940 = arith.addf %add3A_2900, %mul3A_2939 : vector<16xf32>
        %add3A_2941 = arith.constant 1 : i32
        %add3A_2942 = arith.addi %add3A_2826, %add3A_2941 : i32
        %mul3A_2943 = arith.constant 64 : i32
        %mul3A_2944 = arith.muli %add3A_2942, %mul3A_2943 : i32
        %add3A_2945 = arith.constant 48 : i32
        %add3A_2946 = arith.addi %mul3A_2944, %add3A_2945 : i32
        %swap3A_2947 = arith.index_cast %add3A_2946 : i32 to index
        %swap3A_2948 = tpu.vector_load %arg11[%swap3A_2947] {strides = array<i32>} : memref<13376xf32, #tpu.memory_space<vmem>>, vector<16xf32>,
        tpu.vector_store %arg11[%swap3A_2947], %add3A_2940 {strides = array<i32>} : memref<13376xf32, #tpu.memory_space<vmem>>, vector<16xf32>,
        scf.yield %add3A_2910, %add3A_2920, %add3A_2930, %add3A_2940 : vector<16xf32>, vector<16xf32>, vector<16xf32>, vector<16xf32>
      }
      %scan3A_528 = arith.constant 13 : i32
      %mul3A_529 = arith.constant 32 : i32
      %mul3A_530 = arith.muli %scan3A_469, %mul3A_529 : i32
      %add3A_531 = arith.constant 0 : i32
      %add3A_532 = arith.addi %mul3A_530, %add3A_531 : i32
      %add3A_533 = arith.constant 1 : i32
      %add3A_534 = arith.addi %add3A_532, %add3A_533 : i32
      %broadcast_in_dim3A_535 = vector.broadcast %add3A_534 : i32 to vector<16xi32>
      %gather3A = tpu.vector_load_idx %arg9[%broadcast_in_dim3A_535] : memref<4096xi32, #tpu.memory_space<vmem>>[vector<16xi32>], vector<16xi32>,
      %mul3A_536 = arith.constant 64 : i32
      %mul3A_537 = vector.broadcast %mul3A_536 : i32 to vector<16xi32>
      %mul3A_538 = arith.muli %gather3A, %mul3A_537 : vector<16xi32>
      %add3A_539 = arith.constant 1 : i32
      %add3A_540 = arith.addi %mul3A_530, %add3A_539 : i32
      %add3A_541 = arith.constant 1 : i32
      %add3A_542 = arith.addi %add3A_540, %add3A_541 : i32
      %broadcast_in_dim3A_543 = vector.broadcast %add3A_542 : i32 to vector<16xi32>
      %gather3A_544 = tpu.vector_load_idx %arg9[%broadcast_in_dim3A_543] : memref<4096xi32, #tpu.memory_space<vmem>>[vector<16xi32>], vector<16xi32>,
      %mul3A_545 = arith.constant 64 : i32
      %mul3A_546 = vector.broadcast %mul3A_545 : i32 to vector<16xi32>
      %mul3A_547 = arith.muli %gather3A_544, %mul3A_546 : vector<16xi32>
      %add3A_548 = arith.constant 2 : i32
      %add3A_549 = arith.addi %mul3A_530, %add3A_548 : i32
      %add3A_550 = arith.constant 1 : i32
      %add3A_551 = arith.addi %add3A_549, %add3A_550 : i32
      %broadcast_in_dim3A_552 = vector.broadcast %add3A_551 : i32 to vector<16xi32>
      %gather3A_553 = tpu.vector_load_idx %arg9[%broadcast_in_dim3A_552] : memref<4096xi32, #tpu.memory_space<vmem>>[vector<16xi32>], vector<16xi32>,
      %mul3A_554 = arith.constant 64 : i32
      %mul3A_555 = vector.broadcast %mul3A_554 : i32 to vector<16xi32>
      %mul3A_556 = arith.muli %gather3A_553, %mul3A_555 : vector<16xi32>
      %add3A_557 = arith.constant 3 : i32
      %add3A_558 = arith.addi %mul3A_530, %add3A_557 : i32
      %add3A_559 = arith.constant 1 : i32
      %add3A_560 = arith.addi %add3A_558, %add3A_559 : i32
      %broadcast_in_dim3A_561 = vector.broadcast %add3A_560 : i32 to vector<16xi32>
      %gather3A_562 = tpu.vector_load_idx %arg9[%broadcast_in_dim3A_561] : memref<4096xi32, #tpu.memory_space<vmem>>[vector<16xi32>], vector<16xi32>,
      %mul3A_563 = arith.constant 64 : i32
      %mul3A_564 = vector.broadcast %mul3A_563 : i32 to vector<16xi32>
      %mul3A_565 = arith.muli %gather3A_562, %mul3A_564 : vector<16xi32>
      %add3A_566 = arith.constant 4 : i32
      %add3A_567 = arith.addi %mul3A_530, %add3A_566 : i32
      %add3A_568 = arith.constant 1 : i32
      %add3A_569 = arith.addi %add3A_567, %add3A_568 : i32
      %broadcast_in_dim3A_570 = vector.broadcast %add3A_569 : i32 to vector<16xi32>
      %gather3A_571 = tpu.vector_load_idx %arg9[%broadcast_in_dim3A_570] : memref<4096xi32, #tpu.memory_space<vmem>>[vector<16xi32>], vector<16xi32>,
      %mul3A_572 = arith.constant 64 : i32
      %mul3A_573 = vector.broadcast %mul3A_572 : i32 to vector<16xi32>
      %mul3A_574 = arith.muli %gather3A_571, %mul3A_573 : vector<16xi32>
      %add3A_575 = arith.constant 5 : i32
      %add3A_576 = arith.addi %mul3A_530, %add3A_575 : i32
      %add3A_577 = arith.constant 1 : i32
      %add3A_578 = arith.addi %add3A_576, %add3A_577 : i32
      %broadcast_in_dim3A_579 = vector.broadcast %add3A_578 : i32 to vector<16xi32>
      %gather3A_580 = tpu.vector_load_idx %arg9[%broadcast_in_dim3A_579] : memref<4096xi32, #tpu.memory_space<vmem>>[vector<16xi32>], vector<16xi32>,
      %mul3A_581 = arith.constant 64 : i32
      %mul3A_582 = vector.broadcast %mul3A_581 : i32 to vector<16xi32>
      %mul3A_583 = arith.muli %gather3A_580, %mul3A_582 : vector<16xi32>
      %add3A_584 = arith.constant 6 : i32
      %add3A_585 = arith.addi %mul3A_530, %add3A_584 : i32
      %add3A_586 = arith.constant 1 : i32
      %add3A_587 = arith.addi %add3A_585, %add3A_586 : i32
      %broadcast_in_dim3A_588 = vector.broadcast %add3A_587 : i32 to vector<16xi32>
      %gather3A_589 = tpu.vector_load_idx %arg9[%broadcast_in_dim3A_588] : memref<4096xi32, #tpu.memory_space<vmem>>[vector<16xi32>], vector<16xi32>,
      %mul3A_590 = arith.constant 64 : i32
      %mul3A_591 = vector.broadcast %mul3A_590 : i32 to vector<16xi32>
      %mul3A_592 = arith.muli %gather3A_589, %mul3A_591 : vector<16xi32>
      %add3A_593 = arith.constant 7 : i32
      %add3A_594 = arith.addi %mul3A_530, %add3A_593 : i32
      %add3A_595 = arith.constant 1 : i32
      %add3A_596 = arith.addi %add3A_594, %add3A_595 : i32
      %broadcast_in_dim3A_597 = vector.broadcast %add3A_596 : i32 to vector<16xi32>
      %gather3A_598 = tpu.vector_load_idx %arg9[%broadcast_in_dim3A_597] : memref<4096xi32, #tpu.memory_space<vmem>>[vector<16xi32>], vector<16xi32>,
      %mul3A_599 = arith.constant 64 : i32
      %mul3A_600 = vector.broadcast %mul3A_599 : i32 to vector<16xi32>
      %mul3A_601 = arith.muli %gather3A_598, %mul3A_600 : vector<16xi32>
      %add3A_602 = arith.constant 8 : i32
      %add3A_603 = arith.addi %mul3A_530, %add3A_602 : i32
      %add3A_604 = arith.constant 1 : i32
      %add3A_605 = arith.addi %add3A_603, %add3A_604 : i32
      %broadcast_in_dim3A_606 = vector.broadcast %add3A_605 : i32 to vector<16xi32>
      %gather3A_607 = tpu.vector_load_idx %arg9[%broadcast_in_dim3A_606] : memref<4096xi32, #tpu.memory_space<vmem>>[vector<16xi32>], vector<16xi32>,
      %mul3A_608 = arith.constant 64 : i32
      %mul3A_609 = vector.broadcast %mul3A_608 : i32 to vector<16xi32>
      %mul3A_610 = arith.muli %gather3A_607, %mul3A_609 : vector<16xi32>
      %add3A_611 = arith.constant 9 : i32
      %add3A_612 = arith.addi %mul3A_530, %add3A_611 : i32
      %add3A_613 = arith.constant 1 : i32
      %add3A_614 = arith.addi %add3A_612, %add3A_613 : i32
      %broadcast_in_dim3A_615 = vector.broadcast %add3A_614 : i32 to vector<16xi32>
      %gather3A_616 = tpu.vector_load_idx %arg9[%broadcast_in_dim3A_615] : memref<4096xi32, #tpu.memory_space<vmem>>[vector<16xi32>], vector<16xi32>,
      %mul3A_617 = arith.constant 64 : i32
      %mul3A_618 = vector.broadcast %mul3A_617 : i32 to vector<16xi32>
      %mul3A_619 = arith.muli %gather3A_616, %mul3A_618 : vector<16xi32>
      %add3A_620 = arith.constant 10 : i32
      %add3A_621 = arith.addi %mul3A_530, %add3A_620 : i32
      %add3A_622 = arith.constant 1 : i32
      %add3A_623 = arith.addi %add3A_621, %add3A_622 : i32
      %broadcast_in_dim3A_624 = vector.broadcast %add3A_623 : i32 to vector<16xi32>
      %gather3A_625 = tpu.vector_load_idx %arg9[%broadcast_in_dim3A_624] : memref<4096xi32, #tpu.memory_space<vmem>>[vector<16xi32>], vector<16xi32>,
      %mul3A_626 = arith.constant 64 : i32
      %mul3A_627 = vector.broadcast %mul3A_626 : i32 to vector<16xi32>
      %mul3A_628 = arith.muli %gather3A_625, %mul3A_627 : vector<16xi32>
      %add3A_629 = arith.constant 11 : i32
      %add3A_630 = arith.addi %mul3A_530, %add3A_629 : i32
      %add3A_631 = arith.constant 1 : i32
      %add3A_632 = arith.addi %add3A_630, %add3A_631 : i32
      %broadcast_in_dim3A_633 = vector.broadcast %add3A_632 : i32 to vector<16xi32>
      %gather3A_634 = tpu.vector_load_idx %arg9[%broadcast_in_dim3A_633] : memref<4096xi32, #tpu.memory_space<vmem>>[vector<16xi32>], vector<16xi32>,
      %mul3A_635 = arith.constant 64 : i32
      %mul3A_636 = vector.broadcast %mul3A_635 : i32 to vector<16xi32>
      %mul3A_637 = arith.muli %gather3A_634, %mul3A_636 : vector<16xi32>
      %add3A_638 = arith.constant 12 : i32
      %add3A_639 = arith.addi %mul3A_530, %add3A_638 : i32
      %add3A_640 = arith.constant 1 : i32
      %add3A_641 = arith.addi %add3A_639, %add3A_640 : i32
      %broadcast_in_dim3A_642 = vector.broadcast %add3A_641 : i32 to vector<16xi32>
      %gather3A_643 = tpu.vector_load_idx %arg9[%broadcast_in_dim3A_642] : memref<4096xi32, #tpu.memory_space<vmem>>[vector<16xi32>], vector<16xi32>,
      %mul3A_644 = arith.constant 64 : i32
      %mul3A_645 = vector.broadcast %mul3A_644 : i32 to vector<16xi32>
      %mul3A_646 = arith.muli %gather3A_643, %mul3A_645 : vector<16xi32>
      %add3A_647 = arith.constant 13 : i32
      %add3A_648 = arith.addi %mul3A_530, %add3A_647 : i32
      %add3A_649 = arith.constant 1 : i32
      %add3A_650 = arith.addi %add3A_648, %add3A_649 : i32
      %broadcast_in_dim3A_651 = vector.broadcast %add3A_650 : i32 to vector<16xi32>
      %gather3A_652 = tpu.vector_load_idx %arg9[%broadcast_in_dim3A_651] : memref<4096xi32, #tpu.memory_space<vmem>>[vector<16xi32>], vector<16xi32>,
      %mul3A_653 = arith.constant 64 : i32
      %mul3A_654 = vector.broadcast %mul3A_653 : i32 to vector<16xi32>
      %mul3A_655 = arith.muli %gather3A_652, %mul3A_654 : vector<16xi32>
      %add3A_656 = arith.constant 14 : i32
      %add3A_657 = arith.addi %mul3A_530, %add3A_656 : i32
      %add3A_658 = arith.constant 1 : i32
      %add3A_659 = arith.addi %add3A_657, %add3A_658 : i32
      %broadcast_in_dim3A_660 = vector.broadcast %add3A_659 : i32 to vector<16xi32>
      %gather3A_661 = tpu.vector_load_idx %arg9[%broadcast_in_dim3A_660] : memref<4096xi32, #tpu.memory_space<vmem>>[vector<16xi32>], vector<16xi32>,
      %mul3A_662 = arith.constant 64 : i32
      %mul3A_663 = vector.broadcast %mul3A_662 : i32 to vector<16xi32>
      %mul3A_664 = arith.muli %gather3A_661, %mul3A_663 : vector<16xi32>
      %add3A_665 = arith.constant 15 : i32
      %add3A_666 = arith.addi %mul3A_530, %add3A_665 : i32
      %add3A_667 = arith.constant 1 : i32
      %add3A_668 = arith.addi %add3A_666, %add3A_667 : i32
      %broadcast_in_dim3A_669 = vector.broadcast %add3A_668 : i32 to vector<16xi32>
      %gather3A_670 = tpu.vector_load_idx %arg9[%broadcast_in_dim3A_669] : memref<4096xi32, #tpu.memory_space<vmem>>[vector<16xi32>], vector<16xi32>,
      %mul3A_671 = arith.constant 64 : i32
      %mul3A_672 = vector.broadcast %mul3A_671 : i32 to vector<16xi32>
      %mul3A_673 = arith.muli %gather3A_670, %mul3A_672 : vector<16xi32>
      %add3A_674 = arith.constant 16 : i32
      %add3A_675 = arith.addi %mul3A_530, %add3A_674 : i32
      %add3A_676 = arith.constant 1 : i32
      %add3A_677 = arith.addi %add3A_675, %add3A_676 : i32
      %broadcast_in_dim3A_678 = vector.broadcast %add3A_677 : i32 to vector<16xi32>
      %gather3A_679 = tpu.vector_load_idx %arg9[%broadcast_in_dim3A_678] : memref<4096xi32, #tpu.memory_space<vmem>>[vector<16xi32>], vector<16xi32>,
      %mul3A_680 = arith.constant 64 : i32
      %mul3A_681 = vector.broadcast %mul3A_680 : i32 to vector<16xi32>
      %mul3A_682 = arith.muli %gather3A_679, %mul3A_681 : vector<16xi32>
      %add3A_683 = arith.constant 17 : i32
      %add3A_684 = arith.addi %mul3A_530, %add3A_683 : i32
      %add3A_685 = arith.constant 1 : i32
      %add3A_686 = arith.addi %add3A_684, %add3A_685 : i32
      %broadcast_in_dim3A_687 = vector.broadcast %add3A_686 : i32 to vector<16xi32>
      %gather3A_688 = tpu.vector_load_idx %arg9[%broadcast_in_dim3A_687] : memref<4096xi32, #tpu.memory_space<vmem>>[vector<16xi32>], vector<16xi32>,
      %mul3A_689 = arith.constant 64 : i32
      %mul3A_690 = vector.broadcast %mul3A_689 : i32 to vector<16xi32>
      %mul3A_691 = arith.muli %gather3A_688, %mul3A_690 : vector<16xi32>
      %add3A_692 = arith.constant 18 : i32
      %add3A_693 = arith.addi %mul3A_530, %add3A_692 : i32
      %add3A_694 = arith.constant 1 : i32
      %add3A_695 = arith.addi %add3A_693, %add3A_694 : i32
      %broadcast_in_dim3A_696 = vector.broadcast %add3A_695 : i32 to vector<16xi32>
      %gather3A_697 = tpu.vector_load_idx %arg9[%broadcast_in_dim3A_696] : memref<4096xi32, #tpu.memory_space<vmem>>[vector<16xi32>], vector<16xi32>,
      %mul3A_698 = arith.constant 64 : i32
      %mul3A_699 = vector.broadcast %mul3A_698 : i32 to vector<16xi32>
      %mul3A_700 = arith.muli %gather3A_697, %mul3A_699 : vector<16xi32>
      %add3A_701 = arith.constant 19 : i32
      %add3A_702 = arith.addi %mul3A_530, %add3A_701 : i32
      %add3A_703 = arith.constant 1 : i32
      %add3A_704 = arith.addi %add3A_702, %add3A_703 : i32
      %broadcast_in_dim3A_705 = vector.broadcast %add3A_704 : i32 to vector<16xi32>
      %gather3A_706 = tpu.vector_load_idx %arg9[%broadcast_in_dim3A_705] : memref<4096xi32, #tpu.memory_space<vmem>>[vector<16xi32>], vector<16xi32>,
      %mul3A_707 = arith.constant 64 : i32
      %mul3A_708 = vector.broadcast %mul3A_707 : i32 to vector<16xi32>
      %mul3A_709 = arith.muli %gather3A_706, %mul3A_708 : vector<16xi32>
      %add3A_710 = arith.constant 20 : i32
      %add3A_711 = arith.addi %mul3A_530, %add3A_710 : i32
      %add3A_712 = arith.constant 1 : i32
      %add3A_713 = arith.addi %add3A_711, %add3A_712 : i32
      %broadcast_in_dim3A_714 = vector.broadcast %add3A_713 : i32 to vector<16xi32>
      %gather3A_715 = tpu.vector_load_idx %arg9[%broadcast_in_dim3A_714] : memref<4096xi32, #tpu.memory_space<vmem>>[vector<16xi32>], vector<16xi32>,
      %mul3A_716 = arith.constant 64 : i32
      %mul3A_717 = vector.broadcast %mul3A_716 : i32 to vector<16xi32>
      %mul3A_718 = arith.muli %gather3A_715, %mul3A_717 : vector<16xi32>
      %add3A_719 = arith.constant 21 : i32
      %add3A_720 = arith.addi %mul3A_530, %add3A_719 : i32
      %add3A_721 = arith.constant 1 : i32
      %add3A_722 = arith.addi %add3A_720, %add3A_721 : i32
      %broadcast_in_dim3A_723 = vector.broadcast %add3A_722 : i32 to vector<16xi32>
      %gather3A_724 = tpu.vector_load_idx %arg9[%broadcast_in_dim3A_723] : memref<4096xi32, #tpu.memory_space<vmem>>[vector<16xi32>], vector<16xi32>,
      %mul3A_725 = arith.constant 64 : i32
      %mul3A_726 = vector.broadcast %mul3A_725 : i32 to vector<16xi32>
      %mul3A_727 = arith.muli %gather3A_724, %mul3A_726 : vector<16xi32>
      %add3A_728 = arith.constant 22 : i32
      %add3A_729 = arith.addi %mul3A_530, %add3A_728 : i32
      %add3A_730 = arith.constant 1 : i32
      %add3A_731 = arith.addi %add3A_729, %add3A_730 : i32
      %broadcast_in_dim3A_732 = vector.broadcast %add3A_731 : i32 to vector<16xi32>
      %gather3A_733 = tpu.vector_load_idx %arg9[%broadcast_in_dim3A_732] : memref<4096xi32, #tpu.memory_space<vmem>>[vector<16xi32>], vector<16xi32>,
      %mul3A_734 = arith.constant 64 : i32
      %mul3A_735 = vector.broadcast %mul3A_734 : i32 to vector<16xi32>
      %mul3A_736 = arith.muli %gather3A_733, %mul3A_735 : vector<16xi32>
      %add3A_737 = arith.constant 23 : i32
      %add3A_738 = arith.addi %mul3A_530, %add3A_737 : i32
      %add3A_739 = arith.constant 1 : i32
      %add3A_740 = arith.addi %add3A_738, %add3A_739 : i32
      %broadcast_in_dim3A_741 = vector.broadcast %add3A_740 : i32 to vector<16xi32>
      %gather3A_742 = tpu.vector_load_idx %arg9[%broadcast_in_dim3A_741] : memref<4096xi32, #tpu.memory_space<vmem>>[vector<16xi32>], vector<16xi32>,
      %mul3A_743 = arith.constant 64 : i32
      %mul3A_744 = vector.broadcast %mul3A_743 : i32 to vector<16xi32>
      %mul3A_745 = arith.muli %gather3A_742, %mul3A_744 : vector<16xi32>
      %add3A_746 = arith.constant 24 : i32
      %add3A_747 = arith.addi %mul3A_530, %add3A_746 : i32
      %add3A_748 = arith.constant 1 : i32
      %add3A_749 = arith.addi %add3A_747, %add3A_748 : i32
      %broadcast_in_dim3A_750 = vector.broadcast %add3A_749 : i32 to vector<16xi32>
      %gather3A_751 = tpu.vector_load_idx %arg9[%broadcast_in_dim3A_750] : memref<4096xi32, #tpu.memory_space<vmem>>[vector<16xi32>], vector<16xi32>,
      %mul3A_752 = arith.constant 64 : i32
      %mul3A_753 = vector.broadcast %mul3A_752 : i32 to vector<16xi32>
      %mul3A_754 = arith.muli %gather3A_751, %mul3A_753 : vector<16xi32>
      %add3A_755 = arith.constant 25 : i32
      %add3A_756 = arith.addi %mul3A_530, %add3A_755 : i32
      %add3A_757 = arith.constant 1 : i32
      %add3A_758 = arith.addi %add3A_756, %add3A_757 : i32
      %broadcast_in_dim3A_759 = vector.broadcast %add3A_758 : i32 to vector<16xi32>
      %gather3A_760 = tpu.vector_load_idx %arg9[%broadcast_in_dim3A_759] : memref<4096xi32, #tpu.memory_space<vmem>>[vector<16xi32>], vector<16xi32>,
      %mul3A_761 = arith.constant 64 : i32
      %mul3A_762 = vector.broadcast %mul3A_761 : i32 to vector<16xi32>
      %mul3A_763 = arith.muli %gather3A_760, %mul3A_762 : vector<16xi32>
      %add3A_764 = arith.addi %mul3A_538, %iota3A : vector<16xi32>
      %add3A_765 = arith.constant 0 : i32
      %add3A_766 = vector.broadcast %add3A_765 : i32 to vector<16xi32>
      %add3A_767 = arith.addi %add3A_764, %add3A_766 : vector<16xi32>
      %gather3A_768 = tpu.vector_load_idx %arg11[%add3A_767] : memref<13376xf32, #tpu.memory_space<vmem>>[vector<16xi32>], vector<16xf32>,
      %add3A_769 = arith.addi %mul3A_538, %iota3A : vector<16xi32>
      %add3A_770 = arith.constant 16 : i32
      %add3A_771 = vector.broadcast %add3A_770 : i32 to vector<16xi32>
      %add3A_772 = arith.addi %add3A_769, %add3A_771 : vector<16xi32>
      %gather3A_773 = tpu.vector_load_idx %arg11[%add3A_772] : memref<13376xf32, #tpu.memory_space<vmem>>[vector<16xi32>], vector<16xf32>,
      %add3A_774 = arith.addi %mul3A_538, %iota3A : vector<16xi32>
      %add3A_775 = arith.constant 32 : i32
      %add3A_776 = vector.broadcast %add3A_775 : i32 to vector<16xi32>
      %add3A_777 = arith.addi %add3A_774, %add3A_776 : vector<16xi32>
      %gather3A_778 = tpu.vector_load_idx %arg11[%add3A_777] : memref<13376xf32, #tpu.memory_space<vmem>>[vector<16xi32>], vector<16xf32>,
      %add3A_779 = arith.addi %mul3A_538, %iota3A : vector<16xi32>
      %add3A_780 = arith.constant 48 : i32
      %add3A_781 = vector.broadcast %add3A_780 : i32 to vector<16xi32>
      %add3A_782 = arith.addi %add3A_779, %add3A_781 : vector<16xi32>
      %gather3A_783 = tpu.vector_load_idx %arg11[%add3A_782] : memref<13376xf32, #tpu.memory_space<vmem>>[vector<16xi32>], vector<16xf32>,
      %add3A_784 = arith.addi %mul3A_547, %iota3A : vector<16xi32>
      %add3A_785 = arith.constant 0 : i32
      %add3A_786 = vector.broadcast %add3A_785 : i32 to vector<16xi32>
      %add3A_787 = arith.addi %add3A_784, %add3A_786 : vector<16xi32>
      %gather3A_788 = tpu.vector_load_idx %arg11[%add3A_787] : memref<13376xf32, #tpu.memory_space<vmem>>[vector<16xi32>], vector<16xf32>,
      %add3A_789 = arith.addi %mul3A_547, %iota3A : vector<16xi32>
      %add3A_790 = arith.constant 16 : i32
      %add3A_791 = vector.broadcast %add3A_790 : i32 to vector<16xi32>
      %add3A_792 = arith.addi %add3A_789, %add3A_791 : vector<16xi32>
      %gather3A_793 = tpu.vector_load_idx %arg11[%add3A_792] : memref<13376xf32, #tpu.memory_space<vmem>>[vector<16xi32>], vector<16xf32>,
      %add3A_794 = arith.addi %mul3A_547, %iota3A : vector<16xi32>
      %add3A_795 = arith.constant 32 : i32
      %add3A_796 = vector.broadcast %add3A_795 : i32 to vector<16xi32>
      %add3A_797 = arith.addi %add3A_794, %add3A_796 : vector<16xi32>
      %gather3A_798 = tpu.vector_load_idx %arg11[%add3A_797] : memref<13376xf32, #tpu.memory_space<vmem>>[vector<16xi32>], vector<16xf32>,
      %add3A_799 = arith.addi %mul3A_547, %iota3A : vector<16xi32>
      %add3A_800 = arith.constant 48 : i32
      %add3A_801 = vector.broadcast %add3A_800 : i32 to vector<16xi32>
      %add3A_802 = arith.addi %add3A_799, %add3A_801 : vector<16xi32>
      %gather3A_803 = tpu.vector_load_idx %arg11[%add3A_802] : memref<13376xf32, #tpu.memory_space<vmem>>[vector<16xi32>], vector<16xf32>,
      %add3A_804 = arith.addi %mul3A_556, %iota3A : vector<16xi32>
      %add3A_805 = arith.constant 0 : i32
      %add3A_806 = vector.broadcast %add3A_805 : i32 to vector<16xi32>
      %add3A_807 = arith.addi %add3A_804, %add3A_806 : vector<16xi32>
      %gather3A_808 = tpu.vector_load_idx %arg11[%add3A_807] : memref<13376xf32, #tpu.memory_space<vmem>>[vector<16xi32>], vector<16xf32>,
      %add3A_809 = arith.addi %mul3A_556, %iota3A : vector<16xi32>
      %add3A_810 = arith.constant 16 : i32
      %add3A_811 = vector.broadcast %add3A_810 : i32 to vector<16xi32>
      %add3A_812 = arith.addi %add3A_809, %add3A_811 : vector<16xi32>
      %gather3A_813 = tpu.vector_load_idx %arg11[%add3A_812] : memref<13376xf32, #tpu.memory_space<vmem>>[vector<16xi32>], vector<16xf32>,
      %add3A_814 = arith.addi %mul3A_556, %iota3A : vector<16xi32>
      %add3A_815 = arith.constant 32 : i32
      %add3A_816 = vector.broadcast %add3A_815 : i32 to vector<16xi32>
      %add3A_817 = arith.addi %add3A_814, %add3A_816 : vector<16xi32>
      %gather3A_818 = tpu.vector_load_idx %arg11[%add3A_817] : memref<13376xf32, #tpu.memory_space<vmem>>[vector<16xi32>], vector<16xf32>,
      %add3A_819 = arith.addi %mul3A_556, %iota3A : vector<16xi32>
      %add3A_820 = arith.constant 48 : i32
      %add3A_821 = vector.broadcast %add3A_820 : i32 to vector<16xi32>
      %add3A_822 = arith.addi %add3A_819, %add3A_821 : vector<16xi32>
      %gather3A_823 = tpu.vector_load_idx %arg11[%add3A_822] : memref<13376xf32, #tpu.memory_space<vmem>>[vector<16xi32>], vector<16xf32>,
      %add3A_824 = arith.addi %mul3A_565, %iota3A : vector<16xi32>
      %add3A_825 = arith.constant 0 : i32
      %add3A_826 = vector.broadcast %add3A_825 : i32 to vector<16xi32>
      %add3A_827 = arith.addi %add3A_824, %add3A_826 : vector<16xi32>
      %gather3A_828 = tpu.vector_load_idx %arg11[%add3A_827] : memref<13376xf32, #tpu.memory_space<vmem>>[vector<16xi32>], vector<16xf32>,
      %add3A_829 = arith.addi %mul3A_565, %iota3A : vector<16xi32>
      %add3A_830 = arith.constant 16 : i32
      %add3A_831 = vector.broadcast %add3A_830 : i32 to vector<16xi32>
      %add3A_832 = arith.addi %add3A_829, %add3A_831 : vector<16xi32>
      %gather3A_833 = tpu.vector_load_idx %arg11[%add3A_832] : memref<13376xf32, #tpu.memory_space<vmem>>[vector<16xi32>], vector<16xf32>,
      %add3A_834 = arith.addi %mul3A_565, %iota3A : vector<16xi32>
      %add3A_835 = arith.constant 32 : i32
      %add3A_836 = vector.broadcast %add3A_835 : i32 to vector<16xi32>
      %add3A_837 = arith.addi %add3A_834, %add3A_836 : vector<16xi32>
      %gather3A_838 = tpu.vector_load_idx %arg11[%add3A_837] : memref<13376xf32, #tpu.memory_space<vmem>>[vector<16xi32>], vector<16xf32>,
      %add3A_839 = arith.addi %mul3A_565, %iota3A : vector<16xi32>
      %add3A_840 = arith.constant 48 : i32
      %add3A_841 = vector.broadcast %add3A_840 : i32 to vector<16xi32>
      %add3A_842 = arith.addi %add3A_839, %add3A_841 : vector<16xi32>
      %gather3A_843 = tpu.vector_load_idx %arg11[%add3A_842] : memref<13376xf32, #tpu.memory_space<vmem>>[vector<16xi32>], vector<16xf32>,
      %add3A_844 = arith.addi %mul3A_574, %iota3A : vector<16xi32>
      %add3A_845 = arith.constant 0 : i32
      %add3A_846 = vector.broadcast %add3A_845 : i32 to vector<16xi32>
      %add3A_847 = arith.addi %add3A_844, %add3A_846 : vector<16xi32>
      %gather3A_848 = tpu.vector_load_idx %arg11[%add3A_847] : memref<13376xf32, #tpu.memory_space<vmem>>[vector<16xi32>], vector<16xf32>,
      %add3A_849 = arith.addi %mul3A_574, %iota3A : vector<16xi32>
      %add3A_850 = arith.constant 16 : i32
      %add3A_851 = vector.broadcast %add3A_850 : i32 to vector<16xi32>
      %add3A_852 = arith.addi %add3A_849, %add3A_851 : vector<16xi32>
      %gather3A_853 = tpu.vector_load_idx %arg11[%add3A_852] : memref<13376xf32, #tpu.memory_space<vmem>>[vector<16xi32>], vector<16xf32>,
      %add3A_854 = arith.addi %mul3A_574, %iota3A : vector<16xi32>
      %add3A_855 = arith.constant 32 : i32
      %add3A_856 = vector.broadcast %add3A_855 : i32 to vector<16xi32>
      %add3A_857 = arith.addi %add3A_854, %add3A_856 : vector<16xi32>
      %gather3A_858 = tpu.vector_load_idx %arg11[%add3A_857] : memref<13376xf32, #tpu.memory_space<vmem>>[vector<16xi32>], vector<16xf32>,
      %add3A_859 = arith.addi %mul3A_574, %iota3A : vector<16xi32>
      %add3A_860 = arith.constant 48 : i32
      %add3A_861 = vector.broadcast %add3A_860 : i32 to vector<16xi32>
      %add3A_862 = arith.addi %add3A_859, %add3A_861 : vector<16xi32>
      %gather3A_863 = tpu.vector_load_idx %arg11[%add3A_862] : memref<13376xf32, #tpu.memory_space<vmem>>[vector<16xi32>], vector<16xf32>,
      %add3A_864 = arith.addi %mul3A_583, %iota3A : vector<16xi32>
      %add3A_865 = arith.constant 0 : i32
      %add3A_866 = vector.broadcast %add3A_865 : i32 to vector<16xi32>
      %add3A_867 = arith.addi %add3A_864, %add3A_866 : vector<16xi32>
      %gather3A_868 = tpu.vector_load_idx %arg11[%add3A_867] : memref<13376xf32, #tpu.memory_space<vmem>>[vector<16xi32>], vector<16xf32>,
      %add3A_869 = arith.addi %mul3A_583, %iota3A : vector<16xi32>
      %add3A_870 = arith.constant 16 : i32
      %add3A_871 = vector.broadcast %add3A_870 : i32 to vector<16xi32>
      %add3A_872 = arith.addi %add3A_869, %add3A_871 : vector<16xi32>
      %gather3A_873 = tpu.vector_load_idx %arg11[%add3A_872] : memref<13376xf32, #tpu.memory_space<vmem>>[vector<16xi32>], vector<16xf32>,
      %add3A_874 = arith.addi %mul3A_583, %iota3A : vector<16xi32>
      %add3A_875 = arith.constant 32 : i32
      %add3A_876 = vector.broadcast %add3A_875 : i32 to vector<16xi32>
      %add3A_877 = arith.addi %add3A_874, %add3A_876 : vector<16xi32>
      %gather3A_878 = tpu.vector_load_idx %arg11[%add3A_877] : memref<13376xf32, #tpu.memory_space<vmem>>[vector<16xi32>], vector<16xf32>,
      %add3A_879 = arith.addi %mul3A_583, %iota3A : vector<16xi32>
      %add3A_880 = arith.constant 48 : i32
      %add3A_881 = vector.broadcast %add3A_880 : i32 to vector<16xi32>
      %add3A_882 = arith.addi %add3A_879, %add3A_881 : vector<16xi32>
      %gather3A_883 = tpu.vector_load_idx %arg11[%add3A_882] : memref<13376xf32, #tpu.memory_space<vmem>>[vector<16xi32>], vector<16xf32>,
      %add3A_884 = arith.addi %mul3A_592, %iota3A : vector<16xi32>
      %add3A_885 = arith.constant 0 : i32
      %add3A_886 = vector.broadcast %add3A_885 : i32 to vector<16xi32>
      %add3A_887 = arith.addi %add3A_884, %add3A_886 : vector<16xi32>
      %gather3A_888 = tpu.vector_load_idx %arg11[%add3A_887] : memref<13376xf32, #tpu.memory_space<vmem>>[vector<16xi32>], vector<16xf32>,
      %add3A_889 = arith.addi %mul3A_592, %iota3A : vector<16xi32>
      %add3A_890 = arith.constant 16 : i32
      %add3A_891 = vector.broadcast %add3A_890 : i32 to vector<16xi32>
      %add3A_892 = arith.addi %add3A_889, %add3A_891 : vector<16xi32>
      %gather3A_893 = tpu.vector_load_idx %arg11[%add3A_892] : memref<13376xf32, #tpu.memory_space<vmem>>[vector<16xi32>], vector<16xf32>,
      %add3A_894 = arith.addi %mul3A_592, %iota3A : vector<16xi32>
      %add3A_895 = arith.constant 32 : i32
      %add3A_896 = vector.broadcast %add3A_895 : i32 to vector<16xi32>
      %add3A_897 = arith.addi %add3A_894, %add3A_896 : vector<16xi32>
      %gather3A_898 = tpu.vector_load_idx %arg11[%add3A_897] : memref<13376xf32, #tpu.memory_space<vmem>>[vector<16xi32>], vector<16xf32>,
      %add3A_899 = arith.addi %mul3A_592, %iota3A : vector<16xi32>
      %add3A_900 = arith.constant 48 : i32
      %add3A_901 = vector.broadcast %add3A_900 : i32 to vector<16xi32>
      %add3A_902 = arith.addi %add3A_899, %add3A_901 : vector<16xi32>
      %gather3A_903 = tpu.vector_load_idx %arg11[%add3A_902] : memref<13376xf32, #tpu.memory_space<vmem>>[vector<16xi32>], vector<16xf32>,
      %add3A_904 = arith.addi %mul3A_601, %iota3A : vector<16xi32>
      %add3A_905 = arith.constant 0 : i32
      %add3A_906 = vector.broadcast %add3A_905 : i32 to vector<16xi32>
      %add3A_907 = arith.addi %add3A_904, %add3A_906 : vector<16xi32>
      %gather3A_908 = tpu.vector_load_idx %arg11[%add3A_907] : memref<13376xf32, #tpu.memory_space<vmem>>[vector<16xi32>], vector<16xf32>,
      %add3A_909 = arith.addi %mul3A_601, %iota3A : vector<16xi32>
      %add3A_910 = arith.constant 16 : i32
      %add3A_911 = vector.broadcast %add3A_910 : i32 to vector<16xi32>
      %add3A_912 = arith.addi %add3A_909, %add3A_911 : vector<16xi32>
      %gather3A_913 = tpu.vector_load_idx %arg11[%add3A_912] : memref<13376xf32, #tpu.memory_space<vmem>>[vector<16xi32>], vector<16xf32>,
      %add3A_914 = arith.addi %mul3A_601, %iota3A : vector<16xi32>
      %add3A_915 = arith.constant 32 : i32
      %add3A_916 = vector.broadcast %add3A_915 : i32 to vector<16xi32>
      %add3A_917 = arith.addi %add3A_914, %add3A_916 : vector<16xi32>
      %gather3A_918 = tpu.vector_load_idx %arg11[%add3A_917] : memref<13376xf32, #tpu.memory_space<vmem>>[vector<16xi32>], vector<16xf32>,
      %add3A_919 = arith.addi %mul3A_601, %iota3A : vector<16xi32>
      %add3A_920 = arith.constant 48 : i32
      %add3A_921 = vector.broadcast %add3A_920 : i32 to vector<16xi32>
      %add3A_922 = arith.addi %add3A_919, %add3A_921 : vector<16xi32>
      %gather3A_923 = tpu.vector_load_idx %arg11[%add3A_922] : memref<13376xf32, #tpu.memory_space<vmem>>[vector<16xi32>], vector<16xf32>,
      %add3A_924 = arith.addi %mul3A_610, %iota3A : vector<16xi32>
      %add3A_925 = arith.constant 0 : i32
      %add3A_926 = vector.broadcast %add3A_925 : i32 to vector<16xi32>
      %add3A_927 = arith.addi %add3A_924, %add3A_926 : vector<16xi32>
      %gather3A_928 = tpu.vector_load_idx %arg11[%add3A_927] : memref<13376xf32, #tpu.memory_space<vmem>>[vector<16xi32>], vector<16xf32>,
      %add3A_929 = arith.addi %mul3A_610, %iota3A : vector<16xi32>
      %add3A_930 = arith.constant 16 : i32
      %add3A_931 = vector.broadcast %add3A_930 : i32 to vector<16xi32>
      %add3A_932 = arith.addi %add3A_929, %add3A_931 : vector<16xi32>
      %gather3A_933 = tpu.vector_load_idx %arg11[%add3A_932] : memref<13376xf32, #tpu.memory_space<vmem>>[vector<16xi32>], vector<16xf32>,
      %add3A_934 = arith.addi %mul3A_610, %iota3A : vector<16xi32>
      %add3A_935 = arith.constant 32 : i32
      %add3A_936 = vector.broadcast %add3A_935 : i32 to vector<16xi32>
      %add3A_937 = arith.addi %add3A_934, %add3A_936 : vector<16xi32>
      %gather3A_938 = tpu.vector_load_idx %arg11[%add3A_937] : memref<13376xf32, #tpu.memory_space<vmem>>[vector<16xi32>], vector<16xf32>,
      %add3A_939 = arith.addi %mul3A_610, %iota3A : vector<16xi32>
      %add3A_940 = arith.constant 48 : i32
      %add3A_941 = vector.broadcast %add3A_940 : i32 to vector<16xi32>
      %add3A_942 = arith.addi %add3A_939, %add3A_941 : vector<16xi32>
      %gather3A_943 = tpu.vector_load_idx %arg11[%add3A_942] : memref<13376xf32, #tpu.memory_space<vmem>>[vector<16xi32>], vector<16xf32>,
      %add3A_944 = arith.addi %mul3A_619, %iota3A : vector<16xi32>
      %add3A_945 = arith.constant 0 : i32
      %add3A_946 = vector.broadcast %add3A_945 : i32 to vector<16xi32>
      %add3A_947 = arith.addi %add3A_944, %add3A_946 : vector<16xi32>
      %gather3A_948 = tpu.vector_load_idx %arg11[%add3A_947] : memref<13376xf32, #tpu.memory_space<vmem>>[vector<16xi32>], vector<16xf32>,
      %add3A_949 = arith.addi %mul3A_619, %iota3A : vector<16xi32>
      %add3A_950 = arith.constant 16 : i32
      %add3A_951 = vector.broadcast %add3A_950 : i32 to vector<16xi32>
      %add3A_952 = arith.addi %add3A_949, %add3A_951 : vector<16xi32>
      %gather3A_953 = tpu.vector_load_idx %arg11[%add3A_952] : memref<13376xf32, #tpu.memory_space<vmem>>[vector<16xi32>], vector<16xf32>,
      %add3A_954 = arith.addi %mul3A_619, %iota3A : vector<16xi32>
      %add3A_955 = arith.constant 32 : i32
      %add3A_956 = vector.broadcast %add3A_955 : i32 to vector<16xi32>
      %add3A_957 = arith.addi %add3A_954, %add3A_956 : vector<16xi32>
      %gather3A_958 = tpu.vector_load_idx %arg11[%add3A_957] : memref<13376xf32, #tpu.memory_space<vmem>>[vector<16xi32>], vector<16xf32>,
      %add3A_959 = arith.addi %mul3A_619, %iota3A : vector<16xi32>
      %add3A_960 = arith.constant 48 : i32
      %add3A_961 = vector.broadcast %add3A_960 : i32 to vector<16xi32>
      %add3A_962 = arith.addi %add3A_959, %add3A_961 : vector<16xi32>
      %gather3A_963 = tpu.vector_load_idx %arg11[%add3A_962] : memref<13376xf32, #tpu.memory_space<vmem>>[vector<16xi32>], vector<16xf32>,
      %add3A_964 = arith.addi %mul3A_628, %iota3A : vector<16xi32>
      %add3A_965 = arith.constant 0 : i32
      %add3A_966 = vector.broadcast %add3A_965 : i32 to vector<16xi32>
      %add3A_967 = arith.addi %add3A_964, %add3A_966 : vector<16xi32>
      %gather3A_968 = tpu.vector_load_idx %arg11[%add3A_967] : memref<13376xf32, #tpu.memory_space<vmem>>[vector<16xi32>], vector<16xf32>,
      %add3A_969 = arith.addi %mul3A_628, %iota3A : vector<16xi32>
      %add3A_970 = arith.constant 16 : i32
      %add3A_971 = vector.broadcast %add3A_970 : i32 to vector<16xi32>
      %add3A_972 = arith.addi %add3A_969, %add3A_971 : vector<16xi32>
      %gather3A_973 = tpu.vector_load_idx %arg11[%add3A_972] : memref<13376xf32, #tpu.memory_space<vmem>>[vector<16xi32>], vector<16xf32>,
      %add3A_974 = arith.addi %mul3A_628, %iota3A : vector<16xi32>
      %add3A_975 = arith.constant 32 : i32
      %add3A_976 = vector.broadcast %add3A_975 : i32 to vector<16xi32>
      %add3A_977 = arith.addi %add3A_974, %add3A_976 : vector<16xi32>
      %gather3A_978 = tpu.vector_load_idx %arg11[%add3A_977] : memref<13376xf32, #tpu.memory_space<vmem>>[vector<16xi32>], vector<16xf32>,
      %add3A_979 = arith.addi %mul3A_628, %iota3A : vector<16xi32>
      %add3A_980 = arith.constant 48 : i32
      %add3A_981 = vector.broadcast %add3A_980 : i32 to vector<16xi32>
      %add3A_982 = arith.addi %add3A_979, %add3A_981 : vector<16xi32>
      %gather3A_983 = tpu.vector_load_idx %arg11[%add3A_982] : memref<13376xf32, #tpu.memory_space<vmem>>[vector<16xi32>], vector<16xf32>,
      %add3A_984 = arith.addi %mul3A_637, %iota3A : vector<16xi32>
      %add3A_985 = arith.constant 0 : i32
      %add3A_986 = vector.broadcast %add3A_985 : i32 to vector<16xi32>
      %add3A_987 = arith.addi %add3A_984, %add3A_986 : vector<16xi32>
      %gather3A_988 = tpu.vector_load_idx %arg11[%add3A_987] : memref<13376xf32, #tpu.memory_space<vmem>>[vector<16xi32>], vector<16xf32>,
      %add3A_989 = arith.addi %mul3A_637, %iota3A : vector<16xi32>
      %add3A_990 = arith.constant 16 : i32
      %add3A_991 = vector.broadcast %add3A_990 : i32 to vector<16xi32>
      %add3A_992 = arith.addi %add3A_989, %add3A_991 : vector<16xi32>
      %gather3A_993 = tpu.vector_load_idx %arg11[%add3A_992] : memref<13376xf32, #tpu.memory_space<vmem>>[vector<16xi32>], vector<16xf32>,
      %add3A_994 = arith.addi %mul3A_637, %iota3A : vector<16xi32>
      %add3A_995 = arith.constant 32 : i32
      %add3A_996 = vector.broadcast %add3A_995 : i32 to vector<16xi32>
      %add3A_997 = arith.addi %add3A_994, %add3A_996 : vector<16xi32>
      %gather3A_998 = tpu.vector_load_idx %arg11[%add3A_997] : memref<13376xf32, #tpu.memory_space<vmem>>[vector<16xi32>], vector<16xf32>,
      %add3A_999 = arith.addi %mul3A_637, %iota3A : vector<16xi32>
      %add3A_1000 = arith.constant 48 : i32
      %add3A_1001 = vector.broadcast %add3A_1000 : i32 to vector<16xi32>
      %add3A_1002 = arith.addi %add3A_999, %add3A_1001 : vector<16xi32>
      %gather3A_1003 = tpu.vector_load_idx %arg11[%add3A_1002] : memref<13376xf32, #tpu.memory_space<vmem>>[vector<16xi32>], vector<16xf32>,
      %add3A_1004 = arith.addi %mul3A_646, %iota3A : vector<16xi32>
      %add3A_1005 = arith.constant 0 : i32
      %add3A_1006 = vector.broadcast %add3A_1005 : i32 to vector<16xi32>
      %add3A_1007 = arith.addi %add3A_1004, %add3A_1006 : vector<16xi32>
      %gather3A_1008 = tpu.vector_load_idx %arg11[%add3A_1007] : memref<13376xf32, #tpu.memory_space<vmem>>[vector<16xi32>], vector<16xf32>,
      %add3A_1009 = arith.addi %mul3A_646, %iota3A : vector<16xi32>
      %add3A_1010 = arith.constant 16 : i32
      %add3A_1011 = vector.broadcast %add3A_1010 : i32 to vector<16xi32>
      %add3A_1012 = arith.addi %add3A_1009, %add3A_1011 : vector<16xi32>
      %gather3A_1013 = tpu.vector_load_idx %arg11[%add3A_1012] : memref<13376xf32, #tpu.memory_space<vmem>>[vector<16xi32>], vector<16xf32>,
      %add3A_1014 = arith.addi %mul3A_646, %iota3A : vector<16xi32>
      %add3A_1015 = arith.constant 32 : i32
      %add3A_1016 = vector.broadcast %add3A_1015 : i32 to vector<16xi32>
      %add3A_1017 = arith.addi %add3A_1014, %add3A_1016 : vector<16xi32>
      %gather3A_1018 = tpu.vector_load_idx %arg11[%add3A_1017] : memref<13376xf32, #tpu.memory_space<vmem>>[vector<16xi32>], vector<16xf32>,
      %add3A_1019 = arith.addi %mul3A_646, %iota3A : vector<16xi32>
      %add3A_1020 = arith.constant 48 : i32
      %add3A_1021 = vector.broadcast %add3A_1020 : i32 to vector<16xi32>
      %add3A_1022 = arith.addi %add3A_1019, %add3A_1021 : vector<16xi32>
      %gather3A_1023 = tpu.vector_load_idx %arg11[%add3A_1022] : memref<13376xf32, #tpu.memory_space<vmem>>[vector<16xi32>], vector<16xf32>,
      %add3A_1024 = arith.addi %mul3A_655, %iota3A : vector<16xi32>
      %add3A_1025 = arith.constant 0 : i32
      %add3A_1026 = vector.broadcast %add3A_1025 : i32 to vector<16xi32>
      %add3A_1027 = arith.addi %add3A_1024, %add3A_1026 : vector<16xi32>
      %gather3A_1028 = tpu.vector_load_idx %arg11[%add3A_1027] : memref<13376xf32, #tpu.memory_space<vmem>>[vector<16xi32>], vector<16xf32>,
      %add3A_1029 = arith.addi %mul3A_655, %iota3A : vector<16xi32>
      %add3A_1030 = arith.constant 16 : i32
      %add3A_1031 = vector.broadcast %add3A_1030 : i32 to vector<16xi32>
      %add3A_1032 = arith.addi %add3A_1029, %add3A_1031 : vector<16xi32>
      %gather3A_1033 = tpu.vector_load_idx %arg11[%add3A_1032] : memref<13376xf32, #tpu.memory_space<vmem>>[vector<16xi32>], vector<16xf32>,
      %add3A_1034 = arith.addi %mul3A_655, %iota3A : vector<16xi32>
      %add3A_1035 = arith.constant 32 : i32
      %add3A_1036 = vector.broadcast %add3A_1035 : i32 to vector<16xi32>
      %add3A_1037 = arith.addi %add3A_1034, %add3A_1036 : vector<16xi32>
      %gather3A_1038 = tpu.vector_load_idx %arg11[%add3A_1037] : memref<13376xf32, #tpu.memory_space<vmem>>[vector<16xi32>], vector<16xf32>,
      %add3A_1039 = arith.addi %mul3A_655, %iota3A : vector<16xi32>
      %add3A_1040 = arith.constant 48 : i32
      %add3A_1041 = vector.broadcast %add3A_1040 : i32 to vector<16xi32>
      %add3A_1042 = arith.addi %add3A_1039, %add3A_1041 : vector<16xi32>
      %gather3A_1043 = tpu.vector_load_idx %arg11[%add3A_1042] : memref<13376xf32, #tpu.memory_space<vmem>>[vector<16xi32>], vector<16xf32>,
      %add3A_1044 = arith.addi %mul3A_664, %iota3A : vector<16xi32>
      %add3A_1045 = arith.constant 0 : i32
      %add3A_1046 = vector.broadcast %add3A_1045 : i32 to vector<16xi32>
      %add3A_1047 = arith.addi %add3A_1044, %add3A_1046 : vector<16xi32>
      %gather3A_1048 = tpu.vector_load_idx %arg11[%add3A_1047] : memref<13376xf32, #tpu.memory_space<vmem>>[vector<16xi32>], vector<16xf32>,
      %add3A_1049 = arith.addi %mul3A_664, %iota3A : vector<16xi32>
      %add3A_1050 = arith.constant 16 : i32
      %add3A_1051 = vector.broadcast %add3A_1050 : i32 to vector<16xi32>
      %add3A_1052 = arith.addi %add3A_1049, %add3A_1051 : vector<16xi32>
      %gather3A_1053 = tpu.vector_load_idx %arg11[%add3A_1052] : memref<13376xf32, #tpu.memory_space<vmem>>[vector<16xi32>], vector<16xf32>,
      %add3A_1054 = arith.addi %mul3A_664, %iota3A : vector<16xi32>
      %add3A_1055 = arith.constant 32 : i32
      %add3A_1056 = vector.broadcast %add3A_1055 : i32 to vector<16xi32>
      %add3A_1057 = arith.addi %add3A_1054, %add3A_1056 : vector<16xi32>
      %gather3A_1058 = tpu.vector_load_idx %arg11[%add3A_1057] : memref<13376xf32, #tpu.memory_space<vmem>>[vector<16xi32>], vector<16xf32>,
      %add3A_1059 = arith.addi %mul3A_664, %iota3A : vector<16xi32>
      %add3A_1060 = arith.constant 48 : i32
      %add3A_1061 = vector.broadcast %add3A_1060 : i32 to vector<16xi32>
      %add3A_1062 = arith.addi %add3A_1059, %add3A_1061 : vector<16xi32>
      %gather3A_1063 = tpu.vector_load_idx %arg11[%add3A_1062] : memref<13376xf32, #tpu.memory_space<vmem>>[vector<16xi32>], vector<16xf32>,
      %add3A_1064 = arith.addi %mul3A_673, %iota3A : vector<16xi32>
      %add3A_1065 = arith.constant 0 : i32
      %add3A_1066 = vector.broadcast %add3A_1065 : i32 to vector<16xi32>
      %add3A_1067 = arith.addi %add3A_1064, %add3A_1066 : vector<16xi32>
      %gather3A_1068 = tpu.vector_load_idx %arg11[%add3A_1067] : memref<13376xf32, #tpu.memory_space<vmem>>[vector<16xi32>], vector<16xf32>,
      %add3A_1069 = arith.addi %mul3A_673, %iota3A : vector<16xi32>
      %add3A_1070 = arith.constant 16 : i32
      %add3A_1071 = vector.broadcast %add3A_1070 : i32 to vector<16xi32>
      %add3A_1072 = arith.addi %add3A_1069, %add3A_1071 : vector<16xi32>
      %gather3A_1073 = tpu.vector_load_idx %arg11[%add3A_1072] : memref<13376xf32, #tpu.memory_space<vmem>>[vector<16xi32>], vector<16xf32>,
      %add3A_1074 = arith.addi %mul3A_673, %iota3A : vector<16xi32>
      %add3A_1075 = arith.constant 32 : i32
      %add3A_1076 = vector.broadcast %add3A_1075 : i32 to vector<16xi32>
      %add3A_1077 = arith.addi %add3A_1074, %add3A_1076 : vector<16xi32>
      %gather3A_1078 = tpu.vector_load_idx %arg11[%add3A_1077] : memref<13376xf32, #tpu.memory_space<vmem>>[vector<16xi32>], vector<16xf32>,
      %add3A_1079 = arith.addi %mul3A_673, %iota3A : vector<16xi32>
      %add3A_1080 = arith.constant 48 : i32
      %add3A_1081 = vector.broadcast %add3A_1080 : i32 to vector<16xi32>
      %add3A_1082 = arith.addi %add3A_1079, %add3A_1081 : vector<16xi32>
      %gather3A_1083 = tpu.vector_load_idx %arg11[%add3A_1082] : memref<13376xf32, #tpu.memory_space<vmem>>[vector<16xi32>], vector<16xf32>,
      %add3A_1084 = arith.addi %mul3A_682, %iota3A : vector<16xi32>
      %add3A_1085 = arith.constant 0 : i32
      %add3A_1086 = vector.broadcast %add3A_1085 : i32 to vector<16xi32>
      %add3A_1087 = arith.addi %add3A_1084, %add3A_1086 : vector<16xi32>
      %gather3A_1088 = tpu.vector_load_idx %arg11[%add3A_1087] : memref<13376xf32, #tpu.memory_space<vmem>>[vector<16xi32>], vector<16xf32>,
      %add3A_1089 = arith.addi %mul3A_682, %iota3A : vector<16xi32>
      %add3A_1090 = arith.constant 16 : i32
      %add3A_1091 = vector.broadcast %add3A_1090 : i32 to vector<16xi32>
      %add3A_1092 = arith.addi %add3A_1089, %add3A_1091 : vector<16xi32>
      %gather3A_1093 = tpu.vector_load_idx %arg11[%add3A_1092] : memref<13376xf32, #tpu.memory_space<vmem>>[vector<16xi32>], vector<16xf32>,
      %add3A_1094 = arith.addi %mul3A_682, %iota3A : vector<16xi32>
      %add3A_1095 = arith.constant 32 : i32
      %add3A_1096 = vector.broadcast %add3A_1095 : i32 to vector<16xi32>
      %add3A_1097 = arith.addi %add3A_1094, %add3A_1096 : vector<16xi32>
      %gather3A_1098 = tpu.vector_load_idx %arg11[%add3A_1097] : memref<13376xf32, #tpu.memory_space<vmem>>[vector<16xi32>], vector<16xf32>,
      %add3A_1099 = arith.addi %mul3A_682, %iota3A : vector<16xi32>
      %add3A_1100 = arith.constant 48 : i32
      %add3A_1101 = vector.broadcast %add3A_1100 : i32 to vector<16xi32>
      %add3A_1102 = arith.addi %add3A_1099, %add3A_1101 : vector<16xi32>
      %gather3A_1103 = tpu.vector_load_idx %arg11[%add3A_1102] : memref<13376xf32, #tpu.memory_space<vmem>>[vector<16xi32>], vector<16xf32>,
      %add3A_1104 = arith.addi %mul3A_691, %iota3A : vector<16xi32>
      %add3A_1105 = arith.constant 0 : i32
      %add3A_1106 = vector.broadcast %add3A_1105 : i32 to vector<16xi32>
      %add3A_1107 = arith.addi %add3A_1104, %add3A_1106 : vector<16xi32>
      %gather3A_1108 = tpu.vector_load_idx %arg11[%add3A_1107] : memref<13376xf32, #tpu.memory_space<vmem>>[vector<16xi32>], vector<16xf32>,
      %add3A_1109 = arith.addi %mul3A_691, %iota3A : vector<16xi32>
      %add3A_1110 = arith.constant 16 : i32
      %add3A_1111 = vector.broadcast %add3A_1110 : i32 to vector<16xi32>
      %add3A_1112 = arith.addi %add3A_1109, %add3A_1111 : vector<16xi32>
      %gather3A_1113 = tpu.vector_load_idx %arg11[%add3A_1112] : memref<13376xf32, #tpu.memory_space<vmem>>[vector<16xi32>], vector<16xf32>,
      %add3A_1114 = arith.addi %mul3A_691, %iota3A : vector<16xi32>
      %add3A_1115 = arith.constant 32 : i32
      %add3A_1116 = vector.broadcast %add3A_1115 : i32 to vector<16xi32>
      %add3A_1117 = arith.addi %add3A_1114, %add3A_1116 : vector<16xi32>
      %gather3A_1118 = tpu.vector_load_idx %arg11[%add3A_1117] : memref<13376xf32, #tpu.memory_space<vmem>>[vector<16xi32>], vector<16xf32>,
      %add3A_1119 = arith.addi %mul3A_691, %iota3A : vector<16xi32>
      %add3A_1120 = arith.constant 48 : i32
      %add3A_1121 = vector.broadcast %add3A_1120 : i32 to vector<16xi32>
      %add3A_1122 = arith.addi %add3A_1119, %add3A_1121 : vector<16xi32>
      %gather3A_1123 = tpu.vector_load_idx %arg11[%add3A_1122] : memref<13376xf32, #tpu.memory_space<vmem>>[vector<16xi32>], vector<16xf32>,
      %add3A_1124 = arith.addi %mul3A_700, %iota3A : vector<16xi32>
      %add3A_1125 = arith.constant 0 : i32
      %add3A_1126 = vector.broadcast %add3A_1125 : i32 to vector<16xi32>
      %add3A_1127 = arith.addi %add3A_1124, %add3A_1126 : vector<16xi32>
      %gather3A_1128 = tpu.vector_load_idx %arg11[%add3A_1127] : memref<13376xf32, #tpu.memory_space<vmem>>[vector<16xi32>], vector<16xf32>,
      %add3A_1129 = arith.addi %mul3A_700, %iota3A : vector<16xi32>
      %add3A_1130 = arith.constant 16 : i32
      %add3A_1131 = vector.broadcast %add3A_1130 : i32 to vector<16xi32>
      %add3A_1132 = arith.addi %add3A_1129, %add3A_1131 : vector<16xi32>
      %gather3A_1133 = tpu.vector_load_idx %arg11[%add3A_1132] : memref<13376xf32, #tpu.memory_space<vmem>>[vector<16xi32>], vector<16xf32>,
      %add3A_1134 = arith.addi %mul3A_700, %iota3A : vector<16xi32>
      %add3A_1135 = arith.constant 32 : i32
      %add3A_1136 = vector.broadcast %add3A_1135 : i32 to vector<16xi32>
      %add3A_1137 = arith.addi %add3A_1134, %add3A_1136 : vector<16xi32>
      %gather3A_1138 = tpu.vector_load_idx %arg11[%add3A_1137] : memref<13376xf32, #tpu.memory_space<vmem>>[vector<16xi32>], vector<16xf32>,
      %add3A_1139 = arith.addi %mul3A_700, %iota3A : vector<16xi32>
      %add3A_1140 = arith.constant 48 : i32
      %add3A_1141 = vector.broadcast %add3A_1140 : i32 to vector<16xi32>
      %add3A_1142 = arith.addi %add3A_1139, %add3A_1141 : vector<16xi32>
      %gather3A_1143 = tpu.vector_load_idx %arg11[%add3A_1142] : memref<13376xf32, #tpu.memory_space<vmem>>[vector<16xi32>], vector<16xf32>,
      %add3A_1144 = arith.addi %mul3A_709, %iota3A : vector<16xi32>
      %add3A_1145 = arith.constant 0 : i32
      %add3A_1146 = vector.broadcast %add3A_1145 : i32 to vector<16xi32>
      %add3A_1147 = arith.addi %add3A_1144, %add3A_1146 : vector<16xi32>
      %gather3A_1148 = tpu.vector_load_idx %arg11[%add3A_1147] : memref<13376xf32, #tpu.memory_space<vmem>>[vector<16xi32>], vector<16xf32>,
      %add3A_1149 = arith.addi %mul3A_709, %iota3A : vector<16xi32>
      %add3A_1150 = arith.constant 16 : i32
      %add3A_1151 = vector.broadcast %add3A_1150 : i32 to vector<16xi32>
      %add3A_1152 = arith.addi %add3A_1149, %add3A_1151 : vector<16xi32>
      %gather3A_1153 = tpu.vector_load_idx %arg11[%add3A_1152] : memref<13376xf32, #tpu.memory_space<vmem>>[vector<16xi32>], vector<16xf32>,
      %add3A_1154 = arith.addi %mul3A_709, %iota3A : vector<16xi32>
      %add3A_1155 = arith.constant 32 : i32
      %add3A_1156 = vector.broadcast %add3A_1155 : i32 to vector<16xi32>
      %add3A_1157 = arith.addi %add3A_1154, %add3A_1156 : vector<16xi32>
      %gather3A_1158 = tpu.vector_load_idx %arg11[%add3A_1157] : memref<13376xf32, #tpu.memory_space<vmem>>[vector<16xi32>], vector<16xf32>,
      %add3A_1159 = arith.addi %mul3A_709, %iota3A : vector<16xi32>
      %add3A_1160 = arith.constant 48 : i32
      %add3A_1161 = vector.broadcast %add3A_1160 : i32 to vector<16xi32>
      %add3A_1162 = arith.addi %add3A_1159, %add3A_1161 : vector<16xi32>
      %gather3A_1163 = tpu.vector_load_idx %arg11[%add3A_1162] : memref<13376xf32, #tpu.memory_space<vmem>>[vector<16xi32>], vector<16xf32>,
      %add3A_1164 = arith.addi %mul3A_718, %iota3A : vector<16xi32>
      %add3A_1165 = arith.constant 0 : i32
      %add3A_1166 = vector.broadcast %add3A_1165 : i32 to vector<16xi32>
      %add3A_1167 = arith.addi %add3A_1164, %add3A_1166 : vector<16xi32>
      %gather3A_1168 = tpu.vector_load_idx %arg11[%add3A_1167] : memref<13376xf32, #tpu.memory_space<vmem>>[vector<16xi32>], vector<16xf32>,
      %add3A_1169 = arith.addi %mul3A_718, %iota3A : vector<16xi32>
      %add3A_1170 = arith.constant 16 : i32
      %add3A_1171 = vector.broadcast %add3A_1170 : i32 to vector<16xi32>
      %add3A_1172 = arith.addi %add3A_1169, %add3A_1171 : vector<16xi32>
      %gather3A_1173 = tpu.vector_load_idx %arg11[%add3A_1172] : memref<13376xf32, #tpu.memory_space<vmem>>[vector<16xi32>], vector<16xf32>,
      %add3A_1174 = arith.addi %mul3A_718, %iota3A : vector<16xi32>
      %add3A_1175 = arith.constant 32 : i32
      %add3A_1176 = vector.broadcast %add3A_1175 : i32 to vector<16xi32>
      %add3A_1177 = arith.addi %add3A_1174, %add3A_1176 : vector<16xi32>
      %gather3A_1178 = tpu.vector_load_idx %arg11[%add3A_1177] : memref<13376xf32, #tpu.memory_space<vmem>>[vector<16xi32>], vector<16xf32>,
      %add3A_1179 = arith.addi %mul3A_718, %iota3A : vector<16xi32>
      %add3A_1180 = arith.constant 48 : i32
      %add3A_1181 = vector.broadcast %add3A_1180 : i32 to vector<16xi32>
      %add3A_1182 = arith.addi %add3A_1179, %add3A_1181 : vector<16xi32>
      %gather3A_1183 = tpu.vector_load_idx %arg11[%add3A_1182] : memref<13376xf32, #tpu.memory_space<vmem>>[vector<16xi32>], vector<16xf32>,
      %add3A_1184 = arith.addi %mul3A_727, %iota3A : vector<16xi32>
      %add3A_1185 = arith.constant 0 : i32
      %add3A_1186 = vector.broadcast %add3A_1185 : i32 to vector<16xi32>
      %add3A_1187 = arith.addi %add3A_1184, %add3A_1186 : vector<16xi32>
      %gather3A_1188 = tpu.vector_load_idx %arg11[%add3A_1187] : memref<13376xf32, #tpu.memory_space<vmem>>[vector<16xi32>], vector<16xf32>,
      %add3A_1189 = arith.addi %mul3A_727, %iota3A : vector<16xi32>
      %add3A_1190 = arith.constant 16 : i32
      %add3A_1191 = vector.broadcast %add3A_1190 : i32 to vector<16xi32>
      %add3A_1192 = arith.addi %add3A_1189, %add3A_1191 : vector<16xi32>
      %gather3A_1193 = tpu.vector_load_idx %arg11[%add3A_1192] : memref<13376xf32, #tpu.memory_space<vmem>>[vector<16xi32>], vector<16xf32>,
      %add3A_1194 = arith.addi %mul3A_727, %iota3A : vector<16xi32>
      %add3A_1195 = arith.constant 32 : i32
      %add3A_1196 = vector.broadcast %add3A_1195 : i32 to vector<16xi32>
      %add3A_1197 = arith.addi %add3A_1194, %add3A_1196 : vector<16xi32>
      %gather3A_1198 = tpu.vector_load_idx %arg11[%add3A_1197] : memref<13376xf32, #tpu.memory_space<vmem>>[vector<16xi32>], vector<16xf32>,
      %add3A_1199 = arith.addi %mul3A_727, %iota3A : vector<16xi32>
      %add3A_1200 = arith.constant 48 : i32
      %add3A_1201 = vector.broadcast %add3A_1200 : i32 to vector<16xi32>
      %add3A_1202 = arith.addi %add3A_1199, %add3A_1201 : vector<16xi32>
      %gather3A_1203 = tpu.vector_load_idx %arg11[%add3A_1202] : memref<13376xf32, #tpu.memory_space<vmem>>[vector<16xi32>], vector<16xf32>,
      %add3A_1204 = arith.addi %mul3A_736, %iota3A : vector<16xi32>
      %add3A_1205 = arith.constant 0 : i32
      %add3A_1206 = vector.broadcast %add3A_1205 : i32 to vector<16xi32>
      %add3A_1207 = arith.addi %add3A_1204, %add3A_1206 : vector<16xi32>
      %gather3A_1208 = tpu.vector_load_idx %arg11[%add3A_1207] : memref<13376xf32, #tpu.memory_space<vmem>>[vector<16xi32>], vector<16xf32>,
      %add3A_1209 = arith.addi %mul3A_736, %iota3A : vector<16xi32>
      %add3A_1210 = arith.constant 16 : i32
      %add3A_1211 = vector.broadcast %add3A_1210 : i32 to vector<16xi32>
      %add3A_1212 = arith.addi %add3A_1209, %add3A_1211 : vector<16xi32>
      %gather3A_1213 = tpu.vector_load_idx %arg11[%add3A_1212] : memref<13376xf32, #tpu.memory_space<vmem>>[vector<16xi32>], vector<16xf32>,
      %add3A_1214 = arith.addi %mul3A_736, %iota3A : vector<16xi32>
      %add3A_1215 = arith.constant 32 : i32
      %add3A_1216 = vector.broadcast %add3A_1215 : i32 to vector<16xi32>
      %add3A_1217 = arith.addi %add3A_1214, %add3A_1216 : vector<16xi32>
      %gather3A_1218 = tpu.vector_load_idx %arg11[%add3A_1217] : memref<13376xf32, #tpu.memory_space<vmem>>[vector<16xi32>], vector<16xf32>,
      %add3A_1219 = arith.addi %mul3A_736, %iota3A : vector<16xi32>
      %add3A_1220 = arith.constant 48 : i32
      %add3A_1221 = vector.broadcast %add3A_1220 : i32 to vector<16xi32>
      %add3A_1222 = arith.addi %add3A_1219, %add3A_1221 : vector<16xi32>
      %gather3A_1223 = tpu.vector_load_idx %arg11[%add3A_1222] : memref<13376xf32, #tpu.memory_space<vmem>>[vector<16xi32>], vector<16xf32>,
      %add3A_1224 = arith.addi %mul3A_745, %iota3A : vector<16xi32>
      %add3A_1225 = arith.constant 0 : i32
      %add3A_1226 = vector.broadcast %add3A_1225 : i32 to vector<16xi32>
      %add3A_1227 = arith.addi %add3A_1224, %add3A_1226 : vector<16xi32>
      %gather3A_1228 = tpu.vector_load_idx %arg11[%add3A_1227] : memref<13376xf32, #tpu.memory_space<vmem>>[vector<16xi32>], vector<16xf32>,
      %add3A_1229 = arith.addi %mul3A_745, %iota3A : vector<16xi32>
      %add3A_1230 = arith.constant 16 : i32
      %add3A_1231 = vector.broadcast %add3A_1230 : i32 to vector<16xi32>
      %add3A_1232 = arith.addi %add3A_1229, %add3A_1231 : vector<16xi32>
      %gather3A_1233 = tpu.vector_load_idx %arg11[%add3A_1232] : memref<13376xf32, #tpu.memory_space<vmem>>[vector<16xi32>], vector<16xf32>,
      %add3A_1234 = arith.addi %mul3A_745, %iota3A : vector<16xi32>
      %add3A_1235 = arith.constant 32 : i32
      %add3A_1236 = vector.broadcast %add3A_1235 : i32 to vector<16xi32>
      %add3A_1237 = arith.addi %add3A_1234, %add3A_1236 : vector<16xi32>
      %gather3A_1238 = tpu.vector_load_idx %arg11[%add3A_1237] : memref<13376xf32, #tpu.memory_space<vmem>>[vector<16xi32>], vector<16xf32>,
      %add3A_1239 = arith.addi %mul3A_745, %iota3A : vector<16xi32>
      %add3A_1240 = arith.constant 48 : i32
      %add3A_1241 = vector.broadcast %add3A_1240 : i32 to vector<16xi32>
      %add3A_1242 = arith.addi %add3A_1239, %add3A_1241 : vector<16xi32>
      %gather3A_1243 = tpu.vector_load_idx %arg11[%add3A_1242] : memref<13376xf32, #tpu.memory_space<vmem>>[vector<16xi32>], vector<16xf32>,
      %add3A_1244 = arith.addi %mul3A_754, %iota3A : vector<16xi32>
      %add3A_1245 = arith.constant 0 : i32
      %add3A_1246 = vector.broadcast %add3A_1245 : i32 to vector<16xi32>
      %add3A_1247 = arith.addi %add3A_1244, %add3A_1246 : vector<16xi32>
      %gather3A_1248 = tpu.vector_load_idx %arg11[%add3A_1247] : memref<13376xf32, #tpu.memory_space<vmem>>[vector<16xi32>], vector<16xf32>,
      %add3A_1249 = arith.addi %mul3A_754, %iota3A : vector<16xi32>
      %add3A_1250 = arith.constant 16 : i32
      %add3A_1251 = vector.broadcast %add3A_1250 : i32 to vector<16xi32>
      %add3A_1252 = arith.addi %add3A_1249, %add3A_1251 : vector<16xi32>
      %gather3A_1253 = tpu.vector_load_idx %arg11[%add3A_1252] : memref<13376xf32, #tpu.memory_space<vmem>>[vector<16xi32>], vector<16xf32>,
      %add3A_1254 = arith.addi %mul3A_754, %iota3A : vector<16xi32>
      %add3A_1255 = arith.constant 32 : i32
      %add3A_1256 = vector.broadcast %add3A_1255 : i32 to vector<16xi32>
      %add3A_1257 = arith.addi %add3A_1254, %add3A_1256 : vector<16xi32>
      %gather3A_1258 = tpu.vector_load_idx %arg11[%add3A_1257] : memref<13376xf32, #tpu.memory_space<vmem>>[vector<16xi32>], vector<16xf32>,
      %add3A_1259 = arith.addi %mul3A_754, %iota3A : vector<16xi32>
      %add3A_1260 = arith.constant 48 : i32
      %add3A_1261 = vector.broadcast %add3A_1260 : i32 to vector<16xi32>
      %add3A_1262 = arith.addi %add3A_1259, %add3A_1261 : vector<16xi32>
      %gather3A_1263 = tpu.vector_load_idx %arg11[%add3A_1262] : memref<13376xf32, #tpu.memory_space<vmem>>[vector<16xi32>], vector<16xf32>,
      %add3A_1264 = arith.addi %mul3A_763, %iota3A : vector<16xi32>
      %add3A_1265 = arith.constant 0 : i32
      %add3A_1266 = vector.broadcast %add3A_1265 : i32 to vector<16xi32>
      %add3A_1267 = arith.addi %add3A_1264, %add3A_1266 : vector<16xi32>
      %gather3A_1268 = tpu.vector_load_idx %arg11[%add3A_1267] : memref<13376xf32, #tpu.memory_space<vmem>>[vector<16xi32>], vector<16xf32>,
      %add3A_1269 = arith.addi %mul3A_763, %iota3A : vector<16xi32>
      %add3A_1270 = arith.constant 16 : i32
      %add3A_1271 = vector.broadcast %add3A_1270 : i32 to vector<16xi32>
      %add3A_1272 = arith.addi %add3A_1269, %add3A_1271 : vector<16xi32>
      %gather3A_1273 = tpu.vector_load_idx %arg11[%add3A_1272] : memref<13376xf32, #tpu.memory_space<vmem>>[vector<16xi32>], vector<16xf32>,
      %add3A_1274 = arith.addi %mul3A_763, %iota3A : vector<16xi32>
      %add3A_1275 = arith.constant 32 : i32
      %add3A_1276 = vector.broadcast %add3A_1275 : i32 to vector<16xi32>
      %add3A_1277 = arith.addi %add3A_1274, %add3A_1276 : vector<16xi32>
      %gather3A_1278 = tpu.vector_load_idx %arg11[%add3A_1277] : memref<13376xf32, #tpu.memory_space<vmem>>[vector<16xi32>], vector<16xf32>,
      %add3A_1279 = arith.addi %mul3A_763, %iota3A : vector<16xi32>
      %add3A_1280 = arith.constant 48 : i32
      %add3A_1281 = vector.broadcast %add3A_1280 : i32 to vector<16xi32>
      %add3A_1282 = arith.addi %add3A_1279, %add3A_1281 : vector<16xi32>
      %gather3A_1283 = tpu.vector_load_idx %arg11[%add3A_1282] : memref<13376xf32, #tpu.memory_space<vmem>>[vector<16xi32>], vector<16xf32>,
      %swap3A_1284 = arith.constant 0 : i32
      %swap3A_1285 = arith.index_cast %rem3A_470 : i32 to index
      %swap3A_1286 = arith.index_cast %swap3A_1284 : i32 to index
      %swap3A_1287 = arith.constant 0 : index
      %swap3A_1288 = tpu.vector_load %arg12[%swap3A_1285, %swap3A_1286, %swap3A_1287] {strides = array<i32>} : memref<2x26x64xf32, #tpu.memory_space<vmem>>, vector<16xf32>,
      tpu.vector_store %arg12[%swap3A_1285, %swap3A_1286, %swap3A_1287], %gather3A_768 {strides = array<i32>} : memref<2x26x64xf32, #tpu.memory_space<vmem>>, vector<16xf32>,
      %swap3A_1289 = arith.constant 0 : i32
      %swap3A_1290 = arith.index_cast %rem3A_470 : i32 to index
      %swap3A_1291 = arith.index_cast %swap3A_1289 : i32 to index
      %swap3A_1292 = arith.constant 16 : index
      %swap3A_1293 = tpu.vector_load %arg12[%swap3A_1290, %swap3A_1291, %swap3A_1292] {strides = array<i32>} : memref<2x26x64xf32, #tpu.memory_space<vmem>>, vector<16xf32>,
      tpu.vector_store %arg12[%swap3A_1290, %swap3A_1291, %swap3A_1292], %gather3A_773 {strides = array<i32>} : memref<2x26x64xf32, #tpu.memory_space<vmem>>, vector<16xf32>,
      %swap3A_1294 = arith.constant 0 : i32
      %swap3A_1295 = arith.index_cast %rem3A_470 : i32 to index
      %swap3A_1296 = arith.index_cast %swap3A_1294 : i32 to index
      %swap3A_1297 = arith.constant 32 : index
      %swap3A_1298 = tpu.vector_load %arg12[%swap3A_1295, %swap3A_1296, %swap3A_1297] {strides = array<i32>} : memref<2x26x64xf32, #tpu.memory_space<vmem>>, vector<16xf32>,
      tpu.vector_store %arg12[%swap3A_1295, %swap3A_1296, %swap3A_1297], %gather3A_778 {strides = array<i32>} : memref<2x26x64xf32, #tpu.memory_space<vmem>>, vector<16xf32>,
      %swap3A_1299 = arith.constant 0 : i32
      %swap3A_1300 = arith.index_cast %rem3A_470 : i32 to index
      %swap3A_1301 = arith.index_cast %swap3A_1299 : i32 to index
      %swap3A_1302 = arith.constant 48 : index
      %swap3A_1303 = tpu.vector_load %arg12[%swap3A_1300, %swap3A_1301, %swap3A_1302] {strides = array<i32>} : memref<2x26x64xf32, #tpu.memory_space<vmem>>, vector<16xf32>,
      tpu.vector_store %arg12[%swap3A_1300, %swap3A_1301, %swap3A_1302], %gather3A_783 {strides = array<i32>} : memref<2x26x64xf32, #tpu.memory_space<vmem>>, vector<16xf32>,
      %sub3A = arith.subf %gather3A_788, %gather3A_768 : vector<16xf32>
      %swap3A_1304 = arith.constant 1 : i32
      %swap3A_1305 = arith.index_cast %rem3A_470 : i32 to index
      %swap3A_1306 = arith.index_cast %swap3A_1304 : i32 to index
      %swap3A_1307 = arith.constant 0 : index
      %swap3A_1308 = tpu.vector_load %arg12[%swap3A_1305, %swap3A_1306, %swap3A_1307] {strides = array<i32>} : memref<2x26x64xf32, #tpu.memory_space<vmem>>, vector<16xf32>,
      tpu.vector_store %arg12[%swap3A_1305, %swap3A_1306, %swap3A_1307], %sub3A {strides = array<i32>} : memref<2x26x64xf32, #tpu.memory_space<vmem>>, vector<16xf32>,
      %sub3A_1309 = arith.subf %gather3A_793, %gather3A_773 : vector<16xf32>
      %swap3A_1310 = arith.constant 1 : i32
      %swap3A_1311 = arith.index_cast %rem3A_470 : i32 to index
      %swap3A_1312 = arith.index_cast %swap3A_1310 : i32 to index
      %swap3A_1313 = arith.constant 16 : index
      %swap3A_1314 = tpu.vector_load %arg12[%swap3A_1311, %swap3A_1312, %swap3A_1313] {strides = array<i32>} : memref<2x26x64xf32, #tpu.memory_space<vmem>>, vector<16xf32>,
      tpu.vector_store %arg12[%swap3A_1311, %swap3A_1312, %swap3A_1313], %sub3A_1309 {strides = array<i32>} : memref<2x26x64xf32, #tpu.memory_space<vmem>>, vector<16xf32>,
      %sub3A_1315 = arith.subf %gather3A_798, %gather3A_778 : vector<16xf32>
      %swap3A_1316 = arith.constant 1 : i32
      %swap3A_1317 = arith.index_cast %rem3A_470 : i32 to index
      %swap3A_1318 = arith.index_cast %swap3A_1316 : i32 to index
      %swap3A_1319 = arith.constant 32 : index
      %swap3A_1320 = tpu.vector_load %arg12[%swap3A_1317, %swap3A_1318, %swap3A_1319] {strides = array<i32>} : memref<2x26x64xf32, #tpu.memory_space<vmem>>, vector<16xf32>,
      tpu.vector_store %arg12[%swap3A_1317, %swap3A_1318, %swap3A_1319], %sub3A_1315 {strides = array<i32>} : memref<2x26x64xf32, #tpu.memory_space<vmem>>, vector<16xf32>,
      %sub3A_1321 = arith.subf %gather3A_803, %gather3A_783 : vector<16xf32>
      %swap3A_1322 = arith.constant 1 : i32
      %swap3A_1323 = arith.index_cast %rem3A_470 : i32 to index
      %swap3A_1324 = arith.index_cast %swap3A_1322 : i32 to index
      %swap3A_1325 = arith.constant 48 : index
      %swap3A_1326 = tpu.vector_load %arg12[%swap3A_1323, %swap3A_1324, %swap3A_1325] {strides = array<i32>} : memref<2x26x64xf32, #tpu.memory_space<vmem>>, vector<16xf32>,
      tpu.vector_store %arg12[%swap3A_1323, %swap3A_1324, %swap3A_1325], %sub3A_1321 {strides = array<i32>} : memref<2x26x64xf32, #tpu.memory_space<vmem>>, vector<16xf32>,
      %sub3A_1327 = arith.subf %gather3A_808, %gather3A_788 : vector<16xf32>
      %swap3A_1328 = arith.constant 2 : i32
      %swap3A_1329 = arith.index_cast %rem3A_470 : i32 to index
      %swap3A_1330 = arith.index_cast %swap3A_1328 : i32 to index
      %swap3A_1331 = arith.constant 0 : index
      %swap3A_1332 = tpu.vector_load %arg12[%swap3A_1329, %swap3A_1330, %swap3A_1331] {strides = array<i32>} : memref<2x26x64xf32, #tpu.memory_space<vmem>>, vector<16xf32>,
      tpu.vector_store %arg12[%swap3A_1329, %swap3A_1330, %swap3A_1331], %sub3A_1327 {strides = array<i32>} : memref<2x26x64xf32, #tpu.memory_space<vmem>>, vector<16xf32>,
      %sub3A_1333 = arith.subf %gather3A_813, %gather3A_793 : vector<16xf32>
      %swap3A_1334 = arith.constant 2 : i32
      %swap3A_1335 = arith.index_cast %rem3A_470 : i32 to index
      %swap3A_1336 = arith.index_cast %swap3A_1334 : i32 to index
      %swap3A_1337 = arith.constant 16 : index
      %swap3A_1338 = tpu.vector_load %arg12[%swap3A_1335, %swap3A_1336, %swap3A_1337] {strides = array<i32>} : memref<2x26x64xf32, #tpu.memory_space<vmem>>, vector<16xf32>,
      tpu.vector_store %arg12[%swap3A_1335, %swap3A_1336, %swap3A_1337], %sub3A_1333 {strides = array<i32>} : memref<2x26x64xf32, #tpu.memory_space<vmem>>, vector<16xf32>,
      %sub3A_1339 = arith.subf %gather3A_818, %gather3A_798 : vector<16xf32>
      %swap3A_1340 = arith.constant 2 : i32
      %swap3A_1341 = arith.index_cast %rem3A_470 : i32 to index
      %swap3A_1342 = arith.index_cast %swap3A_1340 : i32 to index
      %swap3A_1343 = arith.constant 32 : index
      %swap3A_1344 = tpu.vector_load %arg12[%swap3A_1341, %swap3A_1342, %swap3A_1343] {strides = array<i32>} : memref<2x26x64xf32, #tpu.memory_space<vmem>>, vector<16xf32>,
      tpu.vector_store %arg12[%swap3A_1341, %swap3A_1342, %swap3A_1343], %sub3A_1339 {strides = array<i32>} : memref<2x26x64xf32, #tpu.memory_space<vmem>>, vector<16xf32>,
      %sub3A_1345 = arith.subf %gather3A_823, %gather3A_803 : vector<16xf32>
      %swap3A_1346 = arith.constant 2 : i32
      %swap3A_1347 = arith.index_cast %rem3A_470 : i32 to index
      %swap3A_1348 = arith.index_cast %swap3A_1346 : i32 to index
      %swap3A_1349 = arith.constant 48 : index
      %swap3A_1350 = tpu.vector_load %arg12[%swap3A_1347, %swap3A_1348, %swap3A_1349] {strides = array<i32>} : memref<2x26x64xf32, #tpu.memory_space<vmem>>, vector<16xf32>,
      tpu.vector_store %arg12[%swap3A_1347, %swap3A_1348, %swap3A_1349], %sub3A_1345 {strides = array<i32>} : memref<2x26x64xf32, #tpu.memory_space<vmem>>, vector<16xf32>,
      %sub3A_1351 = arith.subf %gather3A_828, %gather3A_808 : vector<16xf32>
      %swap3A_1352 = arith.constant 3 : i32
      %swap3A_1353 = arith.index_cast %rem3A_470 : i32 to index
      %swap3A_1354 = arith.index_cast %swap3A_1352 : i32 to index
      %swap3A_1355 = arith.constant 0 : index
      %swap3A_1356 = tpu.vector_load %arg12[%swap3A_1353, %swap3A_1354, %swap3A_1355] {strides = array<i32>} : memref<2x26x64xf32, #tpu.memory_space<vmem>>, vector<16xf32>,
      tpu.vector_store %arg12[%swap3A_1353, %swap3A_1354, %swap3A_1355], %sub3A_1351 {strides = array<i32>} : memref<2x26x64xf32, #tpu.memory_space<vmem>>, vector<16xf32>,
      %sub3A_1357 = arith.subf %gather3A_833, %gather3A_813 : vector<16xf32>
      %swap3A_1358 = arith.constant 3 : i32
      %swap3A_1359 = arith.index_cast %rem3A_470 : i32 to index
      %swap3A_1360 = arith.index_cast %swap3A_1358 : i32 to index
      %swap3A_1361 = arith.constant 16 : index
      %swap3A_1362 = tpu.vector_load %arg12[%swap3A_1359, %swap3A_1360, %swap3A_1361] {strides = array<i32>} : memref<2x26x64xf32, #tpu.memory_space<vmem>>, vector<16xf32>,
      tpu.vector_store %arg12[%swap3A_1359, %swap3A_1360, %swap3A_1361], %sub3A_1357 {strides = array<i32>} : memref<2x26x64xf32, #tpu.memory_space<vmem>>, vector<16xf32>,
      %sub3A_1363 = arith.subf %gather3A_838, %gather3A_818 : vector<16xf32>
      %swap3A_1364 = arith.constant 3 : i32
      %swap3A_1365 = arith.index_cast %rem3A_470 : i32 to index
      %swap3A_1366 = arith.index_cast %swap3A_1364 : i32 to index
      %swap3A_1367 = arith.constant 32 : index
      %swap3A_1368 = tpu.vector_load %arg12[%swap3A_1365, %swap3A_1366, %swap3A_1367] {strides = array<i32>} : memref<2x26x64xf32, #tpu.memory_space<vmem>>, vector<16xf32>,
      tpu.vector_store %arg12[%swap3A_1365, %swap3A_1366, %swap3A_1367], %sub3A_1363 {strides = array<i32>} : memref<2x26x64xf32, #tpu.memory_space<vmem>>, vector<16xf32>,
      %sub3A_1369 = arith.subf %gather3A_843, %gather3A_823 : vector<16xf32>
      %swap3A_1370 = arith.constant 3 : i32
      %swap3A_1371 = arith.index_cast %rem3A_470 : i32 to index
      %swap3A_1372 = arith.index_cast %swap3A_1370 : i32 to index
      %swap3A_1373 = arith.constant 48 : index
      %swap3A_1374 = tpu.vector_load %arg12[%swap3A_1371, %swap3A_1372, %swap3A_1373] {strides = array<i32>} : memref<2x26x64xf32, #tpu.memory_space<vmem>>, vector<16xf32>,
      tpu.vector_store %arg12[%swap3A_1371, %swap3A_1372, %swap3A_1373], %sub3A_1369 {strides = array<i32>} : memref<2x26x64xf32, #tpu.memory_space<vmem>>, vector<16xf32>,
      %sub3A_1375 = arith.subf %gather3A_848, %gather3A_828 : vector<16xf32>
      %swap3A_1376 = arith.constant 4 : i32
      %swap3A_1377 = arith.index_cast %rem3A_470 : i32 to index
      %swap3A_1378 = arith.index_cast %swap3A_1376 : i32 to index
      %swap3A_1379 = arith.constant 0 : index
      %swap3A_1380 = tpu.vector_load %arg12[%swap3A_1377, %swap3A_1378, %swap3A_1379] {strides = array<i32>} : memref<2x26x64xf32, #tpu.memory_space<vmem>>, vector<16xf32>,
      tpu.vector_store %arg12[%swap3A_1377, %swap3A_1378, %swap3A_1379], %sub3A_1375 {strides = array<i32>} : memref<2x26x64xf32, #tpu.memory_space<vmem>>, vector<16xf32>,
      %sub3A_1381 = arith.subf %gather3A_853, %gather3A_833 : vector<16xf32>
      %swap3A_1382 = arith.constant 4 : i32
      %swap3A_1383 = arith.index_cast %rem3A_470 : i32 to index
      %swap3A_1384 = arith.index_cast %swap3A_1382 : i32 to index
      %swap3A_1385 = arith.constant 16 : index
      %swap3A_1386 = tpu.vector_load %arg12[%swap3A_1383, %swap3A_1384, %swap3A_1385] {strides = array<i32>} : memref<2x26x64xf32, #tpu.memory_space<vmem>>, vector<16xf32>,
      tpu.vector_store %arg12[%swap3A_1383, %swap3A_1384, %swap3A_1385], %sub3A_1381 {strides = array<i32>} : memref<2x26x64xf32, #tpu.memory_space<vmem>>, vector<16xf32>,
      %sub3A_1387 = arith.subf %gather3A_858, %gather3A_838 : vector<16xf32>
      %swap3A_1388 = arith.constant 4 : i32
      %swap3A_1389 = arith.index_cast %rem3A_470 : i32 to index
      %swap3A_1390 = arith.index_cast %swap3A_1388 : i32 to index
      %swap3A_1391 = arith.constant 32 : index
      %swap3A_1392 = tpu.vector_load %arg12[%swap3A_1389, %swap3A_1390, %swap3A_1391] {strides = array<i32>} : memref<2x26x64xf32, #tpu.memory_space<vmem>>, vector<16xf32>,
      tpu.vector_store %arg12[%swap3A_1389, %swap3A_1390, %swap3A_1391], %sub3A_1387 {strides = array<i32>} : memref<2x26x64xf32, #tpu.memory_space<vmem>>, vector<16xf32>,
      %sub3A_1393 = arith.subf %gather3A_863, %gather3A_843 : vector<16xf32>
      %swap3A_1394 = arith.constant 4 : i32
      %swap3A_1395 = arith.index_cast %rem3A_470 : i32 to index
      %swap3A_1396 = arith.index_cast %swap3A_1394 : i32 to index
      %swap3A_1397 = arith.constant 48 : index
      %swap3A_1398 = tpu.vector_load %arg12[%swap3A_1395, %swap3A_1396, %swap3A_1397] {strides = array<i32>} : memref<2x26x64xf32, #tpu.memory_space<vmem>>, vector<16xf32>,
      tpu.vector_store %arg12[%swap3A_1395, %swap3A_1396, %swap3A_1397], %sub3A_1393 {strides = array<i32>} : memref<2x26x64xf32, #tpu.memory_space<vmem>>, vector<16xf32>,
      %sub3A_1399 = arith.subf %gather3A_868, %gather3A_848 : vector<16xf32>
      %swap3A_1400 = arith.constant 5 : i32
      %swap3A_1401 = arith.index_cast %rem3A_470 : i32 to index
      %swap3A_1402 = arith.index_cast %swap3A_1400 : i32 to index
      %swap3A_1403 = arith.constant 0 : index
      %swap3A_1404 = tpu.vector_load %arg12[%swap3A_1401, %swap3A_1402, %swap3A_1403] {strides = array<i32>} : memref<2x26x64xf32, #tpu.memory_space<vmem>>, vector<16xf32>,
      tpu.vector_store %arg12[%swap3A_1401, %swap3A_1402, %swap3A_1403], %sub3A_1399 {strides = array<i32>} : memref<2x26x64xf32, #tpu.memory_space<vmem>>, vector<16xf32>,
      %sub3A_1405 = arith.subf %gather3A_873, %gather3A_853 : vector<16xf32>
      %swap3A_1406 = arith.constant 5 : i32
      %swap3A_1407 = arith.index_cast %rem3A_470 : i32 to index
      %swap3A_1408 = arith.index_cast %swap3A_1406 : i32 to index
      %swap3A_1409 = arith.constant 16 : index
      %swap3A_1410 = tpu.vector_load %arg12[%swap3A_1407, %swap3A_1408, %swap3A_1409] {strides = array<i32>} : memref<2x26x64xf32, #tpu.memory_space<vmem>>, vector<16xf32>,
      tpu.vector_store %arg12[%swap3A_1407, %swap3A_1408, %swap3A_1409], %sub3A_1405 {strides = array<i32>} : memref<2x26x64xf32, #tpu.memory_space<vmem>>, vector<16xf32>,
      %sub3A_1411 = arith.subf %gather3A_878, %gather3A_858 : vector<16xf32>
      %swap3A_1412 = arith.constant 5 : i32
      %swap3A_1413 = arith.index_cast %rem3A_470 : i32 to index
      %swap3A_1414 = arith.index_cast %swap3A_1412 : i32 to index
      %swap3A_1415 = arith.constant 32 : index
      %swap3A_1416 = tpu.vector_load %arg12[%swap3A_1413, %swap3A_1414, %swap3A_1415] {strides = array<i32>} : memref<2x26x64xf32, #tpu.memory_space<vmem>>, vector<16xf32>,
      tpu.vector_store %arg12[%swap3A_1413, %swap3A_1414, %swap3A_1415], %sub3A_1411 {strides = array<i32>} : memref<2x26x64xf32, #tpu.memory_space<vmem>>, vector<16xf32>,
      %sub3A_1417 = arith.subf %gather3A_883, %gather3A_863 : vector<16xf32>
      %swap3A_1418 = arith.constant 5 : i32
      %swap3A_1419 = arith.index_cast %rem3A_470 : i32 to index
      %swap3A_1420 = arith.index_cast %swap3A_1418 : i32 to index
      %swap3A_1421 = arith.constant 48 : index
      %swap3A_1422 = tpu.vector_load %arg12[%swap3A_1419, %swap3A_1420, %swap3A_1421] {strides = array<i32>} : memref<2x26x64xf32, #tpu.memory_space<vmem>>, vector<16xf32>,
      tpu.vector_store %arg12[%swap3A_1419, %swap3A_1420, %swap3A_1421], %sub3A_1417 {strides = array<i32>} : memref<2x26x64xf32, #tpu.memory_space<vmem>>, vector<16xf32>,
      %sub3A_1423 = arith.subf %gather3A_888, %gather3A_868 : vector<16xf32>
      %swap3A_1424 = arith.constant 6 : i32
      %swap3A_1425 = arith.index_cast %rem3A_470 : i32 to index
      %swap3A_1426 = arith.index_cast %swap3A_1424 : i32 to index
      %swap3A_1427 = arith.constant 0 : index
      %swap3A_1428 = tpu.vector_load %arg12[%swap3A_1425, %swap3A_1426, %swap3A_1427] {strides = array<i32>} : memref<2x26x64xf32, #tpu.memory_space<vmem>>, vector<16xf32>,
      tpu.vector_store %arg12[%swap3A_1425, %swap3A_1426, %swap3A_1427], %sub3A_1423 {strides = array<i32>} : memref<2x26x64xf32, #tpu.memory_space<vmem>>, vector<16xf32>,
      %sub3A_1429 = arith.subf %gather3A_893, %gather3A_873 : vector<16xf32>
      %swap3A_1430 = arith.constant 6 : i32
      %swap3A_1431 = arith.index_cast %rem3A_470 : i32 to index
      %swap3A_1432 = arith.index_cast %swap3A_1430 : i32 to index
      %swap3A_1433 = arith.constant 16 : index
      %swap3A_1434 = tpu.vector_load %arg12[%swap3A_1431, %swap3A_1432, %swap3A_1433] {strides = array<i32>} : memref<2x26x64xf32, #tpu.memory_space<vmem>>, vector<16xf32>,
      tpu.vector_store %arg12[%swap3A_1431, %swap3A_1432, %swap3A_1433], %sub3A_1429 {strides = array<i32>} : memref<2x26x64xf32, #tpu.memory_space<vmem>>, vector<16xf32>,
      %sub3A_1435 = arith.subf %gather3A_898, %gather3A_878 : vector<16xf32>
      %swap3A_1436 = arith.constant 6 : i32
      %swap3A_1437 = arith.index_cast %rem3A_470 : i32 to index
      %swap3A_1438 = arith.index_cast %swap3A_1436 : i32 to index
      %swap3A_1439 = arith.constant 32 : index
      %swap3A_1440 = tpu.vector_load %arg12[%swap3A_1437, %swap3A_1438, %swap3A_1439] {strides = array<i32>} : memref<2x26x64xf32, #tpu.memory_space<vmem>>, vector<16xf32>,
      tpu.vector_store %arg12[%swap3A_1437, %swap3A_1438, %swap3A_1439], %sub3A_1435 {strides = array<i32>} : memref<2x26x64xf32, #tpu.memory_space<vmem>>, vector<16xf32>,
      %sub3A_1441 = arith.subf %gather3A_903, %gather3A_883 : vector<16xf32>
      %swap3A_1442 = arith.constant 6 : i32
      %swap3A_1443 = arith.index_cast %rem3A_470 : i32 to index
      %swap3A_1444 = arith.index_cast %swap3A_1442 : i32 to index
      %swap3A_1445 = arith.constant 48 : index
      %swap3A_1446 = tpu.vector_load %arg12[%swap3A_1443, %swap3A_1444, %swap3A_1445] {strides = array<i32>} : memref<2x26x64xf32, #tpu.memory_space<vmem>>, vector<16xf32>,
      tpu.vector_store %arg12[%swap3A_1443, %swap3A_1444, %swap3A_1445], %sub3A_1441 {strides = array<i32>} : memref<2x26x64xf32, #tpu.memory_space<vmem>>, vector<16xf32>,
      %sub3A_1447 = arith.subf %gather3A_908, %gather3A_888 : vector<16xf32>
      %swap3A_1448 = arith.constant 7 : i32
      %swap3A_1449 = arith.index_cast %rem3A_470 : i32 to index
      %swap3A_1450 = arith.index_cast %swap3A_1448 : i32 to index
      %swap3A_1451 = arith.constant 0 : index
      %swap3A_1452 = tpu.vector_load %arg12[%swap3A_1449, %swap3A_1450, %swap3A_1451] {strides = array<i32>} : memref<2x26x64xf32, #tpu.memory_space<vmem>>, vector<16xf32>,
      tpu.vector_store %arg12[%swap3A_1449, %swap3A_1450, %swap3A_1451], %sub3A_1447 {strides = array<i32>} : memref<2x26x64xf32, #tpu.memory_space<vmem>>, vector<16xf32>,
      %sub3A_1453 = arith.subf %gather3A_913, %gather3A_893 : vector<16xf32>
      %swap3A_1454 = arith.constant 7 : i32
      %swap3A_1455 = arith.index_cast %rem3A_470 : i32 to index
      %swap3A_1456 = arith.index_cast %swap3A_1454 : i32 to index
      %swap3A_1457 = arith.constant 16 : index
      %swap3A_1458 = tpu.vector_load %arg12[%swap3A_1455, %swap3A_1456, %swap3A_1457] {strides = array<i32>} : memref<2x26x64xf32, #tpu.memory_space<vmem>>, vector<16xf32>,
      tpu.vector_store %arg12[%swap3A_1455, %swap3A_1456, %swap3A_1457], %sub3A_1453 {strides = array<i32>} : memref<2x26x64xf32, #tpu.memory_space<vmem>>, vector<16xf32>,
      %sub3A_1459 = arith.subf %gather3A_918, %gather3A_898 : vector<16xf32>
      %swap3A_1460 = arith.constant 7 : i32
      %swap3A_1461 = arith.index_cast %rem3A_470 : i32 to index
      %swap3A_1462 = arith.index_cast %swap3A_1460 : i32 to index
      %swap3A_1463 = arith.constant 32 : index
      %swap3A_1464 = tpu.vector_load %arg12[%swap3A_1461, %swap3A_1462, %swap3A_1463] {strides = array<i32>} : memref<2x26x64xf32, #tpu.memory_space<vmem>>, vector<16xf32>,
      tpu.vector_store %arg12[%swap3A_1461, %swap3A_1462, %swap3A_1463], %sub3A_1459 {strides = array<i32>} : memref<2x26x64xf32, #tpu.memory_space<vmem>>, vector<16xf32>,
      %sub3A_1465 = arith.subf %gather3A_923, %gather3A_903 : vector<16xf32>
      %swap3A_1466 = arith.constant 7 : i32
      %swap3A_1467 = arith.index_cast %rem3A_470 : i32 to index
      %swap3A_1468 = arith.index_cast %swap3A_1466 : i32 to index
      %swap3A_1469 = arith.constant 48 : index
      %swap3A_1470 = tpu.vector_load %arg12[%swap3A_1467, %swap3A_1468, %swap3A_1469] {strides = array<i32>} : memref<2x26x64xf32, #tpu.memory_space<vmem>>, vector<16xf32>,
      tpu.vector_store %arg12[%swap3A_1467, %swap3A_1468, %swap3A_1469], %sub3A_1465 {strides = array<i32>} : memref<2x26x64xf32, #tpu.memory_space<vmem>>, vector<16xf32>,
      %sub3A_1471 = arith.subf %gather3A_928, %gather3A_908 : vector<16xf32>
      %swap3A_1472 = arith.constant 8 : i32
      %swap3A_1473 = arith.index_cast %rem3A_470 : i32 to index
      %swap3A_1474 = arith.index_cast %swap3A_1472 : i32 to index
      %swap3A_1475 = arith.constant 0 : index
      %swap3A_1476 = tpu.vector_load %arg12[%swap3A_1473, %swap3A_1474, %swap3A_1475] {strides = array<i32>} : memref<2x26x64xf32, #tpu.memory_space<vmem>>, vector<16xf32>,
      tpu.vector_store %arg12[%swap3A_1473, %swap3A_1474, %swap3A_1475], %sub3A_1471 {strides = array<i32>} : memref<2x26x64xf32, #tpu.memory_space<vmem>>, vector<16xf32>,
      %sub3A_1477 = arith.subf %gather3A_933, %gather3A_913 : vector<16xf32>
      %swap3A_1478 = arith.constant 8 : i32
      %swap3A_1479 = arith.index_cast %rem3A_470 : i32 to index
      %swap3A_1480 = arith.index_cast %swap3A_1478 : i32 to index
      %swap3A_1481 = arith.constant 16 : index
      %swap3A_1482 = tpu.vector_load %arg12[%swap3A_1479, %swap3A_1480, %swap3A_1481] {strides = array<i32>} : memref<2x26x64xf32, #tpu.memory_space<vmem>>, vector<16xf32>,
      tpu.vector_store %arg12[%swap3A_1479, %swap3A_1480, %swap3A_1481], %sub3A_1477 {strides = array<i32>} : memref<2x26x64xf32, #tpu.memory_space<vmem>>, vector<16xf32>,
      %sub3A_1483 = arith.subf %gather3A_938, %gather3A_918 : vector<16xf32>
      %swap3A_1484 = arith.constant 8 : i32
      %swap3A_1485 = arith.index_cast %rem3A_470 : i32 to index
      %swap3A_1486 = arith.index_cast %swap3A_1484 : i32 to index
      %swap3A_1487 = arith.constant 32 : index
      %swap3A_1488 = tpu.vector_load %arg12[%swap3A_1485, %swap3A_1486, %swap3A_1487] {strides = array<i32>} : memref<2x26x64xf32, #tpu.memory_space<vmem>>, vector<16xf32>,
      tpu.vector_store %arg12[%swap3A_1485, %swap3A_1486, %swap3A_1487], %sub3A_1483 {strides = array<i32>} : memref<2x26x64xf32, #tpu.memory_space<vmem>>, vector<16xf32>,
      %sub3A_1489 = arith.subf %gather3A_943, %gather3A_923 : vector<16xf32>
      %swap3A_1490 = arith.constant 8 : i32
      %swap3A_1491 = arith.index_cast %rem3A_470 : i32 to index
      %swap3A_1492 = arith.index_cast %swap3A_1490 : i32 to index
      %swap3A_1493 = arith.constant 48 : index
      %swap3A_1494 = tpu.vector_load %arg12[%swap3A_1491, %swap3A_1492, %swap3A_1493] {strides = array<i32>} : memref<2x26x64xf32, #tpu.memory_space<vmem>>, vector<16xf32>,
      tpu.vector_store %arg12[%swap3A_1491, %swap3A_1492, %swap3A_1493], %sub3A_1489 {strides = array<i32>} : memref<2x26x64xf32, #tpu.memory_space<vmem>>, vector<16xf32>,
      %sub3A_1495 = arith.subf %gather3A_948, %gather3A_928 : vector<16xf32>
      %swap3A_1496 = arith.constant 9 : i32
      %swap3A_1497 = arith.index_cast %rem3A_470 : i32 to index
      %swap3A_1498 = arith.index_cast %swap3A_1496 : i32 to index
      %swap3A_1499 = arith.constant 0 : index
      %swap3A_1500 = tpu.vector_load %arg12[%swap3A_1497, %swap3A_1498, %swap3A_1499] {strides = array<i32>} : memref<2x26x64xf32, #tpu.memory_space<vmem>>, vector<16xf32>,
      tpu.vector_store %arg12[%swap3A_1497, %swap3A_1498, %swap3A_1499], %sub3A_1495 {strides = array<i32>} : memref<2x26x64xf32, #tpu.memory_space<vmem>>, vector<16xf32>,
      %sub3A_1501 = arith.subf %gather3A_953, %gather3A_933 : vector<16xf32>
      %swap3A_1502 = arith.constant 9 : i32
      %swap3A_1503 = arith.index_cast %rem3A_470 : i32 to index
      %swap3A_1504 = arith.index_cast %swap3A_1502 : i32 to index
      %swap3A_1505 = arith.constant 16 : index
      %swap3A_1506 = tpu.vector_load %arg12[%swap3A_1503, %swap3A_1504, %swap3A_1505] {strides = array<i32>} : memref<2x26x64xf32, #tpu.memory_space<vmem>>, vector<16xf32>,
      tpu.vector_store %arg12[%swap3A_1503, %swap3A_1504, %swap3A_1505], %sub3A_1501 {strides = array<i32>} : memref<2x26x64xf32, #tpu.memory_space<vmem>>, vector<16xf32>,
      %sub3A_1507 = arith.subf %gather3A_958, %gather3A_938 : vector<16xf32>
      %swap3A_1508 = arith.constant 9 : i32
      %swap3A_1509 = arith.index_cast %rem3A_470 : i32 to index
      %swap3A_1510 = arith.index_cast %swap3A_1508 : i32 to index
      %swap3A_1511 = arith.constant 32 : index
      %swap3A_1512 = tpu.vector_load %arg12[%swap3A_1509, %swap3A_1510, %swap3A_1511] {strides = array<i32>} : memref<2x26x64xf32, #tpu.memory_space<vmem>>, vector<16xf32>,
      tpu.vector_store %arg12[%swap3A_1509, %swap3A_1510, %swap3A_1511], %sub3A_1507 {strides = array<i32>} : memref<2x26x64xf32, #tpu.memory_space<vmem>>, vector<16xf32>,
      %sub3A_1513 = arith.subf %gather3A_963, %gather3A_943 : vector<16xf32>
      %swap3A_1514 = arith.constant 9 : i32
      %swap3A_1515 = arith.index_cast %rem3A_470 : i32 to index
      %swap3A_1516 = arith.index_cast %swap3A_1514 : i32 to index
      %swap3A_1517 = arith.constant 48 : index
      %swap3A_1518 = tpu.vector_load %arg12[%swap3A_1515, %swap3A_1516, %swap3A_1517] {strides = array<i32>} : memref<2x26x64xf32, #tpu.memory_space<vmem>>, vector<16xf32>,
      tpu.vector_store %arg12[%swap3A_1515, %swap3A_1516, %swap3A_1517], %sub3A_1513 {strides = array<i32>} : memref<2x26x64xf32, #tpu.memory_space<vmem>>, vector<16xf32>,
      %sub3A_1519 = arith.subf %gather3A_968, %gather3A_948 : vector<16xf32>
      %swap3A_1520 = arith.constant 10 : i32
      %swap3A_1521 = arith.index_cast %rem3A_470 : i32 to index
      %swap3A_1522 = arith.index_cast %swap3A_1520 : i32 to index
      %swap3A_1523 = arith.constant 0 : index
      %swap3A_1524 = tpu.vector_load %arg12[%swap3A_1521, %swap3A_1522, %swap3A_1523] {strides = array<i32>} : memref<2x26x64xf32, #tpu.memory_space<vmem>>, vector<16xf32>,
      tpu.vector_store %arg12[%swap3A_1521, %swap3A_1522, %swap3A_1523], %sub3A_1519 {strides = array<i32>} : memref<2x26x64xf32, #tpu.memory_space<vmem>>, vector<16xf32>,
      %sub3A_1525 = arith.subf %gather3A_973, %gather3A_953 : vector<16xf32>
      %swap3A_1526 = arith.constant 10 : i32
      %swap3A_1527 = arith.index_cast %rem3A_470 : i32 to index
      %swap3A_1528 = arith.index_cast %swap3A_1526 : i32 to index
      %swap3A_1529 = arith.constant 16 : index
      %swap3A_1530 = tpu.vector_load %arg12[%swap3A_1527, %swap3A_1528, %swap3A_1529] {strides = array<i32>} : memref<2x26x64xf32, #tpu.memory_space<vmem>>, vector<16xf32>,
      tpu.vector_store %arg12[%swap3A_1527, %swap3A_1528, %swap3A_1529], %sub3A_1525 {strides = array<i32>} : memref<2x26x64xf32, #tpu.memory_space<vmem>>, vector<16xf32>,
      %sub3A_1531 = arith.subf %gather3A_978, %gather3A_958 : vector<16xf32>
      %swap3A_1532 = arith.constant 10 : i32
      %swap3A_1533 = arith.index_cast %rem3A_470 : i32 to index
      %swap3A_1534 = arith.index_cast %swap3A_1532 : i32 to index
      %swap3A_1535 = arith.constant 32 : index
      %swap3A_1536 = tpu.vector_load %arg12[%swap3A_1533, %swap3A_1534, %swap3A_1535] {strides = array<i32>} : memref<2x26x64xf32, #tpu.memory_space<vmem>>, vector<16xf32>,
      tpu.vector_store %arg12[%swap3A_1533, %swap3A_1534, %swap3A_1535], %sub3A_1531 {strides = array<i32>} : memref<2x26x64xf32, #tpu.memory_space<vmem>>, vector<16xf32>,
      %sub3A_1537 = arith.subf %gather3A_983, %gather3A_963 : vector<16xf32>
      %swap3A_1538 = arith.constant 10 : i32
      %swap3A_1539 = arith.index_cast %rem3A_470 : i32 to index
      %swap3A_1540 = arith.index_cast %swap3A_1538 : i32 to index
      %swap3A_1541 = arith.constant 48 : index
      %swap3A_1542 = tpu.vector_load %arg12[%swap3A_1539, %swap3A_1540, %swap3A_1541] {strides = array<i32>} : memref<2x26x64xf32, #tpu.memory_space<vmem>>, vector<16xf32>,
      tpu.vector_store %arg12[%swap3A_1539, %swap3A_1540, %swap3A_1541], %sub3A_1537 {strides = array<i32>} : memref<2x26x64xf32, #tpu.memory_space<vmem>>, vector<16xf32>,
      %sub3A_1543 = arith.subf %gather3A_988, %gather3A_968 : vector<16xf32>
      %swap3A_1544 = arith.constant 11 : i32
      %swap3A_1545 = arith.index_cast %rem3A_470 : i32 to index
      %swap3A_1546 = arith.index_cast %swap3A_1544 : i32 to index
      %swap3A_1547 = arith.constant 0 : index
      %swap3A_1548 = tpu.vector_load %arg12[%swap3A_1545, %swap3A_1546, %swap3A_1547] {strides = array<i32>} : memref<2x26x64xf32, #tpu.memory_space<vmem>>, vector<16xf32>,
      tpu.vector_store %arg12[%swap3A_1545, %swap3A_1546, %swap3A_1547], %sub3A_1543 {strides = array<i32>} : memref<2x26x64xf32, #tpu.memory_space<vmem>>, vector<16xf32>,
      %sub3A_1549 = arith.subf %gather3A_993, %gather3A_973 : vector<16xf32>
      %swap3A_1550 = arith.constant 11 : i32
      %swap3A_1551 = arith.index_cast %rem3A_470 : i32 to index
      %swap3A_1552 = arith.index_cast %swap3A_1550 : i32 to index
      %swap3A_1553 = arith.constant 16 : index
      %swap3A_1554 = tpu.vector_load %arg12[%swap3A_1551, %swap3A_1552, %swap3A_1553] {strides = array<i32>} : memref<2x26x64xf32, #tpu.memory_space<vmem>>, vector<16xf32>,
      tpu.vector_store %arg12[%swap3A_1551, %swap3A_1552, %swap3A_1553], %sub3A_1549 {strides = array<i32>} : memref<2x26x64xf32, #tpu.memory_space<vmem>>, vector<16xf32>,
      %sub3A_1555 = arith.subf %gather3A_998, %gather3A_978 : vector<16xf32>
      %swap3A_1556 = arith.constant 11 : i32
      %swap3A_1557 = arith.index_cast %rem3A_470 : i32 to index
      %swap3A_1558 = arith.index_cast %swap3A_1556 : i32 to index
      %swap3A_1559 = arith.constant 32 : index
      %swap3A_1560 = tpu.vector_load %arg12[%swap3A_1557, %swap3A_1558, %swap3A_1559] {strides = array<i32>} : memref<2x26x64xf32, #tpu.memory_space<vmem>>, vector<16xf32>,
      tpu.vector_store %arg12[%swap3A_1557, %swap3A_1558, %swap3A_1559], %sub3A_1555 {strides = array<i32>} : memref<2x26x64xf32, #tpu.memory_space<vmem>>, vector<16xf32>,
      %sub3A_1561 = arith.subf %gather3A_1003, %gather3A_983 : vector<16xf32>
      %swap3A_1562 = arith.constant 11 : i32
      %swap3A_1563 = arith.index_cast %rem3A_470 : i32 to index
      %swap3A_1564 = arith.index_cast %swap3A_1562 : i32 to index
      %swap3A_1565 = arith.constant 48 : index
      %swap3A_1566 = tpu.vector_load %arg12[%swap3A_1563, %swap3A_1564, %swap3A_1565] {strides = array<i32>} : memref<2x26x64xf32, #tpu.memory_space<vmem>>, vector<16xf32>,
      tpu.vector_store %arg12[%swap3A_1563, %swap3A_1564, %swap3A_1565], %sub3A_1561 {strides = array<i32>} : memref<2x26x64xf32, #tpu.memory_space<vmem>>, vector<16xf32>,
      %sub3A_1567 = arith.subf %gather3A_1008, %gather3A_988 : vector<16xf32>
      %swap3A_1568 = arith.constant 12 : i32
      %swap3A_1569 = arith.index_cast %rem3A_470 : i32 to index
      %swap3A_1570 = arith.index_cast %swap3A_1568 : i32 to index
      %swap3A_1571 = arith.constant 0 : index
      %swap3A_1572 = tpu.vector_load %arg12[%swap3A_1569, %swap3A_1570, %swap3A_1571] {strides = array<i32>} : memref<2x26x64xf32, #tpu.memory_space<vmem>>, vector<16xf32>,
      tpu.vector_store %arg12[%swap3A_1569, %swap3A_1570, %swap3A_1571], %sub3A_1567 {strides = array<i32>} : memref<2x26x64xf32, #tpu.memory_space<vmem>>, vector<16xf32>,
      %sub3A_1573 = arith.subf %gather3A_1013, %gather3A_993 : vector<16xf32>
      %swap3A_1574 = arith.constant 12 : i32
      %swap3A_1575 = arith.index_cast %rem3A_470 : i32 to index
      %swap3A_1576 = arith.index_cast %swap3A_1574 : i32 to index
      %swap3A_1577 = arith.constant 16 : index
      %swap3A_1578 = tpu.vector_load %arg12[%swap3A_1575, %swap3A_1576, %swap3A_1577] {strides = array<i32>} : memref<2x26x64xf32, #tpu.memory_space<vmem>>, vector<16xf32>,
      tpu.vector_store %arg12[%swap3A_1575, %swap3A_1576, %swap3A_1577], %sub3A_1573 {strides = array<i32>} : memref<2x26x64xf32, #tpu.memory_space<vmem>>, vector<16xf32>,
      %sub3A_1579 = arith.subf %gather3A_1018, %gather3A_998 : vector<16xf32>
      %swap3A_1580 = arith.constant 12 : i32
      %swap3A_1581 = arith.index_cast %rem3A_470 : i32 to index
      %swap3A_1582 = arith.index_cast %swap3A_1580 : i32 to index
      %swap3A_1583 = arith.constant 32 : index
      %swap3A_1584 = tpu.vector_load %arg12[%swap3A_1581, %swap3A_1582, %swap3A_1583] {strides = array<i32>} : memref<2x26x64xf32, #tpu.memory_space<vmem>>, vector<16xf32>,
      tpu.vector_store %arg12[%swap3A_1581, %swap3A_1582, %swap3A_1583], %sub3A_1579 {strides = array<i32>} : memref<2x26x64xf32, #tpu.memory_space<vmem>>, vector<16xf32>,
      %sub3A_1585 = arith.subf %gather3A_1023, %gather3A_1003 : vector<16xf32>
      %swap3A_1586 = arith.constant 12 : i32
      %swap3A_1587 = arith.index_cast %rem3A_470 : i32 to index
      %swap3A_1588 = arith.index_cast %swap3A_1586 : i32 to index
      %swap3A_1589 = arith.constant 48 : index
      %swap3A_1590 = tpu.vector_load %arg12[%swap3A_1587, %swap3A_1588, %swap3A_1589] {strides = array<i32>} : memref<2x26x64xf32, #tpu.memory_space<vmem>>, vector<16xf32>,
      tpu.vector_store %arg12[%swap3A_1587, %swap3A_1588, %swap3A_1589], %sub3A_1585 {strides = array<i32>} : memref<2x26x64xf32, #tpu.memory_space<vmem>>, vector<16xf32>,
      %sub3A_1591 = arith.subf %gather3A_1028, %gather3A_1008 : vector<16xf32>
      %swap3A_1592 = arith.constant 13 : i32
      %swap3A_1593 = arith.index_cast %rem3A_470 : i32 to index
      %swap3A_1594 = arith.index_cast %swap3A_1592 : i32 to index
      %swap3A_1595 = arith.constant 0 : index
      %swap3A_1596 = tpu.vector_load %arg12[%swap3A_1593, %swap3A_1594, %swap3A_1595] {strides = array<i32>} : memref<2x26x64xf32, #tpu.memory_space<vmem>>, vector<16xf32>,
      tpu.vector_store %arg12[%swap3A_1593, %swap3A_1594, %swap3A_1595], %sub3A_1591 {strides = array<i32>} : memref<2x26x64xf32, #tpu.memory_space<vmem>>, vector<16xf32>,
      %sub3A_1597 = arith.subf %gather3A_1033, %gather3A_1013 : vector<16xf32>
      %swap3A_1598 = arith.constant 13 : i32
      %swap3A_1599 = arith.index_cast %rem3A_470 : i32 to index
      %swap3A_1600 = arith.index_cast %swap3A_1598 : i32 to index
      %swap3A_1601 = arith.constant 16 : index
      %swap3A_1602 = tpu.vector_load %arg12[%swap3A_1599, %swap3A_1600, %swap3A_1601] {strides = array<i32>} : memref<2x26x64xf32, #tpu.memory_space<vmem>>, vector<16xf32>,
      tpu.vector_store %arg12[%swap3A_1599, %swap3A_1600, %swap3A_1601], %sub3A_1597 {strides = array<i32>} : memref<2x26x64xf32, #tpu.memory_space<vmem>>, vector<16xf32>,
      %sub3A_1603 = arith.subf %gather3A_1038, %gather3A_1018 : vector<16xf32>
      %swap3A_1604 = arith.constant 13 : i32
      %swap3A_1605 = arith.index_cast %rem3A_470 : i32 to index
      %swap3A_1606 = arith.index_cast %swap3A_1604 : i32 to index
      %swap3A_1607 = arith.constant 32 : index
      %swap3A_1608 = tpu.vector_load %arg12[%swap3A_1605, %swap3A_1606, %swap3A_1607] {strides = array<i32>} : memref<2x26x64xf32, #tpu.memory_space<vmem>>, vector<16xf32>,
      tpu.vector_store %arg12[%swap3A_1605, %swap3A_1606, %swap3A_1607], %sub3A_1603 {strides = array<i32>} : memref<2x26x64xf32, #tpu.memory_space<vmem>>, vector<16xf32>,
      %sub3A_1609 = arith.subf %gather3A_1043, %gather3A_1023 : vector<16xf32>
      %swap3A_1610 = arith.constant 13 : i32
      %swap3A_1611 = arith.index_cast %rem3A_470 : i32 to index
      %swap3A_1612 = arith.index_cast %swap3A_1610 : i32 to index
      %swap3A_1613 = arith.constant 48 : index
      %swap3A_1614 = tpu.vector_load %arg12[%swap3A_1611, %swap3A_1612, %swap3A_1613] {strides = array<i32>} : memref<2x26x64xf32, #tpu.memory_space<vmem>>, vector<16xf32>,
      tpu.vector_store %arg12[%swap3A_1611, %swap3A_1612, %swap3A_1613], %sub3A_1609 {strides = array<i32>} : memref<2x26x64xf32, #tpu.memory_space<vmem>>, vector<16xf32>,
      %sub3A_1615 = arith.subf %gather3A_1048, %gather3A_1028 : vector<16xf32>
      %swap3A_1616 = arith.constant 14 : i32
      %swap3A_1617 = arith.index_cast %rem3A_470 : i32 to index
      %swap3A_1618 = arith.index_cast %swap3A_1616 : i32 to index
      %swap3A_1619 = arith.constant 0 : index
      %swap3A_1620 = tpu.vector_load %arg12[%swap3A_1617, %swap3A_1618, %swap3A_1619] {strides = array<i32>} : memref<2x26x64xf32, #tpu.memory_space<vmem>>, vector<16xf32>,
      tpu.vector_store %arg12[%swap3A_1617, %swap3A_1618, %swap3A_1619], %sub3A_1615 {strides = array<i32>} : memref<2x26x64xf32, #tpu.memory_space<vmem>>, vector<16xf32>,
      %sub3A_1621 = arith.subf %gather3A_1053, %gather3A_1033 : vector<16xf32>
      %swap3A_1622 = arith.constant 14 : i32
      %swap3A_1623 = arith.index_cast %rem3A_470 : i32 to index
      %swap3A_1624 = arith.index_cast %swap3A_1622 : i32 to index
      %swap3A_1625 = arith.constant 16 : index
      %swap3A_1626 = tpu.vector_load %arg12[%swap3A_1623, %swap3A_1624, %swap3A_1625] {strides = array<i32>} : memref<2x26x64xf32, #tpu.memory_space<vmem>>, vector<16xf32>,
      tpu.vector_store %arg12[%swap3A_1623, %swap3A_1624, %swap3A_1625], %sub3A_1621 {strides = array<i32>} : memref<2x26x64xf32, #tpu.memory_space<vmem>>, vector<16xf32>,
      %sub3A_1627 = arith.subf %gather3A_1058, %gather3A_1038 : vector<16xf32>
      %swap3A_1628 = arith.constant 14 : i32
      %swap3A_1629 = arith.index_cast %rem3A_470 : i32 to index
      %swap3A_1630 = arith.index_cast %swap3A_1628 : i32 to index
      %swap3A_1631 = arith.constant 32 : index
      %swap3A_1632 = tpu.vector_load %arg12[%swap3A_1629, %swap3A_1630, %swap3A_1631] {strides = array<i32>} : memref<2x26x64xf32, #tpu.memory_space<vmem>>, vector<16xf32>,
      tpu.vector_store %arg12[%swap3A_1629, %swap3A_1630, %swap3A_1631], %sub3A_1627 {strides = array<i32>} : memref<2x26x64xf32, #tpu.memory_space<vmem>>, vector<16xf32>,
      %sub3A_1633 = arith.subf %gather3A_1063, %gather3A_1043 : vector<16xf32>
      %swap3A_1634 = arith.constant 14 : i32
      %swap3A_1635 = arith.index_cast %rem3A_470 : i32 to index
      %swap3A_1636 = arith.index_cast %swap3A_1634 : i32 to index
      %swap3A_1637 = arith.constant 48 : index
      %swap3A_1638 = tpu.vector_load %arg12[%swap3A_1635, %swap3A_1636, %swap3A_1637] {strides = array<i32>} : memref<2x26x64xf32, #tpu.memory_space<vmem>>, vector<16xf32>,
      tpu.vector_store %arg12[%swap3A_1635, %swap3A_1636, %swap3A_1637], %sub3A_1633 {strides = array<i32>} : memref<2x26x64xf32, #tpu.memory_space<vmem>>, vector<16xf32>,
      %sub3A_1639 = arith.subf %gather3A_1068, %gather3A_1048 : vector<16xf32>
      %swap3A_1640 = arith.constant 15 : i32
      %swap3A_1641 = arith.index_cast %rem3A_470 : i32 to index
      %swap3A_1642 = arith.index_cast %swap3A_1640 : i32 to index
      %swap3A_1643 = arith.constant 0 : index
      %swap3A_1644 = tpu.vector_load %arg12[%swap3A_1641, %swap3A_1642, %swap3A_1643] {strides = array<i32>} : memref<2x26x64xf32, #tpu.memory_space<vmem>>, vector<16xf32>,
      tpu.vector_store %arg12[%swap3A_1641, %swap3A_1642, %swap3A_1643], %sub3A_1639 {strides = array<i32>} : memref<2x26x64xf32, #tpu.memory_space<vmem>>, vector<16xf32>,
      %sub3A_1645 = arith.subf %gather3A_1073, %gather3A_1053 : vector<16xf32>
      %swap3A_1646 = arith.constant 15 : i32
      %swap3A_1647 = arith.index_cast %rem3A_470 : i32 to index
      %swap3A_1648 = arith.index_cast %swap3A_1646 : i32 to index
      %swap3A_1649 = arith.constant 16 : index
      %swap3A_1650 = tpu.vector_load %arg12[%swap3A_1647, %swap3A_1648, %swap3A_1649] {strides = array<i32>} : memref<2x26x64xf32, #tpu.memory_space<vmem>>, vector<16xf32>,
      tpu.vector_store %arg12[%swap3A_1647, %swap3A_1648, %swap3A_1649], %sub3A_1645 {strides = array<i32>} : memref<2x26x64xf32, #tpu.memory_space<vmem>>, vector<16xf32>,
      %sub3A_1651 = arith.subf %gather3A_1078, %gather3A_1058 : vector<16xf32>
      %swap3A_1652 = arith.constant 15 : i32
      %swap3A_1653 = arith.index_cast %rem3A_470 : i32 to index
      %swap3A_1654 = arith.index_cast %swap3A_1652 : i32 to index
      %swap3A_1655 = arith.constant 32 : index
      %swap3A_1656 = tpu.vector_load %arg12[%swap3A_1653, %swap3A_1654, %swap3A_1655] {strides = array<i32>} : memref<2x26x64xf32, #tpu.memory_space<vmem>>, vector<16xf32>,
      tpu.vector_store %arg12[%swap3A_1653, %swap3A_1654, %swap3A_1655], %sub3A_1651 {strides = array<i32>} : memref<2x26x64xf32, #tpu.memory_space<vmem>>, vector<16xf32>,
      %sub3A_1657 = arith.subf %gather3A_1083, %gather3A_1063 : vector<16xf32>
      %swap3A_1658 = arith.constant 15 : i32
      %swap3A_1659 = arith.index_cast %rem3A_470 : i32 to index
      %swap3A_1660 = arith.index_cast %swap3A_1658 : i32 to index
      %swap3A_1661 = arith.constant 48 : index
      %swap3A_1662 = tpu.vector_load %arg12[%swap3A_1659, %swap3A_1660, %swap3A_1661] {strides = array<i32>} : memref<2x26x64xf32, #tpu.memory_space<vmem>>, vector<16xf32>,
      tpu.vector_store %arg12[%swap3A_1659, %swap3A_1660, %swap3A_1661], %sub3A_1657 {strides = array<i32>} : memref<2x26x64xf32, #tpu.memory_space<vmem>>, vector<16xf32>,
      %sub3A_1663 = arith.subf %gather3A_1088, %gather3A_1068 : vector<16xf32>
      %swap3A_1664 = arith.constant 16 : i32
      %swap3A_1665 = arith.index_cast %rem3A_470 : i32 to index
      %swap3A_1666 = arith.index_cast %swap3A_1664 : i32 to index
      %swap3A_1667 = arith.constant 0 : index
      %swap3A_1668 = tpu.vector_load %arg12[%swap3A_1665, %swap3A_1666, %swap3A_1667] {strides = array<i32>} : memref<2x26x64xf32, #tpu.memory_space<vmem>>, vector<16xf32>,
      tpu.vector_store %arg12[%swap3A_1665, %swap3A_1666, %swap3A_1667], %sub3A_1663 {strides = array<i32>} : memref<2x26x64xf32, #tpu.memory_space<vmem>>, vector<16xf32>,
      %sub3A_1669 = arith.subf %gather3A_1093, %gather3A_1073 : vector<16xf32>
      %swap3A_1670 = arith.constant 16 : i32
      %swap3A_1671 = arith.index_cast %rem3A_470 : i32 to index
      %swap3A_1672 = arith.index_cast %swap3A_1670 : i32 to index
      %swap3A_1673 = arith.constant 16 : index
      %swap3A_1674 = tpu.vector_load %arg12[%swap3A_1671, %swap3A_1672, %swap3A_1673] {strides = array<i32>} : memref<2x26x64xf32, #tpu.memory_space<vmem>>, vector<16xf32>,
      tpu.vector_store %arg12[%swap3A_1671, %swap3A_1672, %swap3A_1673], %sub3A_1669 {strides = array<i32>} : memref<2x26x64xf32, #tpu.memory_space<vmem>>, vector<16xf32>,
      %sub3A_1675 = arith.subf %gather3A_1098, %gather3A_1078 : vector<16xf32>
      %swap3A_1676 = arith.constant 16 : i32
      %swap3A_1677 = arith.index_cast %rem3A_470 : i32 to index
      %swap3A_1678 = arith.index_cast %swap3A_1676 : i32 to index
      %swap3A_1679 = arith.constant 32 : index
      %swap3A_1680 = tpu.vector_load %arg12[%swap3A_1677, %swap3A_1678, %swap3A_1679] {strides = array<i32>} : memref<2x26x64xf32, #tpu.memory_space<vmem>>, vector<16xf32>,
      tpu.vector_store %arg12[%swap3A_1677, %swap3A_1678, %swap3A_1679], %sub3A_1675 {strides = array<i32>} : memref<2x26x64xf32, #tpu.memory_space<vmem>>, vector<16xf32>,
      %sub3A_1681 = arith.subf %gather3A_1103, %gather3A_1083 : vector<16xf32>
      %swap3A_1682 = arith.constant 16 : i32
      %swap3A_1683 = arith.index_cast %rem3A_470 : i32 to index
      %swap3A_1684 = arith.index_cast %swap3A_1682 : i32 to index
      %swap3A_1685 = arith.constant 48 : index
      %swap3A_1686 = tpu.vector_load %arg12[%swap3A_1683, %swap3A_1684, %swap3A_1685] {strides = array<i32>} : memref<2x26x64xf32, #tpu.memory_space<vmem>>, vector<16xf32>,
      tpu.vector_store %arg12[%swap3A_1683, %swap3A_1684, %swap3A_1685], %sub3A_1681 {strides = array<i32>} : memref<2x26x64xf32, #tpu.memory_space<vmem>>, vector<16xf32>,
      %sub3A_1687 = arith.subf %gather3A_1108, %gather3A_1088 : vector<16xf32>
      %swap3A_1688 = arith.constant 17 : i32
      %swap3A_1689 = arith.index_cast %rem3A_470 : i32 to index
      %swap3A_1690 = arith.index_cast %swap3A_1688 : i32 to index
      %swap3A_1691 = arith.constant 0 : index
      %swap3A_1692 = tpu.vector_load %arg12[%swap3A_1689, %swap3A_1690, %swap3A_1691] {strides = array<i32>} : memref<2x26x64xf32, #tpu.memory_space<vmem>>, vector<16xf32>,
      tpu.vector_store %arg12[%swap3A_1689, %swap3A_1690, %swap3A_1691], %sub3A_1687 {strides = array<i32>} : memref<2x26x64xf32, #tpu.memory_space<vmem>>, vector<16xf32>,
      %sub3A_1693 = arith.subf %gather3A_1113, %gather3A_1093 : vector<16xf32>
      %swap3A_1694 = arith.constant 17 : i32
      %swap3A_1695 = arith.index_cast %rem3A_470 : i32 to index
      %swap3A_1696 = arith.index_cast %swap3A_1694 : i32 to index
      %swap3A_1697 = arith.constant 16 : index
      %swap3A_1698 = tpu.vector_load %arg12[%swap3A_1695, %swap3A_1696, %swap3A_1697] {strides = array<i32>} : memref<2x26x64xf32, #tpu.memory_space<vmem>>, vector<16xf32>,
      tpu.vector_store %arg12[%swap3A_1695, %swap3A_1696, %swap3A_1697], %sub3A_1693 {strides = array<i32>} : memref<2x26x64xf32, #tpu.memory_space<vmem>>, vector<16xf32>,
      %sub3A_1699 = arith.subf %gather3A_1118, %gather3A_1098 : vector<16xf32>
      %swap3A_1700 = arith.constant 17 : i32
      %swap3A_1701 = arith.index_cast %rem3A_470 : i32 to index
      %swap3A_1702 = arith.index_cast %swap3A_1700 : i32 to index
      %swap3A_1703 = arith.constant 32 : index
      %swap3A_1704 = tpu.vector_load %arg12[%swap3A_1701, %swap3A_1702, %swap3A_1703] {strides = array<i32>} : memref<2x26x64xf32, #tpu.memory_space<vmem>>, vector<16xf32>,
      tpu.vector_store %arg12[%swap3A_1701, %swap3A_1702, %swap3A_1703], %sub3A_1699 {strides = array<i32>} : memref<2x26x64xf32, #tpu.memory_space<vmem>>, vector<16xf32>,
      %sub3A_1705 = arith.subf %gather3A_1123, %gather3A_1103 : vector<16xf32>
      %swap3A_1706 = arith.constant 17 : i32
      %swap3A_1707 = arith.index_cast %rem3A_470 : i32 to index
      %swap3A_1708 = arith.index_cast %swap3A_1706 : i32 to index
      %swap3A_1709 = arith.constant 48 : index
      %swap3A_1710 = tpu.vector_load %arg12[%swap3A_1707, %swap3A_1708, %swap3A_1709] {strides = array<i32>} : memref<2x26x64xf32, #tpu.memory_space<vmem>>, vector<16xf32>,
      tpu.vector_store %arg12[%swap3A_1707, %swap3A_1708, %swap3A_1709], %sub3A_1705 {strides = array<i32>} : memref<2x26x64xf32, #tpu.memory_space<vmem>>, vector<16xf32>,
      %sub3A_1711 = arith.subf %gather3A_1128, %gather3A_1108 : vector<16xf32>
      %swap3A_1712 = arith.constant 18 : i32
      %swap3A_1713 = arith.index_cast %rem3A_470 : i32 to index
      %swap3A_1714 = arith.index_cast %swap3A_1712 : i32 to index
      %swap3A_1715 = arith.constant 0 : index
      %swap3A_1716 = tpu.vector_load %arg12[%swap3A_1713, %swap3A_1714, %swap3A_1715] {strides = array<i32>} : memref<2x26x64xf32, #tpu.memory_space<vmem>>, vector<16xf32>,
      tpu.vector_store %arg12[%swap3A_1713, %swap3A_1714, %swap3A_1715], %sub3A_1711 {strides = array<i32>} : memref<2x26x64xf32, #tpu.memory_space<vmem>>, vector<16xf32>,
      %sub3A_1717 = arith.subf %gather3A_1133, %gather3A_1113 : vector<16xf32>
      %swap3A_1718 = arith.constant 18 : i32
      %swap3A_1719 = arith.index_cast %rem3A_470 : i32 to index
      %swap3A_1720 = arith.index_cast %swap3A_1718 : i32 to index
      %swap3A_1721 = arith.constant 16 : index
      %swap3A_1722 = tpu.vector_load %arg12[%swap3A_1719, %swap3A_1720, %swap3A_1721] {strides = array<i32>} : memref<2x26x64xf32, #tpu.memory_space<vmem>>, vector<16xf32>,
      tpu.vector_store %arg12[%swap3A_1719, %swap3A_1720, %swap3A_1721], %sub3A_1717 {strides = array<i32>} : memref<2x26x64xf32, #tpu.memory_space<vmem>>, vector<16xf32>,
      %sub3A_1723 = arith.subf %gather3A_1138, %gather3A_1118 : vector<16xf32>
      %swap3A_1724 = arith.constant 18 : i32
      %swap3A_1725 = arith.index_cast %rem3A_470 : i32 to index
      %swap3A_1726 = arith.index_cast %swap3A_1724 : i32 to index
      %swap3A_1727 = arith.constant 32 : index
      %swap3A_1728 = tpu.vector_load %arg12[%swap3A_1725, %swap3A_1726, %swap3A_1727] {strides = array<i32>} : memref<2x26x64xf32, #tpu.memory_space<vmem>>, vector<16xf32>,
      tpu.vector_store %arg12[%swap3A_1725, %swap3A_1726, %swap3A_1727], %sub3A_1723 {strides = array<i32>} : memref<2x26x64xf32, #tpu.memory_space<vmem>>, vector<16xf32>,
      %sub3A_1729 = arith.subf %gather3A_1143, %gather3A_1123 : vector<16xf32>
      %swap3A_1730 = arith.constant 18 : i32
      %swap3A_1731 = arith.index_cast %rem3A_470 : i32 to index
      %swap3A_1732 = arith.index_cast %swap3A_1730 : i32 to index
      %swap3A_1733 = arith.constant 48 : index
      %swap3A_1734 = tpu.vector_load %arg12[%swap3A_1731, %swap3A_1732, %swap3A_1733] {strides = array<i32>} : memref<2x26x64xf32, #tpu.memory_space<vmem>>, vector<16xf32>,
      tpu.vector_store %arg12[%swap3A_1731, %swap3A_1732, %swap3A_1733], %sub3A_1729 {strides = array<i32>} : memref<2x26x64xf32, #tpu.memory_space<vmem>>, vector<16xf32>,
      %sub3A_1735 = arith.subf %gather3A_1148, %gather3A_1128 : vector<16xf32>
      %swap3A_1736 = arith.constant 19 : i32
      %swap3A_1737 = arith.index_cast %rem3A_470 : i32 to index
      %swap3A_1738 = arith.index_cast %swap3A_1736 : i32 to index
      %swap3A_1739 = arith.constant 0 : index
      %swap3A_1740 = tpu.vector_load %arg12[%swap3A_1737, %swap3A_1738, %swap3A_1739] {strides = array<i32>} : memref<2x26x64xf32, #tpu.memory_space<vmem>>, vector<16xf32>,
      tpu.vector_store %arg12[%swap3A_1737, %swap3A_1738, %swap3A_1739], %sub3A_1735 {strides = array<i32>} : memref<2x26x64xf32, #tpu.memory_space<vmem>>, vector<16xf32>,
      %sub3A_1741 = arith.subf %gather3A_1153, %gather3A_1133 : vector<16xf32>
      %swap3A_1742 = arith.constant 19 : i32
      %swap3A_1743 = arith.index_cast %rem3A_470 : i32 to index
      %swap3A_1744 = arith.index_cast %swap3A_1742 : i32 to index
      %swap3A_1745 = arith.constant 16 : index
      %swap3A_1746 = tpu.vector_load %arg12[%swap3A_1743, %swap3A_1744, %swap3A_1745] {strides = array<i32>} : memref<2x26x64xf32, #tpu.memory_space<vmem>>, vector<16xf32>,
      tpu.vector_store %arg12[%swap3A_1743, %swap3A_1744, %swap3A_1745], %sub3A_1741 {strides = array<i32>} : memref<2x26x64xf32, #tpu.memory_space<vmem>>, vector<16xf32>,
      %sub3A_1747 = arith.subf %gather3A_1158, %gather3A_1138 : vector<16xf32>
      %swap3A_1748 = arith.constant 19 : i32
      %swap3A_1749 = arith.index_cast %rem3A_470 : i32 to index
      %swap3A_1750 = arith.index_cast %swap3A_1748 : i32 to index
      %swap3A_1751 = arith.constant 32 : index
      %swap3A_1752 = tpu.vector_load %arg12[%swap3A_1749, %swap3A_1750, %swap3A_1751] {strides = array<i32>} : memref<2x26x64xf32, #tpu.memory_space<vmem>>, vector<16xf32>,
      tpu.vector_store %arg12[%swap3A_1749, %swap3A_1750, %swap3A_1751], %sub3A_1747 {strides = array<i32>} : memref<2x26x64xf32, #tpu.memory_space<vmem>>, vector<16xf32>,
      %sub3A_1753 = arith.subf %gather3A_1163, %gather3A_1143 : vector<16xf32>
      %swap3A_1754 = arith.constant 19 : i32
      %swap3A_1755 = arith.index_cast %rem3A_470 : i32 to index
      %swap3A_1756 = arith.index_cast %swap3A_1754 : i32 to index
      %swap3A_1757 = arith.constant 48 : index
      %swap3A_1758 = tpu.vector_load %arg12[%swap3A_1755, %swap3A_1756, %swap3A_1757] {strides = array<i32>} : memref<2x26x64xf32, #tpu.memory_space<vmem>>, vector<16xf32>,
      tpu.vector_store %arg12[%swap3A_1755, %swap3A_1756, %swap3A_1757], %sub3A_1753 {strides = array<i32>} : memref<2x26x64xf32, #tpu.memory_space<vmem>>, vector<16xf32>,
      %sub3A_1759 = arith.subf %gather3A_1168, %gather3A_1148 : vector<16xf32>
      %swap3A_1760 = arith.constant 20 : i32
      %swap3A_1761 = arith.index_cast %rem3A_470 : i32 to index
      %swap3A_1762 = arith.index_cast %swap3A_1760 : i32 to index
      %swap3A_1763 = arith.constant 0 : index
      %swap3A_1764 = tpu.vector_load %arg12[%swap3A_1761, %swap3A_1762, %swap3A_1763] {strides = array<i32>} : memref<2x26x64xf32, #tpu.memory_space<vmem>>, vector<16xf32>,
      tpu.vector_store %arg12[%swap3A_1761, %swap3A_1762, %swap3A_1763], %sub3A_1759 {strides = array<i32>} : memref<2x26x64xf32, #tpu.memory_space<vmem>>, vector<16xf32>,
      %sub3A_1765 = arith.subf %gather3A_1173, %gather3A_1153 : vector<16xf32>
      %swap3A_1766 = arith.constant 20 : i32
      %swap3A_1767 = arith.index_cast %rem3A_470 : i32 to index
      %swap3A_1768 = arith.index_cast %swap3A_1766 : i32 to index
      %swap3A_1769 = arith.constant 16 : index
      %swap3A_1770 = tpu.vector_load %arg12[%swap3A_1767, %swap3A_1768, %swap3A_1769] {strides = array<i32>} : memref<2x26x64xf32, #tpu.memory_space<vmem>>, vector<16xf32>,
      tpu.vector_store %arg12[%swap3A_1767, %swap3A_1768, %swap3A_1769], %sub3A_1765 {strides = array<i32>} : memref<2x26x64xf32, #tpu.memory_space<vmem>>, vector<16xf32>,
      %sub3A_1771 = arith.subf %gather3A_1178, %gather3A_1158 : vector<16xf32>
      %swap3A_1772 = arith.constant 20 : i32
      %swap3A_1773 = arith.index_cast %rem3A_470 : i32 to index
      %swap3A_1774 = arith.index_cast %swap3A_1772 : i32 to index
      %swap3A_1775 = arith.constant 32 : index
      %swap3A_1776 = tpu.vector_load %arg12[%swap3A_1773, %swap3A_1774, %swap3A_1775] {strides = array<i32>} : memref<2x26x64xf32, #tpu.memory_space<vmem>>, vector<16xf32>,
      tpu.vector_store %arg12[%swap3A_1773, %swap3A_1774, %swap3A_1775], %sub3A_1771 {strides = array<i32>} : memref<2x26x64xf32, #tpu.memory_space<vmem>>, vector<16xf32>,
      %sub3A_1777 = arith.subf %gather3A_1183, %gather3A_1163 : vector<16xf32>
      %swap3A_1778 = arith.constant 20 : i32
      %swap3A_1779 = arith.index_cast %rem3A_470 : i32 to index
      %swap3A_1780 = arith.index_cast %swap3A_1778 : i32 to index
      %swap3A_1781 = arith.constant 48 : index
      %swap3A_1782 = tpu.vector_load %arg12[%swap3A_1779, %swap3A_1780, %swap3A_1781] {strides = array<i32>} : memref<2x26x64xf32, #tpu.memory_space<vmem>>, vector<16xf32>,
      tpu.vector_store %arg12[%swap3A_1779, %swap3A_1780, %swap3A_1781], %sub3A_1777 {strides = array<i32>} : memref<2x26x64xf32, #tpu.memory_space<vmem>>, vector<16xf32>,
      %sub3A_1783 = arith.subf %gather3A_1188, %gather3A_1168 : vector<16xf32>
      %swap3A_1784 = arith.constant 21 : i32
      %swap3A_1785 = arith.index_cast %rem3A_470 : i32 to index
      %swap3A_1786 = arith.index_cast %swap3A_1784 : i32 to index
      %swap3A_1787 = arith.constant 0 : index
      %swap3A_1788 = tpu.vector_load %arg12[%swap3A_1785, %swap3A_1786, %swap3A_1787] {strides = array<i32>} : memref<2x26x64xf32, #tpu.memory_space<vmem>>, vector<16xf32>,
      tpu.vector_store %arg12[%swap3A_1785, %swap3A_1786, %swap3A_1787], %sub3A_1783 {strides = array<i32>} : memref<2x26x64xf32, #tpu.memory_space<vmem>>, vector<16xf32>,
      %sub3A_1789 = arith.subf %gather3A_1193, %gather3A_1173 : vector<16xf32>
      %swap3A_1790 = arith.constant 21 : i32
      %swap3A_1791 = arith.index_cast %rem3A_470 : i32 to index
      %swap3A_1792 = arith.index_cast %swap3A_1790 : i32 to index
      %swap3A_1793 = arith.constant 16 : index
      %swap3A_1794 = tpu.vector_load %arg12[%swap3A_1791, %swap3A_1792, %swap3A_1793] {strides = array<i32>} : memref<2x26x64xf32, #tpu.memory_space<vmem>>, vector<16xf32>,
      tpu.vector_store %arg12[%swap3A_1791, %swap3A_1792, %swap3A_1793], %sub3A_1789 {strides = array<i32>} : memref<2x26x64xf32, #tpu.memory_space<vmem>>, vector<16xf32>,
      %sub3A_1795 = arith.subf %gather3A_1198, %gather3A_1178 : vector<16xf32>
      %swap3A_1796 = arith.constant 21 : i32
      %swap3A_1797 = arith.index_cast %rem3A_470 : i32 to index
      %swap3A_1798 = arith.index_cast %swap3A_1796 : i32 to index
      %swap3A_1799 = arith.constant 32 : index
      %swap3A_1800 = tpu.vector_load %arg12[%swap3A_1797, %swap3A_1798, %swap3A_1799] {strides = array<i32>} : memref<2x26x64xf32, #tpu.memory_space<vmem>>, vector<16xf32>,
      tpu.vector_store %arg12[%swap3A_1797, %swap3A_1798, %swap3A_1799], %sub3A_1795 {strides = array<i32>} : memref<2x26x64xf32, #tpu.memory_space<vmem>>, vector<16xf32>,
      %sub3A_1801 = arith.subf %gather3A_1203, %gather3A_1183 : vector<16xf32>
      %swap3A_1802 = arith.constant 21 : i32
      %swap3A_1803 = arith.index_cast %rem3A_470 : i32 to index
      %swap3A_1804 = arith.index_cast %swap3A_1802 : i32 to index
      %swap3A_1805 = arith.constant 48 : index
      %swap3A_1806 = tpu.vector_load %arg12[%swap3A_1803, %swap3A_1804, %swap3A_1805] {strides = array<i32>} : memref<2x26x64xf32, #tpu.memory_space<vmem>>, vector<16xf32>,
      tpu.vector_store %arg12[%swap3A_1803, %swap3A_1804, %swap3A_1805], %sub3A_1801 {strides = array<i32>} : memref<2x26x64xf32, #tpu.memory_space<vmem>>, vector<16xf32>,
      %sub3A_1807 = arith.subf %gather3A_1208, %gather3A_1188 : vector<16xf32>
      %swap3A_1808 = arith.constant 22 : i32
      %swap3A_1809 = arith.index_cast %rem3A_470 : i32 to index
      %swap3A_1810 = arith.index_cast %swap3A_1808 : i32 to index
      %swap3A_1811 = arith.constant 0 : index
      %swap3A_1812 = tpu.vector_load %arg12[%swap3A_1809, %swap3A_1810, %swap3A_1811] {strides = array<i32>} : memref<2x26x64xf32, #tpu.memory_space<vmem>>, vector<16xf32>,
      tpu.vector_store %arg12[%swap3A_1809, %swap3A_1810, %swap3A_1811], %sub3A_1807 {strides = array<i32>} : memref<2x26x64xf32, #tpu.memory_space<vmem>>, vector<16xf32>,
      %sub3A_1813 = arith.subf %gather3A_1213, %gather3A_1193 : vector<16xf32>
      %swap3A_1814 = arith.constant 22 : i32
      %swap3A_1815 = arith.index_cast %rem3A_470 : i32 to index
      %swap3A_1816 = arith.index_cast %swap3A_1814 : i32 to index
      %swap3A_1817 = arith.constant 16 : index
      %swap3A_1818 = tpu.vector_load %arg12[%swap3A_1815, %swap3A_1816, %swap3A_1817] {strides = array<i32>} : memref<2x26x64xf32, #tpu.memory_space<vmem>>, vector<16xf32>,
      tpu.vector_store %arg12[%swap3A_1815, %swap3A_1816, %swap3A_1817], %sub3A_1813 {strides = array<i32>} : memref<2x26x64xf32, #tpu.memory_space<vmem>>, vector<16xf32>,
      %sub3A_1819 = arith.subf %gather3A_1218, %gather3A_1198 : vector<16xf32>
      %swap3A_1820 = arith.constant 22 : i32
      %swap3A_1821 = arith.index_cast %rem3A_470 : i32 to index
      %swap3A_1822 = arith.index_cast %swap3A_1820 : i32 to index
      %swap3A_1823 = arith.constant 32 : index
      %swap3A_1824 = tpu.vector_load %arg12[%swap3A_1821, %swap3A_1822, %swap3A_1823] {strides = array<i32>} : memref<2x26x64xf32, #tpu.memory_space<vmem>>, vector<16xf32>,
      tpu.vector_store %arg12[%swap3A_1821, %swap3A_1822, %swap3A_1823], %sub3A_1819 {strides = array<i32>} : memref<2x26x64xf32, #tpu.memory_space<vmem>>, vector<16xf32>,
      %sub3A_1825 = arith.subf %gather3A_1223, %gather3A_1203 : vector<16xf32>
      %swap3A_1826 = arith.constant 22 : i32
      %swap3A_1827 = arith.index_cast %rem3A_470 : i32 to index
      %swap3A_1828 = arith.index_cast %swap3A_1826 : i32 to index
      %swap3A_1829 = arith.constant 48 : index
      %swap3A_1830 = tpu.vector_load %arg12[%swap3A_1827, %swap3A_1828, %swap3A_1829] {strides = array<i32>} : memref<2x26x64xf32, #tpu.memory_space<vmem>>, vector<16xf32>,
      tpu.vector_store %arg12[%swap3A_1827, %swap3A_1828, %swap3A_1829], %sub3A_1825 {strides = array<i32>} : memref<2x26x64xf32, #tpu.memory_space<vmem>>, vector<16xf32>,
      %sub3A_1831 = arith.subf %gather3A_1228, %gather3A_1208 : vector<16xf32>
      %swap3A_1832 = arith.constant 23 : i32
      %swap3A_1833 = arith.index_cast %rem3A_470 : i32 to index
      %swap3A_1834 = arith.index_cast %swap3A_1832 : i32 to index
      %swap3A_1835 = arith.constant 0 : index
      %swap3A_1836 = tpu.vector_load %arg12[%swap3A_1833, %swap3A_1834, %swap3A_1835] {strides = array<i32>} : memref<2x26x64xf32, #tpu.memory_space<vmem>>, vector<16xf32>,
      tpu.vector_store %arg12[%swap3A_1833, %swap3A_1834, %swap3A_1835], %sub3A_1831 {strides = array<i32>} : memref<2x26x64xf32, #tpu.memory_space<vmem>>, vector<16xf32>,
      %sub3A_1837 = arith.subf %gather3A_1233, %gather3A_1213 : vector<16xf32>
      %swap3A_1838 = arith.constant 23 : i32
      %swap3A_1839 = arith.index_cast %rem3A_470 : i32 to index
      %swap3A_1840 = arith.index_cast %swap3A_1838 : i32 to index
      %swap3A_1841 = arith.constant 16 : index
      %swap3A_1842 = tpu.vector_load %arg12[%swap3A_1839, %swap3A_1840, %swap3A_1841] {strides = array<i32>} : memref<2x26x64xf32, #tpu.memory_space<vmem>>, vector<16xf32>,
      tpu.vector_store %arg12[%swap3A_1839, %swap3A_1840, %swap3A_1841], %sub3A_1837 {strides = array<i32>} : memref<2x26x64xf32, #tpu.memory_space<vmem>>, vector<16xf32>,
      %sub3A_1843 = arith.subf %gather3A_1238, %gather3A_1218 : vector<16xf32>
      %swap3A_1844 = arith.constant 23 : i32
      %swap3A_1845 = arith.index_cast %rem3A_470 : i32 to index
      %swap3A_1846 = arith.index_cast %swap3A_1844 : i32 to index
      %swap3A_1847 = arith.constant 32 : index
      %swap3A_1848 = tpu.vector_load %arg12[%swap3A_1845, %swap3A_1846, %swap3A_1847] {strides = array<i32>} : memref<2x26x64xf32, #tpu.memory_space<vmem>>, vector<16xf32>,
      tpu.vector_store %arg12[%swap3A_1845, %swap3A_1846, %swap3A_1847], %sub3A_1843 {strides = array<i32>} : memref<2x26x64xf32, #tpu.memory_space<vmem>>, vector<16xf32>,
      %sub3A_1849 = arith.subf %gather3A_1243, %gather3A_1223 : vector<16xf32>
      %swap3A_1850 = arith.constant 23 : i32
      %swap3A_1851 = arith.index_cast %rem3A_470 : i32 to index
      %swap3A_1852 = arith.index_cast %swap3A_1850 : i32 to index
      %swap3A_1853 = arith.constant 48 : index
      %swap3A_1854 = tpu.vector_load %arg12[%swap3A_1851, %swap3A_1852, %swap3A_1853] {strides = array<i32>} : memref<2x26x64xf32, #tpu.memory_space<vmem>>, vector<16xf32>,
      tpu.vector_store %arg12[%swap3A_1851, %swap3A_1852, %swap3A_1853], %sub3A_1849 {strides = array<i32>} : memref<2x26x64xf32, #tpu.memory_space<vmem>>, vector<16xf32>,
      %sub3A_1855 = arith.subf %gather3A_1248, %gather3A_1228 : vector<16xf32>
      %swap3A_1856 = arith.constant 24 : i32
      %swap3A_1857 = arith.index_cast %rem3A_470 : i32 to index
      %swap3A_1858 = arith.index_cast %swap3A_1856 : i32 to index
      %swap3A_1859 = arith.constant 0 : index
      %swap3A_1860 = tpu.vector_load %arg12[%swap3A_1857, %swap3A_1858, %swap3A_1859] {strides = array<i32>} : memref<2x26x64xf32, #tpu.memory_space<vmem>>, vector<16xf32>,
      tpu.vector_store %arg12[%swap3A_1857, %swap3A_1858, %swap3A_1859], %sub3A_1855 {strides = array<i32>} : memref<2x26x64xf32, #tpu.memory_space<vmem>>, vector<16xf32>,
      %sub3A_1861 = arith.subf %gather3A_1253, %gather3A_1233 : vector<16xf32>
      %swap3A_1862 = arith.constant 24 : i32
      %swap3A_1863 = arith.index_cast %rem3A_470 : i32 to index
      %swap3A_1864 = arith.index_cast %swap3A_1862 : i32 to index
      %swap3A_1865 = arith.constant 16 : index
      %swap3A_1866 = tpu.vector_load %arg12[%swap3A_1863, %swap3A_1864, %swap3A_1865] {strides = array<i32>} : memref<2x26x64xf32, #tpu.memory_space<vmem>>, vector<16xf32>,
      tpu.vector_store %arg12[%swap3A_1863, %swap3A_1864, %swap3A_1865], %sub3A_1861 {strides = array<i32>} : memref<2x26x64xf32, #tpu.memory_space<vmem>>, vector<16xf32>,
      %sub3A_1867 = arith.subf %gather3A_1258, %gather3A_1238 : vector<16xf32>
      %swap3A_1868 = arith.constant 24 : i32
      %swap3A_1869 = arith.index_cast %rem3A_470 : i32 to index
      %swap3A_1870 = arith.index_cast %swap3A_1868 : i32 to index
      %swap3A_1871 = arith.constant 32 : index
      %swap3A_1872 = tpu.vector_load %arg12[%swap3A_1869, %swap3A_1870, %swap3A_1871] {strides = array<i32>} : memref<2x26x64xf32, #tpu.memory_space<vmem>>, vector<16xf32>,
      tpu.vector_store %arg12[%swap3A_1869, %swap3A_1870, %swap3A_1871], %sub3A_1867 {strides = array<i32>} : memref<2x26x64xf32, #tpu.memory_space<vmem>>, vector<16xf32>,
      %sub3A_1873 = arith.subf %gather3A_1263, %gather3A_1243 : vector<16xf32>
      %swap3A_1874 = arith.constant 24 : i32
      %swap3A_1875 = arith.index_cast %rem3A_470 : i32 to index
      %swap3A_1876 = arith.index_cast %swap3A_1874 : i32 to index
      %swap3A_1877 = arith.constant 48 : index
      %swap3A_1878 = tpu.vector_load %arg12[%swap3A_1875, %swap3A_1876, %swap3A_1877] {strides = array<i32>} : memref<2x26x64xf32, #tpu.memory_space<vmem>>, vector<16xf32>,
      tpu.vector_store %arg12[%swap3A_1875, %swap3A_1876, %swap3A_1877], %sub3A_1873 {strides = array<i32>} : memref<2x26x64xf32, #tpu.memory_space<vmem>>, vector<16xf32>,
      %sub3A_1879 = arith.subf %gather3A_1268, %gather3A_1248 : vector<16xf32>
      %swap3A_1880 = arith.constant 25 : i32
      %swap3A_1881 = arith.index_cast %rem3A_470 : i32 to index
      %swap3A_1882 = arith.index_cast %swap3A_1880 : i32 to index
      %swap3A_1883 = arith.constant 0 : index
      %swap3A_1884 = tpu.vector_load %arg12[%swap3A_1881, %swap3A_1882, %swap3A_1883] {strides = array<i32>} : memref<2x26x64xf32, #tpu.memory_space<vmem>>, vector<16xf32>,
      tpu.vector_store %arg12[%swap3A_1881, %swap3A_1882, %swap3A_1883], %sub3A_1879 {strides = array<i32>} : memref<2x26x64xf32, #tpu.memory_space<vmem>>, vector<16xf32>,
      %sub3A_1885 = arith.subf %gather3A_1273, %gather3A_1253 : vector<16xf32>
      %swap3A_1886 = arith.constant 25 : i32
      %swap3A_1887 = arith.index_cast %rem3A_470 : i32 to index
      %swap3A_1888 = arith.index_cast %swap3A_1886 : i32 to index
      %swap3A_1889 = arith.constant 16 : index
      %swap3A_1890 = tpu.vector_load %arg12[%swap3A_1887, %swap3A_1888, %swap3A_1889] {strides = array<i32>} : memref<2x26x64xf32, #tpu.memory_space<vmem>>, vector<16xf32>,
      tpu.vector_store %arg12[%swap3A_1887, %swap3A_1888, %swap3A_1889], %sub3A_1885 {strides = array<i32>} : memref<2x26x64xf32, #tpu.memory_space<vmem>>, vector<16xf32>,
      %sub3A_1891 = arith.subf %gather3A_1278, %gather3A_1258 : vector<16xf32>
      %swap3A_1892 = arith.constant 25 : i32
      %swap3A_1893 = arith.index_cast %rem3A_470 : i32 to index
      %swap3A_1894 = arith.index_cast %swap3A_1892 : i32 to index
      %swap3A_1895 = arith.constant 32 : index
      %swap3A_1896 = tpu.vector_load %arg12[%swap3A_1893, %swap3A_1894, %swap3A_1895] {strides = array<i32>} : memref<2x26x64xf32, #tpu.memory_space<vmem>>, vector<16xf32>,
      tpu.vector_store %arg12[%swap3A_1893, %swap3A_1894, %swap3A_1895], %sub3A_1891 {strides = array<i32>} : memref<2x26x64xf32, #tpu.memory_space<vmem>>, vector<16xf32>,
      %sub3A_1897 = arith.subf %gather3A_1283, %gather3A_1263 : vector<16xf32>
      %swap3A_1898 = arith.constant 25 : i32
      %swap3A_1899 = arith.index_cast %rem3A_470 : i32 to index
      %swap3A_1900 = arith.index_cast %swap3A_1898 : i32 to index
      %swap3A_1901 = arith.constant 48 : index
      %swap3A_1902 = tpu.vector_load %arg12[%swap3A_1899, %swap3A_1900, %swap3A_1901] {strides = array<i32>} : memref<2x26x64xf32, #tpu.memory_space<vmem>>, vector<16xf32>,
      tpu.vector_store %arg12[%swap3A_1899, %swap3A_1900, %swap3A_1901], %sub3A_1897 {strides = array<i32>} : memref<2x26x64xf32, #tpu.memory_space<vmem>>, vector<16xf32>,
      %dma_start3A_1903 = arith.constant 0 : i32
      %dma_start3A_1904 = arith.constant 0 : i32
      %dma_start3A_1905 = tpu.memref_slice %arg12[%rem3A_470, %dma_start3A_1903, %dma_start3A_1904] : memref<2x26x64xf32, #tpu.memory_space<vmem>> -> memref<1x26x64xf32, #tpu.memory_space<vmem>>
      %dma_start3A_1906 = tpu.memref_squeeze %dma_start3A_1905 : memref<1x26x64xf32, #tpu.memory_space<vmem>> -> memref<26x64xf32, #tpu.memory_space<vmem>>
      %dma_start3A_1907 = arith.constant 0 : i32
      %dma_start3A_1908 = arith.constant 0 : i32
      %dma_start3A_1909 = tpu.memref_slice %arg6[%add3A_471, %dma_start3A_1907, %dma_start3A_1908] : memref<4096x26x64xf32, #tpu.memory_space<hbm>> -> memref<1x26x64xf32, #tpu.memory_space<hbm>>
      %dma_start3A_1910 = tpu.memref_squeeze %dma_start3A_1909 : memref<1x26x64xf32, #tpu.memory_space<hbm>> -> memref<26x64xf32, #tpu.memory_space<hbm>>
      %dma_start3A_1911 = arith.constant 0 : i32
      %dma_start3A_1912 = arith.constant 0 : i32
      %dma_start3A_1913 = tpu.memref_slice %arg6[%add3A_471, %dma_start3A_1911, %dma_start3A_1912] : memref<4096x26x64xf32, #tpu.memory_space<hbm>> -> memref<1x26x64xf32, #tpu.memory_space<hbm>>
      %dma_start3A_1914 = tpu.memref_squeeze %dma_start3A_1913 : memref<1x26x64xf32, #tpu.memory_space<hbm>> -> memref<26x64xf32, #tpu.memory_space<hbm>>
      %dma_start3A_1915 = arith.constant 0 : i32
      %dma_start3A_1916 = arith.constant 0 : i32
      %dma_start3A_1917 = tpu.memref_slice %arg12[%rem3A_470, %dma_start3A_1915, %dma_start3A_1916] : memref<2x26x64xf32, #tpu.memory_space<vmem>> -> memref<1x26x64xf32, #tpu.memory_space<vmem>>
      %dma_start3A_1918 = tpu.memref_squeeze %dma_start3A_1917 : memref<1x26x64xf32, #tpu.memory_space<vmem>> -> memref<26x64xf32, #tpu.memory_space<vmem>>
      tpu.enqueue_dma source(%dma_start3A_1918 : memref<26x64xf32, #tpu.memory_space<vmem>>) target(%dma_start3A_1914 : memref<26x64xf32, #tpu.memory_space<hbm>>) target_semaphore(%arg14 : memref<!tpu.dma_semaphore, #tpu.memory_space<semaphore_mem>>)
    }
    %scan3A_433 = arith.constant 128 : i32
    %dma_wait3A = arith.constant 0 : i32
    %dma_wait3A_434 = arith.constant 0 : i32
    %dma_wait3A_435 = arith.constant 0 : i32
    %dma_wait3A_436 = tpu.memref_slice %arg12[%dma_wait3A, %dma_wait3A_434, %dma_wait3A_435] : memref<2x26x64xf32, #tpu.memory_space<vmem>> -> memref<1x26x64xf32, #tpu.memory_space<vmem>>
    %dma_wait3A_437 = tpu.memref_squeeze %dma_wait3A_436 : memref<1x26x64xf32, #tpu.memory_space<vmem>> -> memref<26x64xf32, #tpu.memory_space<vmem>>
    %dma_wait3A_438 = arith.constant 0 : i32
    %dma_wait3A_439 = arith.constant 0 : i32
    %dma_wait3A_440 = tpu.memref_slice %arg6[%mul3A_2, %dma_wait3A_438, %dma_wait3A_439] : memref<4096x26x64xf32, #tpu.memory_space<hbm>> -> memref<1x26x64xf32, #tpu.memory_space<hbm>>
    %dma_wait3A_441 = tpu.memref_squeeze %dma_wait3A_440 : memref<1x26x64xf32, #tpu.memory_space<hbm>> -> memref<26x64xf32, #tpu.memory_space<hbm>>
    %dma_wait3A_442 = arith.constant 0 : i32
    %dma_wait3A_443 = arith.constant 0 : i32
    %dma_wait3A_444 = tpu.memref_slice %arg6[%mul3A_2, %dma_wait3A_442, %dma_wait3A_443] : memref<4096x26x64xf32, #tpu.memory_space<hbm>> -> memref<1x26x64xf32, #tpu.memory_space<hbm>>
    %dma_wait3A_445 = tpu.memref_squeeze %dma_wait3A_444 : memref<1x26x64xf32, #tpu.memory_space<hbm>> -> memref<26x64xf32, #tpu.memory_space<hbm>>
    %dma_wait3A_446 = arith.constant 0 : i32
    %dma_wait3A_447 = arith.constant 0 : i32
    %dma_wait3A_448 = tpu.memref_slice %arg12[%dma_wait3A, %dma_wait3A_446, %dma_wait3A_447] : memref<2x26x64xf32, #tpu.memory_space<vmem>> -> memref<1x26x64xf32, #tpu.memory_space<vmem>>
    %dma_wait3A_449 = tpu.memref_squeeze %dma_wait3A_448 : memref<1x26x64xf32, #tpu.memory_space<vmem>> -> memref<26x64xf32, #tpu.memory_space<vmem>>
    tpu.wait_dma2 semaphore(%arg14 : memref<!tpu.dma_semaphore, #tpu.memory_space<semaphore_mem>>) src(%dma_wait3A_449 : memref<26x64xf32, #tpu.memory_space<vmem>>) dst(%dma_wait3A_445 : memref<26x64xf32, #tpu.memory_space<hbm>>)
    %add3A_450 = arith.constant 1 : i32
    %add3A_451 = arith.addi %mul3A_2, %add3A_450 : i32
    %dma_wait3A_452 = arith.constant 1 : i32
    %dma_wait3A_453 = arith.constant 0 : i32
    %dma_wait3A_454 = arith.constant 0 : i32
    %dma_wait3A_455 = tpu.memref_slice %arg12[%dma_wait3A_452, %dma_wait3A_453, %dma_wait3A_454] : memref<2x26x64xf32, #tpu.memory_space<vmem>> -> memref<1x26x64xf32, #tpu.memory_space<vmem>>
    %dma_wait3A_456 = tpu.memref_squeeze %dma_wait3A_455 : memref<1x26x64xf32, #tpu.memory_space<vmem>> -> memref<26x64xf32, #tpu.memory_space<vmem>>
    %dma_wait3A_457 = arith.constant 0 : i32
    %dma_wait3A_458 = arith.constant 0 : i32
    %dma_wait3A_459 = tpu.memref_slice %arg6[%add3A_451, %dma_wait3A_457, %dma_wait3A_458] : memref<4096x26x64xf32, #tpu.memory_space<hbm>> -> memref<1x26x64xf32, #tpu.memory_space<hbm>>
    %dma_wait3A_460 = tpu.memref_squeeze %dma_wait3A_459 : memref<1x26x64xf32, #tpu.memory_space<hbm>> -> memref<26x64xf32, #tpu.memory_space<hbm>>
    %dma_wait3A_461 = arith.constant 0 : i32
    %dma_wait3A_462 = arith.constant 0 : i32
    %dma_wait3A_463 = tpu.memref_slice %arg6[%add3A_451, %dma_wait3A_461, %dma_wait3A_462] : memref<4096x26x64xf32, #tpu.memory_space<hbm>> -> memref<1x26x64xf32, #tpu.memory_space<hbm>>
    %dma_wait3A_464 = tpu.memref_squeeze %dma_wait3A_463 : memref<1x26x64xf32, #tpu.memory_space<hbm>> -> memref<26x64xf32, #tpu.memory_space<hbm>>
    %dma_wait3A_465 = arith.constant 0 : i32
    %dma_wait3A_466 = arith.constant 0 : i32
    %dma_wait3A_467 = tpu.memref_slice %arg12[%dma_wait3A_452, %dma_wait3A_465, %dma_wait3A_466] : memref<2x26x64xf32, #tpu.memory_space<vmem>> -> memref<1x26x64xf32, #tpu.memory_space<vmem>>
    %dma_wait3A_468 = tpu.memref_squeeze %dma_wait3A_467 : memref<1x26x64xf32, #tpu.memory_space<vmem>> -> memref<26x64xf32, #tpu.memory_space<vmem>>
    tpu.wait_dma2 semaphore(%arg14 : memref<!tpu.dma_semaphore, #tpu.memory_space<semaphore_mem>>) src(%dma_wait3A_468 : memref<26x64xf32, #tpu.memory_space<vmem>>) dst(%dma_wait3A_464 : memref<26x64xf32, #tpu.memory_space<hbm>>)
    return
  }
}

</mosaic_0001>

<sc_bundles>
// kernel: kernel.3.cloned.1.call-start
scs
__scs_entry_jumppad:
0x0: {  	(pc) =	sbr.rel $0x88, $3  }
0x1: {  	(tag) =	ssettag $0x0;
	lr =	simm.s32 $0x1  }
0x2: {  	[smem:$0x3F9D] =	sst lr;
	_ =	strace $0xD0000000  }
0x3: {  	_ = 	snop  }
0x4: {  	_ = 	snop  }
0x5: {  	_ = 	snop  }
0x6: {  	_ = 	snop  }
0x7: {  	_ = 	snop  }
__scs_overlays_trampoline_lowered:
0x8: {  	[smem:$0x3FAC] =	sst s0  }
0x9: {  	[smem:$0x3FAD] =	sst s1  }
0xa: {  	[smem:$0x3FAE] =	sst s2  }
0xb: {  	[smem:$0x3FAF] =	sst s3  }
0xc: {  	[smem:$0x3FB0] =	sst s4  }
0xd: {  	[smem:$0x3FB1] =	sst s5  }
0xe: {  	[smem:$0x3FB2] =	sst s6  }
0xf: {  	[smem:$0x3FB3] =	sst s7  }
0x10: {  	[smem:$0x3FB4] =	sst s8  }
0x11: {  	[smem:$0x3FB5] =	sst s9;
	s0 =	simm.s32 @!p0 $0x0  }
0x12: {  	s1 =	sld [smem:$0x3F9B];
	s0 =	simm.s32 @p0 $0x1  }
0x13: {  	[smem:$0x3FB6] =	sst s0;
	s0 =	simm.s32 @!p1 $0x0  }
0x14: {  	s2 =	sld [smem:$0x3F9A];
	s0 =	simm.s32 @p1 $0x1  }
0x15: {  	[smem:$0x3FB7] =	sst s0;
	s0 =	simm.s32 @!p2 $0x0  }
0x16: {  	s3 =	sld [smem:$0x3FDB];
	s0 =	simm.s32 @p2 $0x1  }
0x17: {  	s4 =	simm.s32 $0x1BF5;
	[smem:$0x3FB9] =	sst s0  }
0x18: {  	s0 =	sld [smem:$0x3F9C];
	_ =	swait.ge [sflag:s4], $0x0  }
0x19: {  	s7 =	sld [smem:$0x3F9D]  }
0x1a: {  	s8 =	sadd.s32 $0xFFFFE003, lr  }
0x1b: {  	s9 =	sadd.s32 $0xFFFFFEF7, lr;
	s5 =	simm.s32 $0xFFFFFFFF;
	p2 =	slt.u32 s8, $0xFFFFF086  }
0x1c: {  	p1 =	slt.u32 s9, $0xF7A;
	s5 =	simm.s32 @!p2 $0x0  }
0x1d: {  	s5 =	simm.s32 @p1 $0x1;
	p0 =	seq.s32 s7, s2  }
0x1e: {  	s7 =	smul.u32 @!p0 $0xF7A, s2;
	p2 =	seq.s32 @!p0 s5, $0x0  }
0x1f: {  	s9 =	smul.u32 $0xF7A, s1;
	s8 =	simm.s32 @!p0 $0x1BF5;
	p2 =	por !p2, p0  }
0x20: {  	[sflag:s8] =	ssyncset.s32 @!p0 $0xFFFFF086;
	s6 =	sadd.s32 @!p0 s3, s7;
	s7 =	simm.s32 @!p0 $0x108  }
0x21: {  	s3 =	sadd.s32 s3, s9;
	s6 =	sadd.s32 @!p0 $0x88, s6;
	s7 =	simm.s32 @p2 $0x1082  }
0x22: {  	[simem:s7], [sflag:s8] =	dma.local @!p0 [hbm:s6], $0xF7A  }
0x23: {  	s9 =	sor.u32 $0xD0000000, s2;
	s6 =	simm.s32 $0x108;
	_ =	swait.ge @!p0 [sflag:s8], $0x0  }
0x24: {  	s3 =	sadd.s32 $0x88, s3;
	s6 =	simm.s32 @!p1 $0x1082;
	[sflag:s4] =	ssyncset.s32 $0xFFFFF086  }
0x25: {  	[simem:s6], [sflag:s4] =	dma.local [hbm:s3], $0xF7A  }
0x26: {  	[smem:$0x3F9D] =	sst s1;
	(tag) =	ssettag s2;
	_ =	strace s9  }
0x27: {  	s1 =	sld [smem:$0x3FAD]  }
0x28: {  	s2 =	sld [smem:$0x3FAE]  }
0x29: {  	s4 =	sld [smem:$0x3FB0]  }
0x2a: {  	p0 =	seq.s32 s5, $0x0;
	s5 =	sld [smem:$0x3FB1]  }
0x2b: {  	s6 =	sld [smem:$0x3FB2]  }
0x2c: {  	s7 =	sld [smem:$0x3FB3]  }
0x2d: {  	s3 =	simm.s32 $0x108;
	s8 =	sld [smem:$0x3FB4]  }
0x2e: {  	s3 =	simm.s32 @!p0 $0x1082;
	s9 =	sld [smem:$0x3FB5]  }
0x2f: {  	lr =	sadd.s32 s0, s3;
	s0 =	sld [smem:$0x3FAC]  }
0x30: {  	s3 =	sld [smem:$0x3FAF]  }
0x31: {  	[smem:$0x3FB8] =	sst s10  }
0x32: {  	s10 =	sld [smem:$0x3FB6];
	_ =	sdelay $0x3  }
0x33: {  	p0 =	seq.s32 s10, $0x1;
	s10 =	sld [smem:$0x3FB8];
	_ =	sdelay $0x3  }
0x34: {  	[smem:$0x3FB8] =	sst s10  }
0x35: {  	s10 =	sld [smem:$0x3FB7];
	_ =	sdelay $0x3  }
0x36: {  	p1 =	seq.s32 s10, $0x1;
	s10 =	sld [smem:$0x3FB8];
	_ =	sdelay $0x3  }
0x37: {  	[smem:$0x3FB8] =	sst s10  }
0x38: {  	s10 =	sld [smem:$0x3FB9]  }
0x39: {  	_ = 	snop;
	(pc) =	sbr.ind lr, $3  }
0x3a: {  	_ = 	snop  }
0x3b: {  	_ = 	snop  }
0x3c: {  	p2 =	seq.s32 s10, $0x1;
	s10 =	sld [smem:$0x3FB8]  }
0x3d: {  	_ =	shalt  }
0x3e: {  	_ =	shalt  }
0x3f: {  	_ =	shalt  }
0x40: {  	_ =	shalt  }
0x41: {  	_ =	shalt  }
0x42: {  	_ =	shalt  }
0x43: {  	_ =	shalt  }
0x44: {  	_ =	shalt  }
0x45: {  	_ =	shalt  }
0x46: {  	_ =	shalt  }
0x47: {  	_ =	shalt  }
0x48: {  	_ =	shalt  }
0x49: {  	_ =	shalt  }
0x4a: {  	_ =	shalt  }
0x4b: {  	_ =	shalt  }
0x4c: {  	_ =	shalt  }
0x4d: {  	_ =	shalt  }
0x4e: {  	_ =	shalt  }
0x4f: {  	_ =	shalt  }
0x50: {  	_ =	shalt  }
0x51: {  	_ =	shalt  }
0x52: {  	_ =	shalt  }
0x53: {  	_ =	shalt  }
0x54: {  	_ =	shalt  }
0x55: {  	_ =	shalt  }
0x56: {  	_ =	shalt  }
0x57: {  	_ =	shalt  }
0x58: {  	_ =	shalt  }
0x59: {  	_ =	shalt  }
0x5a: {  	_ =	shalt  }
0x5b: {  	_ =	shalt  }
0x5c: {  	_ =	shalt  }
0x5d: {  	_ =	shalt  }
0x5e: {  	_ =	shalt  }
0x5f: {  	_ =	shalt  }
0x60: {  	_ =	shalt  }
0x61: {  	_ =	shalt  }
0x62: {  	_ =	shalt  }
0x63: {  	_ =	shalt  }
0x64: {  	_ =	shalt  }
0x65: {  	_ =	shalt  }
0x66: {  	_ =	shalt  }
0x67: {  	_ =	shalt  }
0x68: {  	_ =	shalt  }
0x69: {  	_ =	shalt  }
0x6a: {  	_ =	shalt  }
0x6b: {  	_ =	shalt  }
0x6c: {  	_ =	shalt  }
0x6d: {  	_ =	shalt  }
0x6e: {  	_ =	shalt  }
0x6f: {  	_ =	shalt  }
0x70: {  	_ =	shalt  }
0x71: {  	_ =	shalt  }
0x72: {  	_ =	shalt  }
0x73: {  	_ =	shalt  }
0x74: {  	_ =	shalt  }
0x75: {  	_ =	shalt  }
0x76: {  	_ =	shalt  }
0x77: {  	_ =	shalt  }
0x78: {  	_ =	shalt  }
0x79: {  	_ =	shalt  }
0x7a: {  	_ =	shalt  }
0x7b: {  	_ =	shalt  }
0x7c: {  	_ =	shalt  }
0x7d: {  	_ =	shalt  }
0x7e: {  	_ =	shalt  }
0x7f: {  	_ =	shalt  }
0x80: {  	_ =	shalt  }
0x81: {  	_ =	shalt  }
0x82: {  	_ =	shalt  }
0x83: {  	_ =	shalt  }
0x84: {  	_ =	shalt  }
0x85: {  	_ =	shalt  }
0x86: {  	_ =	shalt  }
0x87: {  	_ =	shalt  }
.Lfunc_end0:
.L_simem_size_0:
called_computation_lowered:
.L_overlay_start_0:
0x88: {  	s2 =	sld [smem:$0x3FD9]  }
0x89: {  	s3 =	sld [smem:$0x3FFE];
	_ =	sdelay $0x1  }
0x8a: {  	s1 =	srdreg.scid  }
0x8b: {  	s0 =	sand.u32 $0x1, s1  }
0x8c: {  	s17 =	sshll.u32 s0, $0xA;
	s2 =	sadd.s32 s3, s2  }
0x8d: {  	s2 =	sadd.s32 s2, s17  }
0x8e: {  	[smem:$0x3FC4] =	sst s2  }
0x8f: {  	_ = 	snop  }
0x90: {  	s2 =	sld [smem:$0x3FD0];
	(tm) =	ssettm $0x1  }
0x91: {  	s18 =	sld [smem:$0x3FFB];
	_ =	sdelay $0x3  }
0x92: {  	_ =	strace s18  }
0x93: {  	s3 =	sld [smem:$0x3FFC];
	_ =	sdelay $0x3  }
0x94: {  	_ =	strace s3  }
0x95: {  	s3 =	sld [smem:$0x3FFD];
	_ =	sdelay $0x3  }
0x96: {  	_ =	strace s3  }
0x97: {  	_ =	strace $0x8FFFFFFF  }
0x98: {  	s19 =	sld [smem:$0x3FDB];
	_ =	sdelay $0x1  }
0x99: {  	s4 =	simm.s32 $_scs_section_size  }
0x9a: {  	s5 =	simm.s32 $_size__tile_overlayer_lowered;
	s6 =	simm.s32 $_tile_overlayer_lowered  }
0x9b: {  	s22 =	simm.s32 $0x1BFF;
	s21 =	sshll.u32 s6, $0x1;
	s3 =	sadd.s32 s4, s19  }
0x9c: {  	s7 =	simm.s32 $0x0;
	s20 =	sshll.u32 s5, $0x1;
	s5 =	sadd.s32 s21, s3  }
0x9d: {  	[timem:s7], [sflag:s22] =	dma.local [hbm:s5], s20  }
0x9e: {  	_ =	swait.ge [sflag:s22], s20  }
0x9f: {  	s4 =	ssub.s32 $0x0, s20;
	[sflag:s22] =	ssyncset.done $0x0  }
0xa0: {  	[sflag:s22] =	ssyncadd.s32 s4;
	_ =	sdelay $0x1  }
0xa1: {  	s23 =	simm.s32 $0x1B8B  }
0xa2: {  	_ =	swait.ge [sflag:s23], $0x1  }
0xa3: {  	[sflag:s23] =	ssyncset.done $0x0  }
0xa4: {  	s25 =	simm.s32 $0x1B8E;
	s24 =	sld [smem:$0x3FFE];
	[sflag:s23] =	ssyncadd.s32 $0xFFFFFFFF  }
0xa5: {  	s26 =	simm.s32 $execute0_lowered;
	[smem:$0x3FD2] =	sst s25  }
0xa6: {  	s5 =	sshll.u32 s26, $0x1;
	_ =	strace $0x80000046;
	[dreg:$0x1] =	wrdreg $0xFFFFFFFF  }
0xa7: {  	s28 =	simm.s32 $_size_execute0_lowered;
	s3 =	sadd.s32 s3, s5;
	[dreg:$0x0] =	wrdreg $0x0  }
0xa8: {  	s5 =	sshll.u32 s28, $0x1;
	[dreg:$0x2] =	wrdreg s3  }
0xa9: {  	[dreg:$0x3] =	wrdreg s5  }
0xaa: {  	[dreg:$0x4] =	wrdreg $0xC0  }
0xab: {  	_ =	task [dreg:s7], $0x5FFFF  }
0xac: {  	[dreg:$0x1] =	wrdreg $0xFFFFFFFF  }
0xad: {  	[dreg:$0x0] =	wrdreg $0x60  }
0xae: {  	[dreg:$0x2] =	wrdreg s24  }
0xaf: {  	[dreg:$0x3] =	wrdreg s2  }
0xb0: {  	[dreg:$0x4] =	wrdreg $0x9  }
0xb1: {  	_ =	task.clear_ibuf [dreg:s7], $0x5FFFF;
	_ =	strace $0x90000046  }
0xb2: {  	s29 =	simm.s32 $0x9;
	_ =	strace $0x80000048  }
0xb3: {  	_ =	swait.ge [sflag:s29], $0x1  }
0xb4: {  	[sflag:s29] =	ssyncadd.s32 $0xFFFFFFFF  }
0xb5: {  	_ =	strace $0x90000048  }
0xb6: {  	_ =	sfence  }
0xb7: {  	s30 =	sld [smem:$0x0];
	_ =	sdelay $0x2  }
0xb8: {  	s31 =	sshll.u32 s1, $0xD;
	s1 =	sshrl.u32 s1, $0x2  }
0xb9: {  	s3 =	sand.u32 $0x4000, s31;
	s1 =	sadd.s32 s1, s30  }
0xba: {  	s0 =	sor.u32 s3, s0;
	s1 =	sshll.u32 s1, $0x11  }
0xbb: {  	s0 =	sor.u32 s1, s0  }
0xbc: {  	s0 =	sadd.s32 $0x8F2B, s0  }
0xbd: {  	[sflag:s0] =	ssyncadd.remote.s32 $0x1  }
0xbe: {  	_ =	sfence.sel $0xFFFF  }
0xbf: {  	[dreg:$0x0] =	wrdreg $0xFFFFFFFF;
	(pc) =	sbr.abs _section_cstart, $3  }
0xc0: {  	[dreg:$0x1] =	wrdreg $0xFFFFFFFF  }
0xc1: {  	_ =	task.clear_ibuf [dreg:s7], $0x2FFFF;
	_ =	strace $0x9FFFFFFF  }
0xc2: {  	(tm) =	ssettm $0x7FFFFFFF  }
0xc3: {  	_ =	shalt  }
tec
execute0_lowered:
.L_overlay_start_1:
0x0: {  	(tag) =	ssettag $0x1  }
0x1: {  	s1 =	srdreg.scid;
	s5 =	rddreg [dreg:$0x0]  }
0x2: {  	s0 =	stileid.u32;
	s2 =	rddreg [dreg:$0x1]  }
0x3: {  	s3 =	simm.s32 $0x0;
	s12 =	simm.s32 $0x8200;
	s13 =	simm.s32 $0x6800  }
0x4: {  	s14 =	simm.s32 $0x64;
	s15 =	simm.s32 $0x9200;
	s16 =	simm.s32 $0x68  }
0x5: {  	s17 =	simm.s32 $0xAB00;
	s18 =	simm.s32 $0x1;
	s19 =	simm.s32 $0x2  }
0x6: {  	s20 =	simm.s32 $0xFA00;
	s6 =	sand.u32 $0x1, s1;
	s1 =	rddreg [dreg:$0x2]  }
0x7: {  	s21 =	simm.s32 $0x0;
	s31 =	sshll.u32 s0, $0x1;
	[smem:$0x7FF] =	sst s3  }
0x8: {  	s7 =	sor.u32 s6, s31;
	_ =	strace $0x80000047;
	s6 =	ssub.s32 $0x2, s6  }
0x9: {  	s4 =	smul.u32 $0xD00, s7;
	s9 =	sshll.u32 s7, $0x9;
	s10 =	sshrl.u32 s6, $0x1  }
0xa: {  	s11 =	smul.u32 $0xD000, s7;
	s9 =	sadd.s32 s9, s5;
	s10 =	ssub.s32 s6, s10  }
0xb: {  	s6 =	sshll.u32 s7, $0x7;
	s8 =	sadd.s32 s4, s5;
	s4 =	sadd.s32 $0xD00A00, s5  }
0xc: {  	v0 =	vimm.s32 $0x0;
	vm0 =	vcmask $0x300;
	s5 =	sadd.s32 $0xF42E00, s5;
	s10 =	smax.u32 s10, $0x1;
	s7 =	sadd.s32 $0xEA0A00, s8  }
0xd: {  	v50 =	vlaneseq.u32;
	v1 =	vsel vm0, $0x3, v0;
	s8 =	sadd.s32 $0xEBAA00, s9;
	s9 =	sadd.s32 s4, s11;
	s11 =	simm.s32 $0x3  }
.LBB2_1:
0xe: {  	[tilespmem:s3], [sflag:$0x3] =	stream.linear.gather [hbm4b:s7+s3], $0x6800, $0x38;
	[tilespmem:$0x13B40] =	vst v63  }
0xf: {  	_ =	swait.ge [sflag:s11], $0x6800  }
0x10: {  	[sflag:s11] =	ssyncset.done $0x0  }
0x11: {  	[sflag:s11] =	ssyncadd.s32 $0xFFFF9800  }
0x12: {  	[tilespmem:s12], [sflag:$0x3] =	stream.linear.gather [hbm4b:s8+s3], $0x1000, $0x38;
	[tilespmem:$0x13B40] =	vst v63  }
0x13: {  	_ =	swait.ge [sflag:s11], $0x1000  }
0x14: {  	[sflag:s11] =	ssyncset.done $0x0  }
0x15: {  	v0 =	vimm.f32 $0.0e+00;
	[sflag:s11] =	ssyncadd.s32 $0xFFFFF000  }
0x16: {  	[tilespmem:$0xC400] =	vst v0  }
0x17: {  	[tilespmem:$0xC410] =	vst v0  }
0x18: {  	[tilespmem:$0xC420] =	vst v0  }
0x19: {  	[tilespmem:$0xC430] =	vst v0  }
0x1a: {  	[tilespmem:$0xC440] =	vst v0  }
0x1b: {  	[tilespmem:$0xC450] =	vst v0  }
0x1c: {  	[tilespmem:$0xC460] =	vst v0  }
0x1d: {  	[tilespmem:$0xC470] =	vst v0  }
0x1e: {  	[tilespmem:$0xC480] =	vst v0  }
0x1f: {  	[tilespmem:$0xC490] =	vst v0  }
0x20: {  	[tilespmem:$0xC4A0] =	vst v0  }
0x21: {  	[tilespmem:$0xC4B0] =	vst v0  }
0x22: {  	[tilespmem:$0xC4C0] =	vst v0  }
0x23: {  	[tilespmem:$0xC4D0] =	vst v0  }
0x24: {  	[tilespmem:$0xC4E0] =	vst v0  }
0x25: {  	[tilespmem:$0xC4F0] =	vst v0  }
0x26: {  	[tilespmem:$0xC500] =	vst v0  }
0x27: {  	[tilespmem:$0xC510] =	vst v0  }
0x28: {  	[tilespmem:$0xC520] =	vst v0  }
0x29: {  	[tilespmem:$0xC530] =	vst v0  }
0x2a: {  	[tilespmem:$0xC540] =	vst v0  }
0x2b: {  	[tilespmem:$0xC550] =	vst v0  }
0x2c: {  	[tilespmem:$0xC560] =	vst v0  }
0x2d: {  	[tilespmem:$0xC570] =	vst v0  }
0x2e: {  	[tilespmem:$0xC580] =	vst v0  }
0x2f: {  	[tilespmem:$0xC590] =	vst v0  }
0x30: {  	[tilespmem:$0xC5A0] =	vst v0  }
0x31: {  	[tilespmem:$0xC5B0] =	vst v0  }
0x32: {  	[tilespmem:$0xC5C0] =	vst v0  }
0x33: {  	[tilespmem:$0xC5D0] =	vst v0  }
0x34: {  	[tilespmem:$0xC5E0] =	vst v0  }
0x35: {  	[tilespmem:$0xC5F0] =	vst v0  }
0x36: {  	[tilespmem:$0xF800] =	vst v0  }
0x37: {  	[tilespmem:$0xF810] =	vst v0  }
0x38: {  	[tilespmem:$0xF820] =	vst v0  }
0x39: {  	[tilespmem:$0xF830] =	vst v0  }
0x3a: {  	[tilespmem:$0xF840] =	vst v0  }
0x3b: {  	[tilespmem:$0xF850] =	vst v0  }
0x3c: {  	[tilespmem:$0xF860] =	vst v0  }
0x3d: {  	[tilespmem:$0xF870] =	vst v0  }
0x3e: {  	[tilespmem:$0xF880] =	vst v0  }
0x3f: {  	[tilespmem:$0xF890] =	vst v0  }
0x40: {  	[tilespmem:$0xF8A0] =	vst v0  }
0x41: {  	[tilespmem:$0xF8B0] =	vst v0  }
0x42: {  	[tilespmem:$0xF8C0] =	vst v0  }
0x43: {  	[tilespmem:$0xF8D0] =	vst v0  }
0x44: {  	[tilespmem:$0xF8E0] =	vst v0  }
0x45: {  	[tilespmem:$0xF8F0] =	vst v0  }
0x46: {  	[tilespmem:$0xF900] =	vst v0  }
0x47: {  	[tilespmem:$0xF910] =	vst v0  }
0x48: {  	[tilespmem:$0xF920] =	vst v0  }
0x49: {  	[tilespmem:$0xF930] =	vst v0  }
0x4a: {  	[tilespmem:$0xF940] =	vst v0  }
0x4b: {  	[tilespmem:$0xF950] =	vst v0  }
0x4c: {  	[tilespmem:$0xF960] =	vst v0  }
0x4d: {  	[tilespmem:$0xF970] =	vst v0  }
0x4e: {  	[tilespmem:$0xF980] =	vst v0  }
0x4f: {  	[tilespmem:$0xF990] =	vst v0  }
0x50: {  	[tilespmem:$0xF9A0] =	vst v0  }
0x51: {  	[tilespmem:$0xF9B0] =	vst v0  }
0x52: {  	[tilespmem:$0xF9C0] =	vst v0  }
0x53: {  	[tilespmem:$0xF9D0] =	vst v0  }
0x54: {  	[tilespmem:$0xF9E0] =	vst v0  }
0x55: {  	[tilespmem:$0xF9F0] =	vst v0  }
0x56: {  	[tilespmem:s13], [sflag:$0x1] =	stream.linear.gather [hbm4b:s9+s3], $0xD00, $0x38;
	[tilespmem:$0x13B40] =	vst v63  }
0x57: {  	_ = 	snop  }
0x58: {  	[tilespmem:s15], [sflag:$0x1] =	stream.indirect.gather [hbm4b:s5+s14], $0x40, s3, s14, $0xb8;
	[tilespmem:$0x13B40] =	vst v63  }
0x59: {  	p0 =	por $0x0, $0x0;
	s25 =	simm.s32 $0x0  }
0x5a: {  	[tilespmem:s17], [sflag:$0x1] =	stream.indirect.gather [hbm4b:s5+s14], $0x40, s16, s14, $0xb8;
	[tilespmem:$0x13B40] =	vst v63  }
.LBB2_2:
0x5b: {  	_ =	swait.ge [sflag:s18], $0xD00  }
0x5c: {  	[sflag:s18] =	ssyncset.done $0x0  }
0x5d: {  	[sflag:s18] =	ssyncadd.s32 $0xFFFFF300  }
0x5e: {  	s24 =	sand.u32 $0x1, s25;
	p1 =	seq.s32 s25, $0x7F;
	_ =	swait.ge [sflag:s18], $0x1900  }
0x5f: {  	s22 =	sadd.s32 $0x1, s25;
	s23 =	sxor.u32 @!p1 $0x1, s24;
	[sflag:s18] =	ssyncset.done $0x0  }
0x60: {  	s26 =	sadd.s32 @!p1 s6, s22;
	s23 =	smul.u32 @!p1 $0x3400, s23;
	[sflag:s18] =	ssyncadd.s32 $0xFFFFE700  }
0x61: {  	s29 =	simm.s32 @!p1 $0x0;
	s26 =	smul.u32 @!p1 $0x1A0, s26;
	_ =	swait.ge [sflag:s18], $0x1900  }
0x62: {  	s30 =	smul.u32 @!p1 $0x340, s22;
	s28 =	sshrl.u32 @!p1 s23, $0x2;
	[sflag:s18] =	ssyncset.done $0x0  }
0x63: {  	s26 =	sadd.s32 @!p1 s4, s26;
	s28 =	sadd.s32 @!p1 $0x6800, s28;
	[sflag:s18] =	ssyncadd.s32 $0xFFFFE700  }
0x64: {  	[tilespmem:s28], [sflag:$0x1] =	stream.linear.gather @!p1 [hbm4b:s26+s29], $0xD00, $0x38;
	[tilespmem:$0x13B40] =	vst v63  }
0x65: {  	s26 =	sadd.s32 @!p1 $0x9200, s23;
	s28 =	sshra.s32 @!p1 s30, $0x2;
	s29 =	simm.s32 @!p1 $0x64  }
0x66: {  	[tilespmem:s26], [sflag:$0x1] =	stream.indirect.gather @!p1 [hbm4b:s5+s29], $0x40, s28, s29, $0xb8;
	[tilespmem:$0x13B40] =	vst v63  }
0x67: {  	s23 =	sadd.s32 @!p1 $0xAB00, s23;
	s26 =	sadd.s32 @!p1 $0x68, s28  }
0x68: {  	[tilespmem:s23], [sflag:$0x1] =	stream.indirect.gather @!p1 [hbm4b:s5+s29], $0x40, s26, s29, $0xb8;
	[tilespmem:$0x13B40] =	vst v63  }
0x69: {  	p2 =	slt.u32 @!p1 s25, $0x2;
	s23 =	simm.s32 $0x1  }
0x6a: {  	p1 =	por p1, !p2;
	s23 =	simm.s32 @!p0 $0x0  }
0x6b: {  	_ =	swait.ge @p1 [sflag:s19], $0x680;
	s31 =	smul.u32 $0xD000, s23  }
0x6c: {  	[sflag:s19] =	ssyncset.done @p1 $0x0  }
0x6d: {  	v0 =	vimm.f32 $0.0e+00;
	[sflag:s19] =	ssyncadd.s32 @p1 $0xFFFFF980;
	s26 =	sshrl.u32 s31, $0x2  }
0x6e: {  	s23 =	smul.u32 $0x3400, s23;
	[tilespmem:$0xFA00] =	vst v0;
	s26 =	sadd.s32 $0x9400, s26  }
0x6f: {  	[tilespmem:$0xFA10] =	vst v0;
	v3 =	vmov s26  }
0x70: {  	s23 =	sshrl.u32 s23, $0x2;
	[tilespmem:$0xFA20] =	vst v0  }
0x71: {  	v4 =	vimm.f32 $0.0e+00;
	v5 =	vimm.f32 $0.0e+00;
	v6 =	vimm.f32 $0.0e+00;
	s28 =	simm.s32 $0x0;
	[tilespmem:$0xFA30] =	vst v0;
	s26 =	sadd.s32 $0x6880, s23;
	s23 =	sadd.s32 s6, s25  }
.LBB2_3:
0x72: {  	v7 =	vld [tilespmem:s26+$0xFFFFFF80]  }
0x73: {  	v8 =	vld [tilespmem:s26+$0xFFFFFF90];
	s29 =	sshra.s32 s28, $0x2  }
0x74: {  	v9 =	vld.idx.msk [tilespmem:v3+s29+$0xFFFFFE00 ss:$0x1], $0xffff  }
0x75: {  	v10 =	vld.idx.msk [tilespmem:v3+s29+$0xFFFFFE10 ss:$0x1], $0xffff  }
0x76: {  	v11 =	vld.idx.msk [tilespmem:v3+s29+$0xFFFFFE20 ss:$0x1], $0xffff  }
0x77: {  	v12 =	vld.idx.msk [tilespmem:v3+s29+$0xFFFFFE30 ss:$0x1], $0xffff  }
0x78: {  	v13 =	vld.idx.msk [tilespmem:v3+s29+$0xFFFFFE40 ss:$0x1], $0xffff  }
0x79: {  	v14 =	vld.idx.msk [tilespmem:v3+s29+$0xFFFFFE50 ss:$0x1], $0xffff;
	v9 =	vmul.f32 v9, v7  }
0x7a: {  	v15 =	vld.idx.msk [tilespmem:v3+s29+$0xFFFFFE60 ss:$0x1], $0xffff;
	v10 =	vmul.f32 v10, v7  }
0x7b: {  	v16 =	vld.idx.msk [tilespmem:v3+s29+$0xFFFFFE70 ss:$0x1], $0xffff;
	v29 =	vmul.f32 v11, v7;
	v6 =	vadd.f32 v9, v6  }
0x7c: {  	v7 =	vmul.f32 v12, v7;
	v5 =	vadd.f32 v10, v5  }
0x7d: {  	v30 =	vmul.f32 v13, v8;
	v4 =	vadd.f32 v29, v4;
	[tilespmem:s29+$0xFA40] =	vst v6  }
0x7e: {  	v0 =	vadd.f32 v7, v0;
	v7 =	vmul.f32 v14, v8;
	[tilespmem:s29+$0xFA50] =	vst v5  }
0x7f: {  	v31 =	vmul.f32 v15, v8;
	[tilespmem:s29+$0xFA60] =	vst v4;
	v6 =	vadd.f32 v30, v6  }
0x80: {  	[tilespmem:s29+$0xFA70] =	vst v0;
	v5 =	vadd.f32 v7, v5;
	v7 =	vmul.f32 v16, v8  }
0x81: {  	v4 =	vadd.f32 v31, v4;
	[tilespmem:s29+$0xFA80] =	vst v6  }
0x82: {  	[tilespmem:s29+$0xFA90] =	vst v5;
	v0 =	vadd.f32 v7, v0  }
0x83: {  	[tilespmem:s29+$0xFAA0] =	vst v4  }
0x84: {  	[tilespmem:s29+$0xFAB0] =	vst v0  }
0x85: {  	v7 =	vld [tilespmem:s26+$0xFFFFFFA0]  }
0x86: {  	v8 =	vld [tilespmem:s26+$0xFFFFFFB0]  }
0x87: {  	v32 =	vld.idx.msk [tilespmem:v3+s29+$0xFFFFFE80 ss:$0x1], $0xffff  }
0x88: {  	v33 =	vld.idx.msk [tilespmem:v3+s29+$0xFFFFFE90 ss:$0x1], $0xffff  }
0x89: {  	v34 =	vld.idx.msk [tilespmem:v3+s29+$0xFFFFFEA0 ss:$0x1], $0xffff  }
0x8a: {  	v35 =	vld.idx.msk [tilespmem:v3+s29+$0xFFFFFEB0 ss:$0x1], $0xffff  }
0x8b: {  	v36 =	vld.idx.msk [tilespmem:v3+s29+$0xFFFFFEC0 ss:$0x1], $0xffff  }
0x8c: {  	v37 =	vld.idx.msk [tilespmem:v3+s29+$0xFFFFFED0 ss:$0x1], $0xffff;
	v9 =	vmul.f32 v32, v7  }
0x8d: {  	v38 =	vld.idx.msk [tilespmem:v3+s29+$0xFFFFFEE0 ss:$0x1], $0xffff;
	v10 =	vmul.f32 v33, v7  }
0x8e: {  	v39 =	vld.idx.msk [tilespmem:v3+s29+$0xFFFFFEF0 ss:$0x1], $0xffff;
	v40 =	vmul.f32 v34, v7;
	v6 =	vadd.f32 v9, v6  }
0x8f: {  	v7 =	vmul.f32 v35, v7;
	v5 =	vadd.f32 v10, v5  }
0x90: {  	v41 =	vmul.f32 v36, v8;
	v4 =	vadd.f32 v40, v4;
	[tilespmem:s29+$0xFAC0] =	vst v6  }
0x91: {  	v0 =	vadd.f32 v7, v0;
	v7 =	vmul.f32 v37, v8;
	[tilespmem:s29+$0xFAD0] =	vst v5  }
0x92: {  	v42 =	vmul.f32 v38, v8;
	[tilespmem:s29+$0xFAE0] =	vst v4;
	v6 =	vadd.f32 v41, v6  }
0x93: {  	[tilespmem:s29+$0xFAF0] =	vst v0;
	v5 =	vadd.f32 v7, v5;
	v7 =	vmul.f32 v39, v8  }
0x94: {  	v4 =	vadd.f32 v42, v4;
	[tilespmem:s29+$0xFB00] =	vst v6  }
0x95: {  	[tilespmem:s29+$0xFB10] =	vst v5;
	v0 =	vadd.f32 v7, v0  }
0x96: {  	[tilespmem:s29+$0xFB20] =	vst v4  }
0x97: {  	[tilespmem:s29+$0xFB30] =	vst v0  }
0x98: {  	v7 =	vld [tilespmem:s26+$0xFFFFFFC0]  }
0x99: {  	v8 =	vld [tilespmem:s26+$0xFFFFFFD0]  }
0x9a: {  	v43 =	vld.idx.msk [tilespmem:v3+s29+$0xFFFFFF00 ss:$0x1], $0xffff  }
0x9b: {  	v44 =	vld.idx.msk [tilespmem:v3+s29+$0xFFFFFF10 ss:$0x1], $0xffff  }
0x9c: {  	v45 =	vld.idx.msk [tilespmem:v3+s29+$0xFFFFFF20 ss:$0x1], $0xffff  }
0x9d: {  	v46 =	vld.idx.msk [tilespmem:v3+s29+$0xFFFFFF30 ss:$0x1], $0xffff  }
0x9e: {  	v47 =	vld.idx.msk [tilespmem:v3+s29+$0xFFFFFF40 ss:$0x1], $0xffff  }
0x9f: {  	v48 =	vld.idx.msk [tilespmem:v3+s29+$0xFFFFFF50 ss:$0x1], $0xffff;
	v9 =	vmul.f32 v43, v7  }
0xa0: {  	v49 =	vld.idx.msk [tilespmem:v3+s29+$0xFFFFFF60 ss:$0x1], $0xffff;
	v10 =	vmul.f32 v44, v7  }
0xa1: {  	v51 =	vld.idx.msk [tilespmem:v3+s29+$0xFFFFFF70 ss:$0x1], $0xffff;
	v52 =	vmul.f32 v45, v7;
	v6 =	vadd.f32 v9, v6  }
0xa2: {  	v7 =	vmul.f32 v46, v7;
	v5 =	vadd.f32 v10, v5  }
0xa3: {  	v53 =	vmul.f32 v47, v8;
	v4 =	vadd.f32 v52, v4;
	[tilespmem:s29+$0xFB40] =	vst v6  }
0xa4: {  	v0 =	vadd.f32 v7, v0;
	v7 =	vmul.f32 v48, v8;
	[tilespmem:s29+$0xFB50] =	vst v5  }
0xa5: {  	v54 =	vmul.f32 v49, v8;
	[tilespmem:s29+$0xFB60] =	vst v4;
	v6 =	vadd.f32 v53, v6  }
0xa6: {  	[tilespmem:s29+$0xFB70] =	vst v0;
	v5 =	vadd.f32 v7, v5;
	v7 =	vmul.f32 v51, v8  }
0xa7: {  	v4 =	vadd.f32 v54, v4;
	[tilespmem:s29+$0xFB80] =	vst v6  }
0xa8: {  	[tilespmem:s29+$0xFB90] =	vst v5;
	v0 =	vadd.f32 v7, v0  }
0xa9: {  	[tilespmem:s29+$0xFBA0] =	vst v4  }
0xaa: {  	[tilespmem:s29+$0xFBB0] =	vst v0  }
0xab: {  	v7 =	vld [tilespmem:s26+$0xFFFFFFE0]  }
0xac: {  	v8 =	vld [tilespmem:s26+$0xFFFFFFF0]  }
0xad: {  	v55 =	vld.idx.msk [tilespmem:v3+s29+$0xFFFFFF80 ss:$0x1], $0xffff  }
0xae: {  	v56 =	vld.idx.msk [tilespmem:v3+s29+$0xFFFFFF90 ss:$0x1], $0xffff  }
0xaf: {  	v57 =	vld.idx.msk [tilespmem:v3+s29+$0xFFFFFFA0 ss:$0x1], $0xffff  }
0xb0: {  	v58 =	vld.idx.msk [tilespmem:v3+s29+$0xFFFFFFB0 ss:$0x1], $0xffff  }
0xb1: {  	v59 =	vld.idx.msk [tilespmem:v3+s29+$0xFFFFFFC0 ss:$0x1], $0xffff  }
0xb2: {  	v60 =	vld.idx.msk [tilespmem:v3+s29+$0xFFFFFFD0 ss:$0x1], $0xffff;
	v9 =	vmul.f32 v55, v7  }
0xb3: {  	v61 =	vld.idx.msk [tilespmem:v3+s29+$0xFFFFFFE0 ss:$0x1], $0xffff;
	v10 =	vmul.f32 v56, v7  }
0xb4: {  	v62 =	vld.idx.msk [tilespmem:v3+s29+$0xFFFFFFF0 ss:$0x1], $0xffff;
	v63 =	vmul.f32 v57, v7;
	v6 =	vadd.f32 v9, v6  }
0xb5: {  	v7 =	vmul.f32 v58, v7;
	v5 =	vadd.f32 v10, v5  }
0xb6: {  	v17 =	vmul.f32 v59, v8;
	v4 =	vadd.f32 v63, v4;
	[tilespmem:s29+$0xFBC0] =	vst v6  }
0xb7: {  	v0 =	vadd.f32 v7, v0;
	v7 =	vmul.f32 v60, v8;
	[tilespmem:s29+$0xFBD0] =	vst v5  }
0xb8: {  	v18 =	vmul.f32 v61, v8;
	[tilespmem:s29+$0xFBE0] =	vst v4;
	v6 =	vadd.f32 v17, v6  }
0xb9: {  	[tilespmem:s29+$0xFBF0] =	vst v0;
	v5 =	vadd.f32 v7, v5;
	v7 =	vmul.f32 v62, v8  }
0xba: {  	v4 =	vadd.f32 v18, v4;
	[tilespmem:s29+$0xFC00] =	vst v6  }
0xbb: {  	[tilespmem:s29+$0xFC10] =	vst v5;
	v0 =	vadd.f32 v7, v0  }
0xbc: {  	[tilespmem:s29+$0xFC20] =	vst v4  }
0xbd: {  	[tilespmem:s29+$0xFC30] =	vst v0  }
0xbe: {  	v7 =	vld [tilespmem:s26+$0x0]  }
0xbf: {  	v8 =	vld [tilespmem:s26+$0x10]  }
0xc0: {  	v19 =	vld.idx.msk [tilespmem:v3+s29+$0x0 ss:$0x1], $0xffff  }
0xc1: {  	v20 =	vld.idx.msk [tilespmem:v3+s29+$0x10 ss:$0x1], $0xffff  }
0xc2: {  	v21 =	vld.idx.msk [tilespmem:v3+s29+$0x20 ss:$0x1], $0xffff  }
0xc3: {  	v22 =	vld.idx.msk [tilespmem:v3+s29+$0x30 ss:$0x1], $0xffff  }
0xc4: {  	v23 =	vld.idx.msk [tilespmem:v3+s29+$0x40 ss:$0x1], $0xffff  }
0xc5: {  	v24 =	vld.idx.msk [tilespmem:v3+s29+$0x50 ss:$0x1], $0xffff;
	v9 =	vmul.f32 v19, v7  }
0xc6: {  	v25 =	vld.idx.msk [tilespmem:v3+s29+$0x60 ss:$0x1], $0xffff;
	v10 =	vmul.f32 v20, v7  }
0xc7: {  	v26 =	vld.idx.msk [tilespmem:v3+s29+$0x70 ss:$0x1], $0xffff;
	v27 =	vmul.f32 v21, v7;
	v6 =	vadd.f32 v9, v6  }
0xc8: {  	v7 =	vmul.f32 v22, v7;
	v5 =	vadd.f32 v10, v5  }
0xc9: {  	v28 =	vmul.f32 v23, v8;
	v4 =	vadd.f32 v27, v4;
	[tilespmem:s29+$0xFC40] =	vst v6  }
0xca: {  	v0 =	vadd.f32 v7, v0;
	v7 =	vmul.f32 v24, v8;
	[tilespmem:s29+$0xFC50] =	vst v5  }
0xcb: {  	v29 =	vmul.f32 v25, v8;
	[tilespmem:s29+$0xFC60] =	vst v4;
	v6 =	vadd.f32 v28, v6  }
0xcc: {  	[tilespmem:s29+$0xFC70] =	vst v0;
	v5 =	vadd.f32 v7, v5;
	v7 =	vmul.f32 v26, v8  }
0xcd: {  	v4 =	vadd.f32 v29, v4;
	[tilespmem:s29+$0xFC80] =	vst v6  }
0xce: {  	[tilespmem:s29+$0xFC90] =	vst v5;
	v0 =	vadd.f32 v7, v0  }
0xcf: {  	[tilespmem:s29+$0xFCA0] =	vst v4  }
0xd0: {  	[tilespmem:s29+$0xFCB0] =	vst v0  }
0xd1: {  	v7 =	vld [tilespmem:s26+$0x20]  }
0xd2: {  	v8 =	vld [tilespmem:s26+$0x30]  }
0xd3: {  	v30 =	vld.idx.msk [tilespmem:v3+s29+$0x80 ss:$0x1], $0xffff  }
0xd4: {  	v31 =	vld.idx.msk [tilespmem:v3+s29+$0x90 ss:$0x1], $0xffff  }
0xd5: {  	v32 =	vld.idx.msk [tilespmem:v3+s29+$0xA0 ss:$0x1], $0xffff  }
0xd6: {  	v33 =	vld.idx.msk [tilespmem:v3+s29+$0xB0 ss:$0x1], $0xffff  }
0xd7: {  	v34 =	vld.idx.msk [tilespmem:v3+s29+$0xC0 ss:$0x1], $0xffff  }
0xd8: {  	v35 =	vld.idx.msk [tilespmem:v3+s29+$0xD0 ss:$0x1], $0xffff;
	v9 =	vmul.f32 v30, v7  }
0xd9: {  	v36 =	vld.idx.msk [tilespmem:v3+s29+$0xE0 ss:$0x1], $0xffff;
	v10 =	vmul.f32 v31, v7  }
0xda: {  	v37 =	vld.idx.msk [tilespmem:v3+s29+$0xF0 ss:$0x1], $0xffff;
	v38 =	vmul.f32 v32, v7;
	v6 =	vadd.f32 v9, v6  }
0xdb: {  	v7 =	vmul.f32 v33, v7;
	v5 =	vadd.f32 v10, v5  }
0xdc: {  	v39 =	vmul.f32 v34, v8;
	v4 =	vadd.f32 v38, v4;
	[tilespmem:s29+$0xFCC0] =	vst v6  }
0xdd: {  	v0 =	vadd.f32 v7, v0;
	v7 =	vmul.f32 v35, v8;
	[tilespmem:s29+$0xFCD0] =	vst v5  }
0xde: {  	v40 =	vmul.f32 v36, v8;
	[tilespmem:s29+$0xFCE0] =	vst v4;
	v6 =	vadd.f32 v39, v6  }
0xdf: {  	[tilespmem:s29+$0xFCF0] =	vst v0;
	v5 =	vadd.f32 v7, v5;
	v7 =	vmul.f32 v37, v8  }
0xe0: {  	v4 =	vadd.f32 v40, v4;
	[tilespmem:s29+$0xFD00] =	vst v6  }
0xe1: {  	[tilespmem:s29+$0xFD10] =	vst v5;
	v0 =	vadd.f32 v7, v0  }
0xe2: {  	[tilespmem:s29+$0xFD20] =	vst v4  }
0xe3: {  	[tilespmem:s29+$0xFD30] =	vst v0  }
0xe4: {  	v7 =	vld [tilespmem:s26+$0x40]  }
0xe5: {  	v8 =	vld [tilespmem:s26+$0x50]  }
0xe6: {  	v41 =	vld.idx.msk [tilespmem:v3+s29+$0x100 ss:$0x1], $0xffff  }
0xe7: {  	v42 =	vld.idx.msk [tilespmem:v3+s29+$0x110 ss:$0x1], $0xffff  }
0xe8: {  	v43 =	vld.idx.msk [tilespmem:v3+s29+$0x120 ss:$0x1], $0xffff  }
0xe9: {  	v44 =	vld.idx.msk [tilespmem:v3+s29+$0x130 ss:$0x1], $0xffff  }
0xea: {  	v45 =	vld.idx.msk [tilespmem:v3+s29+$0x140 ss:$0x1], $0xffff  }
0xeb: {  	v46 =	vld.idx.msk [tilespmem:v3+s29+$0x150 ss:$0x1], $0xffff;
	v9 =	vmul.f32 v41, v7  }
0xec: {  	v47 =	vld.idx.msk [tilespmem:v3+s29+$0x160 ss:$0x1], $0xffff;
	v10 =	vmul.f32 v42, v7  }
0xed: {  	v48 =	vld.idx.msk [tilespmem:v3+s29+$0x170 ss:$0x1], $0xffff;
	v49 =	vmul.f32 v43, v7;
	v6 =	vadd.f32 v9, v6  }
0xee: {  	v7 =	vmul.f32 v44, v7;
	v5 =	vadd.f32 v10, v5  }
0xef: {  	v51 =	vmul.f32 v45, v8;
	v4 =	vadd.f32 v49, v4;
	[tilespmem:s29+$0xFD40] =	vst v6  }
0xf0: {  	v0 =	vadd.f32 v7, v0;
	v7 =	vmul.f32 v46, v8;
	[tilespmem:s29+$0xFD50] =	vst v5  }
0xf1: {  	v52 =	vmul.f32 v47, v8;
	[tilespmem:s29+$0xFD60] =	vst v4;
	v6 =	vadd.f32 v51, v6  }
0xf2: {  	[tilespmem:s29+$0xFD70] =	vst v0;
	v5 =	vadd.f32 v7, v5;
	v7 =	vmul.f32 v48, v8  }
0xf3: {  	v4 =	vadd.f32 v52, v4;
	[tilespmem:s29+$0xFD80] =	vst v6  }
0xf4: {  	[tilespmem:s29+$0xFD90] =	vst v5;
	v0 =	vadd.f32 v7, v0  }
0xf5: {  	[tilespmem:s29+$0xFDA0] =	vst v4  }
0xf6: {  	[tilespmem:s29+$0xFDB0] =	vst v0  }
0xf7: {  	v7 =	vld [tilespmem:s26+$0x60]  }
0xf8: {  	v8 =	vld [tilespmem:s26+$0x70]  }
0xf9: {  	v53 =	vld.idx.msk [tilespmem:v3+s29+$0x180 ss:$0x1], $0xffff  }
0xfa: {  	v54 =	vld.idx.msk [tilespmem:v3+s29+$0x190 ss:$0x1], $0xffff  }
0xfb: {  	v55 =	vld.idx.msk [tilespmem:v3+s29+$0x1A0 ss:$0x1], $0xffff  }
0xfc: {  	v56 =	vld.idx.msk [tilespmem:v3+s29+$0x1B0 ss:$0x1], $0xffff  }
0xfd: {  	v57 =	vld.idx.msk [tilespmem:v3+s29+$0x1C0 ss:$0x1], $0xffff  }
0xfe: {  	v58 =	vld.idx.msk [tilespmem:v3+s29+$0x1D0 ss:$0x1], $0xffff;
	v9 =	vmul.f32 v53, v7  }
0xff: {  	v59 =	vld.idx.msk [tilespmem:v3+s29+$0x1E0 ss:$0x1], $0xffff;
	v10 =	vmul.f32 v54, v7  }
0x100: {  	v60 =	vld.idx.msk [tilespmem:v3+s29+$0x1F0 ss:$0x1], $0xffff;
	v61 =	vmul.f32 v55, v7;
	v6 =	vadd.f32 v9, v6  }
0x101: {  	v7 =	vmul.f32 v56, v7;
	v5 =	vadd.f32 v10, v5  }
0x102: {  	v62 =	vmul.f32 v57, v8;
	v4 =	vadd.f32 v61, v4;
	[tilespmem:s29+$0xFDC0] =	vst v6  }
0x103: {  	v0 =	vadd.f32 v7, v0;
	v7 =	vmul.f32 v58, v8;
	[tilespmem:s29+$0xFDD0] =	vst v5  }
0x104: {  	p1 =	sne.s32 s28, $0xC000;
	v63 =	vmul.f32 v59, v8;
	[tilespmem:s29+$0xFDE0] =	vst v4;
	v6 =	vadd.f32 v62, v6  }
.Ltmp0:
0x105: {  	[tilespmem:s29+$0xFDF0] =	vst v0;
	v5 =	vadd.f32 v7, v5;
	v7 =	vmul.f32 v60, v8;
	(pc) =	sbr.rel @p1 .LBB2_3-.Ltmp0, $4  }
0x106: {  	v4 =	vadd.f32 v63, v4;
	[tilespmem:s29+$0xFE00] =	vst v6  }
0x107: {  	[tilespmem:s29+$0xFE10] =	vst v5;
	v0 =	vadd.f32 v7, v0  }
0x108: {  	[tilespmem:s29+$0xFE20] =	vst v4  }
0x109: {  	s28 =	sadd.s32 $0x1000, s28;
	s26 =	sadd.s32 $0x100, s26;
	[tilespmem:s29+$0xFE30] =	vst v0  }
0x10a: {  	s25 =	sshll.u32 s25, $0x5  }
0x10b: {  	v0 =	vmov s25  }
0x10c: {  	s26 =	sor.u32 $0x8, s25;
	s31 =	sor.u32 $0x9, s25;
	s28 =	sor.u32 $0xA, s25;
	v0 =	vshrl.u32 v0, $0x3  }
0x10d: {  	s29 =	sor.u32 $0xB, s25;
	s30 =	sor.u32 $0xC, s25;
	v9 =	vmov s26;
	v10 =	vmov s31;
	v11 =	vmov s28  }
0x10e: {  	v12 =	vmov s29;
	v13 =	vmov s30;
	v0 =	vshll.u32 v0, v1  }
0x10f: {  	s31 =	sor.u32 $0xD, s25;
	s28 =	sor.u32 $0xE, s25;
	v9 =	vshrl.u32 v9, $0x3;
	v10 =	vshrl.u32 v10, $0x3;
	v11 =	vshrl.u32 v11, $0x3  }
0x110: {  	s29 =	sor.u32 $0xF, s25;
	s30 =	sor.u32 $0x10, s25;
	v13 =	vshrl.u32 v13, $0x3;
	v14 =	vmov s31;
	v15 =	vmov s28  }
0x111: {  	v16 =	vmov s29;
	v24 =	vmov s30;
	v3 =	vor.u32 $0x1, v0  }
0x112: {  	v4 =	vor.u32 $0x2, v0;
	v5 =	vor.u32 $0x3, v0;
	v6 =	vadd.s32 $0x4, v0  }
0x113: {  	v7 =	vadd.s32 $0x5, v0;
	v8 =	vadd.s32 $0x6, v0;
	v5 =	vbroadcast v5, $0x0  }
0x114: {  	v0 =	vadd.s32 $0x7, v0;
	v9 =	vshll.u32 v9, v1;
	v7 =	vbroadcast v7, $0x0  }
0x115: {  	v10 =	vshll.u32 v10, v1;
	v11 =	vshll.u32 v11, v1;
	v0 =	vbroadcast v0, $0x0  }
0x116: {  	s31 =	sor.u32 $0x11, s25;
	v13 =	vshll.u32 v13, v1;
	v16 =	vshrl.u32 v16, $0x3;
	v3 =	vbroadcast v3, $0x0  }
0x117: {  	s28 =	sor.u32 $0x12, s25;
	s29 =	sor.u32 $0x13, s25;
	v26 =	vshrl.u32 v24, $0x3;
	v27 =	vmov s31;
	v4 =	vbroadcast v4, $0x0  }
0x118: {  	s30 =	sor.u32 $0x14, s25;
	v31 =	vmov s28;
	v33 =	vmov s29;
	v9 =	vbroadcast v9, $0x0  }
0x119: {  	v36 =	vmov s30;
	v11 =	vadd.s32 $0x2, v11;
	v32 =	vshrl.u32 v31, $0x3;
	v20 =	vld.idx.msk [tilespmem:v5+s12+$0x0], $0xffff  }
0x11a: {  	v28 =	vshll.u32 v26, v1;
	v11 =	vbroadcast v11, $0x0;
	v22 =	vld.idx.msk [tilespmem:v7+s12+$0x0], $0xffff;
	v7 =	vshll.u32 v32, v1  }
0x11b: {  	v8 =	vbroadcast v8, $0x0;
	v5 =	vbroadcast v28, $0x0;
	v24 =	vld.idx.msk [tilespmem:v0+s12+$0x0], $0xffff;
	v0 =	vadd.s32 $0x2, v7  }
0x11c: {  	s31 =	sor.u32 $0x15, s25;
	v10 =	vadd.s32 $0x1, v10;
	v23 =	vshll.u32 v16, v1;
	v3 =	vld.idx.msk [tilespmem:v3+s12+$0x0], $0xffff;
	v0 =	vbroadcast v0, $0x0  }
0x11d: {  	s29 =	sor.u32 $0x17, s25;
	v13 =	vadd.s32 $0x4, v13;
	v37 =	vmov s31;
	v25 =	vadd.s32 $0x7, v23;
	v19 =	vld.idx.msk [tilespmem:v4+s12+$0x0], $0xffff  }
0x11e: {  	s30 =	sor.u32 $0x18, s25;
	v40 =	vmov s29;
	v4 =	vbroadcast v25, $0x0;
	v25 =	vld.idx.msk [tilespmem:v9+s12+$0x0], $0xffff;
	v9 =	vshrl.u32 v37, $0x3  }
0x11f: {  	v43 =	vmov s30;
	v39 =	vshll.u32 v9, v1;
	v9 =	vshrl.u32 v40, $0x3  }
0x120: {  	v10 =	vbroadcast v10, $0x0;
	v47 =	vshrl.u32 v43, $0x3;
	v28 =	vld.idx.msk [tilespmem:v11+s12+$0x0], $0xffff;
	v9 =	vshll.u32 v9, v1  }
0x121: {  	v13 =	vbroadcast v13, $0x0;
	v9 =	vadd.s32 $0x7, v9;
	v11 =	vld.idx.msk [tilespmem:v5+s12+$0x0], $0xffff;
	v5 =	vshll.u32 v47, v1  }
0x122: {  	v45 =	vbroadcast v9, $0x0;
	v9 =	vld.idx.msk [tilespmem:v0+s12+$0x0], $0xffff;
	v0 =	vbroadcast v5, $0x0  }
0x123: {  	v34 =	vshrl.u32 v33, $0x3;
	v31 =	vshll.u32 v3, $0x6  }
0x124: {  	v35 =	vshll.u32 v34, v1;
	v23 =	vld.idx.msk [tilespmem:v8+s12+$0x0], $0xffff;
	v8 =	vshrl.u32 v36, $0x3;
	v32 =	vor.u32 v50, v31  }
0x125: {  	v7 =	vadd.s32 $0x3, v35;
	v8 =	vshll.u32 v8, v1  }
0x126: {  	s28 =	sor.u32 $0x16, s25;
	v26 =	vld.idx.msk [tilespmem:v10+s12+$0x0], $0xffff;
	v7 =	vbroadcast v7, $0x0;
	v8 =	vadd.s32 $0x4, v8  }
0x127: {  	v29 =	vshrl.u32 v27, $0x3;
	v38 =	vmov s28;
	v16 =	vld.idx.msk [tilespmem:v13+s12+$0x0], $0xffff;
	v27 =	vbroadcast v8, $0x0  }
0x128: {  	v10 =	vshrl.u32 v38, $0x3;
	v13 =	vor.u32 $0x10, v50;
	v3 =	vld.idx.msk [tilespmem:v0+s12+$0x0], $0xffff  }
0x129: {  	s31 =	sor.u32 $0x19, s25;
	v42 =	vshll.u32 v10, v1;
	v8 =	vadd.s32 $0x5, v39;
	v33 =	vor.u32 v13, v31;
	v0 =	vld.idx.msk [tilespmem:v32+s20+$0x0], $0xffff  }
0x12a: {  	v46 =	vmov s31;
	v41 =	vbroadcast v8, $0x0;
	v8 =	vadd.s32 $0x6, v42  }
0x12b: {  	v44 =	vbroadcast v8, $0x0;
	v8 =	vshrl.u32 v46, $0x3  }
0x12c: {  	v49 =	vshll.u32 v8, v1;
	v8 =	vld.idx.msk [tilespmem:v7+s12+$0x0], $0xffff  }
0x12d: {  	v7 =	vld.idx.msk [tilespmem:v27+s12+$0x0], $0xffff;
	v27 =	vor.u32 $0x30, v50  }
0x12e: {  	v55 =	vor.u32 v27, v31;
	[tilespmem:$0x1FD00] =	vst v0;
	v0 =	vld.idx.msk [tilespmem:v33+s20+$0x0], $0xffff;
	_ =	sdelay $0x3  }
0x12f: {  	v14 =	vshrl.u32 v14, $0x3;
	v19 =	vshll.u32 v19, $0x6  }
0x130: {  	v15 =	vshrl.u32 v15, $0x3;
	v14 =	vshll.u32 v14, v1;
	v56 =	vor.u32 v50, v19;
	[tilespmem:$0x1FD20] =	vst v0;
	v0 =	vld.idx.msk [tilespmem:v55+s20+$0x0], $0xffff  }
0x131: {  	v15 =	vshll.u32 v15, v1;
	v14 =	vadd.s32 $0x5, v14  }
0x132: {  	v15 =	vadd.s32 $0x6, v15;
	v14 =	vbroadcast v14, $0x0  }
0x133: {  	v18 =	vbroadcast v15, $0x0;
	_ =	sdelay $0x1  }
0x134: {  	v57 =	vor.u32 v13, v19;
	[tilespmem:$0x1FD50] =	vst v0;
	v0 =	vld.idx.msk [tilespmem:v56+s20+$0x0], $0xffff;
	_ =	sdelay $0x2  }
0x135: {  	v15 =	vld.idx.msk [tilespmem:v14+s12+$0x0], $0xffff  }
0x136: {  	v14 =	vld.idx.msk [tilespmem:v18+s12+$0x0], $0xffff;
	v18 =	vor.u32 $0x20, v50  }
0x137: {  	v58 =	vor.u32 v18, v19;
	[tilespmem:$0x1FD10] =	vst v0;
	v0 =	vld.idx.msk [tilespmem:v57+s20+$0x0], $0xffff;
	_ =	sdelay $0x4  }
0x138: {  	v19 =	vor.u32 v27, v19;
	[tilespmem:$0x1FD30] =	vst v0;
	v0 =	vld.idx.msk [tilespmem:v58+s20+$0x0], $0xffff;
	_ =	sdelay $0x3  }
0x139: {  	v20 =	vshll.u32 v20, $0x6  }
0x13a: {  	v59 =	vor.u32 v50, v20;
	[tilespmem:$0x1FD40] =	vst v0;
	v0 =	vld.idx.msk [tilespmem:v19+s20+$0x0], $0xffff;
	_ =	sdelay $0x4  }
0x13b: {  	v60 =	vor.u32 v13, v20;
	[tilespmem:$0x1FD60] =	vst v0;
	v0 =	vld.idx.msk [tilespmem:v59+s20+$0x0], $0xffff;
	_ =	sdelay $0x2  }
0x13c: {  	v6 =	vbroadcast v6, $0x0;
	_ =	sdelay $0x1  }
0x13d: {  	v61 =	vor.u32 v18, v20;
	[tilespmem:$0x1FD70] =	vst v0;
	v0 =	vld.idx.msk [tilespmem:v60+s20+$0x0], $0xffff;
	_ =	sdelay $0x3  }
0x13e: {  	v21 =	vld.idx.msk [tilespmem:v6+s12+$0x0], $0xffff  }
0x13f: {  	v20 =	vor.u32 v27, v20;
	[tilespmem:$0x1FD80] =	vst v0;
	v0 =	vld.idx.msk [tilespmem:v61+s20+$0x0], $0xffff;
	_ =	sdelay $0x3  }
0x140: {  	v21 =	vshll.u32 v21, $0x6  }
0x141: {  	v62 =	vor.u32 v50, v21;
	[tilespmem:$0x1FD90] =	vst v0;
	v0 =	vld.idx.msk [tilespmem:v20+s20+$0x0], $0xffff;
	_ =	sdelay $0x4  }
0x142: {  	v63 =	vor.u32 v13, v21;
	[tilespmem:$0x1FDA0] =	vst v0;
	v0 =	vld.idx.msk [tilespmem:v62+s20+$0x0], $0xffff;
	_ =	sdelay $0x4  }
0x143: {  	v33 =	vor.u32 v18, v21;
	[tilespmem:$0x1FDB0] =	vst v0;
	v0 =	vld.idx.msk [tilespmem:v63+s20+$0x0], $0xffff;
	_ =	sdelay $0x3  }
0x144: {  	v34 =	vor.u32 v18, v31  }
0x145: {  	v21 =	vor.u32 v27, v21;
	[tilespmem:$0x1FDC0] =	vst v0;
	v0 =	vld.idx.msk [tilespmem:v33+s20+$0x0], $0xffff;
	_ =	sdelay $0x1  }
0x146: {  	s25 =	sor.u32 $0x1A, s25  }
0x147: {  	v48 =	vmov s25  }
0x148: {  	v51 =	vshrl.u32 v48, $0x3;
	v22 =	vshll.u32 v22, $0x6;
	v48 =	vld.idx.msk [tilespmem:v34+s20+$0x0], $0xffff  }
0x149: {  	v34 =	vor.u32 v50, v22;
	[tilespmem:$0x1FDD0] =	vst v0;
	v0 =	vld.idx.msk [tilespmem:v21+s20+$0x0], $0xffff;
	_ =	sdelay $0x4  }
0x14a: {  	v35 =	vor.u32 v13, v22;
	[tilespmem:$0x1FDE0] =	vst v0;
	v0 =	vld.idx.msk [tilespmem:v34+s20+$0x0], $0xffff;
	_ =	sdelay $0x4  }
0x14b: {  	v36 =	vor.u32 v18, v22;
	[tilespmem:$0x1FDF0] =	vst v0;
	v0 =	vld.idx.msk [tilespmem:v35+s20+$0x0], $0xffff;
	_ =	sdelay $0x4  }
0x14c: {  	v22 =	vor.u32 v27, v22;
	[tilespmem:$0x1FE00] =	vst v0;
	v0 =	vld.idx.msk [tilespmem:v36+s20+$0x0], $0xffff;
	_ =	sdelay $0x3  }
0x14d: {  	v23 =	vshll.u32 v23, $0x6  }
0x14e: {  	v37 =	vor.u32 v50, v23;
	[tilespmem:$0x1FE10] =	vst v0;
	v0 =	vld.idx.msk [tilespmem:v22+s20+$0x0], $0xffff;
	_ =	sdelay $0x4  }
0x14f: {  	v38 =	vor.u32 v13, v23;
	[tilespmem:$0x1FE20] =	vst v0;
	v0 =	vld.idx.msk [tilespmem:v37+s20+$0x0], $0xffff;
	_ =	sdelay $0x4  }
0x150: {  	v39 =	vor.u32 v18, v23;
	[tilespmem:$0x1FE30] =	vst v0;
	v0 =	vld.idx.msk [tilespmem:v38+s20+$0x0], $0xffff;
	_ =	sdelay $0x4  }
0x151: {  	v30 =	vshll.u32 v29, v1;
	v23 =	vor.u32 v27, v23;
	[tilespmem:$0x1FE40] =	vst v0;
	v0 =	vld.idx.msk [tilespmem:v39+s20+$0x0], $0xffff  }
0x152: {  	v6 =	vor.u32 $0x1, v30  }
0x153: {  	v6 =	vbroadcast v6, $0x0;
	_ =	sdelay $0x1  }
0x154: {  	v24 =	vshll.u32 v24, $0x6  }
0x155: {  	v40 =	vor.u32 v50, v24;
	[tilespmem:$0x1FE50] =	vst v0;
	v0 =	vld.idx.msk [tilespmem:v23+s20+$0x0], $0xffff;
	_ =	sdelay $0x2  }
0x156: {  	v10 =	vld.idx.msk [tilespmem:v6+s12+$0x0], $0xffff  }
0x157: {  	v6 =	vld.idx.msk [tilespmem:v41+s12+$0x0], $0xffff  }
0x158: {  	v41 =	vor.u32 v13, v24;
	[tilespmem:$0x1FE60] =	vst v0;
	v0 =	vld.idx.msk [tilespmem:v40+s20+$0x0], $0xffff;
	_ =	sdelay $0x2  }
0x159: {  	v12 =	vshrl.u32 v12, $0x3  }
0x15a: {  	v12 =	vshll.u32 v12, v1  }
0x15b: {  	v12 =	vadd.s32 $0x3, v12;
	v42 =	vor.u32 v18, v24;
	[tilespmem:$0x1FE70] =	vst v0;
	v0 =	vld.idx.msk [tilespmem:v41+s20+$0x0], $0xffff  }
0x15c: {  	v12 =	vbroadcast v12, $0x0;
	_ =	sdelay $0x3  }
0x15d: {  	v43 =	vor.u32 v27, v24;
	[tilespmem:$0x1FE80] =	vst v0;
	v0 =	vld.idx.msk [tilespmem:v42+s20+$0x0], $0xffff;
	_ =	sdelay $0x1  }
0x15e: {  	v17 =	vld.idx.msk [tilespmem:v12+s12+$0x0], $0xffff  }
0x15f: {  	v12 =	vld.idx.msk [tilespmem:v4+s12+$0x0], $0xffff  }
0x160: {  	v25 =	vshll.u32 v25, $0x6;
	v4 =	vld.idx.msk [tilespmem:v45+s12+$0x0], $0xffff  }
0x161: {  	v45 =	vor.u32 v50, v25;
	[tilespmem:$0x1FE90] =	vst v0;
	v0 =	vld.idx.msk [tilespmem:v43+s20+$0x0], $0xffff;
	_ =	sdelay $0x4  }
0x162: {  	v47 =	vor.u32 v13, v25;
	[tilespmem:$0x1FEA0] =	vst v0;
	v0 =	vld.idx.msk [tilespmem:v45+s20+$0x0], $0xffff;
	_ =	sdelay $0x4  }
0x163: {  	v52 =	vadd.s32 $0x1, v49;
	v49 =	vor.u32 v18, v25;
	[tilespmem:$0x1FEB0] =	vst v0;
	v0 =	vld.idx.msk [tilespmem:v47+s20+$0x0], $0xffff;
	_ =	sdelay $0x4  }
0x164: {  	v29 =	vbroadcast v52, $0x0;
	v52 =	vor.u32 v27, v25;
	[tilespmem:$0x1FEC0] =	vst v0;
	v0 =	vld.idx.msk [tilespmem:v49+s20+$0x0], $0xffff;
	_ =	sdelay $0x3  }
0x165: {  	v53 =	vshll.u32 v51, v1;
	v51 =	vshll.u32 v26, $0x6  }
0x166: {  	v54 =	vadd.s32 $0x2, v53;
	v53 =	vor.u32 v50, v51;
	[tilespmem:$0x1FED0] =	vst v0;
	v0 =	vld.idx.msk [tilespmem:v52+s20+$0x0], $0xffff;
	_ =	sdelay $0x4  }
0x167: {  	v30 =	vbroadcast v54, $0x0;
	v54 =	vor.u32 v13, v51;
	[tilespmem:$0x1FEE0] =	vst v0;
	v0 =	vld.idx.msk [tilespmem:v53+s20+$0x0], $0xffff;
	_ =	sdelay $0x4  }
0x168: {  	v55 =	vor.u32 v18, v51;
	[tilespmem:$0x1FEF0] =	vst v0;
	v0 =	vld.idx.msk [tilespmem:v54+s20+$0x0], $0xffff;
	_ =	sdelay $0x4  }
0x169: {  	v57 =	vor.u32 v27, v51;
	[tilespmem:$0x1FF00] =	vst v0;
	v0 =	vld.idx.msk [tilespmem:v55+s20+$0x0], $0xffff;
	_ =	sdelay $0x3  }
0x16a: {  	v56 =	vshll.u32 v28, $0x6  }
0x16b: {  	v58 =	vor.u32 v50, v56;
	[tilespmem:$0x1FF10] =	vst v0;
	v0 =	vld.idx.msk [tilespmem:v57+s20+$0x0], $0xffff;
	_ =	sdelay $0x4  }
0x16c: {  	v3 =	vshll.u32 v3, $0x6;
	v59 =	vor.u32 v13, v56;
	[tilespmem:$0x1FF20] =	vst v0;
	v0 =	vld.idx.msk [tilespmem:v58+s20+$0x0], $0xffff  }
0x16d: {  	v16 =	vshll.u32 v16, $0x6;
	v2 =	vor.u32 v18, v3  }
0x16e: {  	v46 =	vld.idx.msk [tilespmem:v30+s12+$0x0], $0xffff;
	v26 =	vor.u32 v13, v16;
	v15 =	vshll.u32 v15, $0x6  }
0x16f: {  	v31 =	vor.u32 v18, v15;
	v5 =	vld.idx.msk [tilespmem:v44+s12+$0x0], $0xffff;
	v10 =	vshll.u32 v10, $0x6  }
0x170: {  	v44 =	vld.idx.msk [tilespmem:v29+s12+$0x0], $0xffff;
	v19 =	vor.u32 v50, v10  }
0x171: {  	v60 =	vor.u32 v18, v56;
	[tilespmem:$0x1FF30] =	vst v0;
	v0 =	vld.idx.msk [tilespmem:v59+s20+$0x0], $0xffff  }
0x172: {  	v12 =	vshll.u32 v12, $0x6;
	v2 =	vld.idx.msk [tilespmem:v2+s20+$0x0], $0xffff;
	v20 =	vor.u32 v13, v10  }
0x173: {  	v11 =	vshll.u32 v11, $0x6;
	v51 =	vld.idx.msk [tilespmem:v26+s20+$0x0], $0xffff;
	v61 =	vor.u32 v27, v56;
	v37 =	vor.u32 v18, v12  }
0x174: {  	v56 =	vld.idx.msk [tilespmem:v31+s20+$0x0], $0xffff;
	v35 =	vor.u32 v50, v12;
	v36 =	vor.u32 v13, v12;
	v12 =	vor.u32 v27, v12  }
0x175: {  	v38 =	vor.u32 v50, v11;
	v39 =	vld.idx.msk [tilespmem:v19+s20+$0x0], $0xffff  }
0x176: {  	[tilespmem:$0x1FF40] =	vst v0;
	v0 =	vld.idx.msk [tilespmem:v60+s20+$0x0], $0xffff  }
0x177: {  	v40 =	vld.idx.msk [tilespmem:v20+s20+$0x0], $0xffff;
	v45 =	vor.u32 v13, v11  }
0x178: {  	v41 =	vld.idx.msk [tilespmem:v37+s20+$0x0], $0xffff;
	v47 =	vor.u32 v18, v11  }
0x179: {  	v42 =	vld.idx.msk [tilespmem:v12+s20+$0x0], $0xffff;
	v11 =	vor.u32 v27, v11  }
0x17a: {  	v17 =	vshll.u32 v17, $0x6;
	v28 =	vor.u32 v18, v16;
	v43 =	vld.idx.msk [tilespmem:v38+s20+$0x0], $0xffff  }
0x17b: {  	v62 =	vor.u32 v50, v17;
	[tilespmem:$0x1FF50] =	vst v0;
	v0 =	vld.idx.msk [tilespmem:v61+s20+$0x0], $0xffff  }
0x17c: {  	v25 =	vor.u32 v50, v16;
	v16 =	vor.u32 v27, v16;
	v49 =	vld.idx.msk [tilespmem:v45+s20+$0x0], $0xffff  }
0x17d: {  	v29 =	vor.u32 v50, v15;
	v37 =	vld.idx.msk [tilespmem:v47+s20+$0x0], $0xffff  }
0x17e: {  	v30 =	vor.u32 v13, v15;
	v38 =	vld.idx.msk [tilespmem:v11+s20+$0x0], $0xffff  }
0x17f: {  	v15 =	vor.u32 v27, v15;
	v52 =	vld.idx.msk [tilespmem:v28+s20+$0x0], $0xffff  }
0x180: {  	v14 =	vshll.u32 v14, $0x6;
	v63 =	vor.u32 v13, v17;
	[tilespmem:$0x1FF60] =	vst v0;
	v0 =	vld.idx.msk [tilespmem:v62+s20+$0x0], $0xffff  }
0x181: {  	v8 =	vshll.u32 v8, $0x6;
	v32 =	vor.u32 v50, v14;
	v53 =	vld.idx.msk [tilespmem:v16+s20+$0x0], $0xffff  }
0x182: {  	v7 =	vshll.u32 v7, $0x6;
	v26 =	vor.u32 v13, v8;
	v54 =	vld.idx.msk [tilespmem:v29+s20+$0x0], $0xffff  }
0x183: {  	v47 =	vor.u32 v50, v7;
	v55 =	vld.idx.msk [tilespmem:v30+s20+$0x0], $0xffff  }
0x184: {  	v57 =	vld.idx.msk [tilespmem:v15+s20+$0x0], $0xffff;
	v15 =	vor.u32 v18, v7  }
0x185: {  	v24 =	vor.u32 v18, v17;
	[tilespmem:$0x1FF70] =	vst v0;
	v0 =	vld.idx.msk [tilespmem:v63+s20+$0x0], $0xffff  }
0x186: {  	v34 =	vor.u32 v18, v14;
	v58 =	vld.idx.msk [tilespmem:v32+s20+$0x0], $0xffff  }
0x187: {  	v33 =	vor.u32 v13, v14;
	v14 =	vor.u32 v27, v14;
	v32 =	vld.idx.msk [tilespmem:v26+s20+$0x0], $0xffff  }
0x188: {  	v21 =	vor.u32 v18, v10;
	v10 =	vor.u32 v27, v10;
	v26 =	vld.idx.msk [tilespmem:v47+s20+$0x0], $0xffff  }
0x189: {  	v20 =	vld.idx.msk [tilespmem:v15+s20+$0x0], $0xffff  }
0x18a: {  	v9 =	vshll.u32 v9, $0x6;
	v17 =	vor.u32 v27, v17;
	[tilespmem:$0x1FF80] =	vst v0;
	v0 =	vld.idx.msk [tilespmem:v24+s20+$0x0], $0xffff  }
0x18b: {  	v22 =	vor.u32 v50, v9;
	v60 =	vld.idx.msk [tilespmem:v34+s20+$0x0], $0xffff  }
0x18c: {  	v6 =	vshll.u32 v6, $0x6;
	v61 =	vld.idx.msk [tilespmem:v14+s20+$0x0], $0xffff;
	v14 =	vor.u32 v13, v7  }
0x18d: {  	v16 =	vor.u32 v50, v6;
	v34 =	vld.idx.msk [tilespmem:v10+s20+$0x0], $0xffff  }
0x18e: {  	v62 =	vld.idx.msk [tilespmem:v35+s20+$0x0], $0xffff  }
0x18f: {  	[tilespmem:$0x1FF90] =	vst v0;
	v0 =	vld.idx.msk [tilespmem:v17+s20+$0x0], $0xffff  }
0x190: {  	v23 =	vor.u32 v13, v9;
	v35 =	vld.idx.msk [tilespmem:v22+s20+$0x0], $0xffff  }
0x191: {  	v28 =	vld.idx.msk [tilespmem:v14+s20+$0x0], $0xffff;
	v24 =	vor.u32 v18, v9  }
0x192: {  	v45 =	vor.u32 v18, v8;
	v22 =	vld.idx.msk [tilespmem:v16+s20+$0x0], $0xffff  }
0x193: {  	v63 =	vld.idx.msk [tilespmem:v36+s20+$0x0], $0xffff;
	v9 =	vor.u32 v27, v9  }
0x194: {  	[tilespmem:$0x1FFA0] =	vst v0;
	v0 =	vld.idx.msk [tilespmem:v25+s20+$0x0], $0xffff;
	v25 =	vor.u32 v50, v8  }
0x195: {  	v36 =	vld.idx.msk [tilespmem:v23+s20+$0x0], $0xffff;
	v8 =	vor.u32 v27, v8  }
0x196: {  	v29 =	vld.idx.msk [tilespmem:v24+s20+$0x0], $0xffff;
	v17 =	vor.u32 v13, v6  }
0x197: {  	v5 =	vshll.u32 v5, $0x6;
	v24 =	vld.idx.msk [tilespmem:v45+s20+$0x0], $0xffff;
	v45 =	vor.u32 v18, v6  }
0x198: {  	v47 =	vor.u32 v50, v5;
	v30 =	vld.idx.msk [tilespmem:v9+s20+$0x0], $0xffff  }
0x199: {  	v9 =	vor.u32 v18, v5;
	v31 =	vld.idx.msk [tilespmem:v25+s20+$0x0], $0xffff  }
0x19a: {  	v25 =	vld.idx.msk [tilespmem:v8+s20+$0x0], $0xffff;
	v8 =	vor.u32 v13, v5  }
0x19b: {  	v23 =	vld.idx.msk [tilespmem:v17+s20+$0x0], $0xffff;
	v5 =	vor.u32 v27, v5  }
0x19c: {  	v4 =	vshll.u32 v4, $0x6;
	v15 =	vld.idx.msk [tilespmem:v45+s20+$0x0], $0xffff;
	[tilespmem:$0x1FFB0] =	vst v0;
	v0 =	vor.u32 v13, v3  }
0x19d: {  	v17 =	vld.idx.msk [tilespmem:v47+s20+$0x0], $0xffff;
	v47 =	vor.u32 v13, v4  }
0x19e: {  	v6 =	vor.u32 v27, v6;
	v10 =	vld.idx.msk [tilespmem:v9+s20+$0x0], $0xffff  }
0x19f: {  	v45 =	vor.u32 v50, v4;
	v14 =	vld.idx.msk [tilespmem:v8+s20+$0x0], $0xffff  }
0x1a0: {  	v44 =	vshll.u32 v44, $0x6;
	v8 =	vor.u32 v18, v4;
	v11 =	vld.idx.msk [tilespmem:v5+s20+$0x0], $0xffff  }
0x1a1: {  	v46 =	vshll.u32 v46, $0x6;
	v5 =	vld.idx.msk [tilespmem:v0+s20+$0x0], $0xffff;
	v0 =	vor.u32 v18, v44  }
0x1a2: {  	v9 =	vld.idx.msk [tilespmem:v47+s20+$0x0], $0xffff;
	v47 =	vor.u32 v50, v46  }
0x1a3: {  	v12 =	vor.u32 v50, v3;
	v19 =	vld.idx.msk [tilespmem:v6+s20+$0x0], $0xffff  }
0x1a4: {  	v7 =	vor.u32 v27, v7;
	v16 =	vld.idx.msk [tilespmem:v45+s20+$0x0], $0xffff;
	v3 =	vor.u32 v27, v3;
	v45 =	vor.u32 v13, v44  }
0x1a5: {  	v13 =	vor.u32 v13, v46;
	v4 =	vor.u32 v27, v4;
	v18 =	vor.u32 v18, v46;
	v6 =	vld.idx.msk [tilespmem:v8+s20+$0x0], $0xffff  }
0x1a6: {  	v46 =	vor.u32 v27, v46;
	v8 =	vor.u32 v50, v44;
	v44 =	vor.u32 v27, v44;
	v27 =	vld.idx.msk [tilespmem:v0+s20+$0x0], $0xffff  }
0x1a7: {  	v0 =	vld.idx.msk [tilespmem:v47+s20+$0x0], $0xffff  }
0x1a8: {  	v12 =	vld.idx.msk [tilespmem:v12+s20+$0x0], $0xffff  }
0x1a9: {  	v59 =	vld.idx.msk [tilespmem:v33+s20+$0x0], $0xffff  }
0x1aa: {  	v33 =	vld.idx.msk [tilespmem:v21+s20+$0x0], $0xffff  }
0x1ab: {  	v21 =	vld.idx.msk [tilespmem:v7+s20+$0x0], $0xffff  }
0x1ac: {  	[tilespmem:$0x1FFC0] =	vst v0;
	v0 =	vld.idx.msk [tilespmem:v13+s20+$0x0], $0xffff  }
0x1ad: {  	v7 =	vld.idx.msk [tilespmem:v4+s20+$0x0], $0xffff  }
0x1ae: {  	v4 =	vld.idx.msk [tilespmem:v8+s20+$0x0], $0xffff  }
0x1af: {  	v8 =	vld.idx.msk [tilespmem:v44+s20+$0x0], $0xffff  }
0x1b0: {  	v44 =	vld [tilespmem:$0x1FD10]  }
0x1b1: {  	[tilespmem:$0x1FFD0] =	vst v0;
	v0 =	vld.idx.msk [tilespmem:v18+s20+$0x0], $0xffff  }
0x1b2: {  	v18 =	vld [tilespmem:$0x1FD00]  }
0x1b3: {  	v3 =	vld.idx.msk [tilespmem:v3+s20+$0x0], $0xffff  }
0x1b4: {  	s24 =	smul.u32 $0x1A00, s24;
	v45 =	vld.idx.msk [tilespmem:v45+s20+$0x0], $0xffff  }
0x1b5: {  	v47 =	vld [tilespmem:$0x1FD40]  }
0x1b6: {  	s24 =	sshrl.u32 s24, $0x2;
	[tilespmem:$0x1FFE0] =	vst v0;
	v0 =	vld.idx.msk [tilespmem:v46+s20+$0x0], $0xffff  }
0x1b7: {  	[tilespmem:s24+$0x12E40] =	vst v18;
	v13 =	vsub.f32 v44, v18;
	v18 =	vld [tilespmem:$0x1FD20]  }
0x1b8: {  	v46 =	vld [tilespmem:$0x1FD30]  }
0x1b9: {  	[tilespmem:s24+$0x12E60] =	vst v48  }
0x1ba: {  	[tilespmem:s24+$0x12E80] =	vst v13;
	v13 =	vsub.f32 v47, v48;
	v48 =	vld [tilespmem:$0x1FD50]  }
0x1bb: {  	[tilespmem:$0x1FFF0] =	vst v0;
	v0 =	vld [tilespmem:$0x1FD60];
	_ =	sdelay $0x1  }
0x1bc: {  	[tilespmem:s24+$0x12E50] =	vst v18;
	v18 =	vsub.f32 v46, v18;
	_ =	sdelay $0x1  }
0x1bd: {  	[tilespmem:s24+$0x12E90] =	vst v18  }
0x1be: {  	[tilespmem:s24+$0x12E70] =	vst v48;
	v18 =	vsub.f32 v0, v48;
	v48 =	vld [tilespmem:$0x1FD70];
	_ =	sdelay $0x4  }
0x1bf: {  	[tilespmem:s24+$0x12EA0] =	vst v13;
	v13 =	vsub.f32 v48, v44;
	v44 =	vld [tilespmem:$0x1FD80];
	_ =	sdelay $0x4  }
0x1c0: {  	[tilespmem:s24+$0x12EB0] =	vst v18;
	v18 =	vsub.f32 v44, v46;
	v46 =	vld [tilespmem:$0x1FD90];
	_ =	sdelay $0x4  }
0x1c1: {  	[tilespmem:s24+$0x12EC0] =	vst v13;
	v13 =	vsub.f32 v46, v47;
	v47 =	vld [tilespmem:$0x1FDA0];
	_ =	sdelay $0x4  }
0x1c2: {  	[tilespmem:s24+$0x12ED0] =	vst v18;
	v18 =	vsub.f32 v47, v0;
	v0 =	vld [tilespmem:$0x1FDB0];
	_ =	sdelay $0x4  }
0x1c3: {  	[tilespmem:s24+$0x12EE0] =	vst v13;
	v13 =	vsub.f32 v0, v48;
	v48 =	vld [tilespmem:$0x1FDC0];
	_ =	sdelay $0x4  }
0x1c4: {  	[tilespmem:s24+$0x12EF0] =	vst v18;
	v18 =	vsub.f32 v48, v44;
	v44 =	vld [tilespmem:$0x1FDD0];
	_ =	sdelay $0x4  }
0x1c5: {  	[tilespmem:s24+$0x12F00] =	vst v13;
	v13 =	vsub.f32 v44, v46;
	v46 =	vld [tilespmem:$0x1FDE0];
	_ =	sdelay $0x4  }
0x1c6: {  	[tilespmem:s24+$0x12F10] =	vst v18;
	v18 =	vsub.f32 v46, v47;
	v47 =	vld [tilespmem:$0x1FDF0];
	_ =	sdelay $0x4  }
0x1c7: {  	[tilespmem:s24+$0x12F20] =	vst v13;
	v13 =	vsub.f32 v47, v0;
	v0 =	vld [tilespmem:$0x1FE00];
	_ =	sdelay $0x4  }
0x1c8: {  	[tilespmem:s24+$0x12F30] =	vst v18;
	v18 =	vsub.f32 v0, v48;
	v48 =	vld [tilespmem:$0x1FE10];
	_ =	sdelay $0x4  }
0x1c9: {  	[tilespmem:s24+$0x12F40] =	vst v13;
	v13 =	vsub.f32 v48, v44;
	v44 =	vld [tilespmem:$0x1FE20];
	_ =	sdelay $0x4  }
0x1ca: {  	[tilespmem:s24+$0x12F50] =	vst v18;
	v18 =	vsub.f32 v44, v46;
	v46 =	vld [tilespmem:$0x1FE30];
	_ =	sdelay $0x4  }
0x1cb: {  	[tilespmem:s24+$0x12F60] =	vst v13;
	v13 =	vsub.f32 v46, v47;
	v47 =	vld [tilespmem:$0x1FE40];
	_ =	sdelay $0x4  }
0x1cc: {  	[tilespmem:s24+$0x12F70] =	vst v18;
	v18 =	vsub.f32 v47, v0;
	v0 =	vld [tilespmem:$0x1FE50];
	_ =	sdelay $0x4  }
0x1cd: {  	[tilespmem:s24+$0x12F80] =	vst v13;
	v13 =	vsub.f32 v0, v48;
	v48 =	vld [tilespmem:$0x1FE60];
	_ =	sdelay $0x4  }
0x1ce: {  	[tilespmem:s24+$0x12F90] =	vst v18;
	v18 =	vsub.f32 v48, v44;
	v44 =	vld [tilespmem:$0x1FE70];
	_ =	sdelay $0x4  }
0x1cf: {  	[tilespmem:s24+$0x12FA0] =	vst v13;
	v13 =	vsub.f32 v44, v46;
	v46 =	vld [tilespmem:$0x1FE80];
	_ =	sdelay $0x4  }
0x1d0: {  	[tilespmem:s24+$0x12FB0] =	vst v18;
	v18 =	vsub.f32 v46, v47;
	v47 =	vld [tilespmem:$0x1FE90];
	_ =	sdelay $0x4  }
0x1d1: {  	[tilespmem:s24+$0x12FC0] =	vst v13;
	v13 =	vsub.f32 v47, v0;
	v0 =	vld [tilespmem:$0x1FEA0];
	_ =	sdelay $0x4  }
0x1d2: {  	[tilespmem:s24+$0x12FD0] =	vst v18;
	v18 =	vsub.f32 v0, v48;
	v48 =	vld [tilespmem:$0x1FEB0];
	_ =	sdelay $0x4  }
0x1d3: {  	[tilespmem:s24+$0x12FE0] =	vst v13;
	v13 =	vsub.f32 v48, v44;
	v44 =	vld [tilespmem:$0x1FEC0];
	_ =	sdelay $0x4  }
0x1d4: {  	[tilespmem:s24+$0x12FF0] =	vst v18;
	v18 =	vsub.f32 v44, v46;
	v46 =	vld [tilespmem:$0x1FED0];
	_ =	sdelay $0x4  }
0x1d5: {  	[tilespmem:s24+$0x13000] =	vst v13;
	v13 =	vsub.f32 v46, v47;
	v47 =	vld [tilespmem:$0x1FEE0];
	_ =	sdelay $0x4  }
0x1d6: {  	[tilespmem:s24+$0x13010] =	vst v18;
	v18 =	vsub.f32 v47, v0;
	v0 =	vld [tilespmem:$0x1FEF0];
	_ =	sdelay $0x4  }
0x1d7: {  	[tilespmem:s24+$0x13020] =	vst v13;
	v13 =	vsub.f32 v0, v48;
	v48 =	vld [tilespmem:$0x1FF00];
	_ =	sdelay $0x4  }
0x1d8: {  	[tilespmem:s24+$0x13030] =	vst v18;
	v18 =	vsub.f32 v48, v44;
	v44 =	vld [tilespmem:$0x1FF10];
	_ =	sdelay $0x4  }
0x1d9: {  	[tilespmem:s24+$0x13040] =	vst v13;
	v13 =	vsub.f32 v44, v46;
	v46 =	vld [tilespmem:$0x1FF20];
	_ =	sdelay $0x4  }
0x1da: {  	[tilespmem:s24+$0x13050] =	vst v18;
	v18 =	vsub.f32 v46, v47;
	v47 =	vld [tilespmem:$0x1FF30];
	_ =	sdelay $0x4  }
0x1db: {  	[tilespmem:s24+$0x13060] =	vst v13;
	v13 =	vsub.f32 v47, v0;
	v0 =	vld [tilespmem:$0x1FF40];
	_ =	sdelay $0x4  }
0x1dc: {  	[tilespmem:s24+$0x13070] =	vst v18;
	v18 =	vsub.f32 v0, v48;
	v48 =	vld [tilespmem:$0x1FF50];
	_ =	sdelay $0x4  }
0x1dd: {  	[tilespmem:s24+$0x13080] =	vst v13;
	v13 =	vsub.f32 v48, v44;
	v44 =	vld [tilespmem:$0x1FF60];
	_ =	sdelay $0x4  }
0x1de: {  	[tilespmem:s24+$0x13090] =	vst v18;
	v18 =	vsub.f32 v44, v46;
	v46 =	vld [tilespmem:$0x1FF70];
	_ =	sdelay $0x4  }
0x1df: {  	[tilespmem:s24+$0x130A0] =	vst v13;
	v13 =	vsub.f32 v46, v47;
	v47 =	vld [tilespmem:$0x1FF80];
	_ =	sdelay $0x4  }
0x1e0: {  	[tilespmem:s24+$0x130B0] =	vst v18;
	v18 =	vsub.f32 v47, v0;
	v0 =	vld [tilespmem:$0x1FF90];
	_ =	sdelay $0x4  }
0x1e1: {  	[tilespmem:s24+$0x130C0] =	vst v13;
	v13 =	vsub.f32 v0, v48;
	v48 =	vld [tilespmem:$0x1FFA0];
	_ =	sdelay $0x2  }
0x1e2: {  	v47 =	vsub.f32 v51, v47  }
0x1e3: {  	[tilespmem:s24+$0x130D0] =	vst v18  }
0x1e4: {  	[tilespmem:s24+$0x13110] =	vst v47;
	v47 =	vsub.f32 v53, v48  }
0x1e5: {  	[tilespmem:s24+$0x130E0] =	vst v13;
	v18 =	vsub.f32 v48, v44  }
0x1e6: {  	[tilespmem:s24+$0x13130] =	vst v47;
	v47 =	vsub.f32 v57, v53  }
0x1e7: {  	[tilespmem:s24+$0x130F0] =	vst v18;
	v53 =	vsub.f32 v61, v57  }
0x1e8: {  	v57 =	vsub.f32 v42, v61;
	[tilespmem:s24+$0x13170] =	vst v47  }
0x1e9: {  	v61 =	vsub.f32 v38, v42;
	[tilespmem:s24+$0x131B0] =	vst v53  }
0x1ea: {  	v38 =	vsub.f32 v34, v38;
	[tilespmem:s24+$0x131F0] =	vst v57  }
0x1eb: {  	v44 =	vld [tilespmem:$0x1FFB0];
	v42 =	vsub.f32 v30, v34;
	[tilespmem:s24+$0x13230] =	vst v61  }
0x1ec: {  	[tilespmem:s24+$0x13270] =	vst v38;
	v47 =	vsub.f32 v25, v30  }
0x1ed: {  	[tilespmem:s24+$0x132B0] =	vst v42;
	v53 =	vsub.f32 v22, v26  }
0x1ee: {  	v57 =	vsub.f32 v17, v22;
	[tilespmem:s24+$0x132F0] =	vst v47  }
0x1ef: {  	v61 =	vsub.f32 v16, v17;
	[tilespmem:s24+$0x13340] =	vst v53  }
0x1f0: {  	v46 =	vsub.f32 v44, v46;
	[tilespmem:s24+$0x13380] =	vst v57  }
0x1f1: {  	v48 =	vsub.f32 v54, v44;
	[tilespmem:s24+$0x133C0] =	vst v61  }
0x1f2: {  	v44 =	vsub.f32 v55, v51;
	[tilespmem:s24+$0x13100] =	vst v46  }
0x1f3: {  	v51 =	vsub.f32 v59, v55;
	[tilespmem:s24+$0x13140] =	vst v48  }
0x1f4: {  	v55 =	vsub.f32 v63, v59;
	[tilespmem:s24+$0x13150] =	vst v44  }
0x1f5: {  	v59 =	vsub.f32 v49, v63;
	[tilespmem:s24+$0x13190] =	vst v51  }
0x1f6: {  	v63 =	vsub.f32 v40, v49;
	[tilespmem:s24+$0x131D0] =	vst v55  }
0x1f7: {  	v40 =	vsub.f32 v36, v40;
	[tilespmem:s24+$0x13210] =	vst v59  }
0x1f8: {  	v49 =	vsub.f32 v28, v32;
	[tilespmem:s24+$0x13250] =	vst v63  }
0x1f9: {  	v46 =	vsub.f32 v52, v0;
	[tilespmem:s24+$0x13290] =	vst v40  }
0x1fa: {  	v48 =	vsub.f32 v58, v54;
	[tilespmem:s24+$0x13310] =	vst v49  }
0x1fb: {  	v54 =	vsub.f32 v62, v58;
	[tilespmem:s24+$0x13120] =	vst v46  }
0x1fc: {  	v58 =	vsub.f32 v43, v62;
	[tilespmem:s24+$0x13180] =	vst v48  }
0x1fd: {  	v62 =	vsub.f32 v39, v43;
	[tilespmem:s24+$0x131C0] =	vst v54  }
0x1fe: {  	v39 =	vsub.f32 v35, v39;
	[tilespmem:s24+$0x13200] =	vst v58  }
0x1ff: {  	v43 =	vsub.f32 v31, v35;
	[tilespmem:s24+$0x13240] =	vst v62  }
0x200: {  	v44 =	vsub.f32 v32, v36;
	[tilespmem:s24+$0x13280] =	vst v39  }
0x201: {  	v51 =	vsub.f32 v20, v24;
	[tilespmem:s24+$0x132C0] =	vst v43  }
0x202: {  	v55 =	vsub.f32 v15, v20;
	[tilespmem:s24+$0x132D0] =	vst v44  }
0x203: {  	v59 =	vsub.f32 v10, v15;
	[tilespmem:s24+$0x13320] =	vst v51  }
0x204: {  	v10 =	vsub.f32 v6, v10;
	[tilespmem:s24+$0x13360] =	vst v55  }
0x205: {  	v6 =	vsub.f32 v2, v6;
	[tilespmem:s24+$0x133A0] =	vst v59  }
0x206: {  	v63 =	vsub.f32 v4, v12;
	[tilespmem:s24+$0x133E0] =	vst v10  }
0x207: {  	v2 =	vsub.f32 v27, v2;
	[tilespmem:s24+$0x13420] =	vst v6  }
0x208: {  	v46 =	vsub.f32 v56, v52;
	[tilespmem:s24+$0x13440] =	vst v63  }
0x209: {  	v52 =	vsub.f32 v60, v56;
	[tilespmem:s24+$0x13460] =	vst v2  }
0x20a: {  	v56 =	vsub.f32 v41, v60;
	[tilespmem:s24+$0x13160] =	vst v46  }
0x20b: {  	v0 =	vld [tilespmem:$0x1FFC0];
	v60 =	vsub.f32 v37, v41;
	[tilespmem:s24+$0x131A0] =	vst v52  }
0x20c: {  	v37 =	vsub.f32 v33, v37;
	[tilespmem:s24+$0x131E0] =	vst v56  }
0x20d: {  	v41 =	vsub.f32 v29, v33;
	[tilespmem:s24+$0x13220] =	vst v60  }
0x20e: {  	v48 =	vsub.f32 v26, v31;
	[tilespmem:s24+$0x13260] =	vst v37  }
0x20f: {  	v54 =	vsub.f32 v23, v28;
	[tilespmem:s24+$0x132A0] =	vst v41  }
0x210: {  	v58 =	vsub.f32 v14, v23;
	[tilespmem:s24+$0x13300] =	vst v48;
	v2 =	vsub.f32 v0, v4;
	v0 =	vld [tilespmem:$0x1FFD0]  }
0x211: {  	v14 =	vsub.f32 v9, v14;
	v62 =	vsub.f32 v12, v16;
	[tilespmem:s24+$0x13350] =	vst v54  }
0x212: {  	[tilespmem:s24+$0x13390] =	vst v58;
	v60 =	vsub.f32 v11, v19;
	v11 =	vsub.f32 v7, v11  }
0x213: {  	[tilespmem:s24+$0x133D0] =	vst v14;
	v7 =	vsub.f32 v3, v7;
	v3 =	vsub.f32 v8, v3  }
0x214: {  	v9 =	vsub.f32 v5, v9;
	[tilespmem:s24+$0x13400] =	vst v62  }
0x215: {  	v5 =	vsub.f32 v45, v5;
	[tilespmem:s24+$0x13470] =	vst v3;
	v3 =	vsub.f32 v0, v45;
	v0 =	vld [tilespmem:$0x1FFE0]  }
0x216: {  	v46 =	vsub.f32 v24, v29;
	[tilespmem:s24+$0x13410] =	vst v9  }
0x217: {  	v52 =	vsub.f32 v21, v25;
	[tilespmem:s24+$0x13450] =	vst v5  }
0x218: {  	[tilespmem:s24+$0x132E0] =	vst v46  }
0x219: {  	v56 =	vsub.f32 v19, v21;
	[tilespmem:s24+$0x13330] =	vst v52  }
0x21a: {  	[tilespmem:s24+$0x13480] =	vst v2;
	v2 =	vsub.f32 v0, v27;
	v0 =	vld [tilespmem:$0x1FFF0]  }
0x21b: {  	[tilespmem:s24+$0x13370] =	vst v56  }
0x21c: {  	[tilespmem:s24+$0x133B0] =	vst v60  }
0x21d: {  	p1 =	sne.s32 s22, $0x80;
	[tilespmem:s24+$0x133F0] =	vst v11  }
.Ltmp1:
0x21e: {  	[tilespmem:s24+$0x13430] =	vst v7;
	(pc) =	sbr.rel @p1 .LBB2_2-.Ltmp1, $4  }
0x21f: {  	s23 =	smul.u32 $0xD0, s23;
	[tilespmem:s24+$0x13490] =	vst v3;
	v0 =	vsub.f32 v0, v8  }
0x220: {  	p0 =	por !p0, !p0;
	[tilespmem:s24+$0x134A0] =	vst v2  }
0x221: {  	s23 =	sadd.s32 s2, s23;
	s25 =	smov.u32 s22;
	[tilespmem:s24+$0x134B0] =	vst v0;
	s24 =	sadd.s32 $0x12E40, s24  }
0x222: {  	[hbm4b:s23+s3] =	stream.linear.scatter [tilespmem:s24], [sflag:$0x2], $0x680, $0x38;
	[tilespmem:$0x13B40] =	vst v63  }
0x223: {  	s21 =	sadd.s32 $0x1, s21  }
0x224: {  	_ =	swait.ge [sflag:s19], $0x680;
	p0 =	sne.s32 s21, s10  }
.Ltmp2:
0x225: {  	[sflag:s19] =	ssyncset.done $0x0;
	(pc) =	sbr.rel @p0 .LBB2_1-.Ltmp2, $4  }
0x226: {  	[sflag:s19] =	ssyncadd.s32 $0xFFFFF980  }
0x227: {  	_ =	swait.ge [sflag:s19], $0x680  }
0x228: {  	[sflag:s19] =	ssyncset.done $0x0  }
0x229: {  	[sflag:s19] =	ssyncadd.s32 $0xFFFFF980  }
0x22a: {  	_ =	sfence.sel $0x180000  }
0x22b: {  	[bflag:$0x0] =	sbarrier.arrive $0xFFFF  }
0x22c: {  	p0 =	sne.s32 s0, $0x0;
	_ =	strace $0x90000047  }
0x22d: {  	s0 =	sadd.s32 @!p0 $0x100000, s1;
	[bflag:$0x2] =	sbarrier.arrive $0xFFFF  }
0x22e: {  	[sflag:s0] =	ssyncadd.tile.s32 @!p0 $0x1;
	_ =	shalt  }
.Lfunc_end2:
_tile_overlayer_lowered:
.L_overlay_start_2:
0x22f: {  	(tag) =	ssettag $0x2  }
0x230: {  	s0 =	rddreg [dreg:$0x0];
	s2 =	stileid.u32  }
0x231: {  	s1 =	rddreg [dreg:$0x1];
	p0 =	sne.s32 s2, $0x0  }
0x232: {  	s3 =	rddreg [dreg:$0x2];
	[bflag:$0x3] =	sbarrier.arrive $0xFFFF;
	s2 =	simm.s32 @!p0 $0x1C03  }
0x233: {  	[timem:s3], [sflag:s2] =	dma.local @!p0 [hbm:s0], s1  }
0x234: {  	s0 =	simm.s32 @!p0 $0x3  }
0x235: {  	_ =	swait.ge @!p0 [sflag:s0], s1  }
0x236: {  	s1 =	ssub.s32 @!p0 $0x0, s1;
	[sflag:s0] =	ssyncset.done @!p0 $0x0  }
0x237: {  	[sflag:s0] =	ssyncadd.s32 @!p0 s1  }
0x238: {  	[bflag:$0x3] =	sbarrier.arrive $0xFFFF  }
0x239: {  	_ =	shalt  }

</sc_bundles>
